<compile_context>
chip_gen: v7x
topology: tpu7x:2x2x1
jax: 0.10.2.dev20260603
libtpu: 0.0.44.dev20260713+nightly
codegen_flags: <defaults>
</compile_context>

<pallas_src>
import functools

import jax
import jax.numpy as jnp
from jax import lax
from jax.experimental import pallas as pl
from jax.experimental.pallas import tpu as pltpu
from jax.experimental.pallas import tpu_sc as plsc

B = 16384
D = 32
N_ROWS = 1000000
N_PAD = 1000064
PLANE = N_PAD * 8

_info = plsc.get_sparse_core_info()
_NC = _info.num_cores
_NS = _info.num_subcores
_L = _info.num_lanes
_NW = _NC * _NS
_BPW = B // _NW

_mesh = plsc.VectorSubcoreMesh(core_axis_name="c", subcore_axis_name="s")

_params = pltpu.CompilerParams(
    needs_layout_passes=False, use_tc_tiling_on_sc=False)


def _tileize(table):
    p = jnp.pad(table, ((0, N_PAD - N_ROWS), (0, 0)))
    x = p.T.reshape(4, 8, N_PAD // 128, 128)
    x = x.transpose(0, 2, 1, 3)
    return x.reshape(4, PLANE)


def _offsets(ids_v, off_v):
    def body(c, carry):
        iv = ids_v[pl.ds(c * _L, _L)]
        off_v[pl.ds(c * _L, _L)] = (iv >> 7) * 1024 + (iv & 127)
        return carry
    lax.fori_loop(0, _BPW // _L, body, 0)


@functools.partial(
    pl.kernel,
    mesh=_mesh,
    out_type=jax.ShapeDtypeStruct((D * B,), jnp.float32),
    compiler_params=_params,
    scratch_types=[
        pltpu.VMEM((_BPW,), jnp.int32),
        pltpu.VMEM((_BPW,), jnp.int32),
        pltpu.VMEM((D * _BPW,), jnp.float32),
        pltpu.SemaphoreType.DMA,
    ],
)
def _sc_gather_user(uid_hbm, ut_hbm, uv_hbm, uid_v, off_v, uvals_v, sem):
    wid = lax.axis_index("s") * _NC + lax.axis_index("c")
    base = wid * _BPW

    pltpu.sync_copy(uid_hbm.at[pl.ds(base, _BPW)], uid_v)
    _offsets(uid_v, off_v)

    copies = []
    for d in range(D):
        r, s = d // 8, d % 8
        copies.append(pltpu.async_copy(
            ut_hbm.at[r].at[pl.ds(s * 128, PLANE - s * 128)].at[off_v],
            uvals_v.at[pl.ds(d * _BPW, _BPW)], sem))
    for c in copies:
        c.wait()
    for d in range(D):
        pltpu.sync_copy(uvals_v.at[pl.ds(d * _BPW, _BPW)],
                        uv_hbm.at[pl.ds(d * B + base, _BPW)])


@functools.partial(
    pl.kernel,
    mesh=_mesh,
    out_type=jax.ShapeDtypeStruct((B,), jnp.float32),
    compiler_params=_params,
    scratch_types=[
        pltpu.VMEM((_BPW,), jnp.int32),
        pltpu.VMEM((_BPW,), jnp.int32),
        pltpu.VMEM((D * _BPW,), jnp.float32),
        pltpu.VMEM((D * _BPW,), jnp.float32),
        pltpu.VMEM((_BPW,), jnp.float32),
        pltpu.SemaphoreType.DMA,
    ],
)
def _sc_item_dot(iid_hbm, uv_hbm, it_hbm, out_hbm,
                 iid_v, off_v, uvals_v, ivals_v, out_v, sem):
    wid = lax.axis_index("s") * _NC + lax.axis_index("c")
    base = wid * _BPW

    pltpu.sync_copy(iid_hbm.at[pl.ds(base, _BPW)], iid_v)
    _offsets(iid_v, off_v)

    copies = []
    for d in range(D):
        r, s = d // 8, d % 8
        copies.append(pltpu.async_copy(
            it_hbm.at[r].at[pl.ds(s * 128, PLANE - s * 128)].at[off_v],
            ivals_v.at[pl.ds(d * _BPW, _BPW)], sem))
    for d in range(D):
        pltpu.sync_copy(uv_hbm.at[pl.ds(d * B + base, _BPW)],
                        uvals_v.at[pl.ds(d * _BPW, _BPW)])
    for c in copies:
        c.wait()

    def body(c, carry):
        acc = jnp.zeros((_L,), jnp.float32)
        for d in range(D):
            off = d * _BPW
            u = uvals_v[pl.ds(off + c * _L, _L)]
            x = ivals_v[pl.ds(off + c * _L, _L)]
            acc = acc + u / (1.0 + jnp.exp(-x))
        out_v[pl.ds(c * _L, _L)] = acc
        return carry

    lax.fori_loop(0, _BPW // _L, body, 0)

    pltpu.sync_copy(out_v, out_hbm.at[pl.ds(base, _BPW)])


def kernel(user_ids, item_ids, user_table, item_table,
           user_bias_table, item_bias_table):
    del user_bias_table, item_bias_table
    uv = _sc_gather_user(user_ids, _tileize(user_table))
    return _sc_item_dot(item_ids, uv, _tileize(item_table))

# --- scband reference (transcript-rebuilt; emitter-appended) ---
"""Pipeline reference for scband-snmfnet-34634616275253 (READ-ONLY COPY).

The authoritative reference and input builder live on the scoring server;
editing this copy changes nothing except your own understanding.
"""

import jax, jax.numpy as jnp
import numpy as np

N_USERS = 1000000
N_ITEMS = 1000000
EMBED_DIM = 32
BATCH = 16384


def setup_inputs(seed: int = 0) -> dict:
    key = jax.random.key(seed)
    k1, k2, k3, k4 = jax.random.split(key, 4)
    user_ids = jax.random.randint(k1, (BATCH,), 0, N_USERS, dtype=jnp.int32)
    item_ids = jax.random.randint(k2, (BATCH,), 0, N_ITEMS, dtype=jnp.int32)
    # ScaledEmbedding init: normal(0, 1/embedding_dim)
    user_table = jax.random.normal(k3, (N_USERS, EMBED_DIM), dtype=jnp.float32) / EMBED_DIM
    item_table = jax.random.normal(k4, (N_ITEMS, EMBED_DIM), dtype=jnp.float32) / EMBED_DIM
    # ZeroEmbedding init: zeros
    user_bias_table = jnp.zeros((N_USERS, 1), dtype=jnp.float32)
    item_bias_table = jnp.zeros((N_ITEMS, 1), dtype=jnp.float32)
    return {
        "user_ids": user_ids,
        "item_ids": item_ids,
        "user_table": user_table,
        "item_table": item_table,
        "user_bias_table": user_bias_table,
        "item_bias_table": item_bias_table,
    }


def reference(user_ids, item_ids, user_table, item_table, user_bias_table, item_bias_table):
    user_embedding = jnp.take(user_table, user_ids, axis=0)  # [B, D]
    item_embedding = jnp.take(item_table, item_ids, axis=0)  # [B, D]
    user_bias = jnp.take(user_bias_table, user_ids, axis=0).squeeze(-1)  # [B]
    item_bias = jnp.take(item_bias_table, item_ids, axis=0).squeeze(-1)  # [B]
    dot = user_embedding * jax.nn.sigmoid(item_embedding)  # [B, D]
    dot = jnp.sum(dot, axis=1)  # [B]
    dot = dot + user_bias + item_bias
    return dot

if __name__ == "__main__":
    import jax
    _d = setup_inputs()
    print(jax.jit(kernel)(*tuple(_d.values())))

</pallas_src>

<mosaic_0001>
#map = affine_map<(d0, d1) -> (0)>
#map1 = affine_map<(d0, d1) -> (0, 0)>
module attributes {stable_mosaic.version = 14 : i64} {
  func.func @_sc_gather_user(%arg0: i32, %arg1: i32, %arg2: memref<16384xi32, #tpu.memory_space<hbm>>, %arg3: memref<4x8000512xf32, #tpu.memory_space<hbm>>, %arg4: memref<524288xf32, #tpu.memory_space<hbm>>, %arg5: memref<512xi32, #tpu.memory_space<vmem>>, %arg6: memref<512xi32, #tpu.memory_space<vmem>>, %arg7: memref<16384xf32, #tpu.memory_space<vmem>>, %arg8: memref<!tpu.dma_semaphore, #tpu.memory_space<semaphore_mem>>) attributes {dimension_semantics = [#tpu.dimension_semantics<core_parallel>, #tpu.dimension_semantics<subcore_parallel>], iteration_bounds = array<i64: 2, 16>, scalar_prefetch = 0 : i64, scratch_operands = 4 : i64, tpu.core_type = #tpu.core_type<sc_vector_subcore>, window_params = [{transform_indices = #map}, {transform_indices = #map1}, {transform_indices = #map}]} {
    %mul3A = arith.constant 2 : i32
    %mul3A_0 = arith.muli %arg1, %mul3A : i32
    %add3A = arith.addi %mul3A_0, %arg0 : i32
    %mul3A_1 = arith.constant 512 : i32
    %mul3A_2 = arith.muli %add3A, %mul3A_1 : i32
    "tpu.region"() ({
      %run_scoped3A = tpu.sem_alloc : memref<!tpu.dma_semaphore, #tpu.memory_space<semaphore_mem>>
      %dma_start3A_710 = tpu.memref_slice %arg2[%mul3A_2] : memref<16384xi32, #tpu.memory_space<hbm>> -> memref<512xi32, #tpu.memory_space<hbm>>
      %dma_start3A_711 = tpu.memref_slice %arg2[%mul3A_2] : memref<16384xi32, #tpu.memory_space<hbm>> -> memref<512xi32, #tpu.memory_space<hbm>>
      tpu.enqueue_dma source(%dma_start3A_711 : memref<512xi32, #tpu.memory_space<hbm>>) target(%arg5 : memref<512xi32, #tpu.memory_space<vmem>>) target_semaphore(%run_scoped3A : memref<!tpu.dma_semaphore, #tpu.memory_space<semaphore_mem>>)
      %dma_wait3A_712 = tpu.memref_slice %arg2[%mul3A_2] : memref<16384xi32, #tpu.memory_space<hbm>> -> memref<512xi32, #tpu.memory_space<hbm>>
      %dma_wait3A_713 = tpu.memref_slice %arg2[%mul3A_2] : memref<16384xi32, #tpu.memory_space<hbm>> -> memref<512xi32, #tpu.memory_space<hbm>>
      tpu.wait_dma2 semaphore(%run_scoped3A : memref<!tpu.dma_semaphore, #tpu.memory_space<semaphore_mem>>) src(%dma_wait3A_713 : memref<512xi32, #tpu.memory_space<hbm>>) dst(%arg5 : memref<512xi32, #tpu.memory_space<vmem>>)
      tpu.yield
    }) : () -> ()
    %scan3A = arith.constant 0 : i32
    %scan3A_3 = arith.constant 0 : i32
    %scan3A_4 = arith.constant 32 : i32
    %scan3A_5 = arith.addi %scan3A_3, %scan3A_4 : i32
    %scan3A_6 = arith.constant 1 : i32
    scf.for %scan3A_710 = %scan3A_3 to %scan3A_5 step %scan3A_6  : i32 {
      %mul3A_711 = arith.constant 16 : i32
      %mul3A_712 = arith.muli %scan3A_710, %mul3A_711 : i32
      %get3A = arith.index_cast %mul3A_712 : i32 to index
      %get3A_713 = tpu.vector_load %arg5[%get3A] {strides = array<i32>} : memref<512xi32, #tpu.memory_space<vmem>>, vector<16xi32>,
      %shift_right_arithmetic3A = arith.constant 7 : i32
      %shift_right_arithmetic3A_714 = vector.broadcast %shift_right_arithmetic3A : i32 to vector<16xi32>
      %shift_right_arithmetic3A_715 = arith.shrsi %get3A_713, %shift_right_arithmetic3A_714 : vector<16xi32>
      %mul3A_716 = arith.constant 1024 : i32
      %mul3A_717 = vector.broadcast %mul3A_716 : i32 to vector<16xi32>
      %mul3A_718 = arith.muli %shift_right_arithmetic3A_715, %mul3A_717 : vector<16xi32>
      %and3A = arith.constant 127 : i32
      %and3A_719 = vector.broadcast %and3A : i32 to vector<16xi32>
      %and3A_720 = arith.andi %get3A_713, %and3A_719 : vector<16xi32>
      %add3A_721 = arith.addi %mul3A_718, %and3A_720 : vector<16xi32>
      %mul3A_722 = arith.constant 16 : i32
      %mul3A_723 = arith.muli %scan3A_710, %mul3A_722 : i32
      %swap3A = arith.index_cast %mul3A_723 : i32 to index
      %swap3A_724 = tpu.vector_load %arg6[%swap3A] {strides = array<i32>} : memref<512xi32, #tpu.memory_space<vmem>>, vector<16xi32>,
      tpu.vector_store %arg6[%swap3A], %add3A_721 {strides = array<i32>} : memref<512xi32, #tpu.memory_space<vmem>>, vector<16xi32>,
    }
    %scan3A_7 = arith.constant 32 : i32
    %dma_start3A = arith.constant 0 : i32
    %dma_start3A_8 = arith.constant 0 : i32
    %dma_start3A_9 = tpu.memref_slice %arg7[%dma_start3A_8] : memref<16384xf32, #tpu.memory_space<vmem>> -> memref<512xf32, #tpu.memory_space<vmem>>
    %dma_start3A_10 = arith.constant 0 : i32
    %dma_start3A_11 = tpu.memref_slice %arg3[%dma_start3A, %dma_start3A_10] : memref<4x8000512xf32, #tpu.memory_space<hbm>> -> memref<1x8000512xf32, #tpu.memory_space<hbm>>
    %dma_start3A_12 = tpu.memref_squeeze %dma_start3A_11 : memref<1x8000512xf32, #tpu.memory_space<hbm>> -> memref<8000512xf32, #tpu.memory_space<hbm>>
    %dma_start3A_13 = arith.constant 0 : i32
    %dma_start3A_14 = tpu.memref_slice %dma_start3A_12[%dma_start3A_13] : memref<8000512xf32, #tpu.memory_space<hbm>> -> memref<8000512xf32, #tpu.memory_space<hbm>>
    %dma_start3A_15 = arith.constant 0 : i32
    %dma_start3A_16 = tpu.memref_slice %dma_start3A_14[%dma_start3A_15] : memref<8000512xf32, #tpu.memory_space<hbm>> -> memref<8000512xf32, #tpu.memory_space<hbm>>
    tpu.enqueue_indirect_dma source(%dma_start3A_16 : memref<8000512xf32, #tpu.memory_space<hbm>>) target(%dma_start3A_9 : memref<512xf32, #tpu.memory_space<vmem>>) offsets(%arg6 : memref<512xi32, #tpu.memory_space<vmem>>) semaphore(%arg8 : memref<!tpu.dma_semaphore, #tpu.memory_space<semaphore_mem>>)
    %dma_start3A_17 = arith.constant 0 : i32
    %dma_start3A_18 = arith.constant 512 : i32
    %dma_start3A_19 = tpu.memref_slice %arg7[%dma_start3A_18] : memref<16384xf32, #tpu.memory_space<vmem>> -> memref<512xf32, #tpu.memory_space<vmem>>
    %dma_start3A_20 = arith.constant 0 : i32
    %dma_start3A_21 = tpu.memref_slice %arg3[%dma_start3A_17, %dma_start3A_20] : memref<4x8000512xf32, #tpu.memory_space<hbm>> -> memref<1x8000512xf32, #tpu.memory_space<hbm>>
    %dma_start3A_22 = tpu.memref_squeeze %dma_start3A_21 : memref<1x8000512xf32, #tpu.memory_space<hbm>> -> memref<8000512xf32, #tpu.memory_space<hbm>>
    %dma_start3A_23 = arith.constant 128 : i32
    %dma_start3A_24 = tpu.memref_slice %dma_start3A_22[%dma_start3A_23] : memref<8000512xf32, #tpu.memory_space<hbm>> -> memref<8000384xf32, #tpu.memory_space<hbm>>
    %dma_start3A_25 = arith.constant 0 : i32
    %dma_start3A_26 = tpu.memref_slice %dma_start3A_24[%dma_start3A_25] : memref<8000384xf32, #tpu.memory_space<hbm>> -> memref<8000384xf32, #tpu.memory_space<hbm>>
    tpu.enqueue_indirect_dma source(%dma_start3A_26 : memref<8000384xf32, #tpu.memory_space<hbm>>) target(%dma_start3A_19 : memref<512xf32, #tpu.memory_space<vmem>>) offsets(%arg6 : memref<512xi32, #tpu.memory_space<vmem>>) semaphore(%arg8 : memref<!tpu.dma_semaphore, #tpu.memory_space<semaphore_mem>>)
    %dma_start3A_27 = arith.constant 0 : i32
    %dma_start3A_28 = arith.constant 1024 : i32
    %dma_start3A_29 = tpu.memref_slice %arg7[%dma_start3A_28] : memref<16384xf32, #tpu.memory_space<vmem>> -> memref<512xf32, #tpu.memory_space<vmem>>
    %dma_start3A_30 = arith.constant 0 : i32
    %dma_start3A_31 = tpu.memref_slice %arg3[%dma_start3A_27, %dma_start3A_30] : memref<4x8000512xf32, #tpu.memory_space<hbm>> -> memref<1x8000512xf32, #tpu.memory_space<hbm>>
    %dma_start3A_32 = tpu.memref_squeeze %dma_start3A_31 : memref<1x8000512xf32, #tpu.memory_space<hbm>> -> memref<8000512xf32, #tpu.memory_space<hbm>>
    %dma_start3A_33 = arith.constant 256 : i32
    %dma_start3A_34 = tpu.memref_slice %dma_start3A_32[%dma_start3A_33] : memref<8000512xf32, #tpu.memory_space<hbm>> -> memref<8000256xf32, #tpu.memory_space<hbm>>
    %dma_start3A_35 = arith.constant 0 : i32
    %dma_start3A_36 = tpu.memref_slice %dma_start3A_34[%dma_start3A_35] : memref<8000256xf32, #tpu.memory_space<hbm>> -> memref<8000256xf32, #tpu.memory_space<hbm>>
    tpu.enqueue_indirect_dma source(%dma_start3A_36 : memref<8000256xf32, #tpu.memory_space<hbm>>) target(%dma_start3A_29 : memref<512xf32, #tpu.memory_space<vmem>>) offsets(%arg6 : memref<512xi32, #tpu.memory_space<vmem>>) semaphore(%arg8 : memref<!tpu.dma_semaphore, #tpu.memory_space<semaphore_mem>>)
    %dma_start3A_37 = arith.constant 0 : i32
    %dma_start3A_38 = arith.constant 1536 : i32
    %dma_start3A_39 = tpu.memref_slice %arg7[%dma_start3A_38] : memref<16384xf32, #tpu.memory_space<vmem>> -> memref<512xf32, #tpu.memory_space<vmem>>
    %dma_start3A_40 = arith.constant 0 : i32
    %dma_start3A_41 = tpu.memref_slice %arg3[%dma_start3A_37, %dma_start3A_40] : memref<4x8000512xf32, #tpu.memory_space<hbm>> -> memref<1x8000512xf32, #tpu.memory_space<hbm>>
    %dma_start3A_42 = tpu.memref_squeeze %dma_start3A_41 : memref<1x8000512xf32, #tpu.memory_space<hbm>> -> memref<8000512xf32, #tpu.memory_space<hbm>>
    %dma_start3A_43 = arith.constant 384 : i32
    %dma_start3A_44 = tpu.memref_slice %dma_start3A_42[%dma_start3A_43] : memref<8000512xf32, #tpu.memory_space<hbm>> -> memref<8000128xf32, #tpu.memory_space<hbm>>
    %dma_start3A_45 = arith.constant 0 : i32
    %dma_start3A_46 = tpu.memref_slice %dma_start3A_44[%dma_start3A_45] : memref<8000128xf32, #tpu.memory_space<hbm>> -> memref<8000128xf32, #tpu.memory_space<hbm>>
    tpu.enqueue_indirect_dma source(%dma_start3A_46 : memref<8000128xf32, #tpu.memory_space<hbm>>) target(%dma_start3A_39 : memref<512xf32, #tpu.memory_space<vmem>>) offsets(%arg6 : memref<512xi32, #tpu.memory_space<vmem>>) semaphore(%arg8 : memref<!tpu.dma_semaphore, #tpu.memory_space<semaphore_mem>>)
    %dma_start3A_47 = arith.constant 0 : i32
    %dma_start3A_48 = arith.constant 2048 : i32
    %dma_start3A_49 = tpu.memref_slice %arg7[%dma_start3A_48] : memref<16384xf32, #tpu.memory_space<vmem>> -> memref<512xf32, #tpu.memory_space<vmem>>
    %dma_start3A_50 = arith.constant 0 : i32
    %dma_start3A_51 = tpu.memref_slice %arg3[%dma_start3A_47, %dma_start3A_50] : memref<4x8000512xf32, #tpu.memory_space<hbm>> -> memref<1x8000512xf32, #tpu.memory_space<hbm>>
    %dma_start3A_52 = tpu.memref_squeeze %dma_start3A_51 : memref<1x8000512xf32, #tpu.memory_space<hbm>> -> memref<8000512xf32, #tpu.memory_space<hbm>>
    %dma_start3A_53 = arith.constant 512 : i32
    %dma_start3A_54 = tpu.memref_slice %dma_start3A_52[%dma_start3A_53] : memref<8000512xf32, #tpu.memory_space<hbm>> -> memref<8000000xf32, #tpu.memory_space<hbm>>
    %dma_start3A_55 = arith.constant 0 : i32
    %dma_start3A_56 = tpu.memref_slice %dma_start3A_54[%dma_start3A_55] : memref<8000000xf32, #tpu.memory_space<hbm>> -> memref<8000000xf32, #tpu.memory_space<hbm>>
    tpu.enqueue_indirect_dma source(%dma_start3A_56 : memref<8000000xf32, #tpu.memory_space<hbm>>) target(%dma_start3A_49 : memref<512xf32, #tpu.memory_space<vmem>>) offsets(%arg6 : memref<512xi32, #tpu.memory_space<vmem>>) semaphore(%arg8 : memref<!tpu.dma_semaphore, #tpu.memory_space<semaphore_mem>>)
    %dma_start3A_57 = arith.constant 0 : i32
    %dma_start3A_58 = arith.constant 2560 : i32
    %dma_start3A_59 = tpu.memref_slice %arg7[%dma_start3A_58] : memref<16384xf32, #tpu.memory_space<vmem>> -> memref<512xf32, #tpu.memory_space<vmem>>
    %dma_start3A_60 = arith.constant 0 : i32
    %dma_start3A_61 = tpu.memref_slice %arg3[%dma_start3A_57, %dma_start3A_60] : memref<4x8000512xf32, #tpu.memory_space<hbm>> -> memref<1x8000512xf32, #tpu.memory_space<hbm>>
    %dma_start3A_62 = tpu.memref_squeeze %dma_start3A_61 : memref<1x8000512xf32, #tpu.memory_space<hbm>> -> memref<8000512xf32, #tpu.memory_space<hbm>>
    %dma_start3A_63 = arith.constant 640 : i32
    %dma_start3A_64 = tpu.memref_slice %dma_start3A_62[%dma_start3A_63] : memref<8000512xf32, #tpu.memory_space<hbm>> -> memref<7999872xf32, #tpu.memory_space<hbm>>
    %dma_start3A_65 = arith.constant 0 : i32
    %dma_start3A_66 = tpu.memref_slice %dma_start3A_64[%dma_start3A_65] : memref<7999872xf32, #tpu.memory_space<hbm>> -> memref<7999872xf32, #tpu.memory_space<hbm>>
    tpu.enqueue_indirect_dma source(%dma_start3A_66 : memref<7999872xf32, #tpu.memory_space<hbm>>) target(%dma_start3A_59 : memref<512xf32, #tpu.memory_space<vmem>>) offsets(%arg6 : memref<512xi32, #tpu.memory_space<vmem>>) semaphore(%arg8 : memref<!tpu.dma_semaphore, #tpu.memory_space<semaphore_mem>>)
    %dma_start3A_67 = arith.constant 0 : i32
    %dma_start3A_68 = arith.constant 3072 : i32
    %dma_start3A_69 = tpu.memref_slice %arg7[%dma_start3A_68] : memref<16384xf32, #tpu.memory_space<vmem>> -> memref<512xf32, #tpu.memory_space<vmem>>
    %dma_start3A_70 = arith.constant 0 : i32
    %dma_start3A_71 = tpu.memref_slice %arg3[%dma_start3A_67, %dma_start3A_70] : memref<4x8000512xf32, #tpu.memory_space<hbm>> -> memref<1x8000512xf32, #tpu.memory_space<hbm>>
    %dma_start3A_72 = tpu.memref_squeeze %dma_start3A_71 : memref<1x8000512xf32, #tpu.memory_space<hbm>> -> memref<8000512xf32, #tpu.memory_space<hbm>>
    %dma_start3A_73 = arith.constant 768 : i32
    %dma_start3A_74 = tpu.memref_slice %dma_start3A_72[%dma_start3A_73] : memref<8000512xf32, #tpu.memory_space<hbm>> -> memref<7999744xf32, #tpu.memory_space<hbm>>
    %dma_start3A_75 = arith.constant 0 : i32
    %dma_start3A_76 = tpu.memref_slice %dma_start3A_74[%dma_start3A_75] : memref<7999744xf32, #tpu.memory_space<hbm>> -> memref<7999744xf32, #tpu.memory_space<hbm>>
    tpu.enqueue_indirect_dma source(%dma_start3A_76 : memref<7999744xf32, #tpu.memory_space<hbm>>) target(%dma_start3A_69 : memref<512xf32, #tpu.memory_space<vmem>>) offsets(%arg6 : memref<512xi32, #tpu.memory_space<vmem>>) semaphore(%arg8 : memref<!tpu.dma_semaphore, #tpu.memory_space<semaphore_mem>>)
    %dma_start3A_77 = arith.constant 0 : i32
    %dma_start3A_78 = arith.constant 3584 : i32
    %dma_start3A_79 = tpu.memref_slice %arg7[%dma_start3A_78] : memref<16384xf32, #tpu.memory_space<vmem>> -> memref<512xf32, #tpu.memory_space<vmem>>
    %dma_start3A_80 = arith.constant 0 : i32
    %dma_start3A_81 = tpu.memref_slice %arg3[%dma_start3A_77, %dma_start3A_80] : memref<4x8000512xf32, #tpu.memory_space<hbm>> -> memref<1x8000512xf32, #tpu.memory_space<hbm>>
    %dma_start3A_82 = tpu.memref_squeeze %dma_start3A_81 : memref<1x8000512xf32, #tpu.memory_space<hbm>> -> memref<8000512xf32, #tpu.memory_space<hbm>>
    %dma_start3A_83 = arith.constant 896 : i32
    %dma_start3A_84 = tpu.memref_slice %dma_start3A_82[%dma_start3A_83] : memref<8000512xf32, #tpu.memory_space<hbm>> -> memref<7999616xf32, #tpu.memory_space<hbm>>
    %dma_start3A_85 = arith.constant 0 : i32
    %dma_start3A_86 = tpu.memref_slice %dma_start3A_84[%dma_start3A_85] : memref<7999616xf32, #tpu.memory_space<hbm>> -> memref<7999616xf32, #tpu.memory_space<hbm>>
    tpu.enqueue_indirect_dma source(%dma_start3A_86 : memref<7999616xf32, #tpu.memory_space<hbm>>) target(%dma_start3A_79 : memref<512xf32, #tpu.memory_space<vmem>>) offsets(%arg6 : memref<512xi32, #tpu.memory_space<vmem>>) semaphore(%arg8 : memref<!tpu.dma_semaphore, #tpu.memory_space<semaphore_mem>>)
    %dma_start3A_87 = arith.constant 1 : i32
    %dma_start3A_88 = arith.constant 4096 : i32
    %dma_start3A_89 = tpu.memref_slice %arg7[%dma_start3A_88] : memref<16384xf32, #tpu.memory_space<vmem>> -> memref<512xf32, #tpu.memory_space<vmem>>
    %dma_start3A_90 = arith.constant 0 : i32
    %dma_start3A_91 = tpu.memref_slice %arg3[%dma_start3A_87, %dma_start3A_90] : memref<4x8000512xf32, #tpu.memory_space<hbm>> -> memref<1x8000512xf32, #tpu.memory_space<hbm>>
    %dma_start3A_92 = tpu.memref_squeeze %dma_start3A_91 : memref<1x8000512xf32, #tpu.memory_space<hbm>> -> memref<8000512xf32, #tpu.memory_space<hbm>>
    %dma_start3A_93 = arith.constant 0 : i32
    %dma_start3A_94 = tpu.memref_slice %dma_start3A_92[%dma_start3A_93] : memref<8000512xf32, #tpu.memory_space<hbm>> -> memref<8000512xf32, #tpu.memory_space<hbm>>
    %dma_start3A_95 = arith.constant 0 : i32
    %dma_start3A_96 = tpu.memref_slice %dma_start3A_94[%dma_start3A_95] : memref<8000512xf32, #tpu.memory_space<hbm>> -> memref<8000512xf32, #tpu.memory_space<hbm>>
    tpu.enqueue_indirect_dma source(%dma_start3A_96 : memref<8000512xf32, #tpu.memory_space<hbm>>) target(%dma_start3A_89 : memref<512xf32, #tpu.memory_space<vmem>>) offsets(%arg6 : memref<512xi32, #tpu.memory_space<vmem>>) semaphore(%arg8 : memref<!tpu.dma_semaphore, #tpu.memory_space<semaphore_mem>>)
    %dma_start3A_97 = arith.constant 1 : i32
    %dma_start3A_98 = arith.constant 4608 : i32
    %dma_start3A_99 = tpu.memref_slice %arg7[%dma_start3A_98] : memref<16384xf32, #tpu.memory_space<vmem>> -> memref<512xf32, #tpu.memory_space<vmem>>
    %dma_start3A_100 = arith.constant 0 : i32
    %dma_start3A_101 = tpu.memref_slice %arg3[%dma_start3A_97, %dma_start3A_100] : memref<4x8000512xf32, #tpu.memory_space<hbm>> -> memref<1x8000512xf32, #tpu.memory_space<hbm>>
    %dma_start3A_102 = tpu.memref_squeeze %dma_start3A_101 : memref<1x8000512xf32, #tpu.memory_space<hbm>> -> memref<8000512xf32, #tpu.memory_space<hbm>>
    %dma_start3A_103 = arith.constant 128 : i32
    %dma_start3A_104 = tpu.memref_slice %dma_start3A_102[%dma_start3A_103] : memref<8000512xf32, #tpu.memory_space<hbm>> -> memref<8000384xf32, #tpu.memory_space<hbm>>
    %dma_start3A_105 = arith.constant 0 : i32
    %dma_start3A_106 = tpu.memref_slice %dma_start3A_104[%dma_start3A_105] : memref<8000384xf32, #tpu.memory_space<hbm>> -> memref<8000384xf32, #tpu.memory_space<hbm>>
    tpu.enqueue_indirect_dma source(%dma_start3A_106 : memref<8000384xf32, #tpu.memory_space<hbm>>) target(%dma_start3A_99 : memref<512xf32, #tpu.memory_space<vmem>>) offsets(%arg6 : memref<512xi32, #tpu.memory_space<vmem>>) semaphore(%arg8 : memref<!tpu.dma_semaphore, #tpu.memory_space<semaphore_mem>>)
    %dma_start3A_107 = arith.constant 1 : i32
    %dma_start3A_108 = arith.constant 5120 : i32
    %dma_start3A_109 = tpu.memref_slice %arg7[%dma_start3A_108] : memref<16384xf32, #tpu.memory_space<vmem>> -> memref<512xf32, #tpu.memory_space<vmem>>
    %dma_start3A_110 = arith.constant 0 : i32
    %dma_start3A_111 = tpu.memref_slice %arg3[%dma_start3A_107, %dma_start3A_110] : memref<4x8000512xf32, #tpu.memory_space<hbm>> -> memref<1x8000512xf32, #tpu.memory_space<hbm>>
    %dma_start3A_112 = tpu.memref_squeeze %dma_start3A_111 : memref<1x8000512xf32, #tpu.memory_space<hbm>> -> memref<8000512xf32, #tpu.memory_space<hbm>>
    %dma_start3A_113 = arith.constant 256 : i32
    %dma_start3A_114 = tpu.memref_slice %dma_start3A_112[%dma_start3A_113] : memref<8000512xf32, #tpu.memory_space<hbm>> -> memref<8000256xf32, #tpu.memory_space<hbm>>
    %dma_start3A_115 = arith.constant 0 : i32
    %dma_start3A_116 = tpu.memref_slice %dma_start3A_114[%dma_start3A_115] : memref<8000256xf32, #tpu.memory_space<hbm>> -> memref<8000256xf32, #tpu.memory_space<hbm>>
    tpu.enqueue_indirect_dma source(%dma_start3A_116 : memref<8000256xf32, #tpu.memory_space<hbm>>) target(%dma_start3A_109 : memref<512xf32, #tpu.memory_space<vmem>>) offsets(%arg6 : memref<512xi32, #tpu.memory_space<vmem>>) semaphore(%arg8 : memref<!tpu.dma_semaphore, #tpu.memory_space<semaphore_mem>>)
    %dma_start3A_117 = arith.constant 1 : i32
    %dma_start3A_118 = arith.constant 5632 : i32
    %dma_start3A_119 = tpu.memref_slice %arg7[%dma_start3A_118] : memref<16384xf32, #tpu.memory_space<vmem>> -> memref<512xf32, #tpu.memory_space<vmem>>
    %dma_start3A_120 = arith.constant 0 : i32
    %dma_start3A_121 = tpu.memref_slice %arg3[%dma_start3A_117, %dma_start3A_120] : memref<4x8000512xf32, #tpu.memory_space<hbm>> -> memref<1x8000512xf32, #tpu.memory_space<hbm>>
    %dma_start3A_122 = tpu.memref_squeeze %dma_start3A_121 : memref<1x8000512xf32, #tpu.memory_space<hbm>> -> memref<8000512xf32, #tpu.memory_space<hbm>>
    %dma_start3A_123 = arith.constant 384 : i32
    %dma_start3A_124 = tpu.memref_slice %dma_start3A_122[%dma_start3A_123] : memref<8000512xf32, #tpu.memory_space<hbm>> -> memref<8000128xf32, #tpu.memory_space<hbm>>
    %dma_start3A_125 = arith.constant 0 : i32
    %dma_start3A_126 = tpu.memref_slice %dma_start3A_124[%dma_start3A_125] : memref<8000128xf32, #tpu.memory_space<hbm>> -> memref<8000128xf32, #tpu.memory_space<hbm>>
    tpu.enqueue_indirect_dma source(%dma_start3A_126 : memref<8000128xf32, #tpu.memory_space<hbm>>) target(%dma_start3A_119 : memref<512xf32, #tpu.memory_space<vmem>>) offsets(%arg6 : memref<512xi32, #tpu.memory_space<vmem>>) semaphore(%arg8 : memref<!tpu.dma_semaphore, #tpu.memory_space<semaphore_mem>>)
    %dma_start3A_127 = arith.constant 1 : i32
    %dma_start3A_128 = arith.constant 6144 : i32
    %dma_start3A_129 = tpu.memref_slice %arg7[%dma_start3A_128] : memref<16384xf32, #tpu.memory_space<vmem>> -> memref<512xf32, #tpu.memory_space<vmem>>
    %dma_start3A_130 = arith.constant 0 : i32
    %dma_start3A_131 = tpu.memref_slice %arg3[%dma_start3A_127, %dma_start3A_130] : memref<4x8000512xf32, #tpu.memory_space<hbm>> -> memref<1x8000512xf32, #tpu.memory_space<hbm>>
    %dma_start3A_132 = tpu.memref_squeeze %dma_start3A_131 : memref<1x8000512xf32, #tpu.memory_space<hbm>> -> memref<8000512xf32, #tpu.memory_space<hbm>>
    %dma_start3A_133 = arith.constant 512 : i32
    %dma_start3A_134 = tpu.memref_slice %dma_start3A_132[%dma_start3A_133] : memref<8000512xf32, #tpu.memory_space<hbm>> -> memref<8000000xf32, #tpu.memory_space<hbm>>
    %dma_start3A_135 = arith.constant 0 : i32
    %dma_start3A_136 = tpu.memref_slice %dma_start3A_134[%dma_start3A_135] : memref<8000000xf32, #tpu.memory_space<hbm>> -> memref<8000000xf32, #tpu.memory_space<hbm>>
    tpu.enqueue_indirect_dma source(%dma_start3A_136 : memref<8000000xf32, #tpu.memory_space<hbm>>) target(%dma_start3A_129 : memref<512xf32, #tpu.memory_space<vmem>>) offsets(%arg6 : memref<512xi32, #tpu.memory_space<vmem>>) semaphore(%arg8 : memref<!tpu.dma_semaphore, #tpu.memory_space<semaphore_mem>>)
    %dma_start3A_137 = arith.constant 1 : i32
    %dma_start3A_138 = arith.constant 6656 : i32
    %dma_start3A_139 = tpu.memref_slice %arg7[%dma_start3A_138] : memref<16384xf32, #tpu.memory_space<vmem>> -> memref<512xf32, #tpu.memory_space<vmem>>
    %dma_start3A_140 = arith.constant 0 : i32
    %dma_start3A_141 = tpu.memref_slice %arg3[%dma_start3A_137, %dma_start3A_140] : memref<4x8000512xf32, #tpu.memory_space<hbm>> -> memref<1x8000512xf32, #tpu.memory_space<hbm>>
    %dma_start3A_142 = tpu.memref_squeeze %dma_start3A_141 : memref<1x8000512xf32, #tpu.memory_space<hbm>> -> memref<8000512xf32, #tpu.memory_space<hbm>>
    %dma_start3A_143 = arith.constant 640 : i32
    %dma_start3A_144 = tpu.memref_slice %dma_start3A_142[%dma_start3A_143] : memref<8000512xf32, #tpu.memory_space<hbm>> -> memref<7999872xf32, #tpu.memory_space<hbm>>
    %dma_start3A_145 = arith.constant 0 : i32
    %dma_start3A_146 = tpu.memref_slice %dma_start3A_144[%dma_start3A_145] : memref<7999872xf32, #tpu.memory_space<hbm>> -> memref<7999872xf32, #tpu.memory_space<hbm>>
    tpu.enqueue_indirect_dma source(%dma_start3A_146 : memref<7999872xf32, #tpu.memory_space<hbm>>) target(%dma_start3A_139 : memref<512xf32, #tpu.memory_space<vmem>>) offsets(%arg6 : memref<512xi32, #tpu.memory_space<vmem>>) semaphore(%arg8 : memref<!tpu.dma_semaphore, #tpu.memory_space<semaphore_mem>>)
    %dma_start3A_147 = arith.constant 1 : i32
    %dma_start3A_148 = arith.constant 7168 : i32
    %dma_start3A_149 = tpu.memref_slice %arg7[%dma_start3A_148] : memref<16384xf32, #tpu.memory_space<vmem>> -> memref<512xf32, #tpu.memory_space<vmem>>
    %dma_start3A_150 = arith.constant 0 : i32
    %dma_start3A_151 = tpu.memref_slice %arg3[%dma_start3A_147, %dma_start3A_150] : memref<4x8000512xf32, #tpu.memory_space<hbm>> -> memref<1x8000512xf32, #tpu.memory_space<hbm>>
    %dma_start3A_152 = tpu.memref_squeeze %dma_start3A_151 : memref<1x8000512xf32, #tpu.memory_space<hbm>> -> memref<8000512xf32, #tpu.memory_space<hbm>>
    %dma_start3A_153 = arith.constant 768 : i32
    %dma_start3A_154 = tpu.memref_slice %dma_start3A_152[%dma_start3A_153] : memref<8000512xf32, #tpu.memory_space<hbm>> -> memref<7999744xf32, #tpu.memory_space<hbm>>
    %dma_start3A_155 = arith.constant 0 : i32
    %dma_start3A_156 = tpu.memref_slice %dma_start3A_154[%dma_start3A_155] : memref<7999744xf32, #tpu.memory_space<hbm>> -> memref<7999744xf32, #tpu.memory_space<hbm>>
    tpu.enqueue_indirect_dma source(%dma_start3A_156 : memref<7999744xf32, #tpu.memory_space<hbm>>) target(%dma_start3A_149 : memref<512xf32, #tpu.memory_space<vmem>>) offsets(%arg6 : memref<512xi32, #tpu.memory_space<vmem>>) semaphore(%arg8 : memref<!tpu.dma_semaphore, #tpu.memory_space<semaphore_mem>>)
    %dma_start3A_157 = arith.constant 1 : i32
    %dma_start3A_158 = arith.constant 7680 : i32
    %dma_start3A_159 = tpu.memref_slice %arg7[%dma_start3A_158] : memref<16384xf32, #tpu.memory_space<vmem>> -> memref<512xf32, #tpu.memory_space<vmem>>
    %dma_start3A_160 = arith.constant 0 : i32
    %dma_start3A_161 = tpu.memref_slice %arg3[%dma_start3A_157, %dma_start3A_160] : memref<4x8000512xf32, #tpu.memory_space<hbm>> -> memref<1x8000512xf32, #tpu.memory_space<hbm>>
    %dma_start3A_162 = tpu.memref_squeeze %dma_start3A_161 : memref<1x8000512xf32, #tpu.memory_space<hbm>> -> memref<8000512xf32, #tpu.memory_space<hbm>>
    %dma_start3A_163 = arith.constant 896 : i32
    %dma_start3A_164 = tpu.memref_slice %dma_start3A_162[%dma_start3A_163] : memref<8000512xf32, #tpu.memory_space<hbm>> -> memref<7999616xf32, #tpu.memory_space<hbm>>
    %dma_start3A_165 = arith.constant 0 : i32
    %dma_start3A_166 = tpu.memref_slice %dma_start3A_164[%dma_start3A_165] : memref<7999616xf32, #tpu.memory_space<hbm>> -> memref<7999616xf32, #tpu.memory_space<hbm>>
    tpu.enqueue_indirect_dma source(%dma_start3A_166 : memref<7999616xf32, #tpu.memory_space<hbm>>) target(%dma_start3A_159 : memref<512xf32, #tpu.memory_space<vmem>>) offsets(%arg6 : memref<512xi32, #tpu.memory_space<vmem>>) semaphore(%arg8 : memref<!tpu.dma_semaphore, #tpu.memory_space<semaphore_mem>>)
    %dma_start3A_167 = arith.constant 2 : i32
    %dma_start3A_168 = arith.constant 8192 : i32
    %dma_start3A_169 = tpu.memref_slice %arg7[%dma_start3A_168] : memref<16384xf32, #tpu.memory_space<vmem>> -> memref<512xf32, #tpu.memory_space<vmem>>
    %dma_start3A_170 = arith.constant 0 : i32
    %dma_start3A_171 = tpu.memref_slice %arg3[%dma_start3A_167, %dma_start3A_170] : memref<4x8000512xf32, #tpu.memory_space<hbm>> -> memref<1x8000512xf32, #tpu.memory_space<hbm>>
    %dma_start3A_172 = tpu.memref_squeeze %dma_start3A_171 : memref<1x8000512xf32, #tpu.memory_space<hbm>> -> memref<8000512xf32, #tpu.memory_space<hbm>>
    %dma_start3A_173 = arith.constant 0 : i32
    %dma_start3A_174 = tpu.memref_slice %dma_start3A_172[%dma_start3A_173] : memref<8000512xf32, #tpu.memory_space<hbm>> -> memref<8000512xf32, #tpu.memory_space<hbm>>
    %dma_start3A_175 = arith.constant 0 : i32
    %dma_start3A_176 = tpu.memref_slice %dma_start3A_174[%dma_start3A_175] : memref<8000512xf32, #tpu.memory_space<hbm>> -> memref<8000512xf32, #tpu.memory_space<hbm>>
    tpu.enqueue_indirect_dma source(%dma_start3A_176 : memref<8000512xf32, #tpu.memory_space<hbm>>) target(%dma_start3A_169 : memref<512xf32, #tpu.memory_space<vmem>>) offsets(%arg6 : memref<512xi32, #tpu.memory_space<vmem>>) semaphore(%arg8 : memref<!tpu.dma_semaphore, #tpu.memory_space<semaphore_mem>>)
    %dma_start3A_177 = arith.constant 2 : i32
    %dma_start3A_178 = arith.constant 8704 : i32
    %dma_start3A_179 = tpu.memref_slice %arg7[%dma_start3A_178] : memref<16384xf32, #tpu.memory_space<vmem>> -> memref<512xf32, #tpu.memory_space<vmem>>
    %dma_start3A_180 = arith.constant 0 : i32
    %dma_start3A_181 = tpu.memref_slice %arg3[%dma_start3A_177, %dma_start3A_180] : memref<4x8000512xf32, #tpu.memory_space<hbm>> -> memref<1x8000512xf32, #tpu.memory_space<hbm>>
    %dma_start3A_182 = tpu.memref_squeeze %dma_start3A_181 : memref<1x8000512xf32, #tpu.memory_space<hbm>> -> memref<8000512xf32, #tpu.memory_space<hbm>>
    %dma_start3A_183 = arith.constant 128 : i32
    %dma_start3A_184 = tpu.memref_slice %dma_start3A_182[%dma_start3A_183] : memref<8000512xf32, #tpu.memory_space<hbm>> -> memref<8000384xf32, #tpu.memory_space<hbm>>
    %dma_start3A_185 = arith.constant 0 : i32
    %dma_start3A_186 = tpu.memref_slice %dma_start3A_184[%dma_start3A_185] : memref<8000384xf32, #tpu.memory_space<hbm>> -> memref<8000384xf32, #tpu.memory_space<hbm>>
    tpu.enqueue_indirect_dma source(%dma_start3A_186 : memref<8000384xf32, #tpu.memory_space<hbm>>) target(%dma_start3A_179 : memref<512xf32, #tpu.memory_space<vmem>>) offsets(%arg6 : memref<512xi32, #tpu.memory_space<vmem>>) semaphore(%arg8 : memref<!tpu.dma_semaphore, #tpu.memory_space<semaphore_mem>>)
    %dma_start3A_187 = arith.constant 2 : i32
    %dma_start3A_188 = arith.constant 9216 : i32
    %dma_start3A_189 = tpu.memref_slice %arg7[%dma_start3A_188] : memref<16384xf32, #tpu.memory_space<vmem>> -> memref<512xf32, #tpu.memory_space<vmem>>
    %dma_start3A_190 = arith.constant 0 : i32
    %dma_start3A_191 = tpu.memref_slice %arg3[%dma_start3A_187, %dma_start3A_190] : memref<4x8000512xf32, #tpu.memory_space<hbm>> -> memref<1x8000512xf32, #tpu.memory_space<hbm>>
    %dma_start3A_192 = tpu.memref_squeeze %dma_start3A_191 : memref<1x8000512xf32, #tpu.memory_space<hbm>> -> memref<8000512xf32, #tpu.memory_space<hbm>>
    %dma_start3A_193 = arith.constant 256 : i32
    %dma_start3A_194 = tpu.memref_slice %dma_start3A_192[%dma_start3A_193] : memref<8000512xf32, #tpu.memory_space<hbm>> -> memref<8000256xf32, #tpu.memory_space<hbm>>
    %dma_start3A_195 = arith.constant 0 : i32
    %dma_start3A_196 = tpu.memref_slice %dma_start3A_194[%dma_start3A_195] : memref<8000256xf32, #tpu.memory_space<hbm>> -> memref<8000256xf32, #tpu.memory_space<hbm>>
    tpu.enqueue_indirect_dma source(%dma_start3A_196 : memref<8000256xf32, #tpu.memory_space<hbm>>) target(%dma_start3A_189 : memref<512xf32, #tpu.memory_space<vmem>>) offsets(%arg6 : memref<512xi32, #tpu.memory_space<vmem>>) semaphore(%arg8 : memref<!tpu.dma_semaphore, #tpu.memory_space<semaphore_mem>>)
    %dma_start3A_197 = arith.constant 2 : i32
    %dma_start3A_198 = arith.constant 9728 : i32
    %dma_start3A_199 = tpu.memref_slice %arg7[%dma_start3A_198] : memref<16384xf32, #tpu.memory_space<vmem>> -> memref<512xf32, #tpu.memory_space<vmem>>
    %dma_start3A_200 = arith.constant 0 : i32
    %dma_start3A_201 = tpu.memref_slice %arg3[%dma_start3A_197, %dma_start3A_200] : memref<4x8000512xf32, #tpu.memory_space<hbm>> -> memref<1x8000512xf32, #tpu.memory_space<hbm>>
    %dma_start3A_202 = tpu.memref_squeeze %dma_start3A_201 : memref<1x8000512xf32, #tpu.memory_space<hbm>> -> memref<8000512xf32, #tpu.memory_space<hbm>>
    %dma_start3A_203 = arith.constant 384 : i32
    %dma_start3A_204 = tpu.memref_slice %dma_start3A_202[%dma_start3A_203] : memref<8000512xf32, #tpu.memory_space<hbm>> -> memref<8000128xf32, #tpu.memory_space<hbm>>
    %dma_start3A_205 = arith.constant 0 : i32
    %dma_start3A_206 = tpu.memref_slice %dma_start3A_204[%dma_start3A_205] : memref<8000128xf32, #tpu.memory_space<hbm>> -> memref<8000128xf32, #tpu.memory_space<hbm>>
    tpu.enqueue_indirect_dma source(%dma_start3A_206 : memref<8000128xf32, #tpu.memory_space<hbm>>) target(%dma_start3A_199 : memref<512xf32, #tpu.memory_space<vmem>>) offsets(%arg6 : memref<512xi32, #tpu.memory_space<vmem>>) semaphore(%arg8 : memref<!tpu.dma_semaphore, #tpu.memory_space<semaphore_mem>>)
    %dma_start3A_207 = arith.constant 2 : i32
    %dma_start3A_208 = arith.constant 10240 : i32
    %dma_start3A_209 = tpu.memref_slice %arg7[%dma_start3A_208] : memref<16384xf32, #tpu.memory_space<vmem>> -> memref<512xf32, #tpu.memory_space<vmem>>
    %dma_start3A_210 = arith.constant 0 : i32
    %dma_start3A_211 = tpu.memref_slice %arg3[%dma_start3A_207, %dma_start3A_210] : memref<4x8000512xf32, #tpu.memory_space<hbm>> -> memref<1x8000512xf32, #tpu.memory_space<hbm>>
    %dma_start3A_212 = tpu.memref_squeeze %dma_start3A_211 : memref<1x8000512xf32, #tpu.memory_space<hbm>> -> memref<8000512xf32, #tpu.memory_space<hbm>>
    %dma_start3A_213 = arith.constant 512 : i32
    %dma_start3A_214 = tpu.memref_slice %dma_start3A_212[%dma_start3A_213] : memref<8000512xf32, #tpu.memory_space<hbm>> -> memref<8000000xf32, #tpu.memory_space<hbm>>
    %dma_start3A_215 = arith.constant 0 : i32
    %dma_start3A_216 = tpu.memref_slice %dma_start3A_214[%dma_start3A_215] : memref<8000000xf32, #tpu.memory_space<hbm>> -> memref<8000000xf32, #tpu.memory_space<hbm>>
    tpu.enqueue_indirect_dma source(%dma_start3A_216 : memref<8000000xf32, #tpu.memory_space<hbm>>) target(%dma_start3A_209 : memref<512xf32, #tpu.memory_space<vmem>>) offsets(%arg6 : memref<512xi32, #tpu.memory_space<vmem>>) semaphore(%arg8 : memref<!tpu.dma_semaphore, #tpu.memory_space<semaphore_mem>>)
    %dma_start3A_217 = arith.constant 2 : i32
    %dma_start3A_218 = arith.constant 10752 : i32
    %dma_start3A_219 = tpu.memref_slice %arg7[%dma_start3A_218] : memref<16384xf32, #tpu.memory_space<vmem>> -> memref<512xf32, #tpu.memory_space<vmem>>
    %dma_start3A_220 = arith.constant 0 : i32
    %dma_start3A_221 = tpu.memref_slice %arg3[%dma_start3A_217, %dma_start3A_220] : memref<4x8000512xf32, #tpu.memory_space<hbm>> -> memref<1x8000512xf32, #tpu.memory_space<hbm>>
    %dma_start3A_222 = tpu.memref_squeeze %dma_start3A_221 : memref<1x8000512xf32, #tpu.memory_space<hbm>> -> memref<8000512xf32, #tpu.memory_space<hbm>>
    %dma_start3A_223 = arith.constant 640 : i32
    %dma_start3A_224 = tpu.memref_slice %dma_start3A_222[%dma_start3A_223] : memref<8000512xf32, #tpu.memory_space<hbm>> -> memref<7999872xf32, #tpu.memory_space<hbm>>
    %dma_start3A_225 = arith.constant 0 : i32
    %dma_start3A_226 = tpu.memref_slice %dma_start3A_224[%dma_start3A_225] : memref<7999872xf32, #tpu.memory_space<hbm>> -> memref<7999872xf32, #tpu.memory_space<hbm>>
    tpu.enqueue_indirect_dma source(%dma_start3A_226 : memref<7999872xf32, #tpu.memory_space<hbm>>) target(%dma_start3A_219 : memref<512xf32, #tpu.memory_space<vmem>>) offsets(%arg6 : memref<512xi32, #tpu.memory_space<vmem>>) semaphore(%arg8 : memref<!tpu.dma_semaphore, #tpu.memory_space<semaphore_mem>>)
    %dma_start3A_227 = arith.constant 2 : i32
    %dma_start3A_228 = arith.constant 11264 : i32
    %dma_start3A_229 = tpu.memref_slice %arg7[%dma_start3A_228] : memref<16384xf32, #tpu.memory_space<vmem>> -> memref<512xf32, #tpu.memory_space<vmem>>
    %dma_start3A_230 = arith.constant 0 : i32
    %dma_start3A_231 = tpu.memref_slice %arg3[%dma_start3A_227, %dma_start3A_230] : memref<4x8000512xf32, #tpu.memory_space<hbm>> -> memref<1x8000512xf32, #tpu.memory_space<hbm>>
    %dma_start3A_232 = tpu.memref_squeeze %dma_start3A_231 : memref<1x8000512xf32, #tpu.memory_space<hbm>> -> memref<8000512xf32, #tpu.memory_space<hbm>>
    %dma_start3A_233 = arith.constant 768 : i32
    %dma_start3A_234 = tpu.memref_slice %dma_start3A_232[%dma_start3A_233] : memref<8000512xf32, #tpu.memory_space<hbm>> -> memref<7999744xf32, #tpu.memory_space<hbm>>
    %dma_start3A_235 = arith.constant 0 : i32
    %dma_start3A_236 = tpu.memref_slice %dma_start3A_234[%dma_start3A_235] : memref<7999744xf32, #tpu.memory_space<hbm>> -> memref<7999744xf32, #tpu.memory_space<hbm>>
    tpu.enqueue_indirect_dma source(%dma_start3A_236 : memref<7999744xf32, #tpu.memory_space<hbm>>) target(%dma_start3A_229 : memref<512xf32, #tpu.memory_space<vmem>>) offsets(%arg6 : memref<512xi32, #tpu.memory_space<vmem>>) semaphore(%arg8 : memref<!tpu.dma_semaphore, #tpu.memory_space<semaphore_mem>>)
    %dma_start3A_237 = arith.constant 2 : i32
    %dma_start3A_238 = arith.constant 11776 : i32
    %dma_start3A_239 = tpu.memref_slice %arg7[%dma_start3A_238] : memref<16384xf32, #tpu.memory_space<vmem>> -> memref<512xf32, #tpu.memory_space<vmem>>
    %dma_start3A_240 = arith.constant 0 : i32
    %dma_start3A_241 = tpu.memref_slice %arg3[%dma_start3A_237, %dma_start3A_240] : memref<4x8000512xf32, #tpu.memory_space<hbm>> -> memref<1x8000512xf32, #tpu.memory_space<hbm>>
    %dma_start3A_242 = tpu.memref_squeeze %dma_start3A_241 : memref<1x8000512xf32, #tpu.memory_space<hbm>> -> memref<8000512xf32, #tpu.memory_space<hbm>>
    %dma_start3A_243 = arith.constant 896 : i32
    %dma_start3A_244 = tpu.memref_slice %dma_start3A_242[%dma_start3A_243] : memref<8000512xf32, #tpu.memory_space<hbm>> -> memref<7999616xf32, #tpu.memory_space<hbm>>
    %dma_start3A_245 = arith.constant 0 : i32
    %dma_start3A_246 = tpu.memref_slice %dma_start3A_244[%dma_start3A_245] : memref<7999616xf32, #tpu.memory_space<hbm>> -> memref<7999616xf32, #tpu.memory_space<hbm>>
    tpu.enqueue_indirect_dma source(%dma_start3A_246 : memref<7999616xf32, #tpu.memory_space<hbm>>) target(%dma_start3A_239 : memref<512xf32, #tpu.memory_space<vmem>>) offsets(%arg6 : memref<512xi32, #tpu.memory_space<vmem>>) semaphore(%arg8 : memref<!tpu.dma_semaphore, #tpu.memory_space<semaphore_mem>>)
    %dma_start3A_247 = arith.constant 3 : i32
    %dma_start3A_248 = arith.constant 12288 : i32
    %dma_start3A_249 = tpu.memref_slice %arg7[%dma_start3A_248] : memref<16384xf32, #tpu.memory_space<vmem>> -> memref<512xf32, #tpu.memory_space<vmem>>
    %dma_start3A_250 = arith.constant 0 : i32
    %dma_start3A_251 = tpu.memref_slice %arg3[%dma_start3A_247, %dma_start3A_250] : memref<4x8000512xf32, #tpu.memory_space<hbm>> -> memref<1x8000512xf32, #tpu.memory_space<hbm>>
    %dma_start3A_252 = tpu.memref_squeeze %dma_start3A_251 : memref<1x8000512xf32, #tpu.memory_space<hbm>> -> memref<8000512xf32, #tpu.memory_space<hbm>>
    %dma_start3A_253 = arith.constant 0 : i32
    %dma_start3A_254 = tpu.memref_slice %dma_start3A_252[%dma_start3A_253] : memref<8000512xf32, #tpu.memory_space<hbm>> -> memref<8000512xf32, #tpu.memory_space<hbm>>
    %dma_start3A_255 = arith.constant 0 : i32
    %dma_start3A_256 = tpu.memref_slice %dma_start3A_254[%dma_start3A_255] : memref<8000512xf32, #tpu.memory_space<hbm>> -> memref<8000512xf32, #tpu.memory_space<hbm>>
    tpu.enqueue_indirect_dma source(%dma_start3A_256 : memref<8000512xf32, #tpu.memory_space<hbm>>) target(%dma_start3A_249 : memref<512xf32, #tpu.memory_space<vmem>>) offsets(%arg6 : memref<512xi32, #tpu.memory_space<vmem>>) semaphore(%arg8 : memref<!tpu.dma_semaphore, #tpu.memory_space<semaphore_mem>>)
    %dma_start3A_257 = arith.constant 3 : i32
    %dma_start3A_258 = arith.constant 12800 : i32
    %dma_start3A_259 = tpu.memref_slice %arg7[%dma_start3A_258] : memref<16384xf32, #tpu.memory_space<vmem>> -> memref<512xf32, #tpu.memory_space<vmem>>
    %dma_start3A_260 = arith.constant 0 : i32
    %dma_start3A_261 = tpu.memref_slice %arg3[%dma_start3A_257, %dma_start3A_260] : memref<4x8000512xf32, #tpu.memory_space<hbm>> -> memref<1x8000512xf32, #tpu.memory_space<hbm>>
    %dma_start3A_262 = tpu.memref_squeeze %dma_start3A_261 : memref<1x8000512xf32, #tpu.memory_space<hbm>> -> memref<8000512xf32, #tpu.memory_space<hbm>>
    %dma_start3A_263 = arith.constant 128 : i32
    %dma_start3A_264 = tpu.memref_slice %dma_start3A_262[%dma_start3A_263] : memref<8000512xf32, #tpu.memory_space<hbm>> -> memref<8000384xf32, #tpu.memory_space<hbm>>
    %dma_start3A_265 = arith.constant 0 : i32
    %dma_start3A_266 = tpu.memref_slice %dma_start3A_264[%dma_start3A_265] : memref<8000384xf32, #tpu.memory_space<hbm>> -> memref<8000384xf32, #tpu.memory_space<hbm>>
    tpu.enqueue_indirect_dma source(%dma_start3A_266 : memref<8000384xf32, #tpu.memory_space<hbm>>) target(%dma_start3A_259 : memref<512xf32, #tpu.memory_space<vmem>>) offsets(%arg6 : memref<512xi32, #tpu.memory_space<vmem>>) semaphore(%arg8 : memref<!tpu.dma_semaphore, #tpu.memory_space<semaphore_mem>>)
    %dma_start3A_267 = arith.constant 3 : i32
    %dma_start3A_268 = arith.constant 13312 : i32
    %dma_start3A_269 = tpu.memref_slice %arg7[%dma_start3A_268] : memref<16384xf32, #tpu.memory_space<vmem>> -> memref<512xf32, #tpu.memory_space<vmem>>
    %dma_start3A_270 = arith.constant 0 : i32
    %dma_start3A_271 = tpu.memref_slice %arg3[%dma_start3A_267, %dma_start3A_270] : memref<4x8000512xf32, #tpu.memory_space<hbm>> -> memref<1x8000512xf32, #tpu.memory_space<hbm>>
    %dma_start3A_272 = tpu.memref_squeeze %dma_start3A_271 : memref<1x8000512xf32, #tpu.memory_space<hbm>> -> memref<8000512xf32, #tpu.memory_space<hbm>>
    %dma_start3A_273 = arith.constant 256 : i32
    %dma_start3A_274 = tpu.memref_slice %dma_start3A_272[%dma_start3A_273] : memref<8000512xf32, #tpu.memory_space<hbm>> -> memref<8000256xf32, #tpu.memory_space<hbm>>
    %dma_start3A_275 = arith.constant 0 : i32
    %dma_start3A_276 = tpu.memref_slice %dma_start3A_274[%dma_start3A_275] : memref<8000256xf32, #tpu.memory_space<hbm>> -> memref<8000256xf32, #tpu.memory_space<hbm>>
    tpu.enqueue_indirect_dma source(%dma_start3A_276 : memref<8000256xf32, #tpu.memory_space<hbm>>) target(%dma_start3A_269 : memref<512xf32, #tpu.memory_space<vmem>>) offsets(%arg6 : memref<512xi32, #tpu.memory_space<vmem>>) semaphore(%arg8 : memref<!tpu.dma_semaphore, #tpu.memory_space<semaphore_mem>>)
    %dma_start3A_277 = arith.constant 3 : i32
    %dma_start3A_278 = arith.constant 13824 : i32
    %dma_start3A_279 = tpu.memref_slice %arg7[%dma_start3A_278] : memref<16384xf32, #tpu.memory_space<vmem>> -> memref<512xf32, #tpu.memory_space<vmem>>
    %dma_start3A_280 = arith.constant 0 : i32
    %dma_start3A_281 = tpu.memref_slice %arg3[%dma_start3A_277, %dma_start3A_280] : memref<4x8000512xf32, #tpu.memory_space<hbm>> -> memref<1x8000512xf32, #tpu.memory_space<hbm>>
    %dma_start3A_282 = tpu.memref_squeeze %dma_start3A_281 : memref<1x8000512xf32, #tpu.memory_space<hbm>> -> memref<8000512xf32, #tpu.memory_space<hbm>>
    %dma_start3A_283 = arith.constant 384 : i32
    %dma_start3A_284 = tpu.memref_slice %dma_start3A_282[%dma_start3A_283] : memref<8000512xf32, #tpu.memory_space<hbm>> -> memref<8000128xf32, #tpu.memory_space<hbm>>
    %dma_start3A_285 = arith.constant 0 : i32
    %dma_start3A_286 = tpu.memref_slice %dma_start3A_284[%dma_start3A_285] : memref<8000128xf32, #tpu.memory_space<hbm>> -> memref<8000128xf32, #tpu.memory_space<hbm>>
    tpu.enqueue_indirect_dma source(%dma_start3A_286 : memref<8000128xf32, #tpu.memory_space<hbm>>) target(%dma_start3A_279 : memref<512xf32, #tpu.memory_space<vmem>>) offsets(%arg6 : memref<512xi32, #tpu.memory_space<vmem>>) semaphore(%arg8 : memref<!tpu.dma_semaphore, #tpu.memory_space<semaphore_mem>>)
    %dma_start3A_287 = arith.constant 3 : i32
    %dma_start3A_288 = arith.constant 14336 : i32
    %dma_start3A_289 = tpu.memref_slice %arg7[%dma_start3A_288] : memref<16384xf32, #tpu.memory_space<vmem>> -> memref<512xf32, #tpu.memory_space<vmem>>
    %dma_start3A_290 = arith.constant 0 : i32
    %dma_start3A_291 = tpu.memref_slice %arg3[%dma_start3A_287, %dma_start3A_290] : memref<4x8000512xf32, #tpu.memory_space<hbm>> -> memref<1x8000512xf32, #tpu.memory_space<hbm>>
    %dma_start3A_292 = tpu.memref_squeeze %dma_start3A_291 : memref<1x8000512xf32, #tpu.memory_space<hbm>> -> memref<8000512xf32, #tpu.memory_space<hbm>>
    %dma_start3A_293 = arith.constant 512 : i32
    %dma_start3A_294 = tpu.memref_slice %dma_start3A_292[%dma_start3A_293] : memref<8000512xf32, #tpu.memory_space<hbm>> -> memref<8000000xf32, #tpu.memory_space<hbm>>
    %dma_start3A_295 = arith.constant 0 : i32
    %dma_start3A_296 = tpu.memref_slice %dma_start3A_294[%dma_start3A_295] : memref<8000000xf32, #tpu.memory_space<hbm>> -> memref<8000000xf32, #tpu.memory_space<hbm>>
    tpu.enqueue_indirect_dma source(%dma_start3A_296 : memref<8000000xf32, #tpu.memory_space<hbm>>) target(%dma_start3A_289 : memref<512xf32, #tpu.memory_space<vmem>>) offsets(%arg6 : memref<512xi32, #tpu.memory_space<vmem>>) semaphore(%arg8 : memref<!tpu.dma_semaphore, #tpu.memory_space<semaphore_mem>>)
    %dma_start3A_297 = arith.constant 3 : i32
    %dma_start3A_298 = arith.constant 14848 : i32
    %dma_start3A_299 = tpu.memref_slice %arg7[%dma_start3A_298] : memref<16384xf32, #tpu.memory_space<vmem>> -> memref<512xf32, #tpu.memory_space<vmem>>
    %dma_start3A_300 = arith.constant 0 : i32
    %dma_start3A_301 = tpu.memref_slice %arg3[%dma_start3A_297, %dma_start3A_300] : memref<4x8000512xf32, #tpu.memory_space<hbm>> -> memref<1x8000512xf32, #tpu.memory_space<hbm>>
    %dma_start3A_302 = tpu.memref_squeeze %dma_start3A_301 : memref<1x8000512xf32, #tpu.memory_space<hbm>> -> memref<8000512xf32, #tpu.memory_space<hbm>>
    %dma_start3A_303 = arith.constant 640 : i32
    %dma_start3A_304 = tpu.memref_slice %dma_start3A_302[%dma_start3A_303] : memref<8000512xf32, #tpu.memory_space<hbm>> -> memref<7999872xf32, #tpu.memory_space<hbm>>
    %dma_start3A_305 = arith.constant 0 : i32
    %dma_start3A_306 = tpu.memref_slice %dma_start3A_304[%dma_start3A_305] : memref<7999872xf32, #tpu.memory_space<hbm>> -> memref<7999872xf32, #tpu.memory_space<hbm>>
    tpu.enqueue_indirect_dma source(%dma_start3A_306 : memref<7999872xf32, #tpu.memory_space<hbm>>) target(%dma_start3A_299 : memref<512xf32, #tpu.memory_space<vmem>>) offsets(%arg6 : memref<512xi32, #tpu.memory_space<vmem>>) semaphore(%arg8 : memref<!tpu.dma_semaphore, #tpu.memory_space<semaphore_mem>>)
    %dma_start3A_307 = arith.constant 3 : i32
    %dma_start3A_308 = arith.constant 15360 : i32
    %dma_start3A_309 = tpu.memref_slice %arg7[%dma_start3A_308] : memref<16384xf32, #tpu.memory_space<vmem>> -> memref<512xf32, #tpu.memory_space<vmem>>
    %dma_start3A_310 = arith.constant 0 : i32
    %dma_start3A_311 = tpu.memref_slice %arg3[%dma_start3A_307, %dma_start3A_310] : memref<4x8000512xf32, #tpu.memory_space<hbm>> -> memref<1x8000512xf32, #tpu.memory_space<hbm>>
    %dma_start3A_312 = tpu.memref_squeeze %dma_start3A_311 : memref<1x8000512xf32, #tpu.memory_space<hbm>> -> memref<8000512xf32, #tpu.memory_space<hbm>>
    %dma_start3A_313 = arith.constant 768 : i32
    %dma_start3A_314 = tpu.memref_slice %dma_start3A_312[%dma_start3A_313] : memref<8000512xf32, #tpu.memory_space<hbm>> -> memref<7999744xf32, #tpu.memory_space<hbm>>
    %dma_start3A_315 = arith.constant 0 : i32
    %dma_start3A_316 = tpu.memref_slice %dma_start3A_314[%dma_start3A_315] : memref<7999744xf32, #tpu.memory_space<hbm>> -> memref<7999744xf32, #tpu.memory_space<hbm>>
    tpu.enqueue_indirect_dma source(%dma_start3A_316 : memref<7999744xf32, #tpu.memory_space<hbm>>) target(%dma_start3A_309 : memref<512xf32, #tpu.memory_space<vmem>>) offsets(%arg6 : memref<512xi32, #tpu.memory_space<vmem>>) semaphore(%arg8 : memref<!tpu.dma_semaphore, #tpu.memory_space<semaphore_mem>>)
    %dma_start3A_317 = arith.constant 3 : i32
    %dma_start3A_318 = arith.constant 15872 : i32
    %dma_start3A_319 = tpu.memref_slice %arg7[%dma_start3A_318] : memref<16384xf32, #tpu.memory_space<vmem>> -> memref<512xf32, #tpu.memory_space<vmem>>
    %dma_start3A_320 = arith.constant 0 : i32
    %dma_start3A_321 = tpu.memref_slice %arg3[%dma_start3A_317, %dma_start3A_320] : memref<4x8000512xf32, #tpu.memory_space<hbm>> -> memref<1x8000512xf32, #tpu.memory_space<hbm>>
    %dma_start3A_322 = tpu.memref_squeeze %dma_start3A_321 : memref<1x8000512xf32, #tpu.memory_space<hbm>> -> memref<8000512xf32, #tpu.memory_space<hbm>>
    %dma_start3A_323 = arith.constant 896 : i32
    %dma_start3A_324 = tpu.memref_slice %dma_start3A_322[%dma_start3A_323] : memref<8000512xf32, #tpu.memory_space<hbm>> -> memref<7999616xf32, #tpu.memory_space<hbm>>
    %dma_start3A_325 = arith.constant 0 : i32
    %dma_start3A_326 = tpu.memref_slice %dma_start3A_324[%dma_start3A_325] : memref<7999616xf32, #tpu.memory_space<hbm>> -> memref<7999616xf32, #tpu.memory_space<hbm>>
    tpu.enqueue_indirect_dma source(%dma_start3A_326 : memref<7999616xf32, #tpu.memory_space<hbm>>) target(%dma_start3A_319 : memref<512xf32, #tpu.memory_space<vmem>>) offsets(%arg6 : memref<512xi32, #tpu.memory_space<vmem>>) semaphore(%arg8 : memref<!tpu.dma_semaphore, #tpu.memory_space<semaphore_mem>>)
    %dma_wait3A = arith.constant 0 : i32
    %dma_wait3A_327 = arith.constant 0 : i32
    %dma_wait3A_328 = tpu.memref_slice %arg7[%dma_wait3A_327] : memref<16384xf32, #tpu.memory_space<vmem>> -> memref<512xf32, #tpu.memory_space<vmem>>
    %dma_wait3A_329 = arith.constant 0 : i32
    %dma_wait3A_330 = tpu.memref_slice %arg3[%dma_wait3A, %dma_wait3A_329] : memref<4x8000512xf32, #tpu.memory_space<hbm>> -> memref<1x8000512xf32, #tpu.memory_space<hbm>>
    %dma_wait3A_331 = tpu.memref_squeeze %dma_wait3A_330 : memref<1x8000512xf32, #tpu.memory_space<hbm>> -> memref<8000512xf32, #tpu.memory_space<hbm>>
    %dma_wait3A_332 = arith.constant 0 : i32
    %dma_wait3A_333 = tpu.memref_slice %dma_wait3A_331[%dma_wait3A_332] : memref<8000512xf32, #tpu.memory_space<hbm>> -> memref<8000512xf32, #tpu.memory_space<hbm>>
    %dma_wait3A_334 = arith.constant 0 : i32
    %dma_wait3A_335 = tpu.memref_slice %dma_wait3A_333[%dma_wait3A_334] : memref<8000512xf32, #tpu.memory_space<hbm>> -> memref<8000512xf32, #tpu.memory_space<hbm>>
    tpu.wait_indirect_dma semaphore(%arg8 : memref<!tpu.dma_semaphore, #tpu.memory_space<semaphore_mem>>) src(%dma_wait3A_335 : memref<8000512xf32, #tpu.memory_space<hbm>>) dst(%dma_wait3A_328 : memref<512xf32, #tpu.memory_space<vmem>>)
    %dma_wait3A_336 = arith.constant 0 : i32
    %dma_wait3A_337 = arith.constant 512 : i32
    %dma_wait3A_338 = tpu.memref_slice %arg7[%dma_wait3A_337] : memref<16384xf32, #tpu.memory_space<vmem>> -> memref<512xf32, #tpu.memory_space<vmem>>
    %dma_wait3A_339 = arith.constant 0 : i32
    %dma_wait3A_340 = tpu.memref_slice %arg3[%dma_wait3A_336, %dma_wait3A_339] : memref<4x8000512xf32, #tpu.memory_space<hbm>> -> memref<1x8000512xf32, #tpu.memory_space<hbm>>
    %dma_wait3A_341 = tpu.memref_squeeze %dma_wait3A_340 : memref<1x8000512xf32, #tpu.memory_space<hbm>> -> memref<8000512xf32, #tpu.memory_space<hbm>>
    %dma_wait3A_342 = arith.constant 128 : i32
    %dma_wait3A_343 = tpu.memref_slice %dma_wait3A_341[%dma_wait3A_342] : memref<8000512xf32, #tpu.memory_space<hbm>> -> memref<8000384xf32, #tpu.memory_space<hbm>>
    %dma_wait3A_344 = arith.constant 0 : i32
    %dma_wait3A_345 = tpu.memref_slice %dma_wait3A_343[%dma_wait3A_344] : memref<8000384xf32, #tpu.memory_space<hbm>> -> memref<8000384xf32, #tpu.memory_space<hbm>>
    tpu.wait_indirect_dma semaphore(%arg8 : memref<!tpu.dma_semaphore, #tpu.memory_space<semaphore_mem>>) src(%dma_wait3A_345 : memref<8000384xf32, #tpu.memory_space<hbm>>) dst(%dma_wait3A_338 : memref<512xf32, #tpu.memory_space<vmem>>)
    %dma_wait3A_346 = arith.constant 0 : i32
    %dma_wait3A_347 = arith.constant 1024 : i32
    %dma_wait3A_348 = tpu.memref_slice %arg7[%dma_wait3A_347] : memref<16384xf32, #tpu.memory_space<vmem>> -> memref<512xf32, #tpu.memory_space<vmem>>
    %dma_wait3A_349 = arith.constant 0 : i32
    %dma_wait3A_350 = tpu.memref_slice %arg3[%dma_wait3A_346, %dma_wait3A_349] : memref<4x8000512xf32, #tpu.memory_space<hbm>> -> memref<1x8000512xf32, #tpu.memory_space<hbm>>
    %dma_wait3A_351 = tpu.memref_squeeze %dma_wait3A_350 : memref<1x8000512xf32, #tpu.memory_space<hbm>> -> memref<8000512xf32, #tpu.memory_space<hbm>>
    %dma_wait3A_352 = arith.constant 256 : i32
    %dma_wait3A_353 = tpu.memref_slice %dma_wait3A_351[%dma_wait3A_352] : memref<8000512xf32, #tpu.memory_space<hbm>> -> memref<8000256xf32, #tpu.memory_space<hbm>>
    %dma_wait3A_354 = arith.constant 0 : i32
    %dma_wait3A_355 = tpu.memref_slice %dma_wait3A_353[%dma_wait3A_354] : memref<8000256xf32, #tpu.memory_space<hbm>> -> memref<8000256xf32, #tpu.memory_space<hbm>>
    tpu.wait_indirect_dma semaphore(%arg8 : memref<!tpu.dma_semaphore, #tpu.memory_space<semaphore_mem>>) src(%dma_wait3A_355 : memref<8000256xf32, #tpu.memory_space<hbm>>) dst(%dma_wait3A_348 : memref<512xf32, #tpu.memory_space<vmem>>)
    %dma_wait3A_356 = arith.constant 0 : i32
    %dma_wait3A_357 = arith.constant 1536 : i32
    %dma_wait3A_358 = tpu.memref_slice %arg7[%dma_wait3A_357] : memref<16384xf32, #tpu.memory_space<vmem>> -> memref<512xf32, #tpu.memory_space<vmem>>
    %dma_wait3A_359 = arith.constant 0 : i32
    %dma_wait3A_360 = tpu.memref_slice %arg3[%dma_wait3A_356, %dma_wait3A_359] : memref<4x8000512xf32, #tpu.memory_space<hbm>> -> memref<1x8000512xf32, #tpu.memory_space<hbm>>
    %dma_wait3A_361 = tpu.memref_squeeze %dma_wait3A_360 : memref<1x8000512xf32, #tpu.memory_space<hbm>> -> memref<8000512xf32, #tpu.memory_space<hbm>>
    %dma_wait3A_362 = arith.constant 384 : i32
    %dma_wait3A_363 = tpu.memref_slice %dma_wait3A_361[%dma_wait3A_362] : memref<8000512xf32, #tpu.memory_space<hbm>> -> memref<8000128xf32, #tpu.memory_space<hbm>>
    %dma_wait3A_364 = arith.constant 0 : i32
    %dma_wait3A_365 = tpu.memref_slice %dma_wait3A_363[%dma_wait3A_364] : memref<8000128xf32, #tpu.memory_space<hbm>> -> memref<8000128xf32, #tpu.memory_space<hbm>>
    tpu.wait_indirect_dma semaphore(%arg8 : memref<!tpu.dma_semaphore, #tpu.memory_space<semaphore_mem>>) src(%dma_wait3A_365 : memref<8000128xf32, #tpu.memory_space<hbm>>) dst(%dma_wait3A_358 : memref<512xf32, #tpu.memory_space<vmem>>)
    %dma_wait3A_366 = arith.constant 0 : i32
    %dma_wait3A_367 = arith.constant 2048 : i32
    %dma_wait3A_368 = tpu.memref_slice %arg7[%dma_wait3A_367] : memref<16384xf32, #tpu.memory_space<vmem>> -> memref<512xf32, #tpu.memory_space<vmem>>
    %dma_wait3A_369 = arith.constant 0 : i32
    %dma_wait3A_370 = tpu.memref_slice %arg3[%dma_wait3A_366, %dma_wait3A_369] : memref<4x8000512xf32, #tpu.memory_space<hbm>> -> memref<1x8000512xf32, #tpu.memory_space<hbm>>
    %dma_wait3A_371 = tpu.memref_squeeze %dma_wait3A_370 : memref<1x8000512xf32, #tpu.memory_space<hbm>> -> memref<8000512xf32, #tpu.memory_space<hbm>>
    %dma_wait3A_372 = arith.constant 512 : i32
    %dma_wait3A_373 = tpu.memref_slice %dma_wait3A_371[%dma_wait3A_372] : memref<8000512xf32, #tpu.memory_space<hbm>> -> memref<8000000xf32, #tpu.memory_space<hbm>>
    %dma_wait3A_374 = arith.constant 0 : i32
    %dma_wait3A_375 = tpu.memref_slice %dma_wait3A_373[%dma_wait3A_374] : memref<8000000xf32, #tpu.memory_space<hbm>> -> memref<8000000xf32, #tpu.memory_space<hbm>>
    tpu.wait_indirect_dma semaphore(%arg8 : memref<!tpu.dma_semaphore, #tpu.memory_space<semaphore_mem>>) src(%dma_wait3A_375 : memref<8000000xf32, #tpu.memory_space<hbm>>) dst(%dma_wait3A_368 : memref<512xf32, #tpu.memory_space<vmem>>)
    %dma_wait3A_376 = arith.constant 0 : i32
    %dma_wait3A_377 = arith.constant 2560 : i32
    %dma_wait3A_378 = tpu.memref_slice %arg7[%dma_wait3A_377] : memref<16384xf32, #tpu.memory_space<vmem>> -> memref<512xf32, #tpu.memory_space<vmem>>
    %dma_wait3A_379 = arith.constant 0 : i32
    %dma_wait3A_380 = tpu.memref_slice %arg3[%dma_wait3A_376, %dma_wait3A_379] : memref<4x8000512xf32, #tpu.memory_space<hbm>> -> memref<1x8000512xf32, #tpu.memory_space<hbm>>
    %dma_wait3A_381 = tpu.memref_squeeze %dma_wait3A_380 : memref<1x8000512xf32, #tpu.memory_space<hbm>> -> memref<8000512xf32, #tpu.memory_space<hbm>>
    %dma_wait3A_382 = arith.constant 640 : i32
    %dma_wait3A_383 = tpu.memref_slice %dma_wait3A_381[%dma_wait3A_382] : memref<8000512xf32, #tpu.memory_space<hbm>> -> memref<7999872xf32, #tpu.memory_space<hbm>>
    %dma_wait3A_384 = arith.constant 0 : i32
    %dma_wait3A_385 = tpu.memref_slice %dma_wait3A_383[%dma_wait3A_384] : memref<7999872xf32, #tpu.memory_space<hbm>> -> memref<7999872xf32, #tpu.memory_space<hbm>>
    tpu.wait_indirect_dma semaphore(%arg8 : memref<!tpu.dma_semaphore, #tpu.memory_space<semaphore_mem>>) src(%dma_wait3A_385 : memref<7999872xf32, #tpu.memory_space<hbm>>) dst(%dma_wait3A_378 : memref<512xf32, #tpu.memory_space<vmem>>)
    %dma_wait3A_386 = arith.constant 0 : i32
    %dma_wait3A_387 = arith.constant 3072 : i32
    %dma_wait3A_388 = tpu.memref_slice %arg7[%dma_wait3A_387] : memref<16384xf32, #tpu.memory_space<vmem>> -> memref<512xf32, #tpu.memory_space<vmem>>
    %dma_wait3A_389 = arith.constant 0 : i32
    %dma_wait3A_390 = tpu.memref_slice %arg3[%dma_wait3A_386, %dma_wait3A_389] : memref<4x8000512xf32, #tpu.memory_space<hbm>> -> memref<1x8000512xf32, #tpu.memory_space<hbm>>
    %dma_wait3A_391 = tpu.memref_squeeze %dma_wait3A_390 : memref<1x8000512xf32, #tpu.memory_space<hbm>> -> memref<8000512xf32, #tpu.memory_space<hbm>>
    %dma_wait3A_392 = arith.constant 768 : i32
    %dma_wait3A_393 = tpu.memref_slice %dma_wait3A_391[%dma_wait3A_392] : memref<8000512xf32, #tpu.memory_space<hbm>> -> memref<7999744xf32, #tpu.memory_space<hbm>>
    %dma_wait3A_394 = arith.constant 0 : i32
    %dma_wait3A_395 = tpu.memref_slice %dma_wait3A_393[%dma_wait3A_394] : memref<7999744xf32, #tpu.memory_space<hbm>> -> memref<7999744xf32, #tpu.memory_space<hbm>>
    tpu.wait_indirect_dma semaphore(%arg8 : memref<!tpu.dma_semaphore, #tpu.memory_space<semaphore_mem>>) src(%dma_wait3A_395 : memref<7999744xf32, #tpu.memory_space<hbm>>) dst(%dma_wait3A_388 : memref<512xf32, #tpu.memory_space<vmem>>)
    %dma_wait3A_396 = arith.constant 0 : i32
    %dma_wait3A_397 = arith.constant 3584 : i32
    %dma_wait3A_398 = tpu.memref_slice %arg7[%dma_wait3A_397] : memref<16384xf32, #tpu.memory_space<vmem>> -> memref<512xf32, #tpu.memory_space<vmem>>
    %dma_wait3A_399 = arith.constant 0 : i32
    %dma_wait3A_400 = tpu.memref_slice %arg3[%dma_wait3A_396, %dma_wait3A_399] : memref<4x8000512xf32, #tpu.memory_space<hbm>> -> memref<1x8000512xf32, #tpu.memory_space<hbm>>
    %dma_wait3A_401 = tpu.memref_squeeze %dma_wait3A_400 : memref<1x8000512xf32, #tpu.memory_space<hbm>> -> memref<8000512xf32, #tpu.memory_space<hbm>>
    %dma_wait3A_402 = arith.constant 896 : i32
    %dma_wait3A_403 = tpu.memref_slice %dma_wait3A_401[%dma_wait3A_402] : memref<8000512xf32, #tpu.memory_space<hbm>> -> memref<7999616xf32, #tpu.memory_space<hbm>>
    %dma_wait3A_404 = arith.constant 0 : i32
    %dma_wait3A_405 = tpu.memref_slice %dma_wait3A_403[%dma_wait3A_404] : memref<7999616xf32, #tpu.memory_space<hbm>> -> memref<7999616xf32, #tpu.memory_space<hbm>>
    tpu.wait_indirect_dma semaphore(%arg8 : memref<!tpu.dma_semaphore, #tpu.memory_space<semaphore_mem>>) src(%dma_wait3A_405 : memref<7999616xf32, #tpu.memory_space<hbm>>) dst(%dma_wait3A_398 : memref<512xf32, #tpu.memory_space<vmem>>)
    %dma_wait3A_406 = arith.constant 1 : i32
    %dma_wait3A_407 = arith.constant 4096 : i32
    %dma_wait3A_408 = tpu.memref_slice %arg7[%dma_wait3A_407] : memref<16384xf32, #tpu.memory_space<vmem>> -> memref<512xf32, #tpu.memory_space<vmem>>
    %dma_wait3A_409 = arith.constant 0 : i32
    %dma_wait3A_410 = tpu.memref_slice %arg3[%dma_wait3A_406, %dma_wait3A_409] : memref<4x8000512xf32, #tpu.memory_space<hbm>> -> memref<1x8000512xf32, #tpu.memory_space<hbm>>
    %dma_wait3A_411 = tpu.memref_squeeze %dma_wait3A_410 : memref<1x8000512xf32, #tpu.memory_space<hbm>> -> memref<8000512xf32, #tpu.memory_space<hbm>>
    %dma_wait3A_412 = arith.constant 0 : i32
    %dma_wait3A_413 = tpu.memref_slice %dma_wait3A_411[%dma_wait3A_412] : memref<8000512xf32, #tpu.memory_space<hbm>> -> memref<8000512xf32, #tpu.memory_space<hbm>>
    %dma_wait3A_414 = arith.constant 0 : i32
    %dma_wait3A_415 = tpu.memref_slice %dma_wait3A_413[%dma_wait3A_414] : memref<8000512xf32, #tpu.memory_space<hbm>> -> memref<8000512xf32, #tpu.memory_space<hbm>>
    tpu.wait_indirect_dma semaphore(%arg8 : memref<!tpu.dma_semaphore, #tpu.memory_space<semaphore_mem>>) src(%dma_wait3A_415 : memref<8000512xf32, #tpu.memory_space<hbm>>) dst(%dma_wait3A_408 : memref<512xf32, #tpu.memory_space<vmem>>)
    %dma_wait3A_416 = arith.constant 1 : i32
    %dma_wait3A_417 = arith.constant 4608 : i32
    %dma_wait3A_418 = tpu.memref_slice %arg7[%dma_wait3A_417] : memref<16384xf32, #tpu.memory_space<vmem>> -> memref<512xf32, #tpu.memory_space<vmem>>
    %dma_wait3A_419 = arith.constant 0 : i32
    %dma_wait3A_420 = tpu.memref_slice %arg3[%dma_wait3A_416, %dma_wait3A_419] : memref<4x8000512xf32, #tpu.memory_space<hbm>> -> memref<1x8000512xf32, #tpu.memory_space<hbm>>
    %dma_wait3A_421 = tpu.memref_squeeze %dma_wait3A_420 : memref<1x8000512xf32, #tpu.memory_space<hbm>> -> memref<8000512xf32, #tpu.memory_space<hbm>>
    %dma_wait3A_422 = arith.constant 128 : i32
    %dma_wait3A_423 = tpu.memref_slice %dma_wait3A_421[%dma_wait3A_422] : memref<8000512xf32, #tpu.memory_space<hbm>> -> memref<8000384xf32, #tpu.memory_space<hbm>>
    %dma_wait3A_424 = arith.constant 0 : i32
    %dma_wait3A_425 = tpu.memref_slice %dma_wait3A_423[%dma_wait3A_424] : memref<8000384xf32, #tpu.memory_space<hbm>> -> memref<8000384xf32, #tpu.memory_space<hbm>>
    tpu.wait_indirect_dma semaphore(%arg8 : memref<!tpu.dma_semaphore, #tpu.memory_space<semaphore_mem>>) src(%dma_wait3A_425 : memref<8000384xf32, #tpu.memory_space<hbm>>) dst(%dma_wait3A_418 : memref<512xf32, #tpu.memory_space<vmem>>)
    %dma_wait3A_426 = arith.constant 1 : i32
    %dma_wait3A_427 = arith.constant 5120 : i32
    %dma_wait3A_428 = tpu.memref_slice %arg7[%dma_wait3A_427] : memref<16384xf32, #tpu.memory_space<vmem>> -> memref<512xf32, #tpu.memory_space<vmem>>
    %dma_wait3A_429 = arith.constant 0 : i32
    %dma_wait3A_430 = tpu.memref_slice %arg3[%dma_wait3A_426, %dma_wait3A_429] : memref<4x8000512xf32, #tpu.memory_space<hbm>> -> memref<1x8000512xf32, #tpu.memory_space<hbm>>
    %dma_wait3A_431 = tpu.memref_squeeze %dma_wait3A_430 : memref<1x8000512xf32, #tpu.memory_space<hbm>> -> memref<8000512xf32, #tpu.memory_space<hbm>>
    %dma_wait3A_432 = arith.constant 256 : i32
    %dma_wait3A_433 = tpu.memref_slice %dma_wait3A_431[%dma_wait3A_432] : memref<8000512xf32, #tpu.memory_space<hbm>> -> memref<8000256xf32, #tpu.memory_space<hbm>>
    %dma_wait3A_434 = arith.constant 0 : i32
    %dma_wait3A_435 = tpu.memref_slice %dma_wait3A_433[%dma_wait3A_434] : memref<8000256xf32, #tpu.memory_space<hbm>> -> memref<8000256xf32, #tpu.memory_space<hbm>>
    tpu.wait_indirect_dma semaphore(%arg8 : memref<!tpu.dma_semaphore, #tpu.memory_space<semaphore_mem>>) src(%dma_wait3A_435 : memref<8000256xf32, #tpu.memory_space<hbm>>) dst(%dma_wait3A_428 : memref<512xf32, #tpu.memory_space<vmem>>)
    %dma_wait3A_436 = arith.constant 1 : i32
    %dma_wait3A_437 = arith.constant 5632 : i32
    %dma_wait3A_438 = tpu.memref_slice %arg7[%dma_wait3A_437] : memref<16384xf32, #tpu.memory_space<vmem>> -> memref<512xf32, #tpu.memory_space<vmem>>
    %dma_wait3A_439 = arith.constant 0 : i32
    %dma_wait3A_440 = tpu.memref_slice %arg3[%dma_wait3A_436, %dma_wait3A_439] : memref<4x8000512xf32, #tpu.memory_space<hbm>> -> memref<1x8000512xf32, #tpu.memory_space<hbm>>
    %dma_wait3A_441 = tpu.memref_squeeze %dma_wait3A_440 : memref<1x8000512xf32, #tpu.memory_space<hbm>> -> memref<8000512xf32, #tpu.memory_space<hbm>>
    %dma_wait3A_442 = arith.constant 384 : i32
    %dma_wait3A_443 = tpu.memref_slice %dma_wait3A_441[%dma_wait3A_442] : memref<8000512xf32, #tpu.memory_space<hbm>> -> memref<8000128xf32, #tpu.memory_space<hbm>>
    %dma_wait3A_444 = arith.constant 0 : i32
    %dma_wait3A_445 = tpu.memref_slice %dma_wait3A_443[%dma_wait3A_444] : memref<8000128xf32, #tpu.memory_space<hbm>> -> memref<8000128xf32, #tpu.memory_space<hbm>>
    tpu.wait_indirect_dma semaphore(%arg8 : memref<!tpu.dma_semaphore, #tpu.memory_space<semaphore_mem>>) src(%dma_wait3A_445 : memref<8000128xf32, #tpu.memory_space<hbm>>) dst(%dma_wait3A_438 : memref<512xf32, #tpu.memory_space<vmem>>)
    %dma_wait3A_446 = arith.constant 1 : i32
    %dma_wait3A_447 = arith.constant 6144 : i32
    %dma_wait3A_448 = tpu.memref_slice %arg7[%dma_wait3A_447] : memref<16384xf32, #tpu.memory_space<vmem>> -> memref<512xf32, #tpu.memory_space<vmem>>
    %dma_wait3A_449 = arith.constant 0 : i32
    %dma_wait3A_450 = tpu.memref_slice %arg3[%dma_wait3A_446, %dma_wait3A_449] : memref<4x8000512xf32, #tpu.memory_space<hbm>> -> memref<1x8000512xf32, #tpu.memory_space<hbm>>
    %dma_wait3A_451 = tpu.memref_squeeze %dma_wait3A_450 : memref<1x8000512xf32, #tpu.memory_space<hbm>> -> memref<8000512xf32, #tpu.memory_space<hbm>>
    %dma_wait3A_452 = arith.constant 512 : i32
    %dma_wait3A_453 = tpu.memref_slice %dma_wait3A_451[%dma_wait3A_452] : memref<8000512xf32, #tpu.memory_space<hbm>> -> memref<8000000xf32, #tpu.memory_space<hbm>>
    %dma_wait3A_454 = arith.constant 0 : i32
    %dma_wait3A_455 = tpu.memref_slice %dma_wait3A_453[%dma_wait3A_454] : memref<8000000xf32, #tpu.memory_space<hbm>> -> memref<8000000xf32, #tpu.memory_space<hbm>>
    tpu.wait_indirect_dma semaphore(%arg8 : memref<!tpu.dma_semaphore, #tpu.memory_space<semaphore_mem>>) src(%dma_wait3A_455 : memref<8000000xf32, #tpu.memory_space<hbm>>) dst(%dma_wait3A_448 : memref<512xf32, #tpu.memory_space<vmem>>)
    %dma_wait3A_456 = arith.constant 1 : i32
    %dma_wait3A_457 = arith.constant 6656 : i32
    %dma_wait3A_458 = tpu.memref_slice %arg7[%dma_wait3A_457] : memref<16384xf32, #tpu.memory_space<vmem>> -> memref<512xf32, #tpu.memory_space<vmem>>
    %dma_wait3A_459 = arith.constant 0 : i32
    %dma_wait3A_460 = tpu.memref_slice %arg3[%dma_wait3A_456, %dma_wait3A_459] : memref<4x8000512xf32, #tpu.memory_space<hbm>> -> memref<1x8000512xf32, #tpu.memory_space<hbm>>
    %dma_wait3A_461 = tpu.memref_squeeze %dma_wait3A_460 : memref<1x8000512xf32, #tpu.memory_space<hbm>> -> memref<8000512xf32, #tpu.memory_space<hbm>>
    %dma_wait3A_462 = arith.constant 640 : i32
    %dma_wait3A_463 = tpu.memref_slice %dma_wait3A_461[%dma_wait3A_462] : memref<8000512xf32, #tpu.memory_space<hbm>> -> memref<7999872xf32, #tpu.memory_space<hbm>>
    %dma_wait3A_464 = arith.constant 0 : i32
    %dma_wait3A_465 = tpu.memref_slice %dma_wait3A_463[%dma_wait3A_464] : memref<7999872xf32, #tpu.memory_space<hbm>> -> memref<7999872xf32, #tpu.memory_space<hbm>>
    tpu.wait_indirect_dma semaphore(%arg8 : memref<!tpu.dma_semaphore, #tpu.memory_space<semaphore_mem>>) src(%dma_wait3A_465 : memref<7999872xf32, #tpu.memory_space<hbm>>) dst(%dma_wait3A_458 : memref<512xf32, #tpu.memory_space<vmem>>)
    %dma_wait3A_466 = arith.constant 1 : i32
    %dma_wait3A_467 = arith.constant 7168 : i32
    %dma_wait3A_468 = tpu.memref_slice %arg7[%dma_wait3A_467] : memref<16384xf32, #tpu.memory_space<vmem>> -> memref<512xf32, #tpu.memory_space<vmem>>
    %dma_wait3A_469 = arith.constant 0 : i32
    %dma_wait3A_470 = tpu.memref_slice %arg3[%dma_wait3A_466, %dma_wait3A_469] : memref<4x8000512xf32, #tpu.memory_space<hbm>> -> memref<1x8000512xf32, #tpu.memory_space<hbm>>
    %dma_wait3A_471 = tpu.memref_squeeze %dma_wait3A_470 : memref<1x8000512xf32, #tpu.memory_space<hbm>> -> memref<8000512xf32, #tpu.memory_space<hbm>>
    %dma_wait3A_472 = arith.constant 768 : i32
    %dma_wait3A_473 = tpu.memref_slice %dma_wait3A_471[%dma_wait3A_472] : memref<8000512xf32, #tpu.memory_space<hbm>> -> memref<7999744xf32, #tpu.memory_space<hbm>>
    %dma_wait3A_474 = arith.constant 0 : i32
    %dma_wait3A_475 = tpu.memref_slice %dma_wait3A_473[%dma_wait3A_474] : memref<7999744xf32, #tpu.memory_space<hbm>> -> memref<7999744xf32, #tpu.memory_space<hbm>>
    tpu.wait_indirect_dma semaphore(%arg8 : memref<!tpu.dma_semaphore, #tpu.memory_space<semaphore_mem>>) src(%dma_wait3A_475 : memref<7999744xf32, #tpu.memory_space<hbm>>) dst(%dma_wait3A_468 : memref<512xf32, #tpu.memory_space<vmem>>)
    %dma_wait3A_476 = arith.constant 1 : i32
    %dma_wait3A_477 = arith.constant 7680 : i32
    %dma_wait3A_478 = tpu.memref_slice %arg7[%dma_wait3A_477] : memref<16384xf32, #tpu.memory_space<vmem>> -> memref<512xf32, #tpu.memory_space<vmem>>
    %dma_wait3A_479 = arith.constant 0 : i32
    %dma_wait3A_480 = tpu.memref_slice %arg3[%dma_wait3A_476, %dma_wait3A_479] : memref<4x8000512xf32, #tpu.memory_space<hbm>> -> memref<1x8000512xf32, #tpu.memory_space<hbm>>
    %dma_wait3A_481 = tpu.memref_squeeze %dma_wait3A_480 : memref<1x8000512xf32, #tpu.memory_space<hbm>> -> memref<8000512xf32, #tpu.memory_space<hbm>>
    %dma_wait3A_482 = arith.constant 896 : i32
    %dma_wait3A_483 = tpu.memref_slice %dma_wait3A_481[%dma_wait3A_482] : memref<8000512xf32, #tpu.memory_space<hbm>> -> memref<7999616xf32, #tpu.memory_space<hbm>>
    %dma_wait3A_484 = arith.constant 0 : i32
    %dma_wait3A_485 = tpu.memref_slice %dma_wait3A_483[%dma_wait3A_484] : memref<7999616xf32, #tpu.memory_space<hbm>> -> memref<7999616xf32, #tpu.memory_space<hbm>>
    tpu.wait_indirect_dma semaphore(%arg8 : memref<!tpu.dma_semaphore, #tpu.memory_space<semaphore_mem>>) src(%dma_wait3A_485 : memref<7999616xf32, #tpu.memory_space<hbm>>) dst(%dma_wait3A_478 : memref<512xf32, #tpu.memory_space<vmem>>)
    %dma_wait3A_486 = arith.constant 2 : i32
    %dma_wait3A_487 = arith.constant 8192 : i32
    %dma_wait3A_488 = tpu.memref_slice %arg7[%dma_wait3A_487] : memref<16384xf32, #tpu.memory_space<vmem>> -> memref<512xf32, #tpu.memory_space<vmem>>
    %dma_wait3A_489 = arith.constant 0 : i32
    %dma_wait3A_490 = tpu.memref_slice %arg3[%dma_wait3A_486, %dma_wait3A_489] : memref<4x8000512xf32, #tpu.memory_space<hbm>> -> memref<1x8000512xf32, #tpu.memory_space<hbm>>
    %dma_wait3A_491 = tpu.memref_squeeze %dma_wait3A_490 : memref<1x8000512xf32, #tpu.memory_space<hbm>> -> memref<8000512xf32, #tpu.memory_space<hbm>>
    %dma_wait3A_492 = arith.constant 0 : i32
    %dma_wait3A_493 = tpu.memref_slice %dma_wait3A_491[%dma_wait3A_492] : memref<8000512xf32, #tpu.memory_space<hbm>> -> memref<8000512xf32, #tpu.memory_space<hbm>>
    %dma_wait3A_494 = arith.constant 0 : i32
    %dma_wait3A_495 = tpu.memref_slice %dma_wait3A_493[%dma_wait3A_494] : memref<8000512xf32, #tpu.memory_space<hbm>> -> memref<8000512xf32, #tpu.memory_space<hbm>>
    tpu.wait_indirect_dma semaphore(%arg8 : memref<!tpu.dma_semaphore, #tpu.memory_space<semaphore_mem>>) src(%dma_wait3A_495 : memref<8000512xf32, #tpu.memory_space<hbm>>) dst(%dma_wait3A_488 : memref<512xf32, #tpu.memory_space<vmem>>)
    %dma_wait3A_496 = arith.constant 2 : i32
    %dma_wait3A_497 = arith.constant 8704 : i32
    %dma_wait3A_498 = tpu.memref_slice %arg7[%dma_wait3A_497] : memref<16384xf32, #tpu.memory_space<vmem>> -> memref<512xf32, #tpu.memory_space<vmem>>
    %dma_wait3A_499 = arith.constant 0 : i32
    %dma_wait3A_500 = tpu.memref_slice %arg3[%dma_wait3A_496, %dma_wait3A_499] : memref<4x8000512xf32, #tpu.memory_space<hbm>> -> memref<1x8000512xf32, #tpu.memory_space<hbm>>
    %dma_wait3A_501 = tpu.memref_squeeze %dma_wait3A_500 : memref<1x8000512xf32, #tpu.memory_space<hbm>> -> memref<8000512xf32, #tpu.memory_space<hbm>>
    %dma_wait3A_502 = arith.constant 128 : i32
    %dma_wait3A_503 = tpu.memref_slice %dma_wait3A_501[%dma_wait3A_502] : memref<8000512xf32, #tpu.memory_space<hbm>> -> memref<8000384xf32, #tpu.memory_space<hbm>>
    %dma_wait3A_504 = arith.constant 0 : i32
    %dma_wait3A_505 = tpu.memref_slice %dma_wait3A_503[%dma_wait3A_504] : memref<8000384xf32, #tpu.memory_space<hbm>> -> memref<8000384xf32, #tpu.memory_space<hbm>>
    tpu.wait_indirect_dma semaphore(%arg8 : memref<!tpu.dma_semaphore, #tpu.memory_space<semaphore_mem>>) src(%dma_wait3A_505 : memref<8000384xf32, #tpu.memory_space<hbm>>) dst(%dma_wait3A_498 : memref<512xf32, #tpu.memory_space<vmem>>)
    %dma_wait3A_506 = arith.constant 2 : i32
    %dma_wait3A_507 = arith.constant 9216 : i32
    %dma_wait3A_508 = tpu.memref_slice %arg7[%dma_wait3A_507] : memref<16384xf32, #tpu.memory_space<vmem>> -> memref<512xf32, #tpu.memory_space<vmem>>
    %dma_wait3A_509 = arith.constant 0 : i32
    %dma_wait3A_510 = tpu.memref_slice %arg3[%dma_wait3A_506, %dma_wait3A_509] : memref<4x8000512xf32, #tpu.memory_space<hbm>> -> memref<1x8000512xf32, #tpu.memory_space<hbm>>
    %dma_wait3A_511 = tpu.memref_squeeze %dma_wait3A_510 : memref<1x8000512xf32, #tpu.memory_space<hbm>> -> memref<8000512xf32, #tpu.memory_space<hbm>>
    %dma_wait3A_512 = arith.constant 256 : i32
    %dma_wait3A_513 = tpu.memref_slice %dma_wait3A_511[%dma_wait3A_512] : memref<8000512xf32, #tpu.memory_space<hbm>> -> memref<8000256xf32, #tpu.memory_space<hbm>>
    %dma_wait3A_514 = arith.constant 0 : i32
    %dma_wait3A_515 = tpu.memref_slice %dma_wait3A_513[%dma_wait3A_514] : memref<8000256xf32, #tpu.memory_space<hbm>> -> memref<8000256xf32, #tpu.memory_space<hbm>>
    tpu.wait_indirect_dma semaphore(%arg8 : memref<!tpu.dma_semaphore, #tpu.memory_space<semaphore_mem>>) src(%dma_wait3A_515 : memref<8000256xf32, #tpu.memory_space<hbm>>) dst(%dma_wait3A_508 : memref<512xf32, #tpu.memory_space<vmem>>)
    %dma_wait3A_516 = arith.constant 2 : i32
    %dma_wait3A_517 = arith.constant 9728 : i32
    %dma_wait3A_518 = tpu.memref_slice %arg7[%dma_wait3A_517] : memref<16384xf32, #tpu.memory_space<vmem>> -> memref<512xf32, #tpu.memory_space<vmem>>
    %dma_wait3A_519 = arith.constant 0 : i32
    %dma_wait3A_520 = tpu.memref_slice %arg3[%dma_wait3A_516, %dma_wait3A_519] : memref<4x8000512xf32, #tpu.memory_space<hbm>> -> memref<1x8000512xf32, #tpu.memory_space<hbm>>
    %dma_wait3A_521 = tpu.memref_squeeze %dma_wait3A_520 : memref<1x8000512xf32, #tpu.memory_space<hbm>> -> memref<8000512xf32, #tpu.memory_space<hbm>>
    %dma_wait3A_522 = arith.constant 384 : i32
    %dma_wait3A_523 = tpu.memref_slice %dma_wait3A_521[%dma_wait3A_522] : memref<8000512xf32, #tpu.memory_space<hbm>> -> memref<8000128xf32, #tpu.memory_space<hbm>>
    %dma_wait3A_524 = arith.constant 0 : i32
    %dma_wait3A_525 = tpu.memref_slice %dma_wait3A_523[%dma_wait3A_524] : memref<8000128xf32, #tpu.memory_space<hbm>> -> memref<8000128xf32, #tpu.memory_space<hbm>>
    tpu.wait_indirect_dma semaphore(%arg8 : memref<!tpu.dma_semaphore, #tpu.memory_space<semaphore_mem>>) src(%dma_wait3A_525 : memref<8000128xf32, #tpu.memory_space<hbm>>) dst(%dma_wait3A_518 : memref<512xf32, #tpu.memory_space<vmem>>)
    %dma_wait3A_526 = arith.constant 2 : i32
    %dma_wait3A_527 = arith.constant 10240 : i32
    %dma_wait3A_528 = tpu.memref_slice %arg7[%dma_wait3A_527] : memref<16384xf32, #tpu.memory_space<vmem>> -> memref<512xf32, #tpu.memory_space<vmem>>
    %dma_wait3A_529 = arith.constant 0 : i32
    %dma_wait3A_530 = tpu.memref_slice %arg3[%dma_wait3A_526, %dma_wait3A_529] : memref<4x8000512xf32, #tpu.memory_space<hbm>> -> memref<1x8000512xf32, #tpu.memory_space<hbm>>
    %dma_wait3A_531 = tpu.memref_squeeze %dma_wait3A_530 : memref<1x8000512xf32, #tpu.memory_space<hbm>> -> memref<8000512xf32, #tpu.memory_space<hbm>>
    %dma_wait3A_532 = arith.constant 512 : i32
    %dma_wait3A_533 = tpu.memref_slice %dma_wait3A_531[%dma_wait3A_532] : memref<8000512xf32, #tpu.memory_space<hbm>> -> memref<8000000xf32, #tpu.memory_space<hbm>>
    %dma_wait3A_534 = arith.constant 0 : i32
    %dma_wait3A_535 = tpu.memref_slice %dma_wait3A_533[%dma_wait3A_534] : memref<8000000xf32, #tpu.memory_space<hbm>> -> memref<8000000xf32, #tpu.memory_space<hbm>>
    tpu.wait_indirect_dma semaphore(%arg8 : memref<!tpu.dma_semaphore, #tpu.memory_space<semaphore_mem>>) src(%dma_wait3A_535 : memref<8000000xf32, #tpu.memory_space<hbm>>) dst(%dma_wait3A_528 : memref<512xf32, #tpu.memory_space<vmem>>)
    %dma_wait3A_536 = arith.constant 2 : i32
    %dma_wait3A_537 = arith.constant 10752 : i32
    %dma_wait3A_538 = tpu.memref_slice %arg7[%dma_wait3A_537] : memref<16384xf32, #tpu.memory_space<vmem>> -> memref<512xf32, #tpu.memory_space<vmem>>
    %dma_wait3A_539 = arith.constant 0 : i32
    %dma_wait3A_540 = tpu.memref_slice %arg3[%dma_wait3A_536, %dma_wait3A_539] : memref<4x8000512xf32, #tpu.memory_space<hbm>> -> memref<1x8000512xf32, #tpu.memory_space<hbm>>
    %dma_wait3A_541 = tpu.memref_squeeze %dma_wait3A_540 : memref<1x8000512xf32, #tpu.memory_space<hbm>> -> memref<8000512xf32, #tpu.memory_space<hbm>>
    %dma_wait3A_542 = arith.constant 640 : i32
    %dma_wait3A_543 = tpu.memref_slice %dma_wait3A_541[%dma_wait3A_542] : memref<8000512xf32, #tpu.memory_space<hbm>> -> memref<7999872xf32, #tpu.memory_space<hbm>>
    %dma_wait3A_544 = arith.constant 0 : i32
    %dma_wait3A_545 = tpu.memref_slice %dma_wait3A_543[%dma_wait3A_544] : memref<7999872xf32, #tpu.memory_space<hbm>> -> memref<7999872xf32, #tpu.memory_space<hbm>>
    tpu.wait_indirect_dma semaphore(%arg8 : memref<!tpu.dma_semaphore, #tpu.memory_space<semaphore_mem>>) src(%dma_wait3A_545 : memref<7999872xf32, #tpu.memory_space<hbm>>) dst(%dma_wait3A_538 : memref<512xf32, #tpu.memory_space<vmem>>)
    %dma_wait3A_546 = arith.constant 2 : i32
    %dma_wait3A_547 = arith.constant 11264 : i32
    %dma_wait3A_548 = tpu.memref_slice %arg7[%dma_wait3A_547] : memref<16384xf32, #tpu.memory_space<vmem>> -> memref<512xf32, #tpu.memory_space<vmem>>
    %dma_wait3A_549 = arith.constant 0 : i32
    %dma_wait3A_550 = tpu.memref_slice %arg3[%dma_wait3A_546, %dma_wait3A_549] : memref<4x8000512xf32, #tpu.memory_space<hbm>> -> memref<1x8000512xf32, #tpu.memory_space<hbm>>
    %dma_wait3A_551 = tpu.memref_squeeze %dma_wait3A_550 : memref<1x8000512xf32, #tpu.memory_space<hbm>> -> memref<8000512xf32, #tpu.memory_space<hbm>>
    %dma_wait3A_552 = arith.constant 768 : i32
    %dma_wait3A_553 = tpu.memref_slice %dma_wait3A_551[%dma_wait3A_552] : memref<8000512xf32, #tpu.memory_space<hbm>> -> memref<7999744xf32, #tpu.memory_space<hbm>>
    %dma_wait3A_554 = arith.constant 0 : i32
    %dma_wait3A_555 = tpu.memref_slice %dma_wait3A_553[%dma_wait3A_554] : memref<7999744xf32, #tpu.memory_space<hbm>> -> memref<7999744xf32, #tpu.memory_space<hbm>>
    tpu.wait_indirect_dma semaphore(%arg8 : memref<!tpu.dma_semaphore, #tpu.memory_space<semaphore_mem>>) src(%dma_wait3A_555 : memref<7999744xf32, #tpu.memory_space<hbm>>) dst(%dma_wait3A_548 : memref<512xf32, #tpu.memory_space<vmem>>)
    %dma_wait3A_556 = arith.constant 2 : i32
    %dma_wait3A_557 = arith.constant 11776 : i32
    %dma_wait3A_558 = tpu.memref_slice %arg7[%dma_wait3A_557] : memref<16384xf32, #tpu.memory_space<vmem>> -> memref<512xf32, #tpu.memory_space<vmem>>
    %dma_wait3A_559 = arith.constant 0 : i32
    %dma_wait3A_560 = tpu.memref_slice %arg3[%dma_wait3A_556, %dma_wait3A_559] : memref<4x8000512xf32, #tpu.memory_space<hbm>> -> memref<1x8000512xf32, #tpu.memory_space<hbm>>
    %dma_wait3A_561 = tpu.memref_squeeze %dma_wait3A_560 : memref<1x8000512xf32, #tpu.memory_space<hbm>> -> memref<8000512xf32, #tpu.memory_space<hbm>>
    %dma_wait3A_562 = arith.constant 896 : i32
    %dma_wait3A_563 = tpu.memref_slice %dma_wait3A_561[%dma_wait3A_562] : memref<8000512xf32, #tpu.memory_space<hbm>> -> memref<7999616xf32, #tpu.memory_space<hbm>>
    %dma_wait3A_564 = arith.constant 0 : i32
    %dma_wait3A_565 = tpu.memref_slice %dma_wait3A_563[%dma_wait3A_564] : memref<7999616xf32, #tpu.memory_space<hbm>> -> memref<7999616xf32, #tpu.memory_space<hbm>>
    tpu.wait_indirect_dma semaphore(%arg8 : memref<!tpu.dma_semaphore, #tpu.memory_space<semaphore_mem>>) src(%dma_wait3A_565 : memref<7999616xf32, #tpu.memory_space<hbm>>) dst(%dma_wait3A_558 : memref<512xf32, #tpu.memory_space<vmem>>)
    %dma_wait3A_566 = arith.constant 3 : i32
    %dma_wait3A_567 = arith.constant 12288 : i32
    %dma_wait3A_568 = tpu.memref_slice %arg7[%dma_wait3A_567] : memref<16384xf32, #tpu.memory_space<vmem>> -> memref<512xf32, #tpu.memory_space<vmem>>
    %dma_wait3A_569 = arith.constant 0 : i32
    %dma_wait3A_570 = tpu.memref_slice %arg3[%dma_wait3A_566, %dma_wait3A_569] : memref<4x8000512xf32, #tpu.memory_space<hbm>> -> memref<1x8000512xf32, #tpu.memory_space<hbm>>
    %dma_wait3A_571 = tpu.memref_squeeze %dma_wait3A_570 : memref<1x8000512xf32, #tpu.memory_space<hbm>> -> memref<8000512xf32, #tpu.memory_space<hbm>>
    %dma_wait3A_572 = arith.constant 0 : i32
    %dma_wait3A_573 = tpu.memref_slice %dma_wait3A_571[%dma_wait3A_572] : memref<8000512xf32, #tpu.memory_space<hbm>> -> memref<8000512xf32, #tpu.memory_space<hbm>>
    %dma_wait3A_574 = arith.constant 0 : i32
    %dma_wait3A_575 = tpu.memref_slice %dma_wait3A_573[%dma_wait3A_574] : memref<8000512xf32, #tpu.memory_space<hbm>> -> memref<8000512xf32, #tpu.memory_space<hbm>>
    tpu.wait_indirect_dma semaphore(%arg8 : memref<!tpu.dma_semaphore, #tpu.memory_space<semaphore_mem>>) src(%dma_wait3A_575 : memref<8000512xf32, #tpu.memory_space<hbm>>) dst(%dma_wait3A_568 : memref<512xf32, #tpu.memory_space<vmem>>)
    %dma_wait3A_576 = arith.constant 3 : i32
    %dma_wait3A_577 = arith.constant 12800 : i32
    %dma_wait3A_578 = tpu.memref_slice %arg7[%dma_wait3A_577] : memref<16384xf32, #tpu.memory_space<vmem>> -> memref<512xf32, #tpu.memory_space<vmem>>
    %dma_wait3A_579 = arith.constant 0 : i32
    %dma_wait3A_580 = tpu.memref_slice %arg3[%dma_wait3A_576, %dma_wait3A_579] : memref<4x8000512xf32, #tpu.memory_space<hbm>> -> memref<1x8000512xf32, #tpu.memory_space<hbm>>
    %dma_wait3A_581 = tpu.memref_squeeze %dma_wait3A_580 : memref<1x8000512xf32, #tpu.memory_space<hbm>> -> memref<8000512xf32, #tpu.memory_space<hbm>>
    %dma_wait3A_582 = arith.constant 128 : i32
    %dma_wait3A_583 = tpu.memref_slice %dma_wait3A_581[%dma_wait3A_582] : memref<8000512xf32, #tpu.memory_space<hbm>> -> memref<8000384xf32, #tpu.memory_space<hbm>>
    %dma_wait3A_584 = arith.constant 0 : i32
    %dma_wait3A_585 = tpu.memref_slice %dma_wait3A_583[%dma_wait3A_584] : memref<8000384xf32, #tpu.memory_space<hbm>> -> memref<8000384xf32, #tpu.memory_space<hbm>>
    tpu.wait_indirect_dma semaphore(%arg8 : memref<!tpu.dma_semaphore, #tpu.memory_space<semaphore_mem>>) src(%dma_wait3A_585 : memref<8000384xf32, #tpu.memory_space<hbm>>) dst(%dma_wait3A_578 : memref<512xf32, #tpu.memory_space<vmem>>)
    %dma_wait3A_586 = arith.constant 3 : i32
    %dma_wait3A_587 = arith.constant 13312 : i32
    %dma_wait3A_588 = tpu.memref_slice %arg7[%dma_wait3A_587] : memref<16384xf32, #tpu.memory_space<vmem>> -> memref<512xf32, #tpu.memory_space<vmem>>
    %dma_wait3A_589 = arith.constant 0 : i32
    %dma_wait3A_590 = tpu.memref_slice %arg3[%dma_wait3A_586, %dma_wait3A_589] : memref<4x8000512xf32, #tpu.memory_space<hbm>> -> memref<1x8000512xf32, #tpu.memory_space<hbm>>
    %dma_wait3A_591 = tpu.memref_squeeze %dma_wait3A_590 : memref<1x8000512xf32, #tpu.memory_space<hbm>> -> memref<8000512xf32, #tpu.memory_space<hbm>>
    %dma_wait3A_592 = arith.constant 256 : i32
    %dma_wait3A_593 = tpu.memref_slice %dma_wait3A_591[%dma_wait3A_592] : memref<8000512xf32, #tpu.memory_space<hbm>> -> memref<8000256xf32, #tpu.memory_space<hbm>>
    %dma_wait3A_594 = arith.constant 0 : i32
    %dma_wait3A_595 = tpu.memref_slice %dma_wait3A_593[%dma_wait3A_594] : memref<8000256xf32, #tpu.memory_space<hbm>> -> memref<8000256xf32, #tpu.memory_space<hbm>>
    tpu.wait_indirect_dma semaphore(%arg8 : memref<!tpu.dma_semaphore, #tpu.memory_space<semaphore_mem>>) src(%dma_wait3A_595 : memref<8000256xf32, #tpu.memory_space<hbm>>) dst(%dma_wait3A_588 : memref<512xf32, #tpu.memory_space<vmem>>)
    %dma_wait3A_596 = arith.constant 3 : i32
    %dma_wait3A_597 = arith.constant 13824 : i32
    %dma_wait3A_598 = tpu.memref_slice %arg7[%dma_wait3A_597] : memref<16384xf32, #tpu.memory_space<vmem>> -> memref<512xf32, #tpu.memory_space<vmem>>
    %dma_wait3A_599 = arith.constant 0 : i32
    %dma_wait3A_600 = tpu.memref_slice %arg3[%dma_wait3A_596, %dma_wait3A_599] : memref<4x8000512xf32, #tpu.memory_space<hbm>> -> memref<1x8000512xf32, #tpu.memory_space<hbm>>
    %dma_wait3A_601 = tpu.memref_squeeze %dma_wait3A_600 : memref<1x8000512xf32, #tpu.memory_space<hbm>> -> memref<8000512xf32, #tpu.memory_space<hbm>>
    %dma_wait3A_602 = arith.constant 384 : i32
    %dma_wait3A_603 = tpu.memref_slice %dma_wait3A_601[%dma_wait3A_602] : memref<8000512xf32, #tpu.memory_space<hbm>> -> memref<8000128xf32, #tpu.memory_space<hbm>>
    %dma_wait3A_604 = arith.constant 0 : i32
    %dma_wait3A_605 = tpu.memref_slice %dma_wait3A_603[%dma_wait3A_604] : memref<8000128xf32, #tpu.memory_space<hbm>> -> memref<8000128xf32, #tpu.memory_space<hbm>>
    tpu.wait_indirect_dma semaphore(%arg8 : memref<!tpu.dma_semaphore, #tpu.memory_space<semaphore_mem>>) src(%dma_wait3A_605 : memref<8000128xf32, #tpu.memory_space<hbm>>) dst(%dma_wait3A_598 : memref<512xf32, #tpu.memory_space<vmem>>)
    %dma_wait3A_606 = arith.constant 3 : i32
    %dma_wait3A_607 = arith.constant 14336 : i32
    %dma_wait3A_608 = tpu.memref_slice %arg7[%dma_wait3A_607] : memref<16384xf32, #tpu.memory_space<vmem>> -> memref<512xf32, #tpu.memory_space<vmem>>
    %dma_wait3A_609 = arith.constant 0 : i32
    %dma_wait3A_610 = tpu.memref_slice %arg3[%dma_wait3A_606, %dma_wait3A_609] : memref<4x8000512xf32, #tpu.memory_space<hbm>> -> memref<1x8000512xf32, #tpu.memory_space<hbm>>
    %dma_wait3A_611 = tpu.memref_squeeze %dma_wait3A_610 : memref<1x8000512xf32, #tpu.memory_space<hbm>> -> memref<8000512xf32, #tpu.memory_space<hbm>>
    %dma_wait3A_612 = arith.constant 512 : i32
    %dma_wait3A_613 = tpu.memref_slice %dma_wait3A_611[%dma_wait3A_612] : memref<8000512xf32, #tpu.memory_space<hbm>> -> memref<8000000xf32, #tpu.memory_space<hbm>>
    %dma_wait3A_614 = arith.constant 0 : i32
    %dma_wait3A_615 = tpu.memref_slice %dma_wait3A_613[%dma_wait3A_614] : memref<8000000xf32, #tpu.memory_space<hbm>> -> memref<8000000xf32, #tpu.memory_space<hbm>>
    tpu.wait_indirect_dma semaphore(%arg8 : memref<!tpu.dma_semaphore, #tpu.memory_space<semaphore_mem>>) src(%dma_wait3A_615 : memref<8000000xf32, #tpu.memory_space<hbm>>) dst(%dma_wait3A_608 : memref<512xf32, #tpu.memory_space<vmem>>)
    %dma_wait3A_616 = arith.constant 3 : i32
    %dma_wait3A_617 = arith.constant 14848 : i32
    %dma_wait3A_618 = tpu.memref_slice %arg7[%dma_wait3A_617] : memref<16384xf32, #tpu.memory_space<vmem>> -> memref<512xf32, #tpu.memory_space<vmem>>
    %dma_wait3A_619 = arith.constant 0 : i32
    %dma_wait3A_620 = tpu.memref_slice %arg3[%dma_wait3A_616, %dma_wait3A_619] : memref<4x8000512xf32, #tpu.memory_space<hbm>> -> memref<1x8000512xf32, #tpu.memory_space<hbm>>
    %dma_wait3A_621 = tpu.memref_squeeze %dma_wait3A_620 : memref<1x8000512xf32, #tpu.memory_space<hbm>> -> memref<8000512xf32, #tpu.memory_space<hbm>>
    %dma_wait3A_622 = arith.constant 640 : i32
    %dma_wait3A_623 = tpu.memref_slice %dma_wait3A_621[%dma_wait3A_622] : memref<8000512xf32, #tpu.memory_space<hbm>> -> memref<7999872xf32, #tpu.memory_space<hbm>>
    %dma_wait3A_624 = arith.constant 0 : i32
    %dma_wait3A_625 = tpu.memref_slice %dma_wait3A_623[%dma_wait3A_624] : memref<7999872xf32, #tpu.memory_space<hbm>> -> memref<7999872xf32, #tpu.memory_space<hbm>>
    tpu.wait_indirect_dma semaphore(%arg8 : memref<!tpu.dma_semaphore, #tpu.memory_space<semaphore_mem>>) src(%dma_wait3A_625 : memref<7999872xf32, #tpu.memory_space<hbm>>) dst(%dma_wait3A_618 : memref<512xf32, #tpu.memory_space<vmem>>)
    %dma_wait3A_626 = arith.constant 3 : i32
    %dma_wait3A_627 = arith.constant 15360 : i32
    %dma_wait3A_628 = tpu.memref_slice %arg7[%dma_wait3A_627] : memref<16384xf32, #tpu.memory_space<vmem>> -> memref<512xf32, #tpu.memory_space<vmem>>
    %dma_wait3A_629 = arith.constant 0 : i32
    %dma_wait3A_630 = tpu.memref_slice %arg3[%dma_wait3A_626, %dma_wait3A_629] : memref<4x8000512xf32, #tpu.memory_space<hbm>> -> memref<1x8000512xf32, #tpu.memory_space<hbm>>
    %dma_wait3A_631 = tpu.memref_squeeze %dma_wait3A_630 : memref<1x8000512xf32, #tpu.memory_space<hbm>> -> memref<8000512xf32, #tpu.memory_space<hbm>>
    %dma_wait3A_632 = arith.constant 768 : i32
    %dma_wait3A_633 = tpu.memref_slice %dma_wait3A_631[%dma_wait3A_632] : memref<8000512xf32, #tpu.memory_space<hbm>> -> memref<7999744xf32, #tpu.memory_space<hbm>>
    %dma_wait3A_634 = arith.constant 0 : i32
    %dma_wait3A_635 = tpu.memref_slice %dma_wait3A_633[%dma_wait3A_634] : memref<7999744xf32, #tpu.memory_space<hbm>> -> memref<7999744xf32, #tpu.memory_space<hbm>>
    tpu.wait_indirect_dma semaphore(%arg8 : memref<!tpu.dma_semaphore, #tpu.memory_space<semaphore_mem>>) src(%dma_wait3A_635 : memref<7999744xf32, #tpu.memory_space<hbm>>) dst(%dma_wait3A_628 : memref<512xf32, #tpu.memory_space<vmem>>)
    %dma_wait3A_636 = arith.constant 3 : i32
    %dma_wait3A_637 = arith.constant 15872 : i32
    %dma_wait3A_638 = tpu.memref_slice %arg7[%dma_wait3A_637] : memref<16384xf32, #tpu.memory_space<vmem>> -> memref<512xf32, #tpu.memory_space<vmem>>
    %dma_wait3A_639 = arith.constant 0 : i32
    %dma_wait3A_640 = tpu.memref_slice %arg3[%dma_wait3A_636, %dma_wait3A_639] : memref<4x8000512xf32, #tpu.memory_space<hbm>> -> memref<1x8000512xf32, #tpu.memory_space<hbm>>
    %dma_wait3A_641 = tpu.memref_squeeze %dma_wait3A_640 : memref<1x8000512xf32, #tpu.memory_space<hbm>> -> memref<8000512xf32, #tpu.memory_space<hbm>>
    %dma_wait3A_642 = arith.constant 896 : i32
    %dma_wait3A_643 = tpu.memref_slice %dma_wait3A_641[%dma_wait3A_642] : memref<8000512xf32, #tpu.memory_space<hbm>> -> memref<7999616xf32, #tpu.memory_space<hbm>>
    %dma_wait3A_644 = arith.constant 0 : i32
    %dma_wait3A_645 = tpu.memref_slice %dma_wait3A_643[%dma_wait3A_644] : memref<7999616xf32, #tpu.memory_space<hbm>> -> memref<7999616xf32, #tpu.memory_space<hbm>>
    tpu.wait_indirect_dma semaphore(%arg8 : memref<!tpu.dma_semaphore, #tpu.memory_space<semaphore_mem>>) src(%dma_wait3A_645 : memref<7999616xf32, #tpu.memory_space<hbm>>) dst(%dma_wait3A_638 : memref<512xf32, #tpu.memory_space<vmem>>)
    %add3A_646 = arith.constant 0 : i32
    %add3A_647 = arith.addi %add3A_646, %mul3A_2 : i32
    "tpu.region"() ({
      %run_scoped3A = tpu.sem_alloc : memref<!tpu.dma_semaphore, #tpu.memory_space<semaphore_mem>>
      %dma_start3A_710 = arith.constant 0 : i32
      %dma_start3A_711 = tpu.memref_slice %arg7[%dma_start3A_710] : memref<16384xf32, #tpu.memory_space<vmem>> -> memref<512xf32, #tpu.memory_space<vmem>>
      %dma_start3A_712 = tpu.memref_slice %arg4[%add3A_647] : memref<524288xf32, #tpu.memory_space<hbm>> -> memref<512xf32, #tpu.memory_space<hbm>>
      %dma_start3A_713 = tpu.memref_slice %arg4[%add3A_647] : memref<524288xf32, #tpu.memory_space<hbm>> -> memref<512xf32, #tpu.memory_space<hbm>>
      %dma_start3A_714 = arith.constant 0 : i32
      %dma_start3A_715 = tpu.memref_slice %arg7[%dma_start3A_714] : memref<16384xf32, #tpu.memory_space<vmem>> -> memref<512xf32, #tpu.memory_space<vmem>>
      tpu.enqueue_dma source(%dma_start3A_715 : memref<512xf32, #tpu.memory_space<vmem>>) target(%dma_start3A_713 : memref<512xf32, #tpu.memory_space<hbm>>) target_semaphore(%run_scoped3A : memref<!tpu.dma_semaphore, #tpu.memory_space<semaphore_mem>>)
      %dma_wait3A_716 = arith.constant 0 : i32
      %dma_wait3A_717 = tpu.memref_slice %arg7[%dma_wait3A_716] : memref<16384xf32, #tpu.memory_space<vmem>> -> memref<512xf32, #tpu.memory_space<vmem>>
      %dma_wait3A_718 = tpu.memref_slice %arg4[%add3A_647] : memref<524288xf32, #tpu.memory_space<hbm>> -> memref<512xf32, #tpu.memory_space<hbm>>
      %dma_wait3A_719 = tpu.memref_slice %arg4[%add3A_647] : memref<524288xf32, #tpu.memory_space<hbm>> -> memref<512xf32, #tpu.memory_space<hbm>>
      %dma_wait3A_720 = arith.constant 0 : i32
      %dma_wait3A_721 = tpu.memref_slice %arg7[%dma_wait3A_720] : memref<16384xf32, #tpu.memory_space<vmem>> -> memref<512xf32, #tpu.memory_space<vmem>>
      tpu.wait_dma2 semaphore(%run_scoped3A : memref<!tpu.dma_semaphore, #tpu.memory_space<semaphore_mem>>) src(%dma_wait3A_721 : memref<512xf32, #tpu.memory_space<vmem>>) dst(%dma_wait3A_719 : memref<512xf32, #tpu.memory_space<hbm>>)
      tpu.yield
    }) : () -> ()
    %add3A_648 = arith.constant 16384 : i32
    %add3A_649 = arith.addi %add3A_648, %mul3A_2 : i32
    "tpu.region"() ({
      %run_scoped3A = tpu.sem_alloc : memref<!tpu.dma_semaphore, #tpu.memory_space<semaphore_mem>>
      %dma_start3A_710 = arith.constant 512 : i32
      %dma_start3A_711 = tpu.memref_slice %arg7[%dma_start3A_710] : memref<16384xf32, #tpu.memory_space<vmem>> -> memref<512xf32, #tpu.memory_space<vmem>>
      %dma_start3A_712 = tpu.memref_slice %arg4[%add3A_649] : memref<524288xf32, #tpu.memory_space<hbm>> -> memref<512xf32, #tpu.memory_space<hbm>>
      %dma_start3A_713 = tpu.memref_slice %arg4[%add3A_649] : memref<524288xf32, #tpu.memory_space<hbm>> -> memref<512xf32, #tpu.memory_space<hbm>>
      %dma_start3A_714 = arith.constant 512 : i32
      %dma_start3A_715 = tpu.memref_slice %arg7[%dma_start3A_714] : memref<16384xf32, #tpu.memory_space<vmem>> -> memref<512xf32, #tpu.memory_space<vmem>>
      tpu.enqueue_dma source(%dma_start3A_715 : memref<512xf32, #tpu.memory_space<vmem>>) target(%dma_start3A_713 : memref<512xf32, #tpu.memory_space<hbm>>) target_semaphore(%run_scoped3A : memref<!tpu.dma_semaphore, #tpu.memory_space<semaphore_mem>>)
      %dma_wait3A_716 = arith.constant 512 : i32
      %dma_wait3A_717 = tpu.memref_slice %arg7[%dma_wait3A_716] : memref<16384xf32, #tpu.memory_space<vmem>> -> memref<512xf32, #tpu.memory_space<vmem>>
      %dma_wait3A_718 = tpu.memref_slice %arg4[%add3A_649] : memref<524288xf32, #tpu.memory_space<hbm>> -> memref<512xf32, #tpu.memory_space<hbm>>
      %dma_wait3A_719 = tpu.memref_slice %arg4[%add3A_649] : memref<524288xf32, #tpu.memory_space<hbm>> -> memref<512xf32, #tpu.memory_space<hbm>>
      %dma_wait3A_720 = arith.constant 512 : i32
      %dma_wait3A_721 = tpu.memref_slice %arg7[%dma_wait3A_720] : memref<16384xf32, #tpu.memory_space<vmem>> -> memref<512xf32, #tpu.memory_space<vmem>>
      tpu.wait_dma2 semaphore(%run_scoped3A : memref<!tpu.dma_semaphore, #tpu.memory_space<semaphore_mem>>) src(%dma_wait3A_721 : memref<512xf32, #tpu.memory_space<vmem>>) dst(%dma_wait3A_719 : memref<512xf32, #tpu.memory_space<hbm>>)
      tpu.yield
    }) : () -> ()
    %add3A_650 = arith.constant 32768 : i32
    %add3A_651 = arith.addi %add3A_650, %mul3A_2 : i32
    "tpu.region"() ({
      %run_scoped3A = tpu.sem_alloc : memref<!tpu.dma_semaphore, #tpu.memory_space<semaphore_mem>>
      %dma_start3A_710 = arith.constant 1024 : i32
      %dma_start3A_711 = tpu.memref_slice %arg7[%dma_start3A_710] : memref<16384xf32, #tpu.memory_space<vmem>> -> memref<512xf32, #tpu.memory_space<vmem>>
      %dma_start3A_712 = tpu.memref_slice %arg4[%add3A_651] : memref<524288xf32, #tpu.memory_space<hbm>> -> memref<512xf32, #tpu.memory_space<hbm>>
      %dma_start3A_713 = tpu.memref_slice %arg4[%add3A_651] : memref<524288xf32, #tpu.memory_space<hbm>> -> memref<512xf32, #tpu.memory_space<hbm>>
      %dma_start3A_714 = arith.constant 1024 : i32
      %dma_start3A_715 = tpu.memref_slice %arg7[%dma_start3A_714] : memref<16384xf32, #tpu.memory_space<vmem>> -> memref<512xf32, #tpu.memory_space<vmem>>
      tpu.enqueue_dma source(%dma_start3A_715 : memref<512xf32, #tpu.memory_space<vmem>>) target(%dma_start3A_713 : memref<512xf32, #tpu.memory_space<hbm>>) target_semaphore(%run_scoped3A : memref<!tpu.dma_semaphore, #tpu.memory_space<semaphore_mem>>)
      %dma_wait3A_716 = arith.constant 1024 : i32
      %dma_wait3A_717 = tpu.memref_slice %arg7[%dma_wait3A_716] : memref<16384xf32, #tpu.memory_space<vmem>> -> memref<512xf32, #tpu.memory_space<vmem>>
      %dma_wait3A_718 = tpu.memref_slice %arg4[%add3A_651] : memref<524288xf32, #tpu.memory_space<hbm>> -> memref<512xf32, #tpu.memory_space<hbm>>
      %dma_wait3A_719 = tpu.memref_slice %arg4[%add3A_651] : memref<524288xf32, #tpu.memory_space<hbm>> -> memref<512xf32, #tpu.memory_space<hbm>>
      %dma_wait3A_720 = arith.constant 1024 : i32
      %dma_wait3A_721 = tpu.memref_slice %arg7[%dma_wait3A_720] : memref<16384xf32, #tpu.memory_space<vmem>> -> memref<512xf32, #tpu.memory_space<vmem>>
      tpu.wait_dma2 semaphore(%run_scoped3A : memref<!tpu.dma_semaphore, #tpu.memory_space<semaphore_mem>>) src(%dma_wait3A_721 : memref<512xf32, #tpu.memory_space<vmem>>) dst(%dma_wait3A_719 : memref<512xf32, #tpu.memory_space<hbm>>)
      tpu.yield
    }) : () -> ()
    %add3A_652 = arith.constant 49152 : i32
    %add3A_653 = arith.addi %add3A_652, %mul3A_2 : i32
    "tpu.region"() ({
      %run_scoped3A = tpu.sem_alloc : memref<!tpu.dma_semaphore, #tpu.memory_space<semaphore_mem>>
      %dma_start3A_710 = arith.constant 1536 : i32
      %dma_start3A_711 = tpu.memref_slice %arg7[%dma_start3A_710] : memref<16384xf32, #tpu.memory_space<vmem>> -> memref<512xf32, #tpu.memory_space<vmem>>
      %dma_start3A_712 = tpu.memref_slice %arg4[%add3A_653] : memref<524288xf32, #tpu.memory_space<hbm>> -> memref<512xf32, #tpu.memory_space<hbm>>
      %dma_start3A_713 = tpu.memref_slice %arg4[%add3A_653] : memref<524288xf32, #tpu.memory_space<hbm>> -> memref<512xf32, #tpu.memory_space<hbm>>
      %dma_start3A_714 = arith.constant 1536 : i32
      %dma_start3A_715 = tpu.memref_slice %arg7[%dma_start3A_714] : memref<16384xf32, #tpu.memory_space<vmem>> -> memref<512xf32, #tpu.memory_space<vmem>>
      tpu.enqueue_dma source(%dma_start3A_715 : memref<512xf32, #tpu.memory_space<vmem>>) target(%dma_start3A_713 : memref<512xf32, #tpu.memory_space<hbm>>) target_semaphore(%run_scoped3A : memref<!tpu.dma_semaphore, #tpu.memory_space<semaphore_mem>>)
      %dma_wait3A_716 = arith.constant 1536 : i32
      %dma_wait3A_717 = tpu.memref_slice %arg7[%dma_wait3A_716] : memref<16384xf32, #tpu.memory_space<vmem>> -> memref<512xf32, #tpu.memory_space<vmem>>
      %dma_wait3A_718 = tpu.memref_slice %arg4[%add3A_653] : memref<524288xf32, #tpu.memory_space<hbm>> -> memref<512xf32, #tpu.memory_space<hbm>>
      %dma_wait3A_719 = tpu.memref_slice %arg4[%add3A_653] : memref<524288xf32, #tpu.memory_space<hbm>> -> memref<512xf32, #tpu.memory_space<hbm>>
      %dma_wait3A_720 = arith.constant 1536 : i32
      %dma_wait3A_721 = tpu.memref_slice %arg7[%dma_wait3A_720] : memref<16384xf32, #tpu.memory_space<vmem>> -> memref<512xf32, #tpu.memory_space<vmem>>
      tpu.wait_dma2 semaphore(%run_scoped3A : memref<!tpu.dma_semaphore, #tpu.memory_space<semaphore_mem>>) src(%dma_wait3A_721 : memref<512xf32, #tpu.memory_space<vmem>>) dst(%dma_wait3A_719 : memref<512xf32, #tpu.memory_space<hbm>>)
      tpu.yield
    }) : () -> ()
    %add3A_654 = arith.constant 65536 : i32
    %add3A_655 = arith.addi %add3A_654, %mul3A_2 : i32
    "tpu.region"() ({
      %run_scoped3A = tpu.sem_alloc : memref<!tpu.dma_semaphore, #tpu.memory_space<semaphore_mem>>
      %dma_start3A_710 = arith.constant 2048 : i32
      %dma_start3A_711 = tpu.memref_slice %arg7[%dma_start3A_710] : memref<16384xf32, #tpu.memory_space<vmem>> -> memref<512xf32, #tpu.memory_space<vmem>>
      %dma_start3A_712 = tpu.memref_slice %arg4[%add3A_655] : memref<524288xf32, #tpu.memory_space<hbm>> -> memref<512xf32, #tpu.memory_space<hbm>>
      %dma_start3A_713 = tpu.memref_slice %arg4[%add3A_655] : memref<524288xf32, #tpu.memory_space<hbm>> -> memref<512xf32, #tpu.memory_space<hbm>>
      %dma_start3A_714 = arith.constant 2048 : i32
      %dma_start3A_715 = tpu.memref_slice %arg7[%dma_start3A_714] : memref<16384xf32, #tpu.memory_space<vmem>> -> memref<512xf32, #tpu.memory_space<vmem>>
      tpu.enqueue_dma source(%dma_start3A_715 : memref<512xf32, #tpu.memory_space<vmem>>) target(%dma_start3A_713 : memref<512xf32, #tpu.memory_space<hbm>>) target_semaphore(%run_scoped3A : memref<!tpu.dma_semaphore, #tpu.memory_space<semaphore_mem>>)
      %dma_wait3A_716 = arith.constant 2048 : i32
      %dma_wait3A_717 = tpu.memref_slice %arg7[%dma_wait3A_716] : memref<16384xf32, #tpu.memory_space<vmem>> -> memref<512xf32, #tpu.memory_space<vmem>>
      %dma_wait3A_718 = tpu.memref_slice %arg4[%add3A_655] : memref<524288xf32, #tpu.memory_space<hbm>> -> memref<512xf32, #tpu.memory_space<hbm>>
      %dma_wait3A_719 = tpu.memref_slice %arg4[%add3A_655] : memref<524288xf32, #tpu.memory_space<hbm>> -> memref<512xf32, #tpu.memory_space<hbm>>
      %dma_wait3A_720 = arith.constant 2048 : i32
      %dma_wait3A_721 = tpu.memref_slice %arg7[%dma_wait3A_720] : memref<16384xf32, #tpu.memory_space<vmem>> -> memref<512xf32, #tpu.memory_space<vmem>>
      tpu.wait_dma2 semaphore(%run_scoped3A : memref<!tpu.dma_semaphore, #tpu.memory_space<semaphore_mem>>) src(%dma_wait3A_721 : memref<512xf32, #tpu.memory_space<vmem>>) dst(%dma_wait3A_719 : memref<512xf32, #tpu.memory_space<hbm>>)
      tpu.yield
    }) : () -> ()
    %add3A_656 = arith.constant 81920 : i32
    %add3A_657 = arith.addi %add3A_656, %mul3A_2 : i32
    "tpu.region"() ({
      %run_scoped3A = tpu.sem_alloc : memref<!tpu.dma_semaphore, #tpu.memory_space<semaphore_mem>>
      %dma_start3A_710 = arith.constant 2560 : i32
      %dma_start3A_711 = tpu.memref_slice %arg7[%dma_start3A_710] : memref<16384xf32, #tpu.memory_space<vmem>> -> memref<512xf32, #tpu.memory_space<vmem>>
      %dma_start3A_712 = tpu.memref_slice %arg4[%add3A_657] : memref<524288xf32, #tpu.memory_space<hbm>> -> memref<512xf32, #tpu.memory_space<hbm>>
      %dma_start3A_713 = tpu.memref_slice %arg4[%add3A_657] : memref<524288xf32, #tpu.memory_space<hbm>> -> memref<512xf32, #tpu.memory_space<hbm>>
      %dma_start3A_714 = arith.constant 2560 : i32
      %dma_start3A_715 = tpu.memref_slice %arg7[%dma_start3A_714] : memref<16384xf32, #tpu.memory_space<vmem>> -> memref<512xf32, #tpu.memory_space<vmem>>
      tpu.enqueue_dma source(%dma_start3A_715 : memref<512xf32, #tpu.memory_space<vmem>>) target(%dma_start3A_713 : memref<512xf32, #tpu.memory_space<hbm>>) target_semaphore(%run_scoped3A : memref<!tpu.dma_semaphore, #tpu.memory_space<semaphore_mem>>)
      %dma_wait3A_716 = arith.constant 2560 : i32
      %dma_wait3A_717 = tpu.memref_slice %arg7[%dma_wait3A_716] : memref<16384xf32, #tpu.memory_space<vmem>> -> memref<512xf32, #tpu.memory_space<vmem>>
      %dma_wait3A_718 = tpu.memref_slice %arg4[%add3A_657] : memref<524288xf32, #tpu.memory_space<hbm>> -> memref<512xf32, #tpu.memory_space<hbm>>
      %dma_wait3A_719 = tpu.memref_slice %arg4[%add3A_657] : memref<524288xf32, #tpu.memory_space<hbm>> -> memref<512xf32, #tpu.memory_space<hbm>>
      %dma_wait3A_720 = arith.constant 2560 : i32
      %dma_wait3A_721 = tpu.memref_slice %arg7[%dma_wait3A_720] : memref<16384xf32, #tpu.memory_space<vmem>> -> memref<512xf32, #tpu.memory_space<vmem>>
      tpu.wait_dma2 semaphore(%run_scoped3A : memref<!tpu.dma_semaphore, #tpu.memory_space<semaphore_mem>>) src(%dma_wait3A_721 : memref<512xf32, #tpu.memory_space<vmem>>) dst(%dma_wait3A_719 : memref<512xf32, #tpu.memory_space<hbm>>)
      tpu.yield
    }) : () -> ()
    %add3A_658 = arith.constant 98304 : i32
    %add3A_659 = arith.addi %add3A_658, %mul3A_2 : i32
    "tpu.region"() ({
      %run_scoped3A = tpu.sem_alloc : memref<!tpu.dma_semaphore, #tpu.memory_space<semaphore_mem>>
      %dma_start3A_710 = arith.constant 3072 : i32
      %dma_start3A_711 = tpu.memref_slice %arg7[%dma_start3A_710] : memref<16384xf32, #tpu.memory_space<vmem>> -> memref<512xf32, #tpu.memory_space<vmem>>
      %dma_start3A_712 = tpu.memref_slice %arg4[%add3A_659] : memref<524288xf32, #tpu.memory_space<hbm>> -> memref<512xf32, #tpu.memory_space<hbm>>
      %dma_start3A_713 = tpu.memref_slice %arg4[%add3A_659] : memref<524288xf32, #tpu.memory_space<hbm>> -> memref<512xf32, #tpu.memory_space<hbm>>
      %dma_start3A_714 = arith.constant 3072 : i32
      %dma_start3A_715 = tpu.memref_slice %arg7[%dma_start3A_714] : memref<16384xf32, #tpu.memory_space<vmem>> -> memref<512xf32, #tpu.memory_space<vmem>>
      tpu.enqueue_dma source(%dma_start3A_715 : memref<512xf32, #tpu.memory_space<vmem>>) target(%dma_start3A_713 : memref<512xf32, #tpu.memory_space<hbm>>) target_semaphore(%run_scoped3A : memref<!tpu.dma_semaphore, #tpu.memory_space<semaphore_mem>>)
      %dma_wait3A_716 = arith.constant 3072 : i32
      %dma_wait3A_717 = tpu.memref_slice %arg7[%dma_wait3A_716] : memref<16384xf32, #tpu.memory_space<vmem>> -> memref<512xf32, #tpu.memory_space<vmem>>
      %dma_wait3A_718 = tpu.memref_slice %arg4[%add3A_659] : memref<524288xf32, #tpu.memory_space<hbm>> -> memref<512xf32, #tpu.memory_space<hbm>>
      %dma_wait3A_719 = tpu.memref_slice %arg4[%add3A_659] : memref<524288xf32, #tpu.memory_space<hbm>> -> memref<512xf32, #tpu.memory_space<hbm>>
      %dma_wait3A_720 = arith.constant 3072 : i32
      %dma_wait3A_721 = tpu.memref_slice %arg7[%dma_wait3A_720] : memref<16384xf32, #tpu.memory_space<vmem>> -> memref<512xf32, #tpu.memory_space<vmem>>
      tpu.wait_dma2 semaphore(%run_scoped3A : memref<!tpu.dma_semaphore, #tpu.memory_space<semaphore_mem>>) src(%dma_wait3A_721 : memref<512xf32, #tpu.memory_space<vmem>>) dst(%dma_wait3A_719 : memref<512xf32, #tpu.memory_space<hbm>>)
      tpu.yield
    }) : () -> ()
    %add3A_660 = arith.constant 114688 : i32
    %add3A_661 = arith.addi %add3A_660, %mul3A_2 : i32
    "tpu.region"() ({
      %run_scoped3A = tpu.sem_alloc : memref<!tpu.dma_semaphore, #tpu.memory_space<semaphore_mem>>
      %dma_start3A_710 = arith.constant 3584 : i32
      %dma_start3A_711 = tpu.memref_slice %arg7[%dma_start3A_710] : memref<16384xf32, #tpu.memory_space<vmem>> -> memref<512xf32, #tpu.memory_space<vmem>>
      %dma_start3A_712 = tpu.memref_slice %arg4[%add3A_661] : memref<524288xf32, #tpu.memory_space<hbm>> -> memref<512xf32, #tpu.memory_space<hbm>>
      %dma_start3A_713 = tpu.memref_slice %arg4[%add3A_661] : memref<524288xf32, #tpu.memory_space<hbm>> -> memref<512xf32, #tpu.memory_space<hbm>>
      %dma_start3A_714 = arith.constant 3584 : i32
      %dma_start3A_715 = tpu.memref_slice %arg7[%dma_start3A_714] : memref<16384xf32, #tpu.memory_space<vmem>> -> memref<512xf32, #tpu.memory_space<vmem>>
      tpu.enqueue_dma source(%dma_start3A_715 : memref<512xf32, #tpu.memory_space<vmem>>) target(%dma_start3A_713 : memref<512xf32, #tpu.memory_space<hbm>>) target_semaphore(%run_scoped3A : memref<!tpu.dma_semaphore, #tpu.memory_space<semaphore_mem>>)
      %dma_wait3A_716 = arith.constant 3584 : i32
      %dma_wait3A_717 = tpu.memref_slice %arg7[%dma_wait3A_716] : memref<16384xf32, #tpu.memory_space<vmem>> -> memref<512xf32, #tpu.memory_space<vmem>>
      %dma_wait3A_718 = tpu.memref_slice %arg4[%add3A_661] : memref<524288xf32, #tpu.memory_space<hbm>> -> memref<512xf32, #tpu.memory_space<hbm>>
      %dma_wait3A_719 = tpu.memref_slice %arg4[%add3A_661] : memref<524288xf32, #tpu.memory_space<hbm>> -> memref<512xf32, #tpu.memory_space<hbm>>
      %dma_wait3A_720 = arith.constant 3584 : i32
      %dma_wait3A_721 = tpu.memref_slice %arg7[%dma_wait3A_720] : memref<16384xf32, #tpu.memory_space<vmem>> -> memref<512xf32, #tpu.memory_space<vmem>>
      tpu.wait_dma2 semaphore(%run_scoped3A : memref<!tpu.dma_semaphore, #tpu.memory_space<semaphore_mem>>) src(%dma_wait3A_721 : memref<512xf32, #tpu.memory_space<vmem>>) dst(%dma_wait3A_719 : memref<512xf32, #tpu.memory_space<hbm>>)
      tpu.yield
    }) : () -> ()
    %add3A_662 = arith.constant 131072 : i32
    %add3A_663 = arith.addi %add3A_662, %mul3A_2 : i32
    "tpu.region"() ({
      %run_scoped3A = tpu.sem_alloc : memref<!tpu.dma_semaphore, #tpu.memory_space<semaphore_mem>>
      %dma_start3A_710 = arith.constant 4096 : i32
      %dma_start3A_711 = tpu.memref_slice %arg7[%dma_start3A_710] : memref<16384xf32, #tpu.memory_space<vmem>> -> memref<512xf32, #tpu.memory_space<vmem>>
      %dma_start3A_712 = tpu.memref_slice %arg4[%add3A_663] : memref<524288xf32, #tpu.memory_space<hbm>> -> memref<512xf32, #tpu.memory_space<hbm>>
      %dma_start3A_713 = tpu.memref_slice %arg4[%add3A_663] : memref<524288xf32, #tpu.memory_space<hbm>> -> memref<512xf32, #tpu.memory_space<hbm>>
      %dma_start3A_714 = arith.constant 4096 : i32
      %dma_start3A_715 = tpu.memref_slice %arg7[%dma_start3A_714] : memref<16384xf32, #tpu.memory_space<vmem>> -> memref<512xf32, #tpu.memory_space<vmem>>
      tpu.enqueue_dma source(%dma_start3A_715 : memref<512xf32, #tpu.memory_space<vmem>>) target(%dma_start3A_713 : memref<512xf32, #tpu.memory_space<hbm>>) target_semaphore(%run_scoped3A : memref<!tpu.dma_semaphore, #tpu.memory_space<semaphore_mem>>)
      %dma_wait3A_716 = arith.constant 4096 : i32
      %dma_wait3A_717 = tpu.memref_slice %arg7[%dma_wait3A_716] : memref<16384xf32, #tpu.memory_space<vmem>> -> memref<512xf32, #tpu.memory_space<vmem>>
      %dma_wait3A_718 = tpu.memref_slice %arg4[%add3A_663] : memref<524288xf32, #tpu.memory_space<hbm>> -> memref<512xf32, #tpu.memory_space<hbm>>
      %dma_wait3A_719 = tpu.memref_slice %arg4[%add3A_663] : memref<524288xf32, #tpu.memory_space<hbm>> -> memref<512xf32, #tpu.memory_space<hbm>>
      %dma_wait3A_720 = arith.constant 4096 : i32
      %dma_wait3A_721 = tpu.memref_slice %arg7[%dma_wait3A_720] : memref<16384xf32, #tpu.memory_space<vmem>> -> memref<512xf32, #tpu.memory_space<vmem>>
      tpu.wait_dma2 semaphore(%run_scoped3A : memref<!tpu.dma_semaphore, #tpu.memory_space<semaphore_mem>>) src(%dma_wait3A_721 : memref<512xf32, #tpu.memory_space<vmem>>) dst(%dma_wait3A_719 : memref<512xf32, #tpu.memory_space<hbm>>)
      tpu.yield
    }) : () -> ()
    %add3A_664 = arith.constant 147456 : i32
    %add3A_665 = arith.addi %add3A_664, %mul3A_2 : i32
    "tpu.region"() ({
      %run_scoped3A = tpu.sem_alloc : memref<!tpu.dma_semaphore, #tpu.memory_space<semaphore_mem>>
      %dma_start3A_710 = arith.constant 4608 : i32
      %dma_start3A_711 = tpu.memref_slice %arg7[%dma_start3A_710] : memref<16384xf32, #tpu.memory_space<vmem>> -> memref<512xf32, #tpu.memory_space<vmem>>
      %dma_start3A_712 = tpu.memref_slice %arg4[%add3A_665] : memref<524288xf32, #tpu.memory_space<hbm>> -> memref<512xf32, #tpu.memory_space<hbm>>
      %dma_start3A_713 = tpu.memref_slice %arg4[%add3A_665] : memref<524288xf32, #tpu.memory_space<hbm>> -> memref<512xf32, #tpu.memory_space<hbm>>
      %dma_start3A_714 = arith.constant 4608 : i32
      %dma_start3A_715 = tpu.memref_slice %arg7[%dma_start3A_714] : memref<16384xf32, #tpu.memory_space<vmem>> -> memref<512xf32, #tpu.memory_space<vmem>>
      tpu.enqueue_dma source(%dma_start3A_715 : memref<512xf32, #tpu.memory_space<vmem>>) target(%dma_start3A_713 : memref<512xf32, #tpu.memory_space<hbm>>) target_semaphore(%run_scoped3A : memref<!tpu.dma_semaphore, #tpu.memory_space<semaphore_mem>>)
      %dma_wait3A_716 = arith.constant 4608 : i32
      %dma_wait3A_717 = tpu.memref_slice %arg7[%dma_wait3A_716] : memref<16384xf32, #tpu.memory_space<vmem>> -> memref<512xf32, #tpu.memory_space<vmem>>
      %dma_wait3A_718 = tpu.memref_slice %arg4[%add3A_665] : memref<524288xf32, #tpu.memory_space<hbm>> -> memref<512xf32, #tpu.memory_space<hbm>>
      %dma_wait3A_719 = tpu.memref_slice %arg4[%add3A_665] : memref<524288xf32, #tpu.memory_space<hbm>> -> memref<512xf32, #tpu.memory_space<hbm>>
      %dma_wait3A_720 = arith.constant 4608 : i32
      %dma_wait3A_721 = tpu.memref_slice %arg7[%dma_wait3A_720] : memref<16384xf32, #tpu.memory_space<vmem>> -> memref<512xf32, #tpu.memory_space<vmem>>
      tpu.wait_dma2 semaphore(%run_scoped3A : memref<!tpu.dma_semaphore, #tpu.memory_space<semaphore_mem>>) src(%dma_wait3A_721 : memref<512xf32, #tpu.memory_space<vmem>>) dst(%dma_wait3A_719 : memref<512xf32, #tpu.memory_space<hbm>>)
      tpu.yield
    }) : () -> ()
    %add3A_666 = arith.constant 163840 : i32
    %add3A_667 = arith.addi %add3A_666, %mul3A_2 : i32
    "tpu.region"() ({
      %run_scoped3A = tpu.sem_alloc : memref<!tpu.dma_semaphore, #tpu.memory_space<semaphore_mem>>
      %dma_start3A_710 = arith.constant 5120 : i32
      %dma_start3A_711 = tpu.memref_slice %arg7[%dma_start3A_710] : memref<16384xf32, #tpu.memory_space<vmem>> -> memref<512xf32, #tpu.memory_space<vmem>>
      %dma_start3A_712 = tpu.memref_slice %arg4[%add3A_667] : memref<524288xf32, #tpu.memory_space<hbm>> -> memref<512xf32, #tpu.memory_space<hbm>>
      %dma_start3A_713 = tpu.memref_slice %arg4[%add3A_667] : memref<524288xf32, #tpu.memory_space<hbm>> -> memref<512xf32, #tpu.memory_space<hbm>>
      %dma_start3A_714 = arith.constant 5120 : i32
      %dma_start3A_715 = tpu.memref_slice %arg7[%dma_start3A_714] : memref<16384xf32, #tpu.memory_space<vmem>> -> memref<512xf32, #tpu.memory_space<vmem>>
      tpu.enqueue_dma source(%dma_start3A_715 : memref<512xf32, #tpu.memory_space<vmem>>) target(%dma_start3A_713 : memref<512xf32, #tpu.memory_space<hbm>>) target_semaphore(%run_scoped3A : memref<!tpu.dma_semaphore, #tpu.memory_space<semaphore_mem>>)
      %dma_wait3A_716 = arith.constant 5120 : i32
      %dma_wait3A_717 = tpu.memref_slice %arg7[%dma_wait3A_716] : memref<16384xf32, #tpu.memory_space<vmem>> -> memref<512xf32, #tpu.memory_space<vmem>>
      %dma_wait3A_718 = tpu.memref_slice %arg4[%add3A_667] : memref<524288xf32, #tpu.memory_space<hbm>> -> memref<512xf32, #tpu.memory_space<hbm>>
      %dma_wait3A_719 = tpu.memref_slice %arg4[%add3A_667] : memref<524288xf32, #tpu.memory_space<hbm>> -> memref<512xf32, #tpu.memory_space<hbm>>
      %dma_wait3A_720 = arith.constant 5120 : i32
      %dma_wait3A_721 = tpu.memref_slice %arg7[%dma_wait3A_720] : memref<16384xf32, #tpu.memory_space<vmem>> -> memref<512xf32, #tpu.memory_space<vmem>>
      tpu.wait_dma2 semaphore(%run_scoped3A : memref<!tpu.dma_semaphore, #tpu.memory_space<semaphore_mem>>) src(%dma_wait3A_721 : memref<512xf32, #tpu.memory_space<vmem>>) dst(%dma_wait3A_719 : memref<512xf32, #tpu.memory_space<hbm>>)
      tpu.yield
    }) : () -> ()
    %add3A_668 = arith.constant 180224 : i32
    %add3A_669 = arith.addi %add3A_668, %mul3A_2 : i32
    "tpu.region"() ({
      %run_scoped3A = tpu.sem_alloc : memref<!tpu.dma_semaphore, #tpu.memory_space<semaphore_mem>>
      %dma_start3A_710 = arith.constant 5632 : i32
      %dma_start3A_711 = tpu.memref_slice %arg7[%dma_start3A_710] : memref<16384xf32, #tpu.memory_space<vmem>> -> memref<512xf32, #tpu.memory_space<vmem>>
      %dma_start3A_712 = tpu.memref_slice %arg4[%add3A_669] : memref<524288xf32, #tpu.memory_space<hbm>> -> memref<512xf32, #tpu.memory_space<hbm>>
      %dma_start3A_713 = tpu.memref_slice %arg4[%add3A_669] : memref<524288xf32, #tpu.memory_space<hbm>> -> memref<512xf32, #tpu.memory_space<hbm>>
      %dma_start3A_714 = arith.constant 5632 : i32
      %dma_start3A_715 = tpu.memref_slice %arg7[%dma_start3A_714] : memref<16384xf32, #tpu.memory_space<vmem>> -> memref<512xf32, #tpu.memory_space<vmem>>
      tpu.enqueue_dma source(%dma_start3A_715 : memref<512xf32, #tpu.memory_space<vmem>>) target(%dma_start3A_713 : memref<512xf32, #tpu.memory_space<hbm>>) target_semaphore(%run_scoped3A : memref<!tpu.dma_semaphore, #tpu.memory_space<semaphore_mem>>)
      %dma_wait3A_716 = arith.constant 5632 : i32
      %dma_wait3A_717 = tpu.memref_slice %arg7[%dma_wait3A_716] : memref<16384xf32, #tpu.memory_space<vmem>> -> memref<512xf32, #tpu.memory_space<vmem>>
      %dma_wait3A_718 = tpu.memref_slice %arg4[%add3A_669] : memref<524288xf32, #tpu.memory_space<hbm>> -> memref<512xf32, #tpu.memory_space<hbm>>
      %dma_wait3A_719 = tpu.memref_slice %arg4[%add3A_669] : memref<524288xf32, #tpu.memory_space<hbm>> -> memref<512xf32, #tpu.memory_space<hbm>>
      %dma_wait3A_720 = arith.constant 5632 : i32
      %dma_wait3A_721 = tpu.memref_slice %arg7[%dma_wait3A_720] : memref<16384xf32, #tpu.memory_space<vmem>> -> memref<512xf32, #tpu.memory_space<vmem>>
      tpu.wait_dma2 semaphore(%run_scoped3A : memref<!tpu.dma_semaphore, #tpu.memory_space<semaphore_mem>>) src(%dma_wait3A_721 : memref<512xf32, #tpu.memory_space<vmem>>) dst(%dma_wait3A_719 : memref<512xf32, #tpu.memory_space<hbm>>)
      tpu.yield
    }) : () -> ()
    %add3A_670 = arith.constant 196608 : i32
    %add3A_671 = arith.addi %add3A_670, %mul3A_2 : i32
    "tpu.region"() ({
      %run_scoped3A = tpu.sem_alloc : memref<!tpu.dma_semaphore, #tpu.memory_space<semaphore_mem>>
      %dma_start3A_710 = arith.constant 6144 : i32
      %dma_start3A_711 = tpu.memref_slice %arg7[%dma_start3A_710] : memref<16384xf32, #tpu.memory_space<vmem>> -> memref<512xf32, #tpu.memory_space<vmem>>
      %dma_start3A_712 = tpu.memref_slice %arg4[%add3A_671] : memref<524288xf32, #tpu.memory_space<hbm>> -> memref<512xf32, #tpu.memory_space<hbm>>
      %dma_start3A_713 = tpu.memref_slice %arg4[%add3A_671] : memref<524288xf32, #tpu.memory_space<hbm>> -> memref<512xf32, #tpu.memory_space<hbm>>
      %dma_start3A_714 = arith.constant 6144 : i32
      %dma_start3A_715 = tpu.memref_slice %arg7[%dma_start3A_714] : memref<16384xf32, #tpu.memory_space<vmem>> -> memref<512xf32, #tpu.memory_space<vmem>>
      tpu.enqueue_dma source(%dma_start3A_715 : memref<512xf32, #tpu.memory_space<vmem>>) target(%dma_start3A_713 : memref<512xf32, #tpu.memory_space<hbm>>) target_semaphore(%run_scoped3A : memref<!tpu.dma_semaphore, #tpu.memory_space<semaphore_mem>>)
      %dma_wait3A_716 = arith.constant 6144 : i32
      %dma_wait3A_717 = tpu.memref_slice %arg7[%dma_wait3A_716] : memref<16384xf32, #tpu.memory_space<vmem>> -> memref<512xf32, #tpu.memory_space<vmem>>
      %dma_wait3A_718 = tpu.memref_slice %arg4[%add3A_671] : memref<524288xf32, #tpu.memory_space<hbm>> -> memref<512xf32, #tpu.memory_space<hbm>>
      %dma_wait3A_719 = tpu.memref_slice %arg4[%add3A_671] : memref<524288xf32, #tpu.memory_space<hbm>> -> memref<512xf32, #tpu.memory_space<hbm>>
      %dma_wait3A_720 = arith.constant 6144 : i32
      %dma_wait3A_721 = tpu.memref_slice %arg7[%dma_wait3A_720] : memref<16384xf32, #tpu.memory_space<vmem>> -> memref<512xf32, #tpu.memory_space<vmem>>
      tpu.wait_dma2 semaphore(%run_scoped3A : memref<!tpu.dma_semaphore, #tpu.memory_space<semaphore_mem>>) src(%dma_wait3A_721 : memref<512xf32, #tpu.memory_space<vmem>>) dst(%dma_wait3A_719 : memref<512xf32, #tpu.memory_space<hbm>>)
      tpu.yield
    }) : () -> ()
    %add3A_672 = arith.constant 212992 : i32
    %add3A_673 = arith.addi %add3A_672, %mul3A_2 : i32
    "tpu.region"() ({
      %run_scoped3A = tpu.sem_alloc : memref<!tpu.dma_semaphore, #tpu.memory_space<semaphore_mem>>
      %dma_start3A_710 = arith.constant 6656 : i32
      %dma_start3A_711 = tpu.memref_slice %arg7[%dma_start3A_710] : memref<16384xf32, #tpu.memory_space<vmem>> -> memref<512xf32, #tpu.memory_space<vmem>>
      %dma_start3A_712 = tpu.memref_slice %arg4[%add3A_673] : memref<524288xf32, #tpu.memory_space<hbm>> -> memref<512xf32, #tpu.memory_space<hbm>>
      %dma_start3A_713 = tpu.memref_slice %arg4[%add3A_673] : memref<524288xf32, #tpu.memory_space<hbm>> -> memref<512xf32, #tpu.memory_space<hbm>>
      %dma_start3A_714 = arith.constant 6656 : i32
      %dma_start3A_715 = tpu.memref_slice %arg7[%dma_start3A_714] : memref<16384xf32, #tpu.memory_space<vmem>> -> memref<512xf32, #tpu.memory_space<vmem>>
      tpu.enqueue_dma source(%dma_start3A_715 : memref<512xf32, #tpu.memory_space<vmem>>) target(%dma_start3A_713 : memref<512xf32, #tpu.memory_space<hbm>>) target_semaphore(%run_scoped3A : memref<!tpu.dma_semaphore, #tpu.memory_space<semaphore_mem>>)
      %dma_wait3A_716 = arith.constant 6656 : i32
      %dma_wait3A_717 = tpu.memref_slice %arg7[%dma_wait3A_716] : memref<16384xf32, #tpu.memory_space<vmem>> -> memref<512xf32, #tpu.memory_space<vmem>>
      %dma_wait3A_718 = tpu.memref_slice %arg4[%add3A_673] : memref<524288xf32, #tpu.memory_space<hbm>> -> memref<512xf32, #tpu.memory_space<hbm>>
      %dma_wait3A_719 = tpu.memref_slice %arg4[%add3A_673] : memref<524288xf32, #tpu.memory_space<hbm>> -> memref<512xf32, #tpu.memory_space<hbm>>
      %dma_wait3A_720 = arith.constant 6656 : i32
      %dma_wait3A_721 = tpu.memref_slice %arg7[%dma_wait3A_720] : memref<16384xf32, #tpu.memory_space<vmem>> -> memref<512xf32, #tpu.memory_space<vmem>>
      tpu.wait_dma2 semaphore(%run_scoped3A : memref<!tpu.dma_semaphore, #tpu.memory_space<semaphore_mem>>) src(%dma_wait3A_721 : memref<512xf32, #tpu.memory_space<vmem>>) dst(%dma_wait3A_719 : memref<512xf32, #tpu.memory_space<hbm>>)
      tpu.yield
    }) : () -> ()
    %add3A_674 = arith.constant 229376 : i32
    %add3A_675 = arith.addi %add3A_674, %mul3A_2 : i32
    "tpu.region"() ({
      %run_scoped3A = tpu.sem_alloc : memref<!tpu.dma_semaphore, #tpu.memory_space<semaphore_mem>>
      %dma_start3A_710 = arith.constant 7168 : i32
      %dma_start3A_711 = tpu.memref_slice %arg7[%dma_start3A_710] : memref<16384xf32, #tpu.memory_space<vmem>> -> memref<512xf32, #tpu.memory_space<vmem>>
      %dma_start3A_712 = tpu.memref_slice %arg4[%add3A_675] : memref<524288xf32, #tpu.memory_space<hbm>> -> memref<512xf32, #tpu.memory_space<hbm>>
      %dma_start3A_713 = tpu.memref_slice %arg4[%add3A_675] : memref<524288xf32, #tpu.memory_space<hbm>> -> memref<512xf32, #tpu.memory_space<hbm>>
      %dma_start3A_714 = arith.constant 7168 : i32
      %dma_start3A_715 = tpu.memref_slice %arg7[%dma_start3A_714] : memref<16384xf32, #tpu.memory_space<vmem>> -> memref<512xf32, #tpu.memory_space<vmem>>
      tpu.enqueue_dma source(%dma_start3A_715 : memref<512xf32, #tpu.memory_space<vmem>>) target(%dma_start3A_713 : memref<512xf32, #tpu.memory_space<hbm>>) target_semaphore(%run_scoped3A : memref<!tpu.dma_semaphore, #tpu.memory_space<semaphore_mem>>)
      %dma_wait3A_716 = arith.constant 7168 : i32
      %dma_wait3A_717 = tpu.memref_slice %arg7[%dma_wait3A_716] : memref<16384xf32, #tpu.memory_space<vmem>> -> memref<512xf32, #tpu.memory_space<vmem>>
      %dma_wait3A_718 = tpu.memref_slice %arg4[%add3A_675] : memref<524288xf32, #tpu.memory_space<hbm>> -> memref<512xf32, #tpu.memory_space<hbm>>
      %dma_wait3A_719 = tpu.memref_slice %arg4[%add3A_675] : memref<524288xf32, #tpu.memory_space<hbm>> -> memref<512xf32, #tpu.memory_space<hbm>>
      %dma_wait3A_720 = arith.constant 7168 : i32
      %dma_wait3A_721 = tpu.memref_slice %arg7[%dma_wait3A_720] : memref<16384xf32, #tpu.memory_space<vmem>> -> memref<512xf32, #tpu.memory_space<vmem>>
      tpu.wait_dma2 semaphore(%run_scoped3A : memref<!tpu.dma_semaphore, #tpu.memory_space<semaphore_mem>>) src(%dma_wait3A_721 : memref<512xf32, #tpu.memory_space<vmem>>) dst(%dma_wait3A_719 : memref<512xf32, #tpu.memory_space<hbm>>)
      tpu.yield
    }) : () -> ()
    %add3A_676 = arith.constant 245760 : i32
    %add3A_677 = arith.addi %add3A_676, %mul3A_2 : i32
    "tpu.region"() ({
      %run_scoped3A = tpu.sem_alloc : memref<!tpu.dma_semaphore, #tpu.memory_space<semaphore_mem>>
      %dma_start3A_710 = arith.constant 7680 : i32
      %dma_start3A_711 = tpu.memref_slice %arg7[%dma_start3A_710] : memref<16384xf32, #tpu.memory_space<vmem>> -> memref<512xf32, #tpu.memory_space<vmem>>
      %dma_start3A_712 = tpu.memref_slice %arg4[%add3A_677] : memref<524288xf32, #tpu.memory_space<hbm>> -> memref<512xf32, #tpu.memory_space<hbm>>
      %dma_start3A_713 = tpu.memref_slice %arg4[%add3A_677] : memref<524288xf32, #tpu.memory_space<hbm>> -> memref<512xf32, #tpu.memory_space<hbm>>
      %dma_start3A_714 = arith.constant 7680 : i32
      %dma_start3A_715 = tpu.memref_slice %arg7[%dma_start3A_714] : memref<16384xf32, #tpu.memory_space<vmem>> -> memref<512xf32, #tpu.memory_space<vmem>>
      tpu.enqueue_dma source(%dma_start3A_715 : memref<512xf32, #tpu.memory_space<vmem>>) target(%dma_start3A_713 : memref<512xf32, #tpu.memory_space<hbm>>) target_semaphore(%run_scoped3A : memref<!tpu.dma_semaphore, #tpu.memory_space<semaphore_mem>>)
      %dma_wait3A_716 = arith.constant 7680 : i32
      %dma_wait3A_717 = tpu.memref_slice %arg7[%dma_wait3A_716] : memref<16384xf32, #tpu.memory_space<vmem>> -> memref<512xf32, #tpu.memory_space<vmem>>
      %dma_wait3A_718 = tpu.memref_slice %arg4[%add3A_677] : memref<524288xf32, #tpu.memory_space<hbm>> -> memref<512xf32, #tpu.memory_space<hbm>>
      %dma_wait3A_719 = tpu.memref_slice %arg4[%add3A_677] : memref<524288xf32, #tpu.memory_space<hbm>> -> memref<512xf32, #tpu.memory_space<hbm>>
      %dma_wait3A_720 = arith.constant 7680 : i32
      %dma_wait3A_721 = tpu.memref_slice %arg7[%dma_wait3A_720] : memref<16384xf32, #tpu.memory_space<vmem>> -> memref<512xf32, #tpu.memory_space<vmem>>
      tpu.wait_dma2 semaphore(%run_scoped3A : memref<!tpu.dma_semaphore, #tpu.memory_space<semaphore_mem>>) src(%dma_wait3A_721 : memref<512xf32, #tpu.memory_space<vmem>>) dst(%dma_wait3A_719 : memref<512xf32, #tpu.memory_space<hbm>>)
      tpu.yield
    }) : () -> ()
    %add3A_678 = arith.constant 262144 : i32
    %add3A_679 = arith.addi %add3A_678, %mul3A_2 : i32
    "tpu.region"() ({
      %run_scoped3A = tpu.sem_alloc : memref<!tpu.dma_semaphore, #tpu.memory_space<semaphore_mem>>
      %dma_start3A_710 = arith.constant 8192 : i32
      %dma_start3A_711 = tpu.memref_slice %arg7[%dma_start3A_710] : memref<16384xf32, #tpu.memory_space<vmem>> -> memref<512xf32, #tpu.memory_space<vmem>>
      %dma_start3A_712 = tpu.memref_slice %arg4[%add3A_679] : memref<524288xf32, #tpu.memory_space<hbm>> -> memref<512xf32, #tpu.memory_space<hbm>>
      %dma_start3A_713 = tpu.memref_slice %arg4[%add3A_679] : memref<524288xf32, #tpu.memory_space<hbm>> -> memref<512xf32, #tpu.memory_space<hbm>>
      %dma_start3A_714 = arith.constant 8192 : i32
      %dma_start3A_715 = tpu.memref_slice %arg7[%dma_start3A_714] : memref<16384xf32, #tpu.memory_space<vmem>> -> memref<512xf32, #tpu.memory_space<vmem>>
      tpu.enqueue_dma source(%dma_start3A_715 : memref<512xf32, #tpu.memory_space<vmem>>) target(%dma_start3A_713 : memref<512xf32, #tpu.memory_space<hbm>>) target_semaphore(%run_scoped3A : memref<!tpu.dma_semaphore, #tpu.memory_space<semaphore_mem>>)
      %dma_wait3A_716 = arith.constant 8192 : i32
      %dma_wait3A_717 = tpu.memref_slice %arg7[%dma_wait3A_716] : memref<16384xf32, #tpu.memory_space<vmem>> -> memref<512xf32, #tpu.memory_space<vmem>>
      %dma_wait3A_718 = tpu.memref_slice %arg4[%add3A_679] : memref<524288xf32, #tpu.memory_space<hbm>> -> memref<512xf32, #tpu.memory_space<hbm>>
      %dma_wait3A_719 = tpu.memref_slice %arg4[%add3A_679] : memref<524288xf32, #tpu.memory_space<hbm>> -> memref<512xf32, #tpu.memory_space<hbm>>
      %dma_wait3A_720 = arith.constant 8192 : i32
      %dma_wait3A_721 = tpu.memref_slice %arg7[%dma_wait3A_720] : memref<16384xf32, #tpu.memory_space<vmem>> -> memref<512xf32, #tpu.memory_space<vmem>>
      tpu.wait_dma2 semaphore(%run_scoped3A : memref<!tpu.dma_semaphore, #tpu.memory_space<semaphore_mem>>) src(%dma_wait3A_721 : memref<512xf32, #tpu.memory_space<vmem>>) dst(%dma_wait3A_719 : memref<512xf32, #tpu.memory_space<hbm>>)
      tpu.yield
    }) : () -> ()
    %add3A_680 = arith.constant 278528 : i32
    %add3A_681 = arith.addi %add3A_680, %mul3A_2 : i32
    "tpu.region"() ({
      %run_scoped3A = tpu.sem_alloc : memref<!tpu.dma_semaphore, #tpu.memory_space<semaphore_mem>>
      %dma_start3A_710 = arith.constant 8704 : i32
      %dma_start3A_711 = tpu.memref_slice %arg7[%dma_start3A_710] : memref<16384xf32, #tpu.memory_space<vmem>> -> memref<512xf32, #tpu.memory_space<vmem>>
      %dma_start3A_712 = tpu.memref_slice %arg4[%add3A_681] : memref<524288xf32, #tpu.memory_space<hbm>> -> memref<512xf32, #tpu.memory_space<hbm>>
      %dma_start3A_713 = tpu.memref_slice %arg4[%add3A_681] : memref<524288xf32, #tpu.memory_space<hbm>> -> memref<512xf32, #tpu.memory_space<hbm>>
      %dma_start3A_714 = arith.constant 8704 : i32
      %dma_start3A_715 = tpu.memref_slice %arg7[%dma_start3A_714] : memref<16384xf32, #tpu.memory_space<vmem>> -> memref<512xf32, #tpu.memory_space<vmem>>
      tpu.enqueue_dma source(%dma_start3A_715 : memref<512xf32, #tpu.memory_space<vmem>>) target(%dma_start3A_713 : memref<512xf32, #tpu.memory_space<hbm>>) target_semaphore(%run_scoped3A : memref<!tpu.dma_semaphore, #tpu.memory_space<semaphore_mem>>)
      %dma_wait3A_716 = arith.constant 8704 : i32
      %dma_wait3A_717 = tpu.memref_slice %arg7[%dma_wait3A_716] : memref<16384xf32, #tpu.memory_space<vmem>> -> memref<512xf32, #tpu.memory_space<vmem>>
      %dma_wait3A_718 = tpu.memref_slice %arg4[%add3A_681] : memref<524288xf32, #tpu.memory_space<hbm>> -> memref<512xf32, #tpu.memory_space<hbm>>
      %dma_wait3A_719 = tpu.memref_slice %arg4[%add3A_681] : memref<524288xf32, #tpu.memory_space<hbm>> -> memref<512xf32, #tpu.memory_space<hbm>>
      %dma_wait3A_720 = arith.constant 8704 : i32
      %dma_wait3A_721 = tpu.memref_slice %arg7[%dma_wait3A_720] : memref<16384xf32, #tpu.memory_space<vmem>> -> memref<512xf32, #tpu.memory_space<vmem>>
      tpu.wait_dma2 semaphore(%run_scoped3A : memref<!tpu.dma_semaphore, #tpu.memory_space<semaphore_mem>>) src(%dma_wait3A_721 : memref<512xf32, #tpu.memory_space<vmem>>) dst(%dma_wait3A_719 : memref<512xf32, #tpu.memory_space<hbm>>)
      tpu.yield
    }) : () -> ()
    %add3A_682 = arith.constant 294912 : i32
    %add3A_683 = arith.addi %add3A_682, %mul3A_2 : i32
    "tpu.region"() ({
      %run_scoped3A = tpu.sem_alloc : memref<!tpu.dma_semaphore, #tpu.memory_space<semaphore_mem>>
      %dma_start3A_710 = arith.constant 9216 : i32
      %dma_start3A_711 = tpu.memref_slice %arg7[%dma_start3A_710] : memref<16384xf32, #tpu.memory_space<vmem>> -> memref<512xf32, #tpu.memory_space<vmem>>
      %dma_start3A_712 = tpu.memref_slice %arg4[%add3A_683] : memref<524288xf32, #tpu.memory_space<hbm>> -> memref<512xf32, #tpu.memory_space<hbm>>
      %dma_start3A_713 = tpu.memref_slice %arg4[%add3A_683] : memref<524288xf32, #tpu.memory_space<hbm>> -> memref<512xf32, #tpu.memory_space<hbm>>
      %dma_start3A_714 = arith.constant 9216 : i32
      %dma_start3A_715 = tpu.memref_slice %arg7[%dma_start3A_714] : memref<16384xf32, #tpu.memory_space<vmem>> -> memref<512xf32, #tpu.memory_space<vmem>>
      tpu.enqueue_dma source(%dma_start3A_715 : memref<512xf32, #tpu.memory_space<vmem>>) target(%dma_start3A_713 : memref<512xf32, #tpu.memory_space<hbm>>) target_semaphore(%run_scoped3A : memref<!tpu.dma_semaphore, #tpu.memory_space<semaphore_mem>>)
      %dma_wait3A_716 = arith.constant 9216 : i32
      %dma_wait3A_717 = tpu.memref_slice %arg7[%dma_wait3A_716] : memref<16384xf32, #tpu.memory_space<vmem>> -> memref<512xf32, #tpu.memory_space<vmem>>
      %dma_wait3A_718 = tpu.memref_slice %arg4[%add3A_683] : memref<524288xf32, #tpu.memory_space<hbm>> -> memref<512xf32, #tpu.memory_space<hbm>>
      %dma_wait3A_719 = tpu.memref_slice %arg4[%add3A_683] : memref<524288xf32, #tpu.memory_space<hbm>> -> memref<512xf32, #tpu.memory_space<hbm>>
      %dma_wait3A_720 = arith.constant 9216 : i32
      %dma_wait3A_721 = tpu.memref_slice %arg7[%dma_wait3A_720] : memref<16384xf32, #tpu.memory_space<vmem>> -> memref<512xf32, #tpu.memory_space<vmem>>
      tpu.wait_dma2 semaphore(%run_scoped3A : memref<!tpu.dma_semaphore, #tpu.memory_space<semaphore_mem>>) src(%dma_wait3A_721 : memref<512xf32, #tpu.memory_space<vmem>>) dst(%dma_wait3A_719 : memref<512xf32, #tpu.memory_space<hbm>>)
      tpu.yield
    }) : () -> ()
    %add3A_684 = arith.constant 311296 : i32
    %add3A_685 = arith.addi %add3A_684, %mul3A_2 : i32
    "tpu.region"() ({
      %run_scoped3A = tpu.sem_alloc : memref<!tpu.dma_semaphore, #tpu.memory_space<semaphore_mem>>
      %dma_start3A_710 = arith.constant 9728 : i32
      %dma_start3A_711 = tpu.memref_slice %arg7[%dma_start3A_710] : memref<16384xf32, #tpu.memory_space<vmem>> -> memref<512xf32, #tpu.memory_space<vmem>>
      %dma_start3A_712 = tpu.memref_slice %arg4[%add3A_685] : memref<524288xf32, #tpu.memory_space<hbm>> -> memref<512xf32, #tpu.memory_space<hbm>>
      %dma_start3A_713 = tpu.memref_slice %arg4[%add3A_685] : memref<524288xf32, #tpu.memory_space<hbm>> -> memref<512xf32, #tpu.memory_space<hbm>>
      %dma_start3A_714 = arith.constant 9728 : i32
      %dma_start3A_715 = tpu.memref_slice %arg7[%dma_start3A_714] : memref<16384xf32, #tpu.memory_space<vmem>> -> memref<512xf32, #tpu.memory_space<vmem>>
      tpu.enqueue_dma source(%dma_start3A_715 : memref<512xf32, #tpu.memory_space<vmem>>) target(%dma_start3A_713 : memref<512xf32, #tpu.memory_space<hbm>>) target_semaphore(%run_scoped3A : memref<!tpu.dma_semaphore, #tpu.memory_space<semaphore_mem>>)
      %dma_wait3A_716 = arith.constant 9728 : i32
      %dma_wait3A_717 = tpu.memref_slice %arg7[%dma_wait3A_716] : memref<16384xf32, #tpu.memory_space<vmem>> -> memref<512xf32, #tpu.memory_space<vmem>>
      %dma_wait3A_718 = tpu.memref_slice %arg4[%add3A_685] : memref<524288xf32, #tpu.memory_space<hbm>> -> memref<512xf32, #tpu.memory_space<hbm>>
      %dma_wait3A_719 = tpu.memref_slice %arg4[%add3A_685] : memref<524288xf32, #tpu.memory_space<hbm>> -> memref<512xf32, #tpu.memory_space<hbm>>
      %dma_wait3A_720 = arith.constant 9728 : i32
      %dma_wait3A_721 = tpu.memref_slice %arg7[%dma_wait3A_720] : memref<16384xf32, #tpu.memory_space<vmem>> -> memref<512xf32, #tpu.memory_space<vmem>>
      tpu.wait_dma2 semaphore(%run_scoped3A : memref<!tpu.dma_semaphore, #tpu.memory_space<semaphore_mem>>) src(%dma_wait3A_721 : memref<512xf32, #tpu.memory_space<vmem>>) dst(%dma_wait3A_719 : memref<512xf32, #tpu.memory_space<hbm>>)
      tpu.yield
    }) : () -> ()
    %add3A_686 = arith.constant 327680 : i32
    %add3A_687 = arith.addi %add3A_686, %mul3A_2 : i32
    "tpu.region"() ({
      %run_scoped3A = tpu.sem_alloc : memref<!tpu.dma_semaphore, #tpu.memory_space<semaphore_mem>>
      %dma_start3A_710 = arith.constant 10240 : i32
      %dma_start3A_711 = tpu.memref_slice %arg7[%dma_start3A_710] : memref<16384xf32, #tpu.memory_space<vmem>> -> memref<512xf32, #tpu.memory_space<vmem>>
      %dma_start3A_712 = tpu.memref_slice %arg4[%add3A_687] : memref<524288xf32, #tpu.memory_space<hbm>> -> memref<512xf32, #tpu.memory_space<hbm>>
      %dma_start3A_713 = tpu.memref_slice %arg4[%add3A_687] : memref<524288xf32, #tpu.memory_space<hbm>> -> memref<512xf32, #tpu.memory_space<hbm>>
      %dma_start3A_714 = arith.constant 10240 : i32
      %dma_start3A_715 = tpu.memref_slice %arg7[%dma_start3A_714] : memref<16384xf32, #tpu.memory_space<vmem>> -> memref<512xf32, #tpu.memory_space<vmem>>
      tpu.enqueue_dma source(%dma_start3A_715 : memref<512xf32, #tpu.memory_space<vmem>>) target(%dma_start3A_713 : memref<512xf32, #tpu.memory_space<hbm>>) target_semaphore(%run_scoped3A : memref<!tpu.dma_semaphore, #tpu.memory_space<semaphore_mem>>)
      %dma_wait3A_716 = arith.constant 10240 : i32
      %dma_wait3A_717 = tpu.memref_slice %arg7[%dma_wait3A_716] : memref<16384xf32, #tpu.memory_space<vmem>> -> memref<512xf32, #tpu.memory_space<vmem>>
      %dma_wait3A_718 = tpu.memref_slice %arg4[%add3A_687] : memref<524288xf32, #tpu.memory_space<hbm>> -> memref<512xf32, #tpu.memory_space<hbm>>
      %dma_wait3A_719 = tpu.memref_slice %arg4[%add3A_687] : memref<524288xf32, #tpu.memory_space<hbm>> -> memref<512xf32, #tpu.memory_space<hbm>>
      %dma_wait3A_720 = arith.constant 10240 : i32
      %dma_wait3A_721 = tpu.memref_slice %arg7[%dma_wait3A_720] : memref<16384xf32, #tpu.memory_space<vmem>> -> memref<512xf32, #tpu.memory_space<vmem>>
      tpu.wait_dma2 semaphore(%run_scoped3A : memref<!tpu.dma_semaphore, #tpu.memory_space<semaphore_mem>>) src(%dma_wait3A_721 : memref<512xf32, #tpu.memory_space<vmem>>) dst(%dma_wait3A_719 : memref<512xf32, #tpu.memory_space<hbm>>)
      tpu.yield
    }) : () -> ()
    %add3A_688 = arith.constant 344064 : i32
    %add3A_689 = arith.addi %add3A_688, %mul3A_2 : i32
    "tpu.region"() ({
      %run_scoped3A = tpu.sem_alloc : memref<!tpu.dma_semaphore, #tpu.memory_space<semaphore_mem>>
      %dma_start3A_710 = arith.constant 10752 : i32
      %dma_start3A_711 = tpu.memref_slice %arg7[%dma_start3A_710] : memref<16384xf32, #tpu.memory_space<vmem>> -> memref<512xf32, #tpu.memory_space<vmem>>
      %dma_start3A_712 = tpu.memref_slice %arg4[%add3A_689] : memref<524288xf32, #tpu.memory_space<hbm>> -> memref<512xf32, #tpu.memory_space<hbm>>
      %dma_start3A_713 = tpu.memref_slice %arg4[%add3A_689] : memref<524288xf32, #tpu.memory_space<hbm>> -> memref<512xf32, #tpu.memory_space<hbm>>
      %dma_start3A_714 = arith.constant 10752 : i32
      %dma_start3A_715 = tpu.memref_slice %arg7[%dma_start3A_714] : memref<16384xf32, #tpu.memory_space<vmem>> -> memref<512xf32, #tpu.memory_space<vmem>>
      tpu.enqueue_dma source(%dma_start3A_715 : memref<512xf32, #tpu.memory_space<vmem>>) target(%dma_start3A_713 : memref<512xf32, #tpu.memory_space<hbm>>) target_semaphore(%run_scoped3A : memref<!tpu.dma_semaphore, #tpu.memory_space<semaphore_mem>>)
      %dma_wait3A_716 = arith.constant 10752 : i32
      %dma_wait3A_717 = tpu.memref_slice %arg7[%dma_wait3A_716] : memref<16384xf32, #tpu.memory_space<vmem>> -> memref<512xf32, #tpu.memory_space<vmem>>
      %dma_wait3A_718 = tpu.memref_slice %arg4[%add3A_689] : memref<524288xf32, #tpu.memory_space<hbm>> -> memref<512xf32, #tpu.memory_space<hbm>>
      %dma_wait3A_719 = tpu.memref_slice %arg4[%add3A_689] : memref<524288xf32, #tpu.memory_space<hbm>> -> memref<512xf32, #tpu.memory_space<hbm>>
      %dma_wait3A_720 = arith.constant 10752 : i32
      %dma_wait3A_721 = tpu.memref_slice %arg7[%dma_wait3A_720] : memref<16384xf32, #tpu.memory_space<vmem>> -> memref<512xf32, #tpu.memory_space<vmem>>
      tpu.wait_dma2 semaphore(%run_scoped3A : memref<!tpu.dma_semaphore, #tpu.memory_space<semaphore_mem>>) src(%dma_wait3A_721 : memref<512xf32, #tpu.memory_space<vmem>>) dst(%dma_wait3A_719 : memref<512xf32, #tpu.memory_space<hbm>>)
      tpu.yield
    }) : () -> ()
    %add3A_690 = arith.constant 360448 : i32
    %add3A_691 = arith.addi %add3A_690, %mul3A_2 : i32
    "tpu.region"() ({
      %run_scoped3A = tpu.sem_alloc : memref<!tpu.dma_semaphore, #tpu.memory_space<semaphore_mem>>
      %dma_start3A_710 = arith.constant 11264 : i32
      %dma_start3A_711 = tpu.memref_slice %arg7[%dma_start3A_710] : memref<16384xf32, #tpu.memory_space<vmem>> -> memref<512xf32, #tpu.memory_space<vmem>>
      %dma_start3A_712 = tpu.memref_slice %arg4[%add3A_691] : memref<524288xf32, #tpu.memory_space<hbm>> -> memref<512xf32, #tpu.memory_space<hbm>>
      %dma_start3A_713 = tpu.memref_slice %arg4[%add3A_691] : memref<524288xf32, #tpu.memory_space<hbm>> -> memref<512xf32, #tpu.memory_space<hbm>>
      %dma_start3A_714 = arith.constant 11264 : i32
      %dma_start3A_715 = tpu.memref_slice %arg7[%dma_start3A_714] : memref<16384xf32, #tpu.memory_space<vmem>> -> memref<512xf32, #tpu.memory_space<vmem>>
      tpu.enqueue_dma source(%dma_start3A_715 : memref<512xf32, #tpu.memory_space<vmem>>) target(%dma_start3A_713 : memref<512xf32, #tpu.memory_space<hbm>>) target_semaphore(%run_scoped3A : memref<!tpu.dma_semaphore, #tpu.memory_space<semaphore_mem>>)
      %dma_wait3A_716 = arith.constant 11264 : i32
      %dma_wait3A_717 = tpu.memref_slice %arg7[%dma_wait3A_716] : memref<16384xf32, #tpu.memory_space<vmem>> -> memref<512xf32, #tpu.memory_space<vmem>>
      %dma_wait3A_718 = tpu.memref_slice %arg4[%add3A_691] : memref<524288xf32, #tpu.memory_space<hbm>> -> memref<512xf32, #tpu.memory_space<hbm>>
      %dma_wait3A_719 = tpu.memref_slice %arg4[%add3A_691] : memref<524288xf32, #tpu.memory_space<hbm>> -> memref<512xf32, #tpu.memory_space<hbm>>
      %dma_wait3A_720 = arith.constant 11264 : i32
      %dma_wait3A_721 = tpu.memref_slice %arg7[%dma_wait3A_720] : memref<16384xf32, #tpu.memory_space<vmem>> -> memref<512xf32, #tpu.memory_space<vmem>>
      tpu.wait_dma2 semaphore(%run_scoped3A : memref<!tpu.dma_semaphore, #tpu.memory_space<semaphore_mem>>) src(%dma_wait3A_721 : memref<512xf32, #tpu.memory_space<vmem>>) dst(%dma_wait3A_719 : memref<512xf32, #tpu.memory_space<hbm>>)
      tpu.yield
    }) : () -> ()
    %add3A_692 = arith.constant 376832 : i32
    %add3A_693 = arith.addi %add3A_692, %mul3A_2 : i32
    "tpu.region"() ({
      %run_scoped3A = tpu.sem_alloc : memref<!tpu.dma_semaphore, #tpu.memory_space<semaphore_mem>>
      %dma_start3A_710 = arith.constant 11776 : i32
      %dma_start3A_711 = tpu.memref_slice %arg7[%dma_start3A_710] : memref<16384xf32, #tpu.memory_space<vmem>> -> memref<512xf32, #tpu.memory_space<vmem>>
      %dma_start3A_712 = tpu.memref_slice %arg4[%add3A_693] : memref<524288xf32, #tpu.memory_space<hbm>> -> memref<512xf32, #tpu.memory_space<hbm>>
      %dma_start3A_713 = tpu.memref_slice %arg4[%add3A_693] : memref<524288xf32, #tpu.memory_space<hbm>> -> memref<512xf32, #tpu.memory_space<hbm>>
      %dma_start3A_714 = arith.constant 11776 : i32
      %dma_start3A_715 = tpu.memref_slice %arg7[%dma_start3A_714] : memref<16384xf32, #tpu.memory_space<vmem>> -> memref<512xf32, #tpu.memory_space<vmem>>
      tpu.enqueue_dma source(%dma_start3A_715 : memref<512xf32, #tpu.memory_space<vmem>>) target(%dma_start3A_713 : memref<512xf32, #tpu.memory_space<hbm>>) target_semaphore(%run_scoped3A : memref<!tpu.dma_semaphore, #tpu.memory_space<semaphore_mem>>)
      %dma_wait3A_716 = arith.constant 11776 : i32
      %dma_wait3A_717 = tpu.memref_slice %arg7[%dma_wait3A_716] : memref<16384xf32, #tpu.memory_space<vmem>> -> memref<512xf32, #tpu.memory_space<vmem>>
      %dma_wait3A_718 = tpu.memref_slice %arg4[%add3A_693] : memref<524288xf32, #tpu.memory_space<hbm>> -> memref<512xf32, #tpu.memory_space<hbm>>
      %dma_wait3A_719 = tpu.memref_slice %arg4[%add3A_693] : memref<524288xf32, #tpu.memory_space<hbm>> -> memref<512xf32, #tpu.memory_space<hbm>>
      %dma_wait3A_720 = arith.constant 11776 : i32
      %dma_wait3A_721 = tpu.memref_slice %arg7[%dma_wait3A_720] : memref<16384xf32, #tpu.memory_space<vmem>> -> memref<512xf32, #tpu.memory_space<vmem>>
      tpu.wait_dma2 semaphore(%run_scoped3A : memref<!tpu.dma_semaphore, #tpu.memory_space<semaphore_mem>>) src(%dma_wait3A_721 : memref<512xf32, #tpu.memory_space<vmem>>) dst(%dma_wait3A_719 : memref<512xf32, #tpu.memory_space<hbm>>)
      tpu.yield
    }) : () -> ()
    %add3A_694 = arith.constant 393216 : i32
    %add3A_695 = arith.addi %add3A_694, %mul3A_2 : i32
    "tpu.region"() ({
      %run_scoped3A = tpu.sem_alloc : memref<!tpu.dma_semaphore, #tpu.memory_space<semaphore_mem>>
      %dma_start3A_710 = arith.constant 12288 : i32
      %dma_start3A_711 = tpu.memref_slice %arg7[%dma_start3A_710] : memref<16384xf32, #tpu.memory_space<vmem>> -> memref<512xf32, #tpu.memory_space<vmem>>
      %dma_start3A_712 = tpu.memref_slice %arg4[%add3A_695] : memref<524288xf32, #tpu.memory_space<hbm>> -> memref<512xf32, #tpu.memory_space<hbm>>
      %dma_start3A_713 = tpu.memref_slice %arg4[%add3A_695] : memref<524288xf32, #tpu.memory_space<hbm>> -> memref<512xf32, #tpu.memory_space<hbm>>
      %dma_start3A_714 = arith.constant 12288 : i32
      %dma_start3A_715 = tpu.memref_slice %arg7[%dma_start3A_714] : memref<16384xf32, #tpu.memory_space<vmem>> -> memref<512xf32, #tpu.memory_space<vmem>>
      tpu.enqueue_dma source(%dma_start3A_715 : memref<512xf32, #tpu.memory_space<vmem>>) target(%dma_start3A_713 : memref<512xf32, #tpu.memory_space<hbm>>) target_semaphore(%run_scoped3A : memref<!tpu.dma_semaphore, #tpu.memory_space<semaphore_mem>>)
      %dma_wait3A_716 = arith.constant 12288 : i32
      %dma_wait3A_717 = tpu.memref_slice %arg7[%dma_wait3A_716] : memref<16384xf32, #tpu.memory_space<vmem>> -> memref<512xf32, #tpu.memory_space<vmem>>
      %dma_wait3A_718 = tpu.memref_slice %arg4[%add3A_695] : memref<524288xf32, #tpu.memory_space<hbm>> -> memref<512xf32, #tpu.memory_space<hbm>>
      %dma_wait3A_719 = tpu.memref_slice %arg4[%add3A_695] : memref<524288xf32, #tpu.memory_space<hbm>> -> memref<512xf32, #tpu.memory_space<hbm>>
      %dma_wait3A_720 = arith.constant 12288 : i32
      %dma_wait3A_721 = tpu.memref_slice %arg7[%dma_wait3A_720] : memref<16384xf32, #tpu.memory_space<vmem>> -> memref<512xf32, #tpu.memory_space<vmem>>
      tpu.wait_dma2 semaphore(%run_scoped3A : memref<!tpu.dma_semaphore, #tpu.memory_space<semaphore_mem>>) src(%dma_wait3A_721 : memref<512xf32, #tpu.memory_space<vmem>>) dst(%dma_wait3A_719 : memref<512xf32, #tpu.memory_space<hbm>>)
      tpu.yield
    }) : () -> ()
    %add3A_696 = arith.constant 409600 : i32
    %add3A_697 = arith.addi %add3A_696, %mul3A_2 : i32
    "tpu.region"() ({
      %run_scoped3A = tpu.sem_alloc : memref<!tpu.dma_semaphore, #tpu.memory_space<semaphore_mem>>
      %dma_start3A_710 = arith.constant 12800 : i32
      %dma_start3A_711 = tpu.memref_slice %arg7[%dma_start3A_710] : memref<16384xf32, #tpu.memory_space<vmem>> -> memref<512xf32, #tpu.memory_space<vmem>>
      %dma_start3A_712 = tpu.memref_slice %arg4[%add3A_697] : memref<524288xf32, #tpu.memory_space<hbm>> -> memref<512xf32, #tpu.memory_space<hbm>>
      %dma_start3A_713 = tpu.memref_slice %arg4[%add3A_697] : memref<524288xf32, #tpu.memory_space<hbm>> -> memref<512xf32, #tpu.memory_space<hbm>>
      %dma_start3A_714 = arith.constant 12800 : i32
      %dma_start3A_715 = tpu.memref_slice %arg7[%dma_start3A_714] : memref<16384xf32, #tpu.memory_space<vmem>> -> memref<512xf32, #tpu.memory_space<vmem>>
      tpu.enqueue_dma source(%dma_start3A_715 : memref<512xf32, #tpu.memory_space<vmem>>) target(%dma_start3A_713 : memref<512xf32, #tpu.memory_space<hbm>>) target_semaphore(%run_scoped3A : memref<!tpu.dma_semaphore, #tpu.memory_space<semaphore_mem>>)
      %dma_wait3A_716 = arith.constant 12800 : i32
      %dma_wait3A_717 = tpu.memref_slice %arg7[%dma_wait3A_716] : memref<16384xf32, #tpu.memory_space<vmem>> -> memref<512xf32, #tpu.memory_space<vmem>>
      %dma_wait3A_718 = tpu.memref_slice %arg4[%add3A_697] : memref<524288xf32, #tpu.memory_space<hbm>> -> memref<512xf32, #tpu.memory_space<hbm>>
      %dma_wait3A_719 = tpu.memref_slice %arg4[%add3A_697] : memref<524288xf32, #tpu.memory_space<hbm>> -> memref<512xf32, #tpu.memory_space<hbm>>
      %dma_wait3A_720 = arith.constant 12800 : i32
      %dma_wait3A_721 = tpu.memref_slice %arg7[%dma_wait3A_720] : memref<16384xf32, #tpu.memory_space<vmem>> -> memref<512xf32, #tpu.memory_space<vmem>>
      tpu.wait_dma2 semaphore(%run_scoped3A : memref<!tpu.dma_semaphore, #tpu.memory_space<semaphore_mem>>) src(%dma_wait3A_721 : memref<512xf32, #tpu.memory_space<vmem>>) dst(%dma_wait3A_719 : memref<512xf32, #tpu.memory_space<hbm>>)
      tpu.yield
    }) : () -> ()
    %add3A_698 = arith.constant 425984 : i32
    %add3A_699 = arith.addi %add3A_698, %mul3A_2 : i32
    "tpu.region"() ({
      %run_scoped3A = tpu.sem_alloc : memref<!tpu.dma_semaphore, #tpu.memory_space<semaphore_mem>>
      %dma_start3A_710 = arith.constant 13312 : i32
      %dma_start3A_711 = tpu.memref_slice %arg7[%dma_start3A_710] : memref<16384xf32, #tpu.memory_space<vmem>> -> memref<512xf32, #tpu.memory_space<vmem>>
      %dma_start3A_712 = tpu.memref_slice %arg4[%add3A_699] : memref<524288xf32, #tpu.memory_space<hbm>> -> memref<512xf32, #tpu.memory_space<hbm>>
      %dma_start3A_713 = tpu.memref_slice %arg4[%add3A_699] : memref<524288xf32, #tpu.memory_space<hbm>> -> memref<512xf32, #tpu.memory_space<hbm>>
      %dma_start3A_714 = arith.constant 13312 : i32
      %dma_start3A_715 = tpu.memref_slice %arg7[%dma_start3A_714] : memref<16384xf32, #tpu.memory_space<vmem>> -> memref<512xf32, #tpu.memory_space<vmem>>
      tpu.enqueue_dma source(%dma_start3A_715 : memref<512xf32, #tpu.memory_space<vmem>>) target(%dma_start3A_713 : memref<512xf32, #tpu.memory_space<hbm>>) target_semaphore(%run_scoped3A : memref<!tpu.dma_semaphore, #tpu.memory_space<semaphore_mem>>)
      %dma_wait3A_716 = arith.constant 13312 : i32
      %dma_wait3A_717 = tpu.memref_slice %arg7[%dma_wait3A_716] : memref<16384xf32, #tpu.memory_space<vmem>> -> memref<512xf32, #tpu.memory_space<vmem>>
      %dma_wait3A_718 = tpu.memref_slice %arg4[%add3A_699] : memref<524288xf32, #tpu.memory_space<hbm>> -> memref<512xf32, #tpu.memory_space<hbm>>
      %dma_wait3A_719 = tpu.memref_slice %arg4[%add3A_699] : memref<524288xf32, #tpu.memory_space<hbm>> -> memref<512xf32, #tpu.memory_space<hbm>>
      %dma_wait3A_720 = arith.constant 13312 : i32
      %dma_wait3A_721 = tpu.memref_slice %arg7[%dma_wait3A_720] : memref<16384xf32, #tpu.memory_space<vmem>> -> memref<512xf32, #tpu.memory_space<vmem>>
      tpu.wait_dma2 semaphore(%run_scoped3A : memref<!tpu.dma_semaphore, #tpu.memory_space<semaphore_mem>>) src(%dma_wait3A_721 : memref<512xf32, #tpu.memory_space<vmem>>) dst(%dma_wait3A_719 : memref<512xf32, #tpu.memory_space<hbm>>)
      tpu.yield
    }) : () -> ()
    %add3A_700 = arith.constant 442368 : i32
    %add3A_701 = arith.addi %add3A_700, %mul3A_2 : i32
    "tpu.region"() ({
      %run_scoped3A = tpu.sem_alloc : memref<!tpu.dma_semaphore, #tpu.memory_space<semaphore_mem>>
      %dma_start3A_710 = arith.constant 13824 : i32
      %dma_start3A_711 = tpu.memref_slice %arg7[%dma_start3A_710] : memref<16384xf32, #tpu.memory_space<vmem>> -> memref<512xf32, #tpu.memory_space<vmem>>
      %dma_start3A_712 = tpu.memref_slice %arg4[%add3A_701] : memref<524288xf32, #tpu.memory_space<hbm>> -> memref<512xf32, #tpu.memory_space<hbm>>
      %dma_start3A_713 = tpu.memref_slice %arg4[%add3A_701] : memref<524288xf32, #tpu.memory_space<hbm>> -> memref<512xf32, #tpu.memory_space<hbm>>
      %dma_start3A_714 = arith.constant 13824 : i32
      %dma_start3A_715 = tpu.memref_slice %arg7[%dma_start3A_714] : memref<16384xf32, #tpu.memory_space<vmem>> -> memref<512xf32, #tpu.memory_space<vmem>>
      tpu.enqueue_dma source(%dma_start3A_715 : memref<512xf32, #tpu.memory_space<vmem>>) target(%dma_start3A_713 : memref<512xf32, #tpu.memory_space<hbm>>) target_semaphore(%run_scoped3A : memref<!tpu.dma_semaphore, #tpu.memory_space<semaphore_mem>>)
      %dma_wait3A_716 = arith.constant 13824 : i32
      %dma_wait3A_717 = tpu.memref_slice %arg7[%dma_wait3A_716] : memref<16384xf32, #tpu.memory_space<vmem>> -> memref<512xf32, #tpu.memory_space<vmem>>
      %dma_wait3A_718 = tpu.memref_slice %arg4[%add3A_701] : memref<524288xf32, #tpu.memory_space<hbm>> -> memref<512xf32, #tpu.memory_space<hbm>>
      %dma_wait3A_719 = tpu.memref_slice %arg4[%add3A_701] : memref<524288xf32, #tpu.memory_space<hbm>> -> memref<512xf32, #tpu.memory_space<hbm>>
      %dma_wait3A_720 = arith.constant 13824 : i32
      %dma_wait3A_721 = tpu.memref_slice %arg7[%dma_wait3A_720] : memref<16384xf32, #tpu.memory_space<vmem>> -> memref<512xf32, #tpu.memory_space<vmem>>
      tpu.wait_dma2 semaphore(%run_scoped3A : memref<!tpu.dma_semaphore, #tpu.memory_space<semaphore_mem>>) src(%dma_wait3A_721 : memref<512xf32, #tpu.memory_space<vmem>>) dst(%dma_wait3A_719 : memref<512xf32, #tpu.memory_space<hbm>>)
      tpu.yield
    }) : () -> ()
    %add3A_702 = arith.constant 458752 : i32
    %add3A_703 = arith.addi %add3A_702, %mul3A_2 : i32
    "tpu.region"() ({
      %run_scoped3A = tpu.sem_alloc : memref<!tpu.dma_semaphore, #tpu.memory_space<semaphore_mem>>
      %dma_start3A_710 = arith.constant 14336 : i32
      %dma_start3A_711 = tpu.memref_slice %arg7[%dma_start3A_710] : memref<16384xf32, #tpu.memory_space<vmem>> -> memref<512xf32, #tpu.memory_space<vmem>>
      %dma_start3A_712 = tpu.memref_slice %arg4[%add3A_703] : memref<524288xf32, #tpu.memory_space<hbm>> -> memref<512xf32, #tpu.memory_space<hbm>>
      %dma_start3A_713 = tpu.memref_slice %arg4[%add3A_703] : memref<524288xf32, #tpu.memory_space<hbm>> -> memref<512xf32, #tpu.memory_space<hbm>>
      %dma_start3A_714 = arith.constant 14336 : i32
      %dma_start3A_715 = tpu.memref_slice %arg7[%dma_start3A_714] : memref<16384xf32, #tpu.memory_space<vmem>> -> memref<512xf32, #tpu.memory_space<vmem>>
      tpu.enqueue_dma source(%dma_start3A_715 : memref<512xf32, #tpu.memory_space<vmem>>) target(%dma_start3A_713 : memref<512xf32, #tpu.memory_space<hbm>>) target_semaphore(%run_scoped3A : memref<!tpu.dma_semaphore, #tpu.memory_space<semaphore_mem>>)
      %dma_wait3A_716 = arith.constant 14336 : i32
      %dma_wait3A_717 = tpu.memref_slice %arg7[%dma_wait3A_716] : memref<16384xf32, #tpu.memory_space<vmem>> -> memref<512xf32, #tpu.memory_space<vmem>>
      %dma_wait3A_718 = tpu.memref_slice %arg4[%add3A_703] : memref<524288xf32, #tpu.memory_space<hbm>> -> memref<512xf32, #tpu.memory_space<hbm>>
      %dma_wait3A_719 = tpu.memref_slice %arg4[%add3A_703] : memref<524288xf32, #tpu.memory_space<hbm>> -> memref<512xf32, #tpu.memory_space<hbm>>
      %dma_wait3A_720 = arith.constant 14336 : i32
      %dma_wait3A_721 = tpu.memref_slice %arg7[%dma_wait3A_720] : memref<16384xf32, #tpu.memory_space<vmem>> -> memref<512xf32, #tpu.memory_space<vmem>>
      tpu.wait_dma2 semaphore(%run_scoped3A : memref<!tpu.dma_semaphore, #tpu.memory_space<semaphore_mem>>) src(%dma_wait3A_721 : memref<512xf32, #tpu.memory_space<vmem>>) dst(%dma_wait3A_719 : memref<512xf32, #tpu.memory_space<hbm>>)
      tpu.yield
    }) : () -> ()
    %add3A_704 = arith.constant 475136 : i32
    %add3A_705 = arith.addi %add3A_704, %mul3A_2 : i32
    "tpu.region"() ({
      %run_scoped3A = tpu.sem_alloc : memref<!tpu.dma_semaphore, #tpu.memory_space<semaphore_mem>>
      %dma_start3A_710 = arith.constant 14848 : i32
      %dma_start3A_711 = tpu.memref_slice %arg7[%dma_start3A_710] : memref<16384xf32, #tpu.memory_space<vmem>> -> memref<512xf32, #tpu.memory_space<vmem>>
      %dma_start3A_712 = tpu.memref_slice %arg4[%add3A_705] : memref<524288xf32, #tpu.memory_space<hbm>> -> memref<512xf32, #tpu.memory_space<hbm>>
      %dma_start3A_713 = tpu.memref_slice %arg4[%add3A_705] : memref<524288xf32, #tpu.memory_space<hbm>> -> memref<512xf32, #tpu.memory_space<hbm>>
      %dma_start3A_714 = arith.constant 14848 : i32
      %dma_start3A_715 = tpu.memref_slice %arg7[%dma_start3A_714] : memref<16384xf32, #tpu.memory_space<vmem>> -> memref<512xf32, #tpu.memory_space<vmem>>
      tpu.enqueue_dma source(%dma_start3A_715 : memref<512xf32, #tpu.memory_space<vmem>>) target(%dma_start3A_713 : memref<512xf32, #tpu.memory_space<hbm>>) target_semaphore(%run_scoped3A : memref<!tpu.dma_semaphore, #tpu.memory_space<semaphore_mem>>)
      %dma_wait3A_716 = arith.constant 14848 : i32
      %dma_wait3A_717 = tpu.memref_slice %arg7[%dma_wait3A_716] : memref<16384xf32, #tpu.memory_space<vmem>> -> memref<512xf32, #tpu.memory_space<vmem>>
      %dma_wait3A_718 = tpu.memref_slice %arg4[%add3A_705] : memref<524288xf32, #tpu.memory_space<hbm>> -> memref<512xf32, #tpu.memory_space<hbm>>
      %dma_wait3A_719 = tpu.memref_slice %arg4[%add3A_705] : memref<524288xf32, #tpu.memory_space<hbm>> -> memref<512xf32, #tpu.memory_space<hbm>>
      %dma_wait3A_720 = arith.constant 14848 : i32
      %dma_wait3A_721 = tpu.memref_slice %arg7[%dma_wait3A_720] : memref<16384xf32, #tpu.memory_space<vmem>> -> memref<512xf32, #tpu.memory_space<vmem>>
      tpu.wait_dma2 semaphore(%run_scoped3A : memref<!tpu.dma_semaphore, #tpu.memory_space<semaphore_mem>>) src(%dma_wait3A_721 : memref<512xf32, #tpu.memory_space<vmem>>) dst(%dma_wait3A_719 : memref<512xf32, #tpu.memory_space<hbm>>)
      tpu.yield
    }) : () -> ()
    %add3A_706 = arith.constant 491520 : i32
    %add3A_707 = arith.addi %add3A_706, %mul3A_2 : i32
    "tpu.region"() ({
      %run_scoped3A = tpu.sem_alloc : memref<!tpu.dma_semaphore, #tpu.memory_space<semaphore_mem>>
      %dma_start3A_710 = arith.constant 15360 : i32
      %dma_start3A_711 = tpu.memref_slice %arg7[%dma_start3A_710] : memref<16384xf32, #tpu.memory_space<vmem>> -> memref<512xf32, #tpu.memory_space<vmem>>
      %dma_start3A_712 = tpu.memref_slice %arg4[%add3A_707] : memref<524288xf32, #tpu.memory_space<hbm>> -> memref<512xf32, #tpu.memory_space<hbm>>
      %dma_start3A_713 = tpu.memref_slice %arg4[%add3A_707] : memref<524288xf32, #tpu.memory_space<hbm>> -> memref<512xf32, #tpu.memory_space<hbm>>
      %dma_start3A_714 = arith.constant 15360 : i32
      %dma_start3A_715 = tpu.memref_slice %arg7[%dma_start3A_714] : memref<16384xf32, #tpu.memory_space<vmem>> -> memref<512xf32, #tpu.memory_space<vmem>>
      tpu.enqueue_dma source(%dma_start3A_715 : memref<512xf32, #tpu.memory_space<vmem>>) target(%dma_start3A_713 : memref<512xf32, #tpu.memory_space<hbm>>) target_semaphore(%run_scoped3A : memref<!tpu.dma_semaphore, #tpu.memory_space<semaphore_mem>>)
      %dma_wait3A_716 = arith.constant 15360 : i32
      %dma_wait3A_717 = tpu.memref_slice %arg7[%dma_wait3A_716] : memref<16384xf32, #tpu.memory_space<vmem>> -> memref<512xf32, #tpu.memory_space<vmem>>
      %dma_wait3A_718 = tpu.memref_slice %arg4[%add3A_707] : memref<524288xf32, #tpu.memory_space<hbm>> -> memref<512xf32, #tpu.memory_space<hbm>>
      %dma_wait3A_719 = tpu.memref_slice %arg4[%add3A_707] : memref<524288xf32, #tpu.memory_space<hbm>> -> memref<512xf32, #tpu.memory_space<hbm>>
      %dma_wait3A_720 = arith.constant 15360 : i32
      %dma_wait3A_721 = tpu.memref_slice %arg7[%dma_wait3A_720] : memref<16384xf32, #tpu.memory_space<vmem>> -> memref<512xf32, #tpu.memory_space<vmem>>
      tpu.wait_dma2 semaphore(%run_scoped3A : memref<!tpu.dma_semaphore, #tpu.memory_space<semaphore_mem>>) src(%dma_wait3A_721 : memref<512xf32, #tpu.memory_space<vmem>>) dst(%dma_wait3A_719 : memref<512xf32, #tpu.memory_space<hbm>>)
      tpu.yield
    }) : () -> ()
    %add3A_708 = arith.constant 507904 : i32
    %add3A_709 = arith.addi %add3A_708, %mul3A_2 : i32
    "tpu.region"() ({
      %run_scoped3A = tpu.sem_alloc : memref<!tpu.dma_semaphore, #tpu.memory_space<semaphore_mem>>
      %dma_start3A_710 = arith.constant 15872 : i32
      %dma_start3A_711 = tpu.memref_slice %arg7[%dma_start3A_710] : memref<16384xf32, #tpu.memory_space<vmem>> -> memref<512xf32, #tpu.memory_space<vmem>>
      %dma_start3A_712 = tpu.memref_slice %arg4[%add3A_709] : memref<524288xf32, #tpu.memory_space<hbm>> -> memref<512xf32, #tpu.memory_space<hbm>>
      %dma_start3A_713 = tpu.memref_slice %arg4[%add3A_709] : memref<524288xf32, #tpu.memory_space<hbm>> -> memref<512xf32, #tpu.memory_space<hbm>>
      %dma_start3A_714 = arith.constant 15872 : i32
      %dma_start3A_715 = tpu.memref_slice %arg7[%dma_start3A_714] : memref<16384xf32, #tpu.memory_space<vmem>> -> memref<512xf32, #tpu.memory_space<vmem>>
      tpu.enqueue_dma source(%dma_start3A_715 : memref<512xf32, #tpu.memory_space<vmem>>) target(%dma_start3A_713 : memref<512xf32, #tpu.memory_space<hbm>>) target_semaphore(%run_scoped3A : memref<!tpu.dma_semaphore, #tpu.memory_space<semaphore_mem>>)
      %dma_wait3A_716 = arith.constant 15872 : i32
      %dma_wait3A_717 = tpu.memref_slice %arg7[%dma_wait3A_716] : memref<16384xf32, #tpu.memory_space<vmem>> -> memref<512xf32, #tpu.memory_space<vmem>>
      %dma_wait3A_718 = tpu.memref_slice %arg4[%add3A_709] : memref<524288xf32, #tpu.memory_space<hbm>> -> memref<512xf32, #tpu.memory_space<hbm>>
      %dma_wait3A_719 = tpu.memref_slice %arg4[%add3A_709] : memref<524288xf32, #tpu.memory_space<hbm>> -> memref<512xf32, #tpu.memory_space<hbm>>
      %dma_wait3A_720 = arith.constant 15872 : i32
      %dma_wait3A_721 = tpu.memref_slice %arg7[%dma_wait3A_720] : memref<16384xf32, #tpu.memory_space<vmem>> -> memref<512xf32, #tpu.memory_space<vmem>>
      tpu.wait_dma2 semaphore(%run_scoped3A : memref<!tpu.dma_semaphore, #tpu.memory_space<semaphore_mem>>) src(%dma_wait3A_721 : memref<512xf32, #tpu.memory_space<vmem>>) dst(%dma_wait3A_719 : memref<512xf32, #tpu.memory_space<hbm>>)
      tpu.yield
    }) : () -> ()
    return
  }
}

#map = affine_map<(d0, d1) -> (0)>
#map1 = affine_map<(d0, d1) -> (0, 0)>
module attributes {stable_mosaic.version = 14 : i64} {
  func.func @_sc_item_dot(%arg0: i32, %arg1: i32, %arg2: memref<16384xi32, #tpu.memory_space<hbm>>, %arg3: memref<524288xf32, #tpu.memory_space<hbm>>, %arg4: memref<4x8000512xf32, #tpu.memory_space<hbm>>, %arg5: memref<16384xf32, #tpu.memory_space<hbm>>, %arg6: memref<512xi32, #tpu.memory_space<vmem>>, %arg7: memref<512xi32, #tpu.memory_space<vmem>>, %arg8: memref<16384xf32, #tpu.memory_space<vmem>>, %arg9: memref<16384xf32, #tpu.memory_space<vmem>>, %arg10: memref<512xf32, #tpu.memory_space<vmem>>, %arg11: memref<!tpu.dma_semaphore, #tpu.memory_space<semaphore_mem>>) attributes {dimension_semantics = [#tpu.dimension_semantics<core_parallel>, #tpu.dimension_semantics<subcore_parallel>], iteration_bounds = array<i64: 2, 16>, scalar_prefetch = 0 : i64, scratch_operands = 6 : i64, tpu.core_type = #tpu.core_type<sc_vector_subcore>, window_params = [{transform_indices = #map}, {transform_indices = #map}, {transform_indices = #map1}, {transform_indices = #map}]} {
    %mul3A = arith.constant 2 : i32
    %mul3A_0 = arith.muli %arg1, %mul3A : i32
    %add3A = arith.addi %mul3A_0, %arg0 : i32
    %mul3A_1 = arith.constant 512 : i32
    %mul3A_2 = arith.muli %add3A, %mul3A_1 : i32
    "tpu.region"() ({
      %run_scoped3A = tpu.sem_alloc : memref<!tpu.dma_semaphore, #tpu.memory_space<semaphore_mem>>
      %dma_start3A_716 = tpu.memref_slice %arg2[%mul3A_2] : memref<16384xi32, #tpu.memory_space<hbm>> -> memref<512xi32, #tpu.memory_space<hbm>>
      %dma_start3A_717 = tpu.memref_slice %arg2[%mul3A_2] : memref<16384xi32, #tpu.memory_space<hbm>> -> memref<512xi32, #tpu.memory_space<hbm>>
      tpu.enqueue_dma source(%dma_start3A_717 : memref<512xi32, #tpu.memory_space<hbm>>) target(%arg6 : memref<512xi32, #tpu.memory_space<vmem>>) target_semaphore(%run_scoped3A : memref<!tpu.dma_semaphore, #tpu.memory_space<semaphore_mem>>)
      %dma_wait3A_718 = tpu.memref_slice %arg2[%mul3A_2] : memref<16384xi32, #tpu.memory_space<hbm>> -> memref<512xi32, #tpu.memory_space<hbm>>
      %dma_wait3A_719 = tpu.memref_slice %arg2[%mul3A_2] : memref<16384xi32, #tpu.memory_space<hbm>> -> memref<512xi32, #tpu.memory_space<hbm>>
      tpu.wait_dma2 semaphore(%run_scoped3A : memref<!tpu.dma_semaphore, #tpu.memory_space<semaphore_mem>>) src(%dma_wait3A_719 : memref<512xi32, #tpu.memory_space<hbm>>) dst(%arg6 : memref<512xi32, #tpu.memory_space<vmem>>)
      tpu.yield
    }) : () -> ()
    %scan3A = arith.constant 0 : i32
    %scan3A_3 = arith.constant 0 : i32
    %scan3A_4 = arith.constant 32 : i32
    %scan3A_5 = arith.addi %scan3A_3, %scan3A_4 : i32
    %scan3A_6 = arith.constant 1 : i32
    scf.for %scan3A_716 = %scan3A_3 to %scan3A_5 step %scan3A_6  : i32 {
      %mul3A_717 = arith.constant 16 : i32
      %mul3A_718 = arith.muli %scan3A_716, %mul3A_717 : i32
      %get3A = arith.index_cast %mul3A_718 : i32 to index
      %get3A_719 = tpu.vector_load %arg6[%get3A] {strides = array<i32>} : memref<512xi32, #tpu.memory_space<vmem>>, vector<16xi32>,
      %shift_right_arithmetic3A = arith.constant 7 : i32
      %shift_right_arithmetic3A_720 = vector.broadcast %shift_right_arithmetic3A : i32 to vector<16xi32>
      %shift_right_arithmetic3A_721 = arith.shrsi %get3A_719, %shift_right_arithmetic3A_720 : vector<16xi32>
      %mul3A_722 = arith.constant 1024 : i32
      %mul3A_723 = vector.broadcast %mul3A_722 : i32 to vector<16xi32>
      %mul3A_724 = arith.muli %shift_right_arithmetic3A_721, %mul3A_723 : vector<16xi32>
      %and3A = arith.constant 127 : i32
      %and3A_725 = vector.broadcast %and3A : i32 to vector<16xi32>
      %and3A_726 = arith.andi %get3A_719, %and3A_725 : vector<16xi32>
      %add3A_727 = arith.addi %mul3A_724, %and3A_726 : vector<16xi32>
      %mul3A_728 = arith.constant 16 : i32
      %mul3A_729 = arith.muli %scan3A_716, %mul3A_728 : i32
      %swap3A = arith.index_cast %mul3A_729 : i32 to index
      %swap3A_730 = tpu.vector_load %arg7[%swap3A] {strides = array<i32>} : memref<512xi32, #tpu.memory_space<vmem>>, vector<16xi32>,
      tpu.vector_store %arg7[%swap3A], %add3A_727 {strides = array<i32>} : memref<512xi32, #tpu.memory_space<vmem>>, vector<16xi32>,
    }
    %scan3A_7 = arith.constant 32 : i32
    %dma_start3A = arith.constant 0 : i32
    %dma_start3A_8 = arith.constant 0 : i32
    %dma_start3A_9 = tpu.memref_slice %arg9[%dma_start3A_8] : memref<16384xf32, #tpu.memory_space<vmem>> -> memref<512xf32, #tpu.memory_space<vmem>>
    %dma_start3A_10 = arith.constant 0 : i32
    %dma_start3A_11 = tpu.memref_slice %arg4[%dma_start3A, %dma_start3A_10] : memref<4x8000512xf32, #tpu.memory_space<hbm>> -> memref<1x8000512xf32, #tpu.memory_space<hbm>>
    %dma_start3A_12 = tpu.memref_squeeze %dma_start3A_11 : memref<1x8000512xf32, #tpu.memory_space<hbm>> -> memref<8000512xf32, #tpu.memory_space<hbm>>
    %dma_start3A_13 = arith.constant 0 : i32
    %dma_start3A_14 = tpu.memref_slice %dma_start3A_12[%dma_start3A_13] : memref<8000512xf32, #tpu.memory_space<hbm>> -> memref<8000512xf32, #tpu.memory_space<hbm>>
    %dma_start3A_15 = arith.constant 0 : i32
    %dma_start3A_16 = tpu.memref_slice %dma_start3A_14[%dma_start3A_15] : memref<8000512xf32, #tpu.memory_space<hbm>> -> memref<8000512xf32, #tpu.memory_space<hbm>>
    tpu.enqueue_indirect_dma source(%dma_start3A_16 : memref<8000512xf32, #tpu.memory_space<hbm>>) target(%dma_start3A_9 : memref<512xf32, #tpu.memory_space<vmem>>) offsets(%arg7 : memref<512xi32, #tpu.memory_space<vmem>>) semaphore(%arg11 : memref<!tpu.dma_semaphore, #tpu.memory_space<semaphore_mem>>)
    %dma_start3A_17 = arith.constant 0 : i32
    %dma_start3A_18 = arith.constant 512 : i32
    %dma_start3A_19 = tpu.memref_slice %arg9[%dma_start3A_18] : memref<16384xf32, #tpu.memory_space<vmem>> -> memref<512xf32, #tpu.memory_space<vmem>>
    %dma_start3A_20 = arith.constant 0 : i32
    %dma_start3A_21 = tpu.memref_slice %arg4[%dma_start3A_17, %dma_start3A_20] : memref<4x8000512xf32, #tpu.memory_space<hbm>> -> memref<1x8000512xf32, #tpu.memory_space<hbm>>
    %dma_start3A_22 = tpu.memref_squeeze %dma_start3A_21 : memref<1x8000512xf32, #tpu.memory_space<hbm>> -> memref<8000512xf32, #tpu.memory_space<hbm>>
    %dma_start3A_23 = arith.constant 128 : i32
    %dma_start3A_24 = tpu.memref_slice %dma_start3A_22[%dma_start3A_23] : memref<8000512xf32, #tpu.memory_space<hbm>> -> memref<8000384xf32, #tpu.memory_space<hbm>>
    %dma_start3A_25 = arith.constant 0 : i32
    %dma_start3A_26 = tpu.memref_slice %dma_start3A_24[%dma_start3A_25] : memref<8000384xf32, #tpu.memory_space<hbm>> -> memref<8000384xf32, #tpu.memory_space<hbm>>
    tpu.enqueue_indirect_dma source(%dma_start3A_26 : memref<8000384xf32, #tpu.memory_space<hbm>>) target(%dma_start3A_19 : memref<512xf32, #tpu.memory_space<vmem>>) offsets(%arg7 : memref<512xi32, #tpu.memory_space<vmem>>) semaphore(%arg11 : memref<!tpu.dma_semaphore, #tpu.memory_space<semaphore_mem>>)
    %dma_start3A_27 = arith.constant 0 : i32
    %dma_start3A_28 = arith.constant 1024 : i32
    %dma_start3A_29 = tpu.memref_slice %arg9[%dma_start3A_28] : memref<16384xf32, #tpu.memory_space<vmem>> -> memref<512xf32, #tpu.memory_space<vmem>>
    %dma_start3A_30 = arith.constant 0 : i32
    %dma_start3A_31 = tpu.memref_slice %arg4[%dma_start3A_27, %dma_start3A_30] : memref<4x8000512xf32, #tpu.memory_space<hbm>> -> memref<1x8000512xf32, #tpu.memory_space<hbm>>
    %dma_start3A_32 = tpu.memref_squeeze %dma_start3A_31 : memref<1x8000512xf32, #tpu.memory_space<hbm>> -> memref<8000512xf32, #tpu.memory_space<hbm>>
    %dma_start3A_33 = arith.constant 256 : i32
    %dma_start3A_34 = tpu.memref_slice %dma_start3A_32[%dma_start3A_33] : memref<8000512xf32, #tpu.memory_space<hbm>> -> memref<8000256xf32, #tpu.memory_space<hbm>>
    %dma_start3A_35 = arith.constant 0 : i32
    %dma_start3A_36 = tpu.memref_slice %dma_start3A_34[%dma_start3A_35] : memref<8000256xf32, #tpu.memory_space<hbm>> -> memref<8000256xf32, #tpu.memory_space<hbm>>
    tpu.enqueue_indirect_dma source(%dma_start3A_36 : memref<8000256xf32, #tpu.memory_space<hbm>>) target(%dma_start3A_29 : memref<512xf32, #tpu.memory_space<vmem>>) offsets(%arg7 : memref<512xi32, #tpu.memory_space<vmem>>) semaphore(%arg11 : memref<!tpu.dma_semaphore, #tpu.memory_space<semaphore_mem>>)
    %dma_start3A_37 = arith.constant 0 : i32
    %dma_start3A_38 = arith.constant 1536 : i32
    %dma_start3A_39 = tpu.memref_slice %arg9[%dma_start3A_38] : memref<16384xf32, #tpu.memory_space<vmem>> -> memref<512xf32, #tpu.memory_space<vmem>>
    %dma_start3A_40 = arith.constant 0 : i32
    %dma_start3A_41 = tpu.memref_slice %arg4[%dma_start3A_37, %dma_start3A_40] : memref<4x8000512xf32, #tpu.memory_space<hbm>> -> memref<1x8000512xf32, #tpu.memory_space<hbm>>
    %dma_start3A_42 = tpu.memref_squeeze %dma_start3A_41 : memref<1x8000512xf32, #tpu.memory_space<hbm>> -> memref<8000512xf32, #tpu.memory_space<hbm>>
    %dma_start3A_43 = arith.constant 384 : i32
    %dma_start3A_44 = tpu.memref_slice %dma_start3A_42[%dma_start3A_43] : memref<8000512xf32, #tpu.memory_space<hbm>> -> memref<8000128xf32, #tpu.memory_space<hbm>>
    %dma_start3A_45 = arith.constant 0 : i32
    %dma_start3A_46 = tpu.memref_slice %dma_start3A_44[%dma_start3A_45] : memref<8000128xf32, #tpu.memory_space<hbm>> -> memref<8000128xf32, #tpu.memory_space<hbm>>
    tpu.enqueue_indirect_dma source(%dma_start3A_46 : memref<8000128xf32, #tpu.memory_space<hbm>>) target(%dma_start3A_39 : memref<512xf32, #tpu.memory_space<vmem>>) offsets(%arg7 : memref<512xi32, #tpu.memory_space<vmem>>) semaphore(%arg11 : memref<!tpu.dma_semaphore, #tpu.memory_space<semaphore_mem>>)
    %dma_start3A_47 = arith.constant 0 : i32
    %dma_start3A_48 = arith.constant 2048 : i32
    %dma_start3A_49 = tpu.memref_slice %arg9[%dma_start3A_48] : memref<16384xf32, #tpu.memory_space<vmem>> -> memref<512xf32, #tpu.memory_space<vmem>>
    %dma_start3A_50 = arith.constant 0 : i32
    %dma_start3A_51 = tpu.memref_slice %arg4[%dma_start3A_47, %dma_start3A_50] : memref<4x8000512xf32, #tpu.memory_space<hbm>> -> memref<1x8000512xf32, #tpu.memory_space<hbm>>
    %dma_start3A_52 = tpu.memref_squeeze %dma_start3A_51 : memref<1x8000512xf32, #tpu.memory_space<hbm>> -> memref<8000512xf32, #tpu.memory_space<hbm>>
    %dma_start3A_53 = arith.constant 512 : i32
    %dma_start3A_54 = tpu.memref_slice %dma_start3A_52[%dma_start3A_53] : memref<8000512xf32, #tpu.memory_space<hbm>> -> memref<8000000xf32, #tpu.memory_space<hbm>>
    %dma_start3A_55 = arith.constant 0 : i32
    %dma_start3A_56 = tpu.memref_slice %dma_start3A_54[%dma_start3A_55] : memref<8000000xf32, #tpu.memory_space<hbm>> -> memref<8000000xf32, #tpu.memory_space<hbm>>
    tpu.enqueue_indirect_dma source(%dma_start3A_56 : memref<8000000xf32, #tpu.memory_space<hbm>>) target(%dma_start3A_49 : memref<512xf32, #tpu.memory_space<vmem>>) offsets(%arg7 : memref<512xi32, #tpu.memory_space<vmem>>) semaphore(%arg11 : memref<!tpu.dma_semaphore, #tpu.memory_space<semaphore_mem>>)
    %dma_start3A_57 = arith.constant 0 : i32
    %dma_start3A_58 = arith.constant 2560 : i32
    %dma_start3A_59 = tpu.memref_slice %arg9[%dma_start3A_58] : memref<16384xf32, #tpu.memory_space<vmem>> -> memref<512xf32, #tpu.memory_space<vmem>>
    %dma_start3A_60 = arith.constant 0 : i32
    %dma_start3A_61 = tpu.memref_slice %arg4[%dma_start3A_57, %dma_start3A_60] : memref<4x8000512xf32, #tpu.memory_space<hbm>> -> memref<1x8000512xf32, #tpu.memory_space<hbm>>
    %dma_start3A_62 = tpu.memref_squeeze %dma_start3A_61 : memref<1x8000512xf32, #tpu.memory_space<hbm>> -> memref<8000512xf32, #tpu.memory_space<hbm>>
    %dma_start3A_63 = arith.constant 640 : i32
    %dma_start3A_64 = tpu.memref_slice %dma_start3A_62[%dma_start3A_63] : memref<8000512xf32, #tpu.memory_space<hbm>> -> memref<7999872xf32, #tpu.memory_space<hbm>>
    %dma_start3A_65 = arith.constant 0 : i32
    %dma_start3A_66 = tpu.memref_slice %dma_start3A_64[%dma_start3A_65] : memref<7999872xf32, #tpu.memory_space<hbm>> -> memref<7999872xf32, #tpu.memory_space<hbm>>
    tpu.enqueue_indirect_dma source(%dma_start3A_66 : memref<7999872xf32, #tpu.memory_space<hbm>>) target(%dma_start3A_59 : memref<512xf32, #tpu.memory_space<vmem>>) offsets(%arg7 : memref<512xi32, #tpu.memory_space<vmem>>) semaphore(%arg11 : memref<!tpu.dma_semaphore, #tpu.memory_space<semaphore_mem>>)
    %dma_start3A_67 = arith.constant 0 : i32
    %dma_start3A_68 = arith.constant 3072 : i32
    %dma_start3A_69 = tpu.memref_slice %arg9[%dma_start3A_68] : memref<16384xf32, #tpu.memory_space<vmem>> -> memref<512xf32, #tpu.memory_space<vmem>>
    %dma_start3A_70 = arith.constant 0 : i32
    %dma_start3A_71 = tpu.memref_slice %arg4[%dma_start3A_67, %dma_start3A_70] : memref<4x8000512xf32, #tpu.memory_space<hbm>> -> memref<1x8000512xf32, #tpu.memory_space<hbm>>
    %dma_start3A_72 = tpu.memref_squeeze %dma_start3A_71 : memref<1x8000512xf32, #tpu.memory_space<hbm>> -> memref<8000512xf32, #tpu.memory_space<hbm>>
    %dma_start3A_73 = arith.constant 768 : i32
    %dma_start3A_74 = tpu.memref_slice %dma_start3A_72[%dma_start3A_73] : memref<8000512xf32, #tpu.memory_space<hbm>> -> memref<7999744xf32, #tpu.memory_space<hbm>>
    %dma_start3A_75 = arith.constant 0 : i32
    %dma_start3A_76 = tpu.memref_slice %dma_start3A_74[%dma_start3A_75] : memref<7999744xf32, #tpu.memory_space<hbm>> -> memref<7999744xf32, #tpu.memory_space<hbm>>
    tpu.enqueue_indirect_dma source(%dma_start3A_76 : memref<7999744xf32, #tpu.memory_space<hbm>>) target(%dma_start3A_69 : memref<512xf32, #tpu.memory_space<vmem>>) offsets(%arg7 : memref<512xi32, #tpu.memory_space<vmem>>) semaphore(%arg11 : memref<!tpu.dma_semaphore, #tpu.memory_space<semaphore_mem>>)
    %dma_start3A_77 = arith.constant 0 : i32
    %dma_start3A_78 = arith.constant 3584 : i32
    %dma_start3A_79 = tpu.memref_slice %arg9[%dma_start3A_78] : memref<16384xf32, #tpu.memory_space<vmem>> -> memref<512xf32, #tpu.memory_space<vmem>>
    %dma_start3A_80 = arith.constant 0 : i32
    %dma_start3A_81 = tpu.memref_slice %arg4[%dma_start3A_77, %dma_start3A_80] : memref<4x8000512xf32, #tpu.memory_space<hbm>> -> memref<1x8000512xf32, #tpu.memory_space<hbm>>
    %dma_start3A_82 = tpu.memref_squeeze %dma_start3A_81 : memref<1x8000512xf32, #tpu.memory_space<hbm>> -> memref<8000512xf32, #tpu.memory_space<hbm>>
    %dma_start3A_83 = arith.constant 896 : i32
    %dma_start3A_84 = tpu.memref_slice %dma_start3A_82[%dma_start3A_83] : memref<8000512xf32, #tpu.memory_space<hbm>> -> memref<7999616xf32, #tpu.memory_space<hbm>>
    %dma_start3A_85 = arith.constant 0 : i32
    %dma_start3A_86 = tpu.memref_slice %dma_start3A_84[%dma_start3A_85] : memref<7999616xf32, #tpu.memory_space<hbm>> -> memref<7999616xf32, #tpu.memory_space<hbm>>
    tpu.enqueue_indirect_dma source(%dma_start3A_86 : memref<7999616xf32, #tpu.memory_space<hbm>>) target(%dma_start3A_79 : memref<512xf32, #tpu.memory_space<vmem>>) offsets(%arg7 : memref<512xi32, #tpu.memory_space<vmem>>) semaphore(%arg11 : memref<!tpu.dma_semaphore, #tpu.memory_space<semaphore_mem>>)
    %dma_start3A_87 = arith.constant 1 : i32
    %dma_start3A_88 = arith.constant 4096 : i32
    %dma_start3A_89 = tpu.memref_slice %arg9[%dma_start3A_88] : memref<16384xf32, #tpu.memory_space<vmem>> -> memref<512xf32, #tpu.memory_space<vmem>>
    %dma_start3A_90 = arith.constant 0 : i32
    %dma_start3A_91 = tpu.memref_slice %arg4[%dma_start3A_87, %dma_start3A_90] : memref<4x8000512xf32, #tpu.memory_space<hbm>> -> memref<1x8000512xf32, #tpu.memory_space<hbm>>
    %dma_start3A_92 = tpu.memref_squeeze %dma_start3A_91 : memref<1x8000512xf32, #tpu.memory_space<hbm>> -> memref<8000512xf32, #tpu.memory_space<hbm>>
    %dma_start3A_93 = arith.constant 0 : i32
    %dma_start3A_94 = tpu.memref_slice %dma_start3A_92[%dma_start3A_93] : memref<8000512xf32, #tpu.memory_space<hbm>> -> memref<8000512xf32, #tpu.memory_space<hbm>>
    %dma_start3A_95 = arith.constant 0 : i32
    %dma_start3A_96 = tpu.memref_slice %dma_start3A_94[%dma_start3A_95] : memref<8000512xf32, #tpu.memory_space<hbm>> -> memref<8000512xf32, #tpu.memory_space<hbm>>
    tpu.enqueue_indirect_dma source(%dma_start3A_96 : memref<8000512xf32, #tpu.memory_space<hbm>>) target(%dma_start3A_89 : memref<512xf32, #tpu.memory_space<vmem>>) offsets(%arg7 : memref<512xi32, #tpu.memory_space<vmem>>) semaphore(%arg11 : memref<!tpu.dma_semaphore, #tpu.memory_space<semaphore_mem>>)
    %dma_start3A_97 = arith.constant 1 : i32
    %dma_start3A_98 = arith.constant 4608 : i32
    %dma_start3A_99 = tpu.memref_slice %arg9[%dma_start3A_98] : memref<16384xf32, #tpu.memory_space<vmem>> -> memref<512xf32, #tpu.memory_space<vmem>>
    %dma_start3A_100 = arith.constant 0 : i32
    %dma_start3A_101 = tpu.memref_slice %arg4[%dma_start3A_97, %dma_start3A_100] : memref<4x8000512xf32, #tpu.memory_space<hbm>> -> memref<1x8000512xf32, #tpu.memory_space<hbm>>
    %dma_start3A_102 = tpu.memref_squeeze %dma_start3A_101 : memref<1x8000512xf32, #tpu.memory_space<hbm>> -> memref<8000512xf32, #tpu.memory_space<hbm>>
    %dma_start3A_103 = arith.constant 128 : i32
    %dma_start3A_104 = tpu.memref_slice %dma_start3A_102[%dma_start3A_103] : memref<8000512xf32, #tpu.memory_space<hbm>> -> memref<8000384xf32, #tpu.memory_space<hbm>>
    %dma_start3A_105 = arith.constant 0 : i32
    %dma_start3A_106 = tpu.memref_slice %dma_start3A_104[%dma_start3A_105] : memref<8000384xf32, #tpu.memory_space<hbm>> -> memref<8000384xf32, #tpu.memory_space<hbm>>
    tpu.enqueue_indirect_dma source(%dma_start3A_106 : memref<8000384xf32, #tpu.memory_space<hbm>>) target(%dma_start3A_99 : memref<512xf32, #tpu.memory_space<vmem>>) offsets(%arg7 : memref<512xi32, #tpu.memory_space<vmem>>) semaphore(%arg11 : memref<!tpu.dma_semaphore, #tpu.memory_space<semaphore_mem>>)
    %dma_start3A_107 = arith.constant 1 : i32
    %dma_start3A_108 = arith.constant 5120 : i32
    %dma_start3A_109 = tpu.memref_slice %arg9[%dma_start3A_108] : memref<16384xf32, #tpu.memory_space<vmem>> -> memref<512xf32, #tpu.memory_space<vmem>>
    %dma_start3A_110 = arith.constant 0 : i32
    %dma_start3A_111 = tpu.memref_slice %arg4[%dma_start3A_107, %dma_start3A_110] : memref<4x8000512xf32, #tpu.memory_space<hbm>> -> memref<1x8000512xf32, #tpu.memory_space<hbm>>
    %dma_start3A_112 = tpu.memref_squeeze %dma_start3A_111 : memref<1x8000512xf32, #tpu.memory_space<hbm>> -> memref<8000512xf32, #tpu.memory_space<hbm>>
    %dma_start3A_113 = arith.constant 256 : i32
    %dma_start3A_114 = tpu.memref_slice %dma_start3A_112[%dma_start3A_113] : memref<8000512xf32, #tpu.memory_space<hbm>> -> memref<8000256xf32, #tpu.memory_space<hbm>>
    %dma_start3A_115 = arith.constant 0 : i32
    %dma_start3A_116 = tpu.memref_slice %dma_start3A_114[%dma_start3A_115] : memref<8000256xf32, #tpu.memory_space<hbm>> -> memref<8000256xf32, #tpu.memory_space<hbm>>
    tpu.enqueue_indirect_dma source(%dma_start3A_116 : memref<8000256xf32, #tpu.memory_space<hbm>>) target(%dma_start3A_109 : memref<512xf32, #tpu.memory_space<vmem>>) offsets(%arg7 : memref<512xi32, #tpu.memory_space<vmem>>) semaphore(%arg11 : memref<!tpu.dma_semaphore, #tpu.memory_space<semaphore_mem>>)
    %dma_start3A_117 = arith.constant 1 : i32
    %dma_start3A_118 = arith.constant 5632 : i32
    %dma_start3A_119 = tpu.memref_slice %arg9[%dma_start3A_118] : memref<16384xf32, #tpu.memory_space<vmem>> -> memref<512xf32, #tpu.memory_space<vmem>>
    %dma_start3A_120 = arith.constant 0 : i32
    %dma_start3A_121 = tpu.memref_slice %arg4[%dma_start3A_117, %dma_start3A_120] : memref<4x8000512xf32, #tpu.memory_space<hbm>> -> memref<1x8000512xf32, #tpu.memory_space<hbm>>
    %dma_start3A_122 = tpu.memref_squeeze %dma_start3A_121 : memref<1x8000512xf32, #tpu.memory_space<hbm>> -> memref<8000512xf32, #tpu.memory_space<hbm>>
    %dma_start3A_123 = arith.constant 384 : i32
    %dma_start3A_124 = tpu.memref_slice %dma_start3A_122[%dma_start3A_123] : memref<8000512xf32, #tpu.memory_space<hbm>> -> memref<8000128xf32, #tpu.memory_space<hbm>>
    %dma_start3A_125 = arith.constant 0 : i32
    %dma_start3A_126 = tpu.memref_slice %dma_start3A_124[%dma_start3A_125] : memref<8000128xf32, #tpu.memory_space<hbm>> -> memref<8000128xf32, #tpu.memory_space<hbm>>
    tpu.enqueue_indirect_dma source(%dma_start3A_126 : memref<8000128xf32, #tpu.memory_space<hbm>>) target(%dma_start3A_119 : memref<512xf32, #tpu.memory_space<vmem>>) offsets(%arg7 : memref<512xi32, #tpu.memory_space<vmem>>) semaphore(%arg11 : memref<!tpu.dma_semaphore, #tpu.memory_space<semaphore_mem>>)
    %dma_start3A_127 = arith.constant 1 : i32
    %dma_start3A_128 = arith.constant 6144 : i32
    %dma_start3A_129 = tpu.memref_slice %arg9[%dma_start3A_128] : memref<16384xf32, #tpu.memory_space<vmem>> -> memref<512xf32, #tpu.memory_space<vmem>>
    %dma_start3A_130 = arith.constant 0 : i32
    %dma_start3A_131 = tpu.memref_slice %arg4[%dma_start3A_127, %dma_start3A_130] : memref<4x8000512xf32, #tpu.memory_space<hbm>> -> memref<1x8000512xf32, #tpu.memory_space<hbm>>
    %dma_start3A_132 = tpu.memref_squeeze %dma_start3A_131 : memref<1x8000512xf32, #tpu.memory_space<hbm>> -> memref<8000512xf32, #tpu.memory_space<hbm>>
    %dma_start3A_133 = arith.constant 512 : i32
    %dma_start3A_134 = tpu.memref_slice %dma_start3A_132[%dma_start3A_133] : memref<8000512xf32, #tpu.memory_space<hbm>> -> memref<8000000xf32, #tpu.memory_space<hbm>>
    %dma_start3A_135 = arith.constant 0 : i32
    %dma_start3A_136 = tpu.memref_slice %dma_start3A_134[%dma_start3A_135] : memref<8000000xf32, #tpu.memory_space<hbm>> -> memref<8000000xf32, #tpu.memory_space<hbm>>
    tpu.enqueue_indirect_dma source(%dma_start3A_136 : memref<8000000xf32, #tpu.memory_space<hbm>>) target(%dma_start3A_129 : memref<512xf32, #tpu.memory_space<vmem>>) offsets(%arg7 : memref<512xi32, #tpu.memory_space<vmem>>) semaphore(%arg11 : memref<!tpu.dma_semaphore, #tpu.memory_space<semaphore_mem>>)
    %dma_start3A_137 = arith.constant 1 : i32
    %dma_start3A_138 = arith.constant 6656 : i32
    %dma_start3A_139 = tpu.memref_slice %arg9[%dma_start3A_138] : memref<16384xf32, #tpu.memory_space<vmem>> -> memref<512xf32, #tpu.memory_space<vmem>>
    %dma_start3A_140 = arith.constant 0 : i32
    %dma_start3A_141 = tpu.memref_slice %arg4[%dma_start3A_137, %dma_start3A_140] : memref<4x8000512xf32, #tpu.memory_space<hbm>> -> memref<1x8000512xf32, #tpu.memory_space<hbm>>
    %dma_start3A_142 = tpu.memref_squeeze %dma_start3A_141 : memref<1x8000512xf32, #tpu.memory_space<hbm>> -> memref<8000512xf32, #tpu.memory_space<hbm>>
    %dma_start3A_143 = arith.constant 640 : i32
    %dma_start3A_144 = tpu.memref_slice %dma_start3A_142[%dma_start3A_143] : memref<8000512xf32, #tpu.memory_space<hbm>> -> memref<7999872xf32, #tpu.memory_space<hbm>>
    %dma_start3A_145 = arith.constant 0 : i32
    %dma_start3A_146 = tpu.memref_slice %dma_start3A_144[%dma_start3A_145] : memref<7999872xf32, #tpu.memory_space<hbm>> -> memref<7999872xf32, #tpu.memory_space<hbm>>
    tpu.enqueue_indirect_dma source(%dma_start3A_146 : memref<7999872xf32, #tpu.memory_space<hbm>>) target(%dma_start3A_139 : memref<512xf32, #tpu.memory_space<vmem>>) offsets(%arg7 : memref<512xi32, #tpu.memory_space<vmem>>) semaphore(%arg11 : memref<!tpu.dma_semaphore, #tpu.memory_space<semaphore_mem>>)
    %dma_start3A_147 = arith.constant 1 : i32
    %dma_start3A_148 = arith.constant 7168 : i32
    %dma_start3A_149 = tpu.memref_slice %arg9[%dma_start3A_148] : memref<16384xf32, #tpu.memory_space<vmem>> -> memref<512xf32, #tpu.memory_space<vmem>>
    %dma_start3A_150 = arith.constant 0 : i32
    %dma_start3A_151 = tpu.memref_slice %arg4[%dma_start3A_147, %dma_start3A_150] : memref<4x8000512xf32, #tpu.memory_space<hbm>> -> memref<1x8000512xf32, #tpu.memory_space<hbm>>
    %dma_start3A_152 = tpu.memref_squeeze %dma_start3A_151 : memref<1x8000512xf32, #tpu.memory_space<hbm>> -> memref<8000512xf32, #tpu.memory_space<hbm>>
    %dma_start3A_153 = arith.constant 768 : i32
    %dma_start3A_154 = tpu.memref_slice %dma_start3A_152[%dma_start3A_153] : memref<8000512xf32, #tpu.memory_space<hbm>> -> memref<7999744xf32, #tpu.memory_space<hbm>>
    %dma_start3A_155 = arith.constant 0 : i32
    %dma_start3A_156 = tpu.memref_slice %dma_start3A_154[%dma_start3A_155] : memref<7999744xf32, #tpu.memory_space<hbm>> -> memref<7999744xf32, #tpu.memory_space<hbm>>
    tpu.enqueue_indirect_dma source(%dma_start3A_156 : memref<7999744xf32, #tpu.memory_space<hbm>>) target(%dma_start3A_149 : memref<512xf32, #tpu.memory_space<vmem>>) offsets(%arg7 : memref<512xi32, #tpu.memory_space<vmem>>) semaphore(%arg11 : memref<!tpu.dma_semaphore, #tpu.memory_space<semaphore_mem>>)
    %dma_start3A_157 = arith.constant 1 : i32
    %dma_start3A_158 = arith.constant 7680 : i32
    %dma_start3A_159 = tpu.memref_slice %arg9[%dma_start3A_158] : memref<16384xf32, #tpu.memory_space<vmem>> -> memref<512xf32, #tpu.memory_space<vmem>>
    %dma_start3A_160 = arith.constant 0 : i32
    %dma_start3A_161 = tpu.memref_slice %arg4[%dma_start3A_157, %dma_start3A_160] : memref<4x8000512xf32, #tpu.memory_space<hbm>> -> memref<1x8000512xf32, #tpu.memory_space<hbm>>
    %dma_start3A_162 = tpu.memref_squeeze %dma_start3A_161 : memref<1x8000512xf32, #tpu.memory_space<hbm>> -> memref<8000512xf32, #tpu.memory_space<hbm>>
    %dma_start3A_163 = arith.constant 896 : i32
    %dma_start3A_164 = tpu.memref_slice %dma_start3A_162[%dma_start3A_163] : memref<8000512xf32, #tpu.memory_space<hbm>> -> memref<7999616xf32, #tpu.memory_space<hbm>>
    %dma_start3A_165 = arith.constant 0 : i32
    %dma_start3A_166 = tpu.memref_slice %dma_start3A_164[%dma_start3A_165] : memref<7999616xf32, #tpu.memory_space<hbm>> -> memref<7999616xf32, #tpu.memory_space<hbm>>
    tpu.enqueue_indirect_dma source(%dma_start3A_166 : memref<7999616xf32, #tpu.memory_space<hbm>>) target(%dma_start3A_159 : memref<512xf32, #tpu.memory_space<vmem>>) offsets(%arg7 : memref<512xi32, #tpu.memory_space<vmem>>) semaphore(%arg11 : memref<!tpu.dma_semaphore, #tpu.memory_space<semaphore_mem>>)
    %dma_start3A_167 = arith.constant 2 : i32
    %dma_start3A_168 = arith.constant 8192 : i32
    %dma_start3A_169 = tpu.memref_slice %arg9[%dma_start3A_168] : memref<16384xf32, #tpu.memory_space<vmem>> -> memref<512xf32, #tpu.memory_space<vmem>>
    %dma_start3A_170 = arith.constant 0 : i32
    %dma_start3A_171 = tpu.memref_slice %arg4[%dma_start3A_167, %dma_start3A_170] : memref<4x8000512xf32, #tpu.memory_space<hbm>> -> memref<1x8000512xf32, #tpu.memory_space<hbm>>
    %dma_start3A_172 = tpu.memref_squeeze %dma_start3A_171 : memref<1x8000512xf32, #tpu.memory_space<hbm>> -> memref<8000512xf32, #tpu.memory_space<hbm>>
    %dma_start3A_173 = arith.constant 0 : i32
    %dma_start3A_174 = tpu.memref_slice %dma_start3A_172[%dma_start3A_173] : memref<8000512xf32, #tpu.memory_space<hbm>> -> memref<8000512xf32, #tpu.memory_space<hbm>>
    %dma_start3A_175 = arith.constant 0 : i32
    %dma_start3A_176 = tpu.memref_slice %dma_start3A_174[%dma_start3A_175] : memref<8000512xf32, #tpu.memory_space<hbm>> -> memref<8000512xf32, #tpu.memory_space<hbm>>
    tpu.enqueue_indirect_dma source(%dma_start3A_176 : memref<8000512xf32, #tpu.memory_space<hbm>>) target(%dma_start3A_169 : memref<512xf32, #tpu.memory_space<vmem>>) offsets(%arg7 : memref<512xi32, #tpu.memory_space<vmem>>) semaphore(%arg11 : memref<!tpu.dma_semaphore, #tpu.memory_space<semaphore_mem>>)
    %dma_start3A_177 = arith.constant 2 : i32
    %dma_start3A_178 = arith.constant 8704 : i32
    %dma_start3A_179 = tpu.memref_slice %arg9[%dma_start3A_178] : memref<16384xf32, #tpu.memory_space<vmem>> -> memref<512xf32, #tpu.memory_space<vmem>>
    %dma_start3A_180 = arith.constant 0 : i32
    %dma_start3A_181 = tpu.memref_slice %arg4[%dma_start3A_177, %dma_start3A_180] : memref<4x8000512xf32, #tpu.memory_space<hbm>> -> memref<1x8000512xf32, #tpu.memory_space<hbm>>
    %dma_start3A_182 = tpu.memref_squeeze %dma_start3A_181 : memref<1x8000512xf32, #tpu.memory_space<hbm>> -> memref<8000512xf32, #tpu.memory_space<hbm>>
    %dma_start3A_183 = arith.constant 128 : i32
    %dma_start3A_184 = tpu.memref_slice %dma_start3A_182[%dma_start3A_183] : memref<8000512xf32, #tpu.memory_space<hbm>> -> memref<8000384xf32, #tpu.memory_space<hbm>>
    %dma_start3A_185 = arith.constant 0 : i32
    %dma_start3A_186 = tpu.memref_slice %dma_start3A_184[%dma_start3A_185] : memref<8000384xf32, #tpu.memory_space<hbm>> -> memref<8000384xf32, #tpu.memory_space<hbm>>
    tpu.enqueue_indirect_dma source(%dma_start3A_186 : memref<8000384xf32, #tpu.memory_space<hbm>>) target(%dma_start3A_179 : memref<512xf32, #tpu.memory_space<vmem>>) offsets(%arg7 : memref<512xi32, #tpu.memory_space<vmem>>) semaphore(%arg11 : memref<!tpu.dma_semaphore, #tpu.memory_space<semaphore_mem>>)
    %dma_start3A_187 = arith.constant 2 : i32
    %dma_start3A_188 = arith.constant 9216 : i32
    %dma_start3A_189 = tpu.memref_slice %arg9[%dma_start3A_188] : memref<16384xf32, #tpu.memory_space<vmem>> -> memref<512xf32, #tpu.memory_space<vmem>>
    %dma_start3A_190 = arith.constant 0 : i32
    %dma_start3A_191 = tpu.memref_slice %arg4[%dma_start3A_187, %dma_start3A_190] : memref<4x8000512xf32, #tpu.memory_space<hbm>> -> memref<1x8000512xf32, #tpu.memory_space<hbm>>
    %dma_start3A_192 = tpu.memref_squeeze %dma_start3A_191 : memref<1x8000512xf32, #tpu.memory_space<hbm>> -> memref<8000512xf32, #tpu.memory_space<hbm>>
    %dma_start3A_193 = arith.constant 256 : i32
    %dma_start3A_194 = tpu.memref_slice %dma_start3A_192[%dma_start3A_193] : memref<8000512xf32, #tpu.memory_space<hbm>> -> memref<8000256xf32, #tpu.memory_space<hbm>>
    %dma_start3A_195 = arith.constant 0 : i32
    %dma_start3A_196 = tpu.memref_slice %dma_start3A_194[%dma_start3A_195] : memref<8000256xf32, #tpu.memory_space<hbm>> -> memref<8000256xf32, #tpu.memory_space<hbm>>
    tpu.enqueue_indirect_dma source(%dma_start3A_196 : memref<8000256xf32, #tpu.memory_space<hbm>>) target(%dma_start3A_189 : memref<512xf32, #tpu.memory_space<vmem>>) offsets(%arg7 : memref<512xi32, #tpu.memory_space<vmem>>) semaphore(%arg11 : memref<!tpu.dma_semaphore, #tpu.memory_space<semaphore_mem>>)
    %dma_start3A_197 = arith.constant 2 : i32
    %dma_start3A_198 = arith.constant 9728 : i32
    %dma_start3A_199 = tpu.memref_slice %arg9[%dma_start3A_198] : memref<16384xf32, #tpu.memory_space<vmem>> -> memref<512xf32, #tpu.memory_space<vmem>>
    %dma_start3A_200 = arith.constant 0 : i32
    %dma_start3A_201 = tpu.memref_slice %arg4[%dma_start3A_197, %dma_start3A_200] : memref<4x8000512xf32, #tpu.memory_space<hbm>> -> memref<1x8000512xf32, #tpu.memory_space<hbm>>
    %dma_start3A_202 = tpu.memref_squeeze %dma_start3A_201 : memref<1x8000512xf32, #tpu.memory_space<hbm>> -> memref<8000512xf32, #tpu.memory_space<hbm>>
    %dma_start3A_203 = arith.constant 384 : i32
    %dma_start3A_204 = tpu.memref_slice %dma_start3A_202[%dma_start3A_203] : memref<8000512xf32, #tpu.memory_space<hbm>> -> memref<8000128xf32, #tpu.memory_space<hbm>>
    %dma_start3A_205 = arith.constant 0 : i32
    %dma_start3A_206 = tpu.memref_slice %dma_start3A_204[%dma_start3A_205] : memref<8000128xf32, #tpu.memory_space<hbm>> -> memref<8000128xf32, #tpu.memory_space<hbm>>
    tpu.enqueue_indirect_dma source(%dma_start3A_206 : memref<8000128xf32, #tpu.memory_space<hbm>>) target(%dma_start3A_199 : memref<512xf32, #tpu.memory_space<vmem>>) offsets(%arg7 : memref<512xi32, #tpu.memory_space<vmem>>) semaphore(%arg11 : memref<!tpu.dma_semaphore, #tpu.memory_space<semaphore_mem>>)
    %dma_start3A_207 = arith.constant 2 : i32
    %dma_start3A_208 = arith.constant 10240 : i32
    %dma_start3A_209 = tpu.memref_slice %arg9[%dma_start3A_208] : memref<16384xf32, #tpu.memory_space<vmem>> -> memref<512xf32, #tpu.memory_space<vmem>>
    %dma_start3A_210 = arith.constant 0 : i32
    %dma_start3A_211 = tpu.memref_slice %arg4[%dma_start3A_207, %dma_start3A_210] : memref<4x8000512xf32, #tpu.memory_space<hbm>> -> memref<1x8000512xf32, #tpu.memory_space<hbm>>
    %dma_start3A_212 = tpu.memref_squeeze %dma_start3A_211 : memref<1x8000512xf32, #tpu.memory_space<hbm>> -> memref<8000512xf32, #tpu.memory_space<hbm>>
    %dma_start3A_213 = arith.constant 512 : i32
    %dma_start3A_214 = tpu.memref_slice %dma_start3A_212[%dma_start3A_213] : memref<8000512xf32, #tpu.memory_space<hbm>> -> memref<8000000xf32, #tpu.memory_space<hbm>>
    %dma_start3A_215 = arith.constant 0 : i32
    %dma_start3A_216 = tpu.memref_slice %dma_start3A_214[%dma_start3A_215] : memref<8000000xf32, #tpu.memory_space<hbm>> -> memref<8000000xf32, #tpu.memory_space<hbm>>
    tpu.enqueue_indirect_dma source(%dma_start3A_216 : memref<8000000xf32, #tpu.memory_space<hbm>>) target(%dma_start3A_209 : memref<512xf32, #tpu.memory_space<vmem>>) offsets(%arg7 : memref<512xi32, #tpu.memory_space<vmem>>) semaphore(%arg11 : memref<!tpu.dma_semaphore, #tpu.memory_space<semaphore_mem>>)
    %dma_start3A_217 = arith.constant 2 : i32
    %dma_start3A_218 = arith.constant 10752 : i32
    %dma_start3A_219 = tpu.memref_slice %arg9[%dma_start3A_218] : memref<16384xf32, #tpu.memory_space<vmem>> -> memref<512xf32, #tpu.memory_space<vmem>>
    %dma_start3A_220 = arith.constant 0 : i32
    %dma_start3A_221 = tpu.memref_slice %arg4[%dma_start3A_217, %dma_start3A_220] : memref<4x8000512xf32, #tpu.memory_space<hbm>> -> memref<1x8000512xf32, #tpu.memory_space<hbm>>
    %dma_start3A_222 = tpu.memref_squeeze %dma_start3A_221 : memref<1x8000512xf32, #tpu.memory_space<hbm>> -> memref<8000512xf32, #tpu.memory_space<hbm>>
    %dma_start3A_223 = arith.constant 640 : i32
    %dma_start3A_224 = tpu.memref_slice %dma_start3A_222[%dma_start3A_223] : memref<8000512xf32, #tpu.memory_space<hbm>> -> memref<7999872xf32, #tpu.memory_space<hbm>>
    %dma_start3A_225 = arith.constant 0 : i32
    %dma_start3A_226 = tpu.memref_slice %dma_start3A_224[%dma_start3A_225] : memref<7999872xf32, #tpu.memory_space<hbm>> -> memref<7999872xf32, #tpu.memory_space<hbm>>
    tpu.enqueue_indirect_dma source(%dma_start3A_226 : memref<7999872xf32, #tpu.memory_space<hbm>>) target(%dma_start3A_219 : memref<512xf32, #tpu.memory_space<vmem>>) offsets(%arg7 : memref<512xi32, #tpu.memory_space<vmem>>) semaphore(%arg11 : memref<!tpu.dma_semaphore, #tpu.memory_space<semaphore_mem>>)
    %dma_start3A_227 = arith.constant 2 : i32
    %dma_start3A_228 = arith.constant 11264 : i32
    %dma_start3A_229 = tpu.memref_slice %arg9[%dma_start3A_228] : memref<16384xf32, #tpu.memory_space<vmem>> -> memref<512xf32, #tpu.memory_space<vmem>>
    %dma_start3A_230 = arith.constant 0 : i32
    %dma_start3A_231 = tpu.memref_slice %arg4[%dma_start3A_227, %dma_start3A_230] : memref<4x8000512xf32, #tpu.memory_space<hbm>> -> memref<1x8000512xf32, #tpu.memory_space<hbm>>
    %dma_start3A_232 = tpu.memref_squeeze %dma_start3A_231 : memref<1x8000512xf32, #tpu.memory_space<hbm>> -> memref<8000512xf32, #tpu.memory_space<hbm>>
    %dma_start3A_233 = arith.constant 768 : i32
    %dma_start3A_234 = tpu.memref_slice %dma_start3A_232[%dma_start3A_233] : memref<8000512xf32, #tpu.memory_space<hbm>> -> memref<7999744xf32, #tpu.memory_space<hbm>>
    %dma_start3A_235 = arith.constant 0 : i32
    %dma_start3A_236 = tpu.memref_slice %dma_start3A_234[%dma_start3A_235] : memref<7999744xf32, #tpu.memory_space<hbm>> -> memref<7999744xf32, #tpu.memory_space<hbm>>
    tpu.enqueue_indirect_dma source(%dma_start3A_236 : memref<7999744xf32, #tpu.memory_space<hbm>>) target(%dma_start3A_229 : memref<512xf32, #tpu.memory_space<vmem>>) offsets(%arg7 : memref<512xi32, #tpu.memory_space<vmem>>) semaphore(%arg11 : memref<!tpu.dma_semaphore, #tpu.memory_space<semaphore_mem>>)
    %dma_start3A_237 = arith.constant 2 : i32
    %dma_start3A_238 = arith.constant 11776 : i32
    %dma_start3A_239 = tpu.memref_slice %arg9[%dma_start3A_238] : memref<16384xf32, #tpu.memory_space<vmem>> -> memref<512xf32, #tpu.memory_space<vmem>>
    %dma_start3A_240 = arith.constant 0 : i32
    %dma_start3A_241 = tpu.memref_slice %arg4[%dma_start3A_237, %dma_start3A_240] : memref<4x8000512xf32, #tpu.memory_space<hbm>> -> memref<1x8000512xf32, #tpu.memory_space<hbm>>
    %dma_start3A_242 = tpu.memref_squeeze %dma_start3A_241 : memref<1x8000512xf32, #tpu.memory_space<hbm>> -> memref<8000512xf32, #tpu.memory_space<hbm>>
    %dma_start3A_243 = arith.constant 896 : i32
    %dma_start3A_244 = tpu.memref_slice %dma_start3A_242[%dma_start3A_243] : memref<8000512xf32, #tpu.memory_space<hbm>> -> memref<7999616xf32, #tpu.memory_space<hbm>>
    %dma_start3A_245 = arith.constant 0 : i32
    %dma_start3A_246 = tpu.memref_slice %dma_start3A_244[%dma_start3A_245] : memref<7999616xf32, #tpu.memory_space<hbm>> -> memref<7999616xf32, #tpu.memory_space<hbm>>
    tpu.enqueue_indirect_dma source(%dma_start3A_246 : memref<7999616xf32, #tpu.memory_space<hbm>>) target(%dma_start3A_239 : memref<512xf32, #tpu.memory_space<vmem>>) offsets(%arg7 : memref<512xi32, #tpu.memory_space<vmem>>) semaphore(%arg11 : memref<!tpu.dma_semaphore, #tpu.memory_space<semaphore_mem>>)
    %dma_start3A_247 = arith.constant 3 : i32
    %dma_start3A_248 = arith.constant 12288 : i32
    %dma_start3A_249 = tpu.memref_slice %arg9[%dma_start3A_248] : memref<16384xf32, #tpu.memory_space<vmem>> -> memref<512xf32, #tpu.memory_space<vmem>>
    %dma_start3A_250 = arith.constant 0 : i32
    %dma_start3A_251 = tpu.memref_slice %arg4[%dma_start3A_247, %dma_start3A_250] : memref<4x8000512xf32, #tpu.memory_space<hbm>> -> memref<1x8000512xf32, #tpu.memory_space<hbm>>
    %dma_start3A_252 = tpu.memref_squeeze %dma_start3A_251 : memref<1x8000512xf32, #tpu.memory_space<hbm>> -> memref<8000512xf32, #tpu.memory_space<hbm>>
    %dma_start3A_253 = arith.constant 0 : i32
    %dma_start3A_254 = tpu.memref_slice %dma_start3A_252[%dma_start3A_253] : memref<8000512xf32, #tpu.memory_space<hbm>> -> memref<8000512xf32, #tpu.memory_space<hbm>>
    %dma_start3A_255 = arith.constant 0 : i32
    %dma_start3A_256 = tpu.memref_slice %dma_start3A_254[%dma_start3A_255] : memref<8000512xf32, #tpu.memory_space<hbm>> -> memref<8000512xf32, #tpu.memory_space<hbm>>
    tpu.enqueue_indirect_dma source(%dma_start3A_256 : memref<8000512xf32, #tpu.memory_space<hbm>>) target(%dma_start3A_249 : memref<512xf32, #tpu.memory_space<vmem>>) offsets(%arg7 : memref<512xi32, #tpu.memory_space<vmem>>) semaphore(%arg11 : memref<!tpu.dma_semaphore, #tpu.memory_space<semaphore_mem>>)
    %dma_start3A_257 = arith.constant 3 : i32
    %dma_start3A_258 = arith.constant 12800 : i32
    %dma_start3A_259 = tpu.memref_slice %arg9[%dma_start3A_258] : memref<16384xf32, #tpu.memory_space<vmem>> -> memref<512xf32, #tpu.memory_space<vmem>>
    %dma_start3A_260 = arith.constant 0 : i32
    %dma_start3A_261 = tpu.memref_slice %arg4[%dma_start3A_257, %dma_start3A_260] : memref<4x8000512xf32, #tpu.memory_space<hbm>> -> memref<1x8000512xf32, #tpu.memory_space<hbm>>
    %dma_start3A_262 = tpu.memref_squeeze %dma_start3A_261 : memref<1x8000512xf32, #tpu.memory_space<hbm>> -> memref<8000512xf32, #tpu.memory_space<hbm>>
    %dma_start3A_263 = arith.constant 128 : i32
    %dma_start3A_264 = tpu.memref_slice %dma_start3A_262[%dma_start3A_263] : memref<8000512xf32, #tpu.memory_space<hbm>> -> memref<8000384xf32, #tpu.memory_space<hbm>>
    %dma_start3A_265 = arith.constant 0 : i32
    %dma_start3A_266 = tpu.memref_slice %dma_start3A_264[%dma_start3A_265] : memref<8000384xf32, #tpu.memory_space<hbm>> -> memref<8000384xf32, #tpu.memory_space<hbm>>
    tpu.enqueue_indirect_dma source(%dma_start3A_266 : memref<8000384xf32, #tpu.memory_space<hbm>>) target(%dma_start3A_259 : memref<512xf32, #tpu.memory_space<vmem>>) offsets(%arg7 : memref<512xi32, #tpu.memory_space<vmem>>) semaphore(%arg11 : memref<!tpu.dma_semaphore, #tpu.memory_space<semaphore_mem>>)
    %dma_start3A_267 = arith.constant 3 : i32
    %dma_start3A_268 = arith.constant 13312 : i32
    %dma_start3A_269 = tpu.memref_slice %arg9[%dma_start3A_268] : memref<16384xf32, #tpu.memory_space<vmem>> -> memref<512xf32, #tpu.memory_space<vmem>>
    %dma_start3A_270 = arith.constant 0 : i32
    %dma_start3A_271 = tpu.memref_slice %arg4[%dma_start3A_267, %dma_start3A_270] : memref<4x8000512xf32, #tpu.memory_space<hbm>> -> memref<1x8000512xf32, #tpu.memory_space<hbm>>
    %dma_start3A_272 = tpu.memref_squeeze %dma_start3A_271 : memref<1x8000512xf32, #tpu.memory_space<hbm>> -> memref<8000512xf32, #tpu.memory_space<hbm>>
    %dma_start3A_273 = arith.constant 256 : i32
    %dma_start3A_274 = tpu.memref_slice %dma_start3A_272[%dma_start3A_273] : memref<8000512xf32, #tpu.memory_space<hbm>> -> memref<8000256xf32, #tpu.memory_space<hbm>>
    %dma_start3A_275 = arith.constant 0 : i32
    %dma_start3A_276 = tpu.memref_slice %dma_start3A_274[%dma_start3A_275] : memref<8000256xf32, #tpu.memory_space<hbm>> -> memref<8000256xf32, #tpu.memory_space<hbm>>
    tpu.enqueue_indirect_dma source(%dma_start3A_276 : memref<8000256xf32, #tpu.memory_space<hbm>>) target(%dma_start3A_269 : memref<512xf32, #tpu.memory_space<vmem>>) offsets(%arg7 : memref<512xi32, #tpu.memory_space<vmem>>) semaphore(%arg11 : memref<!tpu.dma_semaphore, #tpu.memory_space<semaphore_mem>>)
    %dma_start3A_277 = arith.constant 3 : i32
    %dma_start3A_278 = arith.constant 13824 : i32
    %dma_start3A_279 = tpu.memref_slice %arg9[%dma_start3A_278] : memref<16384xf32, #tpu.memory_space<vmem>> -> memref<512xf32, #tpu.memory_space<vmem>>
    %dma_start3A_280 = arith.constant 0 : i32
    %dma_start3A_281 = tpu.memref_slice %arg4[%dma_start3A_277, %dma_start3A_280] : memref<4x8000512xf32, #tpu.memory_space<hbm>> -> memref<1x8000512xf32, #tpu.memory_space<hbm>>
    %dma_start3A_282 = tpu.memref_squeeze %dma_start3A_281 : memref<1x8000512xf32, #tpu.memory_space<hbm>> -> memref<8000512xf32, #tpu.memory_space<hbm>>
    %dma_start3A_283 = arith.constant 384 : i32
    %dma_start3A_284 = tpu.memref_slice %dma_start3A_282[%dma_start3A_283] : memref<8000512xf32, #tpu.memory_space<hbm>> -> memref<8000128xf32, #tpu.memory_space<hbm>>
    %dma_start3A_285 = arith.constant 0 : i32
    %dma_start3A_286 = tpu.memref_slice %dma_start3A_284[%dma_start3A_285] : memref<8000128xf32, #tpu.memory_space<hbm>> -> memref<8000128xf32, #tpu.memory_space<hbm>>
    tpu.enqueue_indirect_dma source(%dma_start3A_286 : memref<8000128xf32, #tpu.memory_space<hbm>>) target(%dma_start3A_279 : memref<512xf32, #tpu.memory_space<vmem>>) offsets(%arg7 : memref<512xi32, #tpu.memory_space<vmem>>) semaphore(%arg11 : memref<!tpu.dma_semaphore, #tpu.memory_space<semaphore_mem>>)
    %dma_start3A_287 = arith.constant 3 : i32
    %dma_start3A_288 = arith.constant 14336 : i32
    %dma_start3A_289 = tpu.memref_slice %arg9[%dma_start3A_288] : memref<16384xf32, #tpu.memory_space<vmem>> -> memref<512xf32, #tpu.memory_space<vmem>>
    %dma_start3A_290 = arith.constant 0 : i32
    %dma_start3A_291 = tpu.memref_slice %arg4[%dma_start3A_287, %dma_start3A_290] : memref<4x8000512xf32, #tpu.memory_space<hbm>> -> memref<1x8000512xf32, #tpu.memory_space<hbm>>
    %dma_start3A_292 = tpu.memref_squeeze %dma_start3A_291 : memref<1x8000512xf32, #tpu.memory_space<hbm>> -> memref<8000512xf32, #tpu.memory_space<hbm>>
    %dma_start3A_293 = arith.constant 512 : i32
    %dma_start3A_294 = tpu.memref_slice %dma_start3A_292[%dma_start3A_293] : memref<8000512xf32, #tpu.memory_space<hbm>> -> memref<8000000xf32, #tpu.memory_space<hbm>>
    %dma_start3A_295 = arith.constant 0 : i32
    %dma_start3A_296 = tpu.memref_slice %dma_start3A_294[%dma_start3A_295] : memref<8000000xf32, #tpu.memory_space<hbm>> -> memref<8000000xf32, #tpu.memory_space<hbm>>
    tpu.enqueue_indirect_dma source(%dma_start3A_296 : memref<8000000xf32, #tpu.memory_space<hbm>>) target(%dma_start3A_289 : memref<512xf32, #tpu.memory_space<vmem>>) offsets(%arg7 : memref<512xi32, #tpu.memory_space<vmem>>) semaphore(%arg11 : memref<!tpu.dma_semaphore, #tpu.memory_space<semaphore_mem>>)
    %dma_start3A_297 = arith.constant 3 : i32
    %dma_start3A_298 = arith.constant 14848 : i32
    %dma_start3A_299 = tpu.memref_slice %arg9[%dma_start3A_298] : memref<16384xf32, #tpu.memory_space<vmem>> -> memref<512xf32, #tpu.memory_space<vmem>>
    %dma_start3A_300 = arith.constant 0 : i32
    %dma_start3A_301 = tpu.memref_slice %arg4[%dma_start3A_297, %dma_start3A_300] : memref<4x8000512xf32, #tpu.memory_space<hbm>> -> memref<1x8000512xf32, #tpu.memory_space<hbm>>
    %dma_start3A_302 = tpu.memref_squeeze %dma_start3A_301 : memref<1x8000512xf32, #tpu.memory_space<hbm>> -> memref<8000512xf32, #tpu.memory_space<hbm>>
    %dma_start3A_303 = arith.constant 640 : i32
    %dma_start3A_304 = tpu.memref_slice %dma_start3A_302[%dma_start3A_303] : memref<8000512xf32, #tpu.memory_space<hbm>> -> memref<7999872xf32, #tpu.memory_space<hbm>>
    %dma_start3A_305 = arith.constant 0 : i32
    %dma_start3A_306 = tpu.memref_slice %dma_start3A_304[%dma_start3A_305] : memref<7999872xf32, #tpu.memory_space<hbm>> -> memref<7999872xf32, #tpu.memory_space<hbm>>
    tpu.enqueue_indirect_dma source(%dma_start3A_306 : memref<7999872xf32, #tpu.memory_space<hbm>>) target(%dma_start3A_299 : memref<512xf32, #tpu.memory_space<vmem>>) offsets(%arg7 : memref<512xi32, #tpu.memory_space<vmem>>) semaphore(%arg11 : memref<!tpu.dma_semaphore, #tpu.memory_space<semaphore_mem>>)
    %dma_start3A_307 = arith.constant 3 : i32
    %dma_start3A_308 = arith.constant 15360 : i32
    %dma_start3A_309 = tpu.memref_slice %arg9[%dma_start3A_308] : memref<16384xf32, #tpu.memory_space<vmem>> -> memref<512xf32, #tpu.memory_space<vmem>>
    %dma_start3A_310 = arith.constant 0 : i32
    %dma_start3A_311 = tpu.memref_slice %arg4[%dma_start3A_307, %dma_start3A_310] : memref<4x8000512xf32, #tpu.memory_space<hbm>> -> memref<1x8000512xf32, #tpu.memory_space<hbm>>
    %dma_start3A_312 = tpu.memref_squeeze %dma_start3A_311 : memref<1x8000512xf32, #tpu.memory_space<hbm>> -> memref<8000512xf32, #tpu.memory_space<hbm>>
    %dma_start3A_313 = arith.constant 768 : i32
    %dma_start3A_314 = tpu.memref_slice %dma_start3A_312[%dma_start3A_313] : memref<8000512xf32, #tpu.memory_space<hbm>> -> memref<7999744xf32, #tpu.memory_space<hbm>>
    %dma_start3A_315 = arith.constant 0 : i32
    %dma_start3A_316 = tpu.memref_slice %dma_start3A_314[%dma_start3A_315] : memref<7999744xf32, #tpu.memory_space<hbm>> -> memref<7999744xf32, #tpu.memory_space<hbm>>
    tpu.enqueue_indirect_dma source(%dma_start3A_316 : memref<7999744xf32, #tpu.memory_space<hbm>>) target(%dma_start3A_309 : memref<512xf32, #tpu.memory_space<vmem>>) offsets(%arg7 : memref<512xi32, #tpu.memory_space<vmem>>) semaphore(%arg11 : memref<!tpu.dma_semaphore, #tpu.memory_space<semaphore_mem>>)
    %dma_start3A_317 = arith.constant 3 : i32
    %dma_start3A_318 = arith.constant 15872 : i32
    %dma_start3A_319 = tpu.memref_slice %arg9[%dma_start3A_318] : memref<16384xf32, #tpu.memory_space<vmem>> -> memref<512xf32, #tpu.memory_space<vmem>>
    %dma_start3A_320 = arith.constant 0 : i32
    %dma_start3A_321 = tpu.memref_slice %arg4[%dma_start3A_317, %dma_start3A_320] : memref<4x8000512xf32, #tpu.memory_space<hbm>> -> memref<1x8000512xf32, #tpu.memory_space<hbm>>
    %dma_start3A_322 = tpu.memref_squeeze %dma_start3A_321 : memref<1x8000512xf32, #tpu.memory_space<hbm>> -> memref<8000512xf32, #tpu.memory_space<hbm>>
    %dma_start3A_323 = arith.constant 896 : i32
    %dma_start3A_324 = tpu.memref_slice %dma_start3A_322[%dma_start3A_323] : memref<8000512xf32, #tpu.memory_space<hbm>> -> memref<7999616xf32, #tpu.memory_space<hbm>>
    %dma_start3A_325 = arith.constant 0 : i32
    %dma_start3A_326 = tpu.memref_slice %dma_start3A_324[%dma_start3A_325] : memref<7999616xf32, #tpu.memory_space<hbm>> -> memref<7999616xf32, #tpu.memory_space<hbm>>
    tpu.enqueue_indirect_dma source(%dma_start3A_326 : memref<7999616xf32, #tpu.memory_space<hbm>>) target(%dma_start3A_319 : memref<512xf32, #tpu.memory_space<vmem>>) offsets(%arg7 : memref<512xi32, #tpu.memory_space<vmem>>) semaphore(%arg11 : memref<!tpu.dma_semaphore, #tpu.memory_space<semaphore_mem>>)
    %add3A_327 = arith.constant 0 : i32
    %add3A_328 = arith.addi %add3A_327, %mul3A_2 : i32
    "tpu.region"() ({
      %run_scoped3A = tpu.sem_alloc : memref<!tpu.dma_semaphore, #tpu.memory_space<semaphore_mem>>
      %dma_start3A_716 = arith.constant 0 : i32
      %dma_start3A_717 = tpu.memref_slice %arg8[%dma_start3A_716] : memref<16384xf32, #tpu.memory_space<vmem>> -> memref<512xf32, #tpu.memory_space<vmem>>
      %dma_start3A_718 = tpu.memref_slice %arg3[%add3A_328] : memref<524288xf32, #tpu.memory_space<hbm>> -> memref<512xf32, #tpu.memory_space<hbm>>
      %dma_start3A_719 = arith.constant 0 : i32
      %dma_start3A_720 = tpu.memref_slice %arg8[%dma_start3A_719] : memref<16384xf32, #tpu.memory_space<vmem>> -> memref<512xf32, #tpu.memory_space<vmem>>
      %dma_start3A_721 = tpu.memref_slice %arg3[%add3A_328] : memref<524288xf32, #tpu.memory_space<hbm>> -> memref<512xf32, #tpu.memory_space<hbm>>
      tpu.enqueue_dma source(%dma_start3A_721 : memref<512xf32, #tpu.memory_space<hbm>>) target(%dma_start3A_720 : memref<512xf32, #tpu.memory_space<vmem>>) target_semaphore(%run_scoped3A : memref<!tpu.dma_semaphore, #tpu.memory_space<semaphore_mem>>)
      %dma_wait3A_722 = arith.constant 0 : i32
      %dma_wait3A_723 = tpu.memref_slice %arg8[%dma_wait3A_722] : memref<16384xf32, #tpu.memory_space<vmem>> -> memref<512xf32, #tpu.memory_space<vmem>>
      %dma_wait3A_724 = tpu.memref_slice %arg3[%add3A_328] : memref<524288xf32, #tpu.memory_space<hbm>> -> memref<512xf32, #tpu.memory_space<hbm>>
      %dma_wait3A_725 = arith.constant 0 : i32
      %dma_wait3A_726 = tpu.memref_slice %arg8[%dma_wait3A_725] : memref<16384xf32, #tpu.memory_space<vmem>> -> memref<512xf32, #tpu.memory_space<vmem>>
      %dma_wait3A_727 = tpu.memref_slice %arg3[%add3A_328] : memref<524288xf32, #tpu.memory_space<hbm>> -> memref<512xf32, #tpu.memory_space<hbm>>
      tpu.wait_dma2 semaphore(%run_scoped3A : memref<!tpu.dma_semaphore, #tpu.memory_space<semaphore_mem>>) src(%dma_wait3A_727 : memref<512xf32, #tpu.memory_space<hbm>>) dst(%dma_wait3A_726 : memref<512xf32, #tpu.memory_space<vmem>>)
      tpu.yield
    }) : () -> ()
    %add3A_329 = arith.constant 16384 : i32
    %add3A_330 = arith.addi %add3A_329, %mul3A_2 : i32
    "tpu.region"() ({
      %run_scoped3A = tpu.sem_alloc : memref<!tpu.dma_semaphore, #tpu.memory_space<semaphore_mem>>
      %dma_start3A_716 = arith.constant 512 : i32
      %dma_start3A_717 = tpu.memref_slice %arg8[%dma_start3A_716] : memref<16384xf32, #tpu.memory_space<vmem>> -> memref<512xf32, #tpu.memory_space<vmem>>
      %dma_start3A_718 = tpu.memref_slice %arg3[%add3A_330] : memref<524288xf32, #tpu.memory_space<hbm>> -> memref<512xf32, #tpu.memory_space<hbm>>
      %dma_start3A_719 = arith.constant 512 : i32
      %dma_start3A_720 = tpu.memref_slice %arg8[%dma_start3A_719] : memref<16384xf32, #tpu.memory_space<vmem>> -> memref<512xf32, #tpu.memory_space<vmem>>
      %dma_start3A_721 = tpu.memref_slice %arg3[%add3A_330] : memref<524288xf32, #tpu.memory_space<hbm>> -> memref<512xf32, #tpu.memory_space<hbm>>
      tpu.enqueue_dma source(%dma_start3A_721 : memref<512xf32, #tpu.memory_space<hbm>>) target(%dma_start3A_720 : memref<512xf32, #tpu.memory_space<vmem>>) target_semaphore(%run_scoped3A : memref<!tpu.dma_semaphore, #tpu.memory_space<semaphore_mem>>)
      %dma_wait3A_722 = arith.constant 512 : i32
      %dma_wait3A_723 = tpu.memref_slice %arg8[%dma_wait3A_722] : memref<16384xf32, #tpu.memory_space<vmem>> -> memref<512xf32, #tpu.memory_space<vmem>>
      %dma_wait3A_724 = tpu.memref_slice %arg3[%add3A_330] : memref<524288xf32, #tpu.memory_space<hbm>> -> memref<512xf32, #tpu.memory_space<hbm>>
      %dma_wait3A_725 = arith.constant 512 : i32
      %dma_wait3A_726 = tpu.memref_slice %arg8[%dma_wait3A_725] : memref<16384xf32, #tpu.memory_space<vmem>> -> memref<512xf32, #tpu.memory_space<vmem>>
      %dma_wait3A_727 = tpu.memref_slice %arg3[%add3A_330] : memref<524288xf32, #tpu.memory_space<hbm>> -> memref<512xf32, #tpu.memory_space<hbm>>
      tpu.wait_dma2 semaphore(%run_scoped3A : memref<!tpu.dma_semaphore, #tpu.memory_space<semaphore_mem>>) src(%dma_wait3A_727 : memref<512xf32, #tpu.memory_space<hbm>>) dst(%dma_wait3A_726 : memref<512xf32, #tpu.memory_space<vmem>>)
      tpu.yield
    }) : () -> ()
    %add3A_331 = arith.constant 32768 : i32
    %add3A_332 = arith.addi %add3A_331, %mul3A_2 : i32
    "tpu.region"() ({
      %run_scoped3A = tpu.sem_alloc : memref<!tpu.dma_semaphore, #tpu.memory_space<semaphore_mem>>
      %dma_start3A_716 = arith.constant 1024 : i32
      %dma_start3A_717 = tpu.memref_slice %arg8[%dma_start3A_716] : memref<16384xf32, #tpu.memory_space<vmem>> -> memref<512xf32, #tpu.memory_space<vmem>>
      %dma_start3A_718 = tpu.memref_slice %arg3[%add3A_332] : memref<524288xf32, #tpu.memory_space<hbm>> -> memref<512xf32, #tpu.memory_space<hbm>>
      %dma_start3A_719 = arith.constant 1024 : i32
      %dma_start3A_720 = tpu.memref_slice %arg8[%dma_start3A_719] : memref<16384xf32, #tpu.memory_space<vmem>> -> memref<512xf32, #tpu.memory_space<vmem>>
      %dma_start3A_721 = tpu.memref_slice %arg3[%add3A_332] : memref<524288xf32, #tpu.memory_space<hbm>> -> memref<512xf32, #tpu.memory_space<hbm>>
      tpu.enqueue_dma source(%dma_start3A_721 : memref<512xf32, #tpu.memory_space<hbm>>) target(%dma_start3A_720 : memref<512xf32, #tpu.memory_space<vmem>>) target_semaphore(%run_scoped3A : memref<!tpu.dma_semaphore, #tpu.memory_space<semaphore_mem>>)
      %dma_wait3A_722 = arith.constant 1024 : i32
      %dma_wait3A_723 = tpu.memref_slice %arg8[%dma_wait3A_722] : memref<16384xf32, #tpu.memory_space<vmem>> -> memref<512xf32, #tpu.memory_space<vmem>>
      %dma_wait3A_724 = tpu.memref_slice %arg3[%add3A_332] : memref<524288xf32, #tpu.memory_space<hbm>> -> memref<512xf32, #tpu.memory_space<hbm>>
      %dma_wait3A_725 = arith.constant 1024 : i32
      %dma_wait3A_726 = tpu.memref_slice %arg8[%dma_wait3A_725] : memref<16384xf32, #tpu.memory_space<vmem>> -> memref<512xf32, #tpu.memory_space<vmem>>
      %dma_wait3A_727 = tpu.memref_slice %arg3[%add3A_332] : memref<524288xf32, #tpu.memory_space<hbm>> -> memref<512xf32, #tpu.memory_space<hbm>>
      tpu.wait_dma2 semaphore(%run_scoped3A : memref<!tpu.dma_semaphore, #tpu.memory_space<semaphore_mem>>) src(%dma_wait3A_727 : memref<512xf32, #tpu.memory_space<hbm>>) dst(%dma_wait3A_726 : memref<512xf32, #tpu.memory_space<vmem>>)
      tpu.yield
    }) : () -> ()
    %add3A_333 = arith.constant 49152 : i32
    %add3A_334 = arith.addi %add3A_333, %mul3A_2 : i32
    "tpu.region"() ({
      %run_scoped3A = tpu.sem_alloc : memref<!tpu.dma_semaphore, #tpu.memory_space<semaphore_mem>>
      %dma_start3A_716 = arith.constant 1536 : i32
      %dma_start3A_717 = tpu.memref_slice %arg8[%dma_start3A_716] : memref<16384xf32, #tpu.memory_space<vmem>> -> memref<512xf32, #tpu.memory_space<vmem>>
      %dma_start3A_718 = tpu.memref_slice %arg3[%add3A_334] : memref<524288xf32, #tpu.memory_space<hbm>> -> memref<512xf32, #tpu.memory_space<hbm>>
      %dma_start3A_719 = arith.constant 1536 : i32
      %dma_start3A_720 = tpu.memref_slice %arg8[%dma_start3A_719] : memref<16384xf32, #tpu.memory_space<vmem>> -> memref<512xf32, #tpu.memory_space<vmem>>
      %dma_start3A_721 = tpu.memref_slice %arg3[%add3A_334] : memref<524288xf32, #tpu.memory_space<hbm>> -> memref<512xf32, #tpu.memory_space<hbm>>
      tpu.enqueue_dma source(%dma_start3A_721 : memref<512xf32, #tpu.memory_space<hbm>>) target(%dma_start3A_720 : memref<512xf32, #tpu.memory_space<vmem>>) target_semaphore(%run_scoped3A : memref<!tpu.dma_semaphore, #tpu.memory_space<semaphore_mem>>)
      %dma_wait3A_722 = arith.constant 1536 : i32
      %dma_wait3A_723 = tpu.memref_slice %arg8[%dma_wait3A_722] : memref<16384xf32, #tpu.memory_space<vmem>> -> memref<512xf32, #tpu.memory_space<vmem>>
      %dma_wait3A_724 = tpu.memref_slice %arg3[%add3A_334] : memref<524288xf32, #tpu.memory_space<hbm>> -> memref<512xf32, #tpu.memory_space<hbm>>
      %dma_wait3A_725 = arith.constant 1536 : i32
      %dma_wait3A_726 = tpu.memref_slice %arg8[%dma_wait3A_725] : memref<16384xf32, #tpu.memory_space<vmem>> -> memref<512xf32, #tpu.memory_space<vmem>>
      %dma_wait3A_727 = tpu.memref_slice %arg3[%add3A_334] : memref<524288xf32, #tpu.memory_space<hbm>> -> memref<512xf32, #tpu.memory_space<hbm>>
      tpu.wait_dma2 semaphore(%run_scoped3A : memref<!tpu.dma_semaphore, #tpu.memory_space<semaphore_mem>>) src(%dma_wait3A_727 : memref<512xf32, #tpu.memory_space<hbm>>) dst(%dma_wait3A_726 : memref<512xf32, #tpu.memory_space<vmem>>)
      tpu.yield
    }) : () -> ()
    %add3A_335 = arith.constant 65536 : i32
    %add3A_336 = arith.addi %add3A_335, %mul3A_2 : i32
    "tpu.region"() ({
      %run_scoped3A = tpu.sem_alloc : memref<!tpu.dma_semaphore, #tpu.memory_space<semaphore_mem>>
      %dma_start3A_716 = arith.constant 2048 : i32
      %dma_start3A_717 = tpu.memref_slice %arg8[%dma_start3A_716] : memref<16384xf32, #tpu.memory_space<vmem>> -> memref<512xf32, #tpu.memory_space<vmem>>
      %dma_start3A_718 = tpu.memref_slice %arg3[%add3A_336] : memref<524288xf32, #tpu.memory_space<hbm>> -> memref<512xf32, #tpu.memory_space<hbm>>
      %dma_start3A_719 = arith.constant 2048 : i32
      %dma_start3A_720 = tpu.memref_slice %arg8[%dma_start3A_719] : memref<16384xf32, #tpu.memory_space<vmem>> -> memref<512xf32, #tpu.memory_space<vmem>>
      %dma_start3A_721 = tpu.memref_slice %arg3[%add3A_336] : memref<524288xf32, #tpu.memory_space<hbm>> -> memref<512xf32, #tpu.memory_space<hbm>>
      tpu.enqueue_dma source(%dma_start3A_721 : memref<512xf32, #tpu.memory_space<hbm>>) target(%dma_start3A_720 : memref<512xf32, #tpu.memory_space<vmem>>) target_semaphore(%run_scoped3A : memref<!tpu.dma_semaphore, #tpu.memory_space<semaphore_mem>>)
      %dma_wait3A_722 = arith.constant 2048 : i32
      %dma_wait3A_723 = tpu.memref_slice %arg8[%dma_wait3A_722] : memref<16384xf32, #tpu.memory_space<vmem>> -> memref<512xf32, #tpu.memory_space<vmem>>
      %dma_wait3A_724 = tpu.memref_slice %arg3[%add3A_336] : memref<524288xf32, #tpu.memory_space<hbm>> -> memref<512xf32, #tpu.memory_space<hbm>>
      %dma_wait3A_725 = arith.constant 2048 : i32
      %dma_wait3A_726 = tpu.memref_slice %arg8[%dma_wait3A_725] : memref<16384xf32, #tpu.memory_space<vmem>> -> memref<512xf32, #tpu.memory_space<vmem>>
      %dma_wait3A_727 = tpu.memref_slice %arg3[%add3A_336] : memref<524288xf32, #tpu.memory_space<hbm>> -> memref<512xf32, #tpu.memory_space<hbm>>
      tpu.wait_dma2 semaphore(%run_scoped3A : memref<!tpu.dma_semaphore, #tpu.memory_space<semaphore_mem>>) src(%dma_wait3A_727 : memref<512xf32, #tpu.memory_space<hbm>>) dst(%dma_wait3A_726 : memref<512xf32, #tpu.memory_space<vmem>>)
      tpu.yield
    }) : () -> ()
    %add3A_337 = arith.constant 81920 : i32
    %add3A_338 = arith.addi %add3A_337, %mul3A_2 : i32
    "tpu.region"() ({
      %run_scoped3A = tpu.sem_alloc : memref<!tpu.dma_semaphore, #tpu.memory_space<semaphore_mem>>
      %dma_start3A_716 = arith.constant 2560 : i32
      %dma_start3A_717 = tpu.memref_slice %arg8[%dma_start3A_716] : memref<16384xf32, #tpu.memory_space<vmem>> -> memref<512xf32, #tpu.memory_space<vmem>>
      %dma_start3A_718 = tpu.memref_slice %arg3[%add3A_338] : memref<524288xf32, #tpu.memory_space<hbm>> -> memref<512xf32, #tpu.memory_space<hbm>>
      %dma_start3A_719 = arith.constant 2560 : i32
      %dma_start3A_720 = tpu.memref_slice %arg8[%dma_start3A_719] : memref<16384xf32, #tpu.memory_space<vmem>> -> memref<512xf32, #tpu.memory_space<vmem>>
      %dma_start3A_721 = tpu.memref_slice %arg3[%add3A_338] : memref<524288xf32, #tpu.memory_space<hbm>> -> memref<512xf32, #tpu.memory_space<hbm>>
      tpu.enqueue_dma source(%dma_start3A_721 : memref<512xf32, #tpu.memory_space<hbm>>) target(%dma_start3A_720 : memref<512xf32, #tpu.memory_space<vmem>>) target_semaphore(%run_scoped3A : memref<!tpu.dma_semaphore, #tpu.memory_space<semaphore_mem>>)
      %dma_wait3A_722 = arith.constant 2560 : i32
      %dma_wait3A_723 = tpu.memref_slice %arg8[%dma_wait3A_722] : memref<16384xf32, #tpu.memory_space<vmem>> -> memref<512xf32, #tpu.memory_space<vmem>>
      %dma_wait3A_724 = tpu.memref_slice %arg3[%add3A_338] : memref<524288xf32, #tpu.memory_space<hbm>> -> memref<512xf32, #tpu.memory_space<hbm>>
      %dma_wait3A_725 = arith.constant 2560 : i32
      %dma_wait3A_726 = tpu.memref_slice %arg8[%dma_wait3A_725] : memref<16384xf32, #tpu.memory_space<vmem>> -> memref<512xf32, #tpu.memory_space<vmem>>
      %dma_wait3A_727 = tpu.memref_slice %arg3[%add3A_338] : memref<524288xf32, #tpu.memory_space<hbm>> -> memref<512xf32, #tpu.memory_space<hbm>>
      tpu.wait_dma2 semaphore(%run_scoped3A : memref<!tpu.dma_semaphore, #tpu.memory_space<semaphore_mem>>) src(%dma_wait3A_727 : memref<512xf32, #tpu.memory_space<hbm>>) dst(%dma_wait3A_726 : memref<512xf32, #tpu.memory_space<vmem>>)
      tpu.yield
    }) : () -> ()
    %add3A_339 = arith.constant 98304 : i32
    %add3A_340 = arith.addi %add3A_339, %mul3A_2 : i32
    "tpu.region"() ({
      %run_scoped3A = tpu.sem_alloc : memref<!tpu.dma_semaphore, #tpu.memory_space<semaphore_mem>>
      %dma_start3A_716 = arith.constant 3072 : i32
      %dma_start3A_717 = tpu.memref_slice %arg8[%dma_start3A_716] : memref<16384xf32, #tpu.memory_space<vmem>> -> memref<512xf32, #tpu.memory_space<vmem>>
      %dma_start3A_718 = tpu.memref_slice %arg3[%add3A_340] : memref<524288xf32, #tpu.memory_space<hbm>> -> memref<512xf32, #tpu.memory_space<hbm>>
      %dma_start3A_719 = arith.constant 3072 : i32
      %dma_start3A_720 = tpu.memref_slice %arg8[%dma_start3A_719] : memref<16384xf32, #tpu.memory_space<vmem>> -> memref<512xf32, #tpu.memory_space<vmem>>
      %dma_start3A_721 = tpu.memref_slice %arg3[%add3A_340] : memref<524288xf32, #tpu.memory_space<hbm>> -> memref<512xf32, #tpu.memory_space<hbm>>
      tpu.enqueue_dma source(%dma_start3A_721 : memref<512xf32, #tpu.memory_space<hbm>>) target(%dma_start3A_720 : memref<512xf32, #tpu.memory_space<vmem>>) target_semaphore(%run_scoped3A : memref<!tpu.dma_semaphore, #tpu.memory_space<semaphore_mem>>)
      %dma_wait3A_722 = arith.constant 3072 : i32
      %dma_wait3A_723 = tpu.memref_slice %arg8[%dma_wait3A_722] : memref<16384xf32, #tpu.memory_space<vmem>> -> memref<512xf32, #tpu.memory_space<vmem>>
      %dma_wait3A_724 = tpu.memref_slice %arg3[%add3A_340] : memref<524288xf32, #tpu.memory_space<hbm>> -> memref<512xf32, #tpu.memory_space<hbm>>
      %dma_wait3A_725 = arith.constant 3072 : i32
      %dma_wait3A_726 = tpu.memref_slice %arg8[%dma_wait3A_725] : memref<16384xf32, #tpu.memory_space<vmem>> -> memref<512xf32, #tpu.memory_space<vmem>>
      %dma_wait3A_727 = tpu.memref_slice %arg3[%add3A_340] : memref<524288xf32, #tpu.memory_space<hbm>> -> memref<512xf32, #tpu.memory_space<hbm>>
      tpu.wait_dma2 semaphore(%run_scoped3A : memref<!tpu.dma_semaphore, #tpu.memory_space<semaphore_mem>>) src(%dma_wait3A_727 : memref<512xf32, #tpu.memory_space<hbm>>) dst(%dma_wait3A_726 : memref<512xf32, #tpu.memory_space<vmem>>)
      tpu.yield
    }) : () -> ()
    %add3A_341 = arith.constant 114688 : i32
    %add3A_342 = arith.addi %add3A_341, %mul3A_2 : i32
    "tpu.region"() ({
      %run_scoped3A = tpu.sem_alloc : memref<!tpu.dma_semaphore, #tpu.memory_space<semaphore_mem>>
      %dma_start3A_716 = arith.constant 3584 : i32
      %dma_start3A_717 = tpu.memref_slice %arg8[%dma_start3A_716] : memref<16384xf32, #tpu.memory_space<vmem>> -> memref<512xf32, #tpu.memory_space<vmem>>
      %dma_start3A_718 = tpu.memref_slice %arg3[%add3A_342] : memref<524288xf32, #tpu.memory_space<hbm>> -> memref<512xf32, #tpu.memory_space<hbm>>
      %dma_start3A_719 = arith.constant 3584 : i32
      %dma_start3A_720 = tpu.memref_slice %arg8[%dma_start3A_719] : memref<16384xf32, #tpu.memory_space<vmem>> -> memref<512xf32, #tpu.memory_space<vmem>>
      %dma_start3A_721 = tpu.memref_slice %arg3[%add3A_342] : memref<524288xf32, #tpu.memory_space<hbm>> -> memref<512xf32, #tpu.memory_space<hbm>>
      tpu.enqueue_dma source(%dma_start3A_721 : memref<512xf32, #tpu.memory_space<hbm>>) target(%dma_start3A_720 : memref<512xf32, #tpu.memory_space<vmem>>) target_semaphore(%run_scoped3A : memref<!tpu.dma_semaphore, #tpu.memory_space<semaphore_mem>>)
      %dma_wait3A_722 = arith.constant 3584 : i32
      %dma_wait3A_723 = tpu.memref_slice %arg8[%dma_wait3A_722] : memref<16384xf32, #tpu.memory_space<vmem>> -> memref<512xf32, #tpu.memory_space<vmem>>
      %dma_wait3A_724 = tpu.memref_slice %arg3[%add3A_342] : memref<524288xf32, #tpu.memory_space<hbm>> -> memref<512xf32, #tpu.memory_space<hbm>>
      %dma_wait3A_725 = arith.constant 3584 : i32
      %dma_wait3A_726 = tpu.memref_slice %arg8[%dma_wait3A_725] : memref<16384xf32, #tpu.memory_space<vmem>> -> memref<512xf32, #tpu.memory_space<vmem>>
      %dma_wait3A_727 = tpu.memref_slice %arg3[%add3A_342] : memref<524288xf32, #tpu.memory_space<hbm>> -> memref<512xf32, #tpu.memory_space<hbm>>
      tpu.wait_dma2 semaphore(%run_scoped3A : memref<!tpu.dma_semaphore, #tpu.memory_space<semaphore_mem>>) src(%dma_wait3A_727 : memref<512xf32, #tpu.memory_space<hbm>>) dst(%dma_wait3A_726 : memref<512xf32, #tpu.memory_space<vmem>>)
      tpu.yield
    }) : () -> ()
    %add3A_343 = arith.constant 131072 : i32
    %add3A_344 = arith.addi %add3A_343, %mul3A_2 : i32
    "tpu.region"() ({
      %run_scoped3A = tpu.sem_alloc : memref<!tpu.dma_semaphore, #tpu.memory_space<semaphore_mem>>
      %dma_start3A_716 = arith.constant 4096 : i32
      %dma_start3A_717 = tpu.memref_slice %arg8[%dma_start3A_716] : memref<16384xf32, #tpu.memory_space<vmem>> -> memref<512xf32, #tpu.memory_space<vmem>>
      %dma_start3A_718 = tpu.memref_slice %arg3[%add3A_344] : memref<524288xf32, #tpu.memory_space<hbm>> -> memref<512xf32, #tpu.memory_space<hbm>>
      %dma_start3A_719 = arith.constant 4096 : i32
      %dma_start3A_720 = tpu.memref_slice %arg8[%dma_start3A_719] : memref<16384xf32, #tpu.memory_space<vmem>> -> memref<512xf32, #tpu.memory_space<vmem>>
      %dma_start3A_721 = tpu.memref_slice %arg3[%add3A_344] : memref<524288xf32, #tpu.memory_space<hbm>> -> memref<512xf32, #tpu.memory_space<hbm>>
      tpu.enqueue_dma source(%dma_start3A_721 : memref<512xf32, #tpu.memory_space<hbm>>) target(%dma_start3A_720 : memref<512xf32, #tpu.memory_space<vmem>>) target_semaphore(%run_scoped3A : memref<!tpu.dma_semaphore, #tpu.memory_space<semaphore_mem>>)
      %dma_wait3A_722 = arith.constant 4096 : i32
      %dma_wait3A_723 = tpu.memref_slice %arg8[%dma_wait3A_722] : memref<16384xf32, #tpu.memory_space<vmem>> -> memref<512xf32, #tpu.memory_space<vmem>>
      %dma_wait3A_724 = tpu.memref_slice %arg3[%add3A_344] : memref<524288xf32, #tpu.memory_space<hbm>> -> memref<512xf32, #tpu.memory_space<hbm>>
      %dma_wait3A_725 = arith.constant 4096 : i32
      %dma_wait3A_726 = tpu.memref_slice %arg8[%dma_wait3A_725] : memref<16384xf32, #tpu.memory_space<vmem>> -> memref<512xf32, #tpu.memory_space<vmem>>
      %dma_wait3A_727 = tpu.memref_slice %arg3[%add3A_344] : memref<524288xf32, #tpu.memory_space<hbm>> -> memref<512xf32, #tpu.memory_space<hbm>>
      tpu.wait_dma2 semaphore(%run_scoped3A : memref<!tpu.dma_semaphore, #tpu.memory_space<semaphore_mem>>) src(%dma_wait3A_727 : memref<512xf32, #tpu.memory_space<hbm>>) dst(%dma_wait3A_726 : memref<512xf32, #tpu.memory_space<vmem>>)
      tpu.yield
    }) : () -> ()
    %add3A_345 = arith.constant 147456 : i32
    %add3A_346 = arith.addi %add3A_345, %mul3A_2 : i32
    "tpu.region"() ({
      %run_scoped3A = tpu.sem_alloc : memref<!tpu.dma_semaphore, #tpu.memory_space<semaphore_mem>>
      %dma_start3A_716 = arith.constant 4608 : i32
      %dma_start3A_717 = tpu.memref_slice %arg8[%dma_start3A_716] : memref<16384xf32, #tpu.memory_space<vmem>> -> memref<512xf32, #tpu.memory_space<vmem>>
      %dma_start3A_718 = tpu.memref_slice %arg3[%add3A_346] : memref<524288xf32, #tpu.memory_space<hbm>> -> memref<512xf32, #tpu.memory_space<hbm>>
      %dma_start3A_719 = arith.constant 4608 : i32
      %dma_start3A_720 = tpu.memref_slice %arg8[%dma_start3A_719] : memref<16384xf32, #tpu.memory_space<vmem>> -> memref<512xf32, #tpu.memory_space<vmem>>
      %dma_start3A_721 = tpu.memref_slice %arg3[%add3A_346] : memref<524288xf32, #tpu.memory_space<hbm>> -> memref<512xf32, #tpu.memory_space<hbm>>
      tpu.enqueue_dma source(%dma_start3A_721 : memref<512xf32, #tpu.memory_space<hbm>>) target(%dma_start3A_720 : memref<512xf32, #tpu.memory_space<vmem>>) target_semaphore(%run_scoped3A : memref<!tpu.dma_semaphore, #tpu.memory_space<semaphore_mem>>)
      %dma_wait3A_722 = arith.constant 4608 : i32
      %dma_wait3A_723 = tpu.memref_slice %arg8[%dma_wait3A_722] : memref<16384xf32, #tpu.memory_space<vmem>> -> memref<512xf32, #tpu.memory_space<vmem>>
      %dma_wait3A_724 = tpu.memref_slice %arg3[%add3A_346] : memref<524288xf32, #tpu.memory_space<hbm>> -> memref<512xf32, #tpu.memory_space<hbm>>
      %dma_wait3A_725 = arith.constant 4608 : i32
      %dma_wait3A_726 = tpu.memref_slice %arg8[%dma_wait3A_725] : memref<16384xf32, #tpu.memory_space<vmem>> -> memref<512xf32, #tpu.memory_space<vmem>>
      %dma_wait3A_727 = tpu.memref_slice %arg3[%add3A_346] : memref<524288xf32, #tpu.memory_space<hbm>> -> memref<512xf32, #tpu.memory_space<hbm>>
      tpu.wait_dma2 semaphore(%run_scoped3A : memref<!tpu.dma_semaphore, #tpu.memory_space<semaphore_mem>>) src(%dma_wait3A_727 : memref<512xf32, #tpu.memory_space<hbm>>) dst(%dma_wait3A_726 : memref<512xf32, #tpu.memory_space<vmem>>)
      tpu.yield
    }) : () -> ()
    %add3A_347 = arith.constant 163840 : i32
    %add3A_348 = arith.addi %add3A_347, %mul3A_2 : i32
    "tpu.region"() ({
      %run_scoped3A = tpu.sem_alloc : memref<!tpu.dma_semaphore, #tpu.memory_space<semaphore_mem>>
      %dma_start3A_716 = arith.constant 5120 : i32
      %dma_start3A_717 = tpu.memref_slice %arg8[%dma_start3A_716] : memref<16384xf32, #tpu.memory_space<vmem>> -> memref<512xf32, #tpu.memory_space<vmem>>
      %dma_start3A_718 = tpu.memref_slice %arg3[%add3A_348] : memref<524288xf32, #tpu.memory_space<hbm>> -> memref<512xf32, #tpu.memory_space<hbm>>
      %dma_start3A_719 = arith.constant 5120 : i32
      %dma_start3A_720 = tpu.memref_slice %arg8[%dma_start3A_719] : memref<16384xf32, #tpu.memory_space<vmem>> -> memref<512xf32, #tpu.memory_space<vmem>>
      %dma_start3A_721 = tpu.memref_slice %arg3[%add3A_348] : memref<524288xf32, #tpu.memory_space<hbm>> -> memref<512xf32, #tpu.memory_space<hbm>>
      tpu.enqueue_dma source(%dma_start3A_721 : memref<512xf32, #tpu.memory_space<hbm>>) target(%dma_start3A_720 : memref<512xf32, #tpu.memory_space<vmem>>) target_semaphore(%run_scoped3A : memref<!tpu.dma_semaphore, #tpu.memory_space<semaphore_mem>>)
      %dma_wait3A_722 = arith.constant 5120 : i32
      %dma_wait3A_723 = tpu.memref_slice %arg8[%dma_wait3A_722] : memref<16384xf32, #tpu.memory_space<vmem>> -> memref<512xf32, #tpu.memory_space<vmem>>
      %dma_wait3A_724 = tpu.memref_slice %arg3[%add3A_348] : memref<524288xf32, #tpu.memory_space<hbm>> -> memref<512xf32, #tpu.memory_space<hbm>>
      %dma_wait3A_725 = arith.constant 5120 : i32
      %dma_wait3A_726 = tpu.memref_slice %arg8[%dma_wait3A_725] : memref<16384xf32, #tpu.memory_space<vmem>> -> memref<512xf32, #tpu.memory_space<vmem>>
      %dma_wait3A_727 = tpu.memref_slice %arg3[%add3A_348] : memref<524288xf32, #tpu.memory_space<hbm>> -> memref<512xf32, #tpu.memory_space<hbm>>
      tpu.wait_dma2 semaphore(%run_scoped3A : memref<!tpu.dma_semaphore, #tpu.memory_space<semaphore_mem>>) src(%dma_wait3A_727 : memref<512xf32, #tpu.memory_space<hbm>>) dst(%dma_wait3A_726 : memref<512xf32, #tpu.memory_space<vmem>>)
      tpu.yield
    }) : () -> ()
    %add3A_349 = arith.constant 180224 : i32
    %add3A_350 = arith.addi %add3A_349, %mul3A_2 : i32
    "tpu.region"() ({
      %run_scoped3A = tpu.sem_alloc : memref<!tpu.dma_semaphore, #tpu.memory_space<semaphore_mem>>
      %dma_start3A_716 = arith.constant 5632 : i32
      %dma_start3A_717 = tpu.memref_slice %arg8[%dma_start3A_716] : memref<16384xf32, #tpu.memory_space<vmem>> -> memref<512xf32, #tpu.memory_space<vmem>>
      %dma_start3A_718 = tpu.memref_slice %arg3[%add3A_350] : memref<524288xf32, #tpu.memory_space<hbm>> -> memref<512xf32, #tpu.memory_space<hbm>>
      %dma_start3A_719 = arith.constant 5632 : i32
      %dma_start3A_720 = tpu.memref_slice %arg8[%dma_start3A_719] : memref<16384xf32, #tpu.memory_space<vmem>> -> memref<512xf32, #tpu.memory_space<vmem>>
      %dma_start3A_721 = tpu.memref_slice %arg3[%add3A_350] : memref<524288xf32, #tpu.memory_space<hbm>> -> memref<512xf32, #tpu.memory_space<hbm>>
      tpu.enqueue_dma source(%dma_start3A_721 : memref<512xf32, #tpu.memory_space<hbm>>) target(%dma_start3A_720 : memref<512xf32, #tpu.memory_space<vmem>>) target_semaphore(%run_scoped3A : memref<!tpu.dma_semaphore, #tpu.memory_space<semaphore_mem>>)
      %dma_wait3A_722 = arith.constant 5632 : i32
      %dma_wait3A_723 = tpu.memref_slice %arg8[%dma_wait3A_722] : memref<16384xf32, #tpu.memory_space<vmem>> -> memref<512xf32, #tpu.memory_space<vmem>>
      %dma_wait3A_724 = tpu.memref_slice %arg3[%add3A_350] : memref<524288xf32, #tpu.memory_space<hbm>> -> memref<512xf32, #tpu.memory_space<hbm>>
      %dma_wait3A_725 = arith.constant 5632 : i32
      %dma_wait3A_726 = tpu.memref_slice %arg8[%dma_wait3A_725] : memref<16384xf32, #tpu.memory_space<vmem>> -> memref<512xf32, #tpu.memory_space<vmem>>
      %dma_wait3A_727 = tpu.memref_slice %arg3[%add3A_350] : memref<524288xf32, #tpu.memory_space<hbm>> -> memref<512xf32, #tpu.memory_space<hbm>>
      tpu.wait_dma2 semaphore(%run_scoped3A : memref<!tpu.dma_semaphore, #tpu.memory_space<semaphore_mem>>) src(%dma_wait3A_727 : memref<512xf32, #tpu.memory_space<hbm>>) dst(%dma_wait3A_726 : memref<512xf32, #tpu.memory_space<vmem>>)
      tpu.yield
    }) : () -> ()
    %add3A_351 = arith.constant 196608 : i32
    %add3A_352 = arith.addi %add3A_351, %mul3A_2 : i32
    "tpu.region"() ({
      %run_scoped3A = tpu.sem_alloc : memref<!tpu.dma_semaphore, #tpu.memory_space<semaphore_mem>>
      %dma_start3A_716 = arith.constant 6144 : i32
      %dma_start3A_717 = tpu.memref_slice %arg8[%dma_start3A_716] : memref<16384xf32, #tpu.memory_space<vmem>> -> memref<512xf32, #tpu.memory_space<vmem>>
      %dma_start3A_718 = tpu.memref_slice %arg3[%add3A_352] : memref<524288xf32, #tpu.memory_space<hbm>> -> memref<512xf32, #tpu.memory_space<hbm>>
      %dma_start3A_719 = arith.constant 6144 : i32
      %dma_start3A_720 = tpu.memref_slice %arg8[%dma_start3A_719] : memref<16384xf32, #tpu.memory_space<vmem>> -> memref<512xf32, #tpu.memory_space<vmem>>
      %dma_start3A_721 = tpu.memref_slice %arg3[%add3A_352] : memref<524288xf32, #tpu.memory_space<hbm>> -> memref<512xf32, #tpu.memory_space<hbm>>
      tpu.enqueue_dma source(%dma_start3A_721 : memref<512xf32, #tpu.memory_space<hbm>>) target(%dma_start3A_720 : memref<512xf32, #tpu.memory_space<vmem>>) target_semaphore(%run_scoped3A : memref<!tpu.dma_semaphore, #tpu.memory_space<semaphore_mem>>)
      %dma_wait3A_722 = arith.constant 6144 : i32
      %dma_wait3A_723 = tpu.memref_slice %arg8[%dma_wait3A_722] : memref<16384xf32, #tpu.memory_space<vmem>> -> memref<512xf32, #tpu.memory_space<vmem>>
      %dma_wait3A_724 = tpu.memref_slice %arg3[%add3A_352] : memref<524288xf32, #tpu.memory_space<hbm>> -> memref<512xf32, #tpu.memory_space<hbm>>
      %dma_wait3A_725 = arith.constant 6144 : i32
      %dma_wait3A_726 = tpu.memref_slice %arg8[%dma_wait3A_725] : memref<16384xf32, #tpu.memory_space<vmem>> -> memref<512xf32, #tpu.memory_space<vmem>>
      %dma_wait3A_727 = tpu.memref_slice %arg3[%add3A_352] : memref<524288xf32, #tpu.memory_space<hbm>> -> memref<512xf32, #tpu.memory_space<hbm>>
      tpu.wait_dma2 semaphore(%run_scoped3A : memref<!tpu.dma_semaphore, #tpu.memory_space<semaphore_mem>>) src(%dma_wait3A_727 : memref<512xf32, #tpu.memory_space<hbm>>) dst(%dma_wait3A_726 : memref<512xf32, #tpu.memory_space<vmem>>)
      tpu.yield
    }) : () -> ()
    %add3A_353 = arith.constant 212992 : i32
    %add3A_354 = arith.addi %add3A_353, %mul3A_2 : i32
    "tpu.region"() ({
      %run_scoped3A = tpu.sem_alloc : memref<!tpu.dma_semaphore, #tpu.memory_space<semaphore_mem>>
      %dma_start3A_716 = arith.constant 6656 : i32
      %dma_start3A_717 = tpu.memref_slice %arg8[%dma_start3A_716] : memref<16384xf32, #tpu.memory_space<vmem>> -> memref<512xf32, #tpu.memory_space<vmem>>
      %dma_start3A_718 = tpu.memref_slice %arg3[%add3A_354] : memref<524288xf32, #tpu.memory_space<hbm>> -> memref<512xf32, #tpu.memory_space<hbm>>
      %dma_start3A_719 = arith.constant 6656 : i32
      %dma_start3A_720 = tpu.memref_slice %arg8[%dma_start3A_719] : memref<16384xf32, #tpu.memory_space<vmem>> -> memref<512xf32, #tpu.memory_space<vmem>>
      %dma_start3A_721 = tpu.memref_slice %arg3[%add3A_354] : memref<524288xf32, #tpu.memory_space<hbm>> -> memref<512xf32, #tpu.memory_space<hbm>>
      tpu.enqueue_dma source(%dma_start3A_721 : memref<512xf32, #tpu.memory_space<hbm>>) target(%dma_start3A_720 : memref<512xf32, #tpu.memory_space<vmem>>) target_semaphore(%run_scoped3A : memref<!tpu.dma_semaphore, #tpu.memory_space<semaphore_mem>>)
      %dma_wait3A_722 = arith.constant 6656 : i32
      %dma_wait3A_723 = tpu.memref_slice %arg8[%dma_wait3A_722] : memref<16384xf32, #tpu.memory_space<vmem>> -> memref<512xf32, #tpu.memory_space<vmem>>
      %dma_wait3A_724 = tpu.memref_slice %arg3[%add3A_354] : memref<524288xf32, #tpu.memory_space<hbm>> -> memref<512xf32, #tpu.memory_space<hbm>>
      %dma_wait3A_725 = arith.constant 6656 : i32
      %dma_wait3A_726 = tpu.memref_slice %arg8[%dma_wait3A_725] : memref<16384xf32, #tpu.memory_space<vmem>> -> memref<512xf32, #tpu.memory_space<vmem>>
      %dma_wait3A_727 = tpu.memref_slice %arg3[%add3A_354] : memref<524288xf32, #tpu.memory_space<hbm>> -> memref<512xf32, #tpu.memory_space<hbm>>
      tpu.wait_dma2 semaphore(%run_scoped3A : memref<!tpu.dma_semaphore, #tpu.memory_space<semaphore_mem>>) src(%dma_wait3A_727 : memref<512xf32, #tpu.memory_space<hbm>>) dst(%dma_wait3A_726 : memref<512xf32, #tpu.memory_space<vmem>>)
      tpu.yield
    }) : () -> ()
    %add3A_355 = arith.constant 229376 : i32
    %add3A_356 = arith.addi %add3A_355, %mul3A_2 : i32
    "tpu.region"() ({
      %run_scoped3A = tpu.sem_alloc : memref<!tpu.dma_semaphore, #tpu.memory_space<semaphore_mem>>
      %dma_start3A_716 = arith.constant 7168 : i32
      %dma_start3A_717 = tpu.memref_slice %arg8[%dma_start3A_716] : memref<16384xf32, #tpu.memory_space<vmem>> -> memref<512xf32, #tpu.memory_space<vmem>>
      %dma_start3A_718 = tpu.memref_slice %arg3[%add3A_356] : memref<524288xf32, #tpu.memory_space<hbm>> -> memref<512xf32, #tpu.memory_space<hbm>>
      %dma_start3A_719 = arith.constant 7168 : i32
      %dma_start3A_720 = tpu.memref_slice %arg8[%dma_start3A_719] : memref<16384xf32, #tpu.memory_space<vmem>> -> memref<512xf32, #tpu.memory_space<vmem>>
      %dma_start3A_721 = tpu.memref_slice %arg3[%add3A_356] : memref<524288xf32, #tpu.memory_space<hbm>> -> memref<512xf32, #tpu.memory_space<hbm>>
      tpu.enqueue_dma source(%dma_start3A_721 : memref<512xf32, #tpu.memory_space<hbm>>) target(%dma_start3A_720 : memref<512xf32, #tpu.memory_space<vmem>>) target_semaphore(%run_scoped3A : memref<!tpu.dma_semaphore, #tpu.memory_space<semaphore_mem>>)
      %dma_wait3A_722 = arith.constant 7168 : i32
      %dma_wait3A_723 = tpu.memref_slice %arg8[%dma_wait3A_722] : memref<16384xf32, #tpu.memory_space<vmem>> -> memref<512xf32, #tpu.memory_space<vmem>>
      %dma_wait3A_724 = tpu.memref_slice %arg3[%add3A_356] : memref<524288xf32, #tpu.memory_space<hbm>> -> memref<512xf32, #tpu.memory_space<hbm>>
      %dma_wait3A_725 = arith.constant 7168 : i32
      %dma_wait3A_726 = tpu.memref_slice %arg8[%dma_wait3A_725] : memref<16384xf32, #tpu.memory_space<vmem>> -> memref<512xf32, #tpu.memory_space<vmem>>
      %dma_wait3A_727 = tpu.memref_slice %arg3[%add3A_356] : memref<524288xf32, #tpu.memory_space<hbm>> -> memref<512xf32, #tpu.memory_space<hbm>>
      tpu.wait_dma2 semaphore(%run_scoped3A : memref<!tpu.dma_semaphore, #tpu.memory_space<semaphore_mem>>) src(%dma_wait3A_727 : memref<512xf32, #tpu.memory_space<hbm>>) dst(%dma_wait3A_726 : memref<512xf32, #tpu.memory_space<vmem>>)
      tpu.yield
    }) : () -> ()
    %add3A_357 = arith.constant 245760 : i32
    %add3A_358 = arith.addi %add3A_357, %mul3A_2 : i32
    "tpu.region"() ({
      %run_scoped3A = tpu.sem_alloc : memref<!tpu.dma_semaphore, #tpu.memory_space<semaphore_mem>>
      %dma_start3A_716 = arith.constant 7680 : i32
      %dma_start3A_717 = tpu.memref_slice %arg8[%dma_start3A_716] : memref<16384xf32, #tpu.memory_space<vmem>> -> memref<512xf32, #tpu.memory_space<vmem>>
      %dma_start3A_718 = tpu.memref_slice %arg3[%add3A_358] : memref<524288xf32, #tpu.memory_space<hbm>> -> memref<512xf32, #tpu.memory_space<hbm>>
      %dma_start3A_719 = arith.constant 7680 : i32
      %dma_start3A_720 = tpu.memref_slice %arg8[%dma_start3A_719] : memref<16384xf32, #tpu.memory_space<vmem>> -> memref<512xf32, #tpu.memory_space<vmem>>
      %dma_start3A_721 = tpu.memref_slice %arg3[%add3A_358] : memref<524288xf32, #tpu.memory_space<hbm>> -> memref<512xf32, #tpu.memory_space<hbm>>
      tpu.enqueue_dma source(%dma_start3A_721 : memref<512xf32, #tpu.memory_space<hbm>>) target(%dma_start3A_720 : memref<512xf32, #tpu.memory_space<vmem>>) target_semaphore(%run_scoped3A : memref<!tpu.dma_semaphore, #tpu.memory_space<semaphore_mem>>)
      %dma_wait3A_722 = arith.constant 7680 : i32
      %dma_wait3A_723 = tpu.memref_slice %arg8[%dma_wait3A_722] : memref<16384xf32, #tpu.memory_space<vmem>> -> memref<512xf32, #tpu.memory_space<vmem>>
      %dma_wait3A_724 = tpu.memref_slice %arg3[%add3A_358] : memref<524288xf32, #tpu.memory_space<hbm>> -> memref<512xf32, #tpu.memory_space<hbm>>
      %dma_wait3A_725 = arith.constant 7680 : i32
      %dma_wait3A_726 = tpu.memref_slice %arg8[%dma_wait3A_725] : memref<16384xf32, #tpu.memory_space<vmem>> -> memref<512xf32, #tpu.memory_space<vmem>>
      %dma_wait3A_727 = tpu.memref_slice %arg3[%add3A_358] : memref<524288xf32, #tpu.memory_space<hbm>> -> memref<512xf32, #tpu.memory_space<hbm>>
      tpu.wait_dma2 semaphore(%run_scoped3A : memref<!tpu.dma_semaphore, #tpu.memory_space<semaphore_mem>>) src(%dma_wait3A_727 : memref<512xf32, #tpu.memory_space<hbm>>) dst(%dma_wait3A_726 : memref<512xf32, #tpu.memory_space<vmem>>)
      tpu.yield
    }) : () -> ()
    %add3A_359 = arith.constant 262144 : i32
    %add3A_360 = arith.addi %add3A_359, %mul3A_2 : i32
    "tpu.region"() ({
      %run_scoped3A = tpu.sem_alloc : memref<!tpu.dma_semaphore, #tpu.memory_space<semaphore_mem>>
      %dma_start3A_716 = arith.constant 8192 : i32
      %dma_start3A_717 = tpu.memref_slice %arg8[%dma_start3A_716] : memref<16384xf32, #tpu.memory_space<vmem>> -> memref<512xf32, #tpu.memory_space<vmem>>
      %dma_start3A_718 = tpu.memref_slice %arg3[%add3A_360] : memref<524288xf32, #tpu.memory_space<hbm>> -> memref<512xf32, #tpu.memory_space<hbm>>
      %dma_start3A_719 = arith.constant 8192 : i32
      %dma_start3A_720 = tpu.memref_slice %arg8[%dma_start3A_719] : memref<16384xf32, #tpu.memory_space<vmem>> -> memref<512xf32, #tpu.memory_space<vmem>>
      %dma_start3A_721 = tpu.memref_slice %arg3[%add3A_360] : memref<524288xf32, #tpu.memory_space<hbm>> -> memref<512xf32, #tpu.memory_space<hbm>>
      tpu.enqueue_dma source(%dma_start3A_721 : memref<512xf32, #tpu.memory_space<hbm>>) target(%dma_start3A_720 : memref<512xf32, #tpu.memory_space<vmem>>) target_semaphore(%run_scoped3A : memref<!tpu.dma_semaphore, #tpu.memory_space<semaphore_mem>>)
      %dma_wait3A_722 = arith.constant 8192 : i32
      %dma_wait3A_723 = tpu.memref_slice %arg8[%dma_wait3A_722] : memref<16384xf32, #tpu.memory_space<vmem>> -> memref<512xf32, #tpu.memory_space<vmem>>
      %dma_wait3A_724 = tpu.memref_slice %arg3[%add3A_360] : memref<524288xf32, #tpu.memory_space<hbm>> -> memref<512xf32, #tpu.memory_space<hbm>>
      %dma_wait3A_725 = arith.constant 8192 : i32
      %dma_wait3A_726 = tpu.memref_slice %arg8[%dma_wait3A_725] : memref<16384xf32, #tpu.memory_space<vmem>> -> memref<512xf32, #tpu.memory_space<vmem>>
      %dma_wait3A_727 = tpu.memref_slice %arg3[%add3A_360] : memref<524288xf32, #tpu.memory_space<hbm>> -> memref<512xf32, #tpu.memory_space<hbm>>
      tpu.wait_dma2 semaphore(%run_scoped3A : memref<!tpu.dma_semaphore, #tpu.memory_space<semaphore_mem>>) src(%dma_wait3A_727 : memref<512xf32, #tpu.memory_space<hbm>>) dst(%dma_wait3A_726 : memref<512xf32, #tpu.memory_space<vmem>>)
      tpu.yield
    }) : () -> ()
    %add3A_361 = arith.constant 278528 : i32
    %add3A_362 = arith.addi %add3A_361, %mul3A_2 : i32
    "tpu.region"() ({
      %run_scoped3A = tpu.sem_alloc : memref<!tpu.dma_semaphore, #tpu.memory_space<semaphore_mem>>
      %dma_start3A_716 = arith.constant 8704 : i32
      %dma_start3A_717 = tpu.memref_slice %arg8[%dma_start3A_716] : memref<16384xf32, #tpu.memory_space<vmem>> -> memref<512xf32, #tpu.memory_space<vmem>>
      %dma_start3A_718 = tpu.memref_slice %arg3[%add3A_362] : memref<524288xf32, #tpu.memory_space<hbm>> -> memref<512xf32, #tpu.memory_space<hbm>>
      %dma_start3A_719 = arith.constant 8704 : i32
      %dma_start3A_720 = tpu.memref_slice %arg8[%dma_start3A_719] : memref<16384xf32, #tpu.memory_space<vmem>> -> memref<512xf32, #tpu.memory_space<vmem>>
      %dma_start3A_721 = tpu.memref_slice %arg3[%add3A_362] : memref<524288xf32, #tpu.memory_space<hbm>> -> memref<512xf32, #tpu.memory_space<hbm>>
      tpu.enqueue_dma source(%dma_start3A_721 : memref<512xf32, #tpu.memory_space<hbm>>) target(%dma_start3A_720 : memref<512xf32, #tpu.memory_space<vmem>>) target_semaphore(%run_scoped3A : memref<!tpu.dma_semaphore, #tpu.memory_space<semaphore_mem>>)
      %dma_wait3A_722 = arith.constant 8704 : i32
      %dma_wait3A_723 = tpu.memref_slice %arg8[%dma_wait3A_722] : memref<16384xf32, #tpu.memory_space<vmem>> -> memref<512xf32, #tpu.memory_space<vmem>>
      %dma_wait3A_724 = tpu.memref_slice %arg3[%add3A_362] : memref<524288xf32, #tpu.memory_space<hbm>> -> memref<512xf32, #tpu.memory_space<hbm>>
      %dma_wait3A_725 = arith.constant 8704 : i32
      %dma_wait3A_726 = tpu.memref_slice %arg8[%dma_wait3A_725] : memref<16384xf32, #tpu.memory_space<vmem>> -> memref<512xf32, #tpu.memory_space<vmem>>
      %dma_wait3A_727 = tpu.memref_slice %arg3[%add3A_362] : memref<524288xf32, #tpu.memory_space<hbm>> -> memref<512xf32, #tpu.memory_space<hbm>>
      tpu.wait_dma2 semaphore(%run_scoped3A : memref<!tpu.dma_semaphore, #tpu.memory_space<semaphore_mem>>) src(%dma_wait3A_727 : memref<512xf32, #tpu.memory_space<hbm>>) dst(%dma_wait3A_726 : memref<512xf32, #tpu.memory_space<vmem>>)
      tpu.yield
    }) : () -> ()
    %add3A_363 = arith.constant 294912 : i32
    %add3A_364 = arith.addi %add3A_363, %mul3A_2 : i32
    "tpu.region"() ({
      %run_scoped3A = tpu.sem_alloc : memref<!tpu.dma_semaphore, #tpu.memory_space<semaphore_mem>>
      %dma_start3A_716 = arith.constant 9216 : i32
      %dma_start3A_717 = tpu.memref_slice %arg8[%dma_start3A_716] : memref<16384xf32, #tpu.memory_space<vmem>> -> memref<512xf32, #tpu.memory_space<vmem>>
      %dma_start3A_718 = tpu.memref_slice %arg3[%add3A_364] : memref<524288xf32, #tpu.memory_space<hbm>> -> memref<512xf32, #tpu.memory_space<hbm>>
      %dma_start3A_719 = arith.constant 9216 : i32
      %dma_start3A_720 = tpu.memref_slice %arg8[%dma_start3A_719] : memref<16384xf32, #tpu.memory_space<vmem>> -> memref<512xf32, #tpu.memory_space<vmem>>
      %dma_start3A_721 = tpu.memref_slice %arg3[%add3A_364] : memref<524288xf32, #tpu.memory_space<hbm>> -> memref<512xf32, #tpu.memory_space<hbm>>
      tpu.enqueue_dma source(%dma_start3A_721 : memref<512xf32, #tpu.memory_space<hbm>>) target(%dma_start3A_720 : memref<512xf32, #tpu.memory_space<vmem>>) target_semaphore(%run_scoped3A : memref<!tpu.dma_semaphore, #tpu.memory_space<semaphore_mem>>)
      %dma_wait3A_722 = arith.constant 9216 : i32
      %dma_wait3A_723 = tpu.memref_slice %arg8[%dma_wait3A_722] : memref<16384xf32, #tpu.memory_space<vmem>> -> memref<512xf32, #tpu.memory_space<vmem>>
      %dma_wait3A_724 = tpu.memref_slice %arg3[%add3A_364] : memref<524288xf32, #tpu.memory_space<hbm>> -> memref<512xf32, #tpu.memory_space<hbm>>
      %dma_wait3A_725 = arith.constant 9216 : i32
      %dma_wait3A_726 = tpu.memref_slice %arg8[%dma_wait3A_725] : memref<16384xf32, #tpu.memory_space<vmem>> -> memref<512xf32, #tpu.memory_space<vmem>>
      %dma_wait3A_727 = tpu.memref_slice %arg3[%add3A_364] : memref<524288xf32, #tpu.memory_space<hbm>> -> memref<512xf32, #tpu.memory_space<hbm>>
      tpu.wait_dma2 semaphore(%run_scoped3A : memref<!tpu.dma_semaphore, #tpu.memory_space<semaphore_mem>>) src(%dma_wait3A_727 : memref<512xf32, #tpu.memory_space<hbm>>) dst(%dma_wait3A_726 : memref<512xf32, #tpu.memory_space<vmem>>)
      tpu.yield
    }) : () -> ()
    %add3A_365 = arith.constant 311296 : i32
    %add3A_366 = arith.addi %add3A_365, %mul3A_2 : i32
    "tpu.region"() ({
      %run_scoped3A = tpu.sem_alloc : memref<!tpu.dma_semaphore, #tpu.memory_space<semaphore_mem>>
      %dma_start3A_716 = arith.constant 9728 : i32
      %dma_start3A_717 = tpu.memref_slice %arg8[%dma_start3A_716] : memref<16384xf32, #tpu.memory_space<vmem>> -> memref<512xf32, #tpu.memory_space<vmem>>
      %dma_start3A_718 = tpu.memref_slice %arg3[%add3A_366] : memref<524288xf32, #tpu.memory_space<hbm>> -> memref<512xf32, #tpu.memory_space<hbm>>
      %dma_start3A_719 = arith.constant 9728 : i32
      %dma_start3A_720 = tpu.memref_slice %arg8[%dma_start3A_719] : memref<16384xf32, #tpu.memory_space<vmem>> -> memref<512xf32, #tpu.memory_space<vmem>>
      %dma_start3A_721 = tpu.memref_slice %arg3[%add3A_366] : memref<524288xf32, #tpu.memory_space<hbm>> -> memref<512xf32, #tpu.memory_space<hbm>>
      tpu.enqueue_dma source(%dma_start3A_721 : memref<512xf32, #tpu.memory_space<hbm>>) target(%dma_start3A_720 : memref<512xf32, #tpu.memory_space<vmem>>) target_semaphore(%run_scoped3A : memref<!tpu.dma_semaphore, #tpu.memory_space<semaphore_mem>>)
      %dma_wait3A_722 = arith.constant 9728 : i32
      %dma_wait3A_723 = tpu.memref_slice %arg8[%dma_wait3A_722] : memref<16384xf32, #tpu.memory_space<vmem>> -> memref<512xf32, #tpu.memory_space<vmem>>
      %dma_wait3A_724 = tpu.memref_slice %arg3[%add3A_366] : memref<524288xf32, #tpu.memory_space<hbm>> -> memref<512xf32, #tpu.memory_space<hbm>>
      %dma_wait3A_725 = arith.constant 9728 : i32
      %dma_wait3A_726 = tpu.memref_slice %arg8[%dma_wait3A_725] : memref<16384xf32, #tpu.memory_space<vmem>> -> memref<512xf32, #tpu.memory_space<vmem>>
      %dma_wait3A_727 = tpu.memref_slice %arg3[%add3A_366] : memref<524288xf32, #tpu.memory_space<hbm>> -> memref<512xf32, #tpu.memory_space<hbm>>
      tpu.wait_dma2 semaphore(%run_scoped3A : memref<!tpu.dma_semaphore, #tpu.memory_space<semaphore_mem>>) src(%dma_wait3A_727 : memref<512xf32, #tpu.memory_space<hbm>>) dst(%dma_wait3A_726 : memref<512xf32, #tpu.memory_space<vmem>>)
      tpu.yield
    }) : () -> ()
    %add3A_367 = arith.constant 327680 : i32
    %add3A_368 = arith.addi %add3A_367, %mul3A_2 : i32
    "tpu.region"() ({
      %run_scoped3A = tpu.sem_alloc : memref<!tpu.dma_semaphore, #tpu.memory_space<semaphore_mem>>
      %dma_start3A_716 = arith.constant 10240 : i32
      %dma_start3A_717 = tpu.memref_slice %arg8[%dma_start3A_716] : memref<16384xf32, #tpu.memory_space<vmem>> -> memref<512xf32, #tpu.memory_space<vmem>>
      %dma_start3A_718 = tpu.memref_slice %arg3[%add3A_368] : memref<524288xf32, #tpu.memory_space<hbm>> -> memref<512xf32, #tpu.memory_space<hbm>>
      %dma_start3A_719 = arith.constant 10240 : i32
      %dma_start3A_720 = tpu.memref_slice %arg8[%dma_start3A_719] : memref<16384xf32, #tpu.memory_space<vmem>> -> memref<512xf32, #tpu.memory_space<vmem>>
      %dma_start3A_721 = tpu.memref_slice %arg3[%add3A_368] : memref<524288xf32, #tpu.memory_space<hbm>> -> memref<512xf32, #tpu.memory_space<hbm>>
      tpu.enqueue_dma source(%dma_start3A_721 : memref<512xf32, #tpu.memory_space<hbm>>) target(%dma_start3A_720 : memref<512xf32, #tpu.memory_space<vmem>>) target_semaphore(%run_scoped3A : memref<!tpu.dma_semaphore, #tpu.memory_space<semaphore_mem>>)
      %dma_wait3A_722 = arith.constant 10240 : i32
      %dma_wait3A_723 = tpu.memref_slice %arg8[%dma_wait3A_722] : memref<16384xf32, #tpu.memory_space<vmem>> -> memref<512xf32, #tpu.memory_space<vmem>>
      %dma_wait3A_724 = tpu.memref_slice %arg3[%add3A_368] : memref<524288xf32, #tpu.memory_space<hbm>> -> memref<512xf32, #tpu.memory_space<hbm>>
      %dma_wait3A_725 = arith.constant 10240 : i32
      %dma_wait3A_726 = tpu.memref_slice %arg8[%dma_wait3A_725] : memref<16384xf32, #tpu.memory_space<vmem>> -> memref<512xf32, #tpu.memory_space<vmem>>
      %dma_wait3A_727 = tpu.memref_slice %arg3[%add3A_368] : memref<524288xf32, #tpu.memory_space<hbm>> -> memref<512xf32, #tpu.memory_space<hbm>>
      tpu.wait_dma2 semaphore(%run_scoped3A : memref<!tpu.dma_semaphore, #tpu.memory_space<semaphore_mem>>) src(%dma_wait3A_727 : memref<512xf32, #tpu.memory_space<hbm>>) dst(%dma_wait3A_726 : memref<512xf32, #tpu.memory_space<vmem>>)
      tpu.yield
    }) : () -> ()
    %add3A_369 = arith.constant 344064 : i32
    %add3A_370 = arith.addi %add3A_369, %mul3A_2 : i32
    "tpu.region"() ({
      %run_scoped3A = tpu.sem_alloc : memref<!tpu.dma_semaphore, #tpu.memory_space<semaphore_mem>>
      %dma_start3A_716 = arith.constant 10752 : i32
      %dma_start3A_717 = tpu.memref_slice %arg8[%dma_start3A_716] : memref<16384xf32, #tpu.memory_space<vmem>> -> memref<512xf32, #tpu.memory_space<vmem>>
      %dma_start3A_718 = tpu.memref_slice %arg3[%add3A_370] : memref<524288xf32, #tpu.memory_space<hbm>> -> memref<512xf32, #tpu.memory_space<hbm>>
      %dma_start3A_719 = arith.constant 10752 : i32
      %dma_start3A_720 = tpu.memref_slice %arg8[%dma_start3A_719] : memref<16384xf32, #tpu.memory_space<vmem>> -> memref<512xf32, #tpu.memory_space<vmem>>
      %dma_start3A_721 = tpu.memref_slice %arg3[%add3A_370] : memref<524288xf32, #tpu.memory_space<hbm>> -> memref<512xf32, #tpu.memory_space<hbm>>
      tpu.enqueue_dma source(%dma_start3A_721 : memref<512xf32, #tpu.memory_space<hbm>>) target(%dma_start3A_720 : memref<512xf32, #tpu.memory_space<vmem>>) target_semaphore(%run_scoped3A : memref<!tpu.dma_semaphore, #tpu.memory_space<semaphore_mem>>)
      %dma_wait3A_722 = arith.constant 10752 : i32
      %dma_wait3A_723 = tpu.memref_slice %arg8[%dma_wait3A_722] : memref<16384xf32, #tpu.memory_space<vmem>> -> memref<512xf32, #tpu.memory_space<vmem>>
      %dma_wait3A_724 = tpu.memref_slice %arg3[%add3A_370] : memref<524288xf32, #tpu.memory_space<hbm>> -> memref<512xf32, #tpu.memory_space<hbm>>
      %dma_wait3A_725 = arith.constant 10752 : i32
      %dma_wait3A_726 = tpu.memref_slice %arg8[%dma_wait3A_725] : memref<16384xf32, #tpu.memory_space<vmem>> -> memref<512xf32, #tpu.memory_space<vmem>>
      %dma_wait3A_727 = tpu.memref_slice %arg3[%add3A_370] : memref<524288xf32, #tpu.memory_space<hbm>> -> memref<512xf32, #tpu.memory_space<hbm>>
      tpu.wait_dma2 semaphore(%run_scoped3A : memref<!tpu.dma_semaphore, #tpu.memory_space<semaphore_mem>>) src(%dma_wait3A_727 : memref<512xf32, #tpu.memory_space<hbm>>) dst(%dma_wait3A_726 : memref<512xf32, #tpu.memory_space<vmem>>)
      tpu.yield
    }) : () -> ()
    %add3A_371 = arith.constant 360448 : i32
    %add3A_372 = arith.addi %add3A_371, %mul3A_2 : i32
    "tpu.region"() ({
      %run_scoped3A = tpu.sem_alloc : memref<!tpu.dma_semaphore, #tpu.memory_space<semaphore_mem>>
      %dma_start3A_716 = arith.constant 11264 : i32
      %dma_start3A_717 = tpu.memref_slice %arg8[%dma_start3A_716] : memref<16384xf32, #tpu.memory_space<vmem>> -> memref<512xf32, #tpu.memory_space<vmem>>
      %dma_start3A_718 = tpu.memref_slice %arg3[%add3A_372] : memref<524288xf32, #tpu.memory_space<hbm>> -> memref<512xf32, #tpu.memory_space<hbm>>
      %dma_start3A_719 = arith.constant 11264 : i32
      %dma_start3A_720 = tpu.memref_slice %arg8[%dma_start3A_719] : memref<16384xf32, #tpu.memory_space<vmem>> -> memref<512xf32, #tpu.memory_space<vmem>>
      %dma_start3A_721 = tpu.memref_slice %arg3[%add3A_372] : memref<524288xf32, #tpu.memory_space<hbm>> -> memref<512xf32, #tpu.memory_space<hbm>>
      tpu.enqueue_dma source(%dma_start3A_721 : memref<512xf32, #tpu.memory_space<hbm>>) target(%dma_start3A_720 : memref<512xf32, #tpu.memory_space<vmem>>) target_semaphore(%run_scoped3A : memref<!tpu.dma_semaphore, #tpu.memory_space<semaphore_mem>>)
      %dma_wait3A_722 = arith.constant 11264 : i32
      %dma_wait3A_723 = tpu.memref_slice %arg8[%dma_wait3A_722] : memref<16384xf32, #tpu.memory_space<vmem>> -> memref<512xf32, #tpu.memory_space<vmem>>
      %dma_wait3A_724 = tpu.memref_slice %arg3[%add3A_372] : memref<524288xf32, #tpu.memory_space<hbm>> -> memref<512xf32, #tpu.memory_space<hbm>>
      %dma_wait3A_725 = arith.constant 11264 : i32
      %dma_wait3A_726 = tpu.memref_slice %arg8[%dma_wait3A_725] : memref<16384xf32, #tpu.memory_space<vmem>> -> memref<512xf32, #tpu.memory_space<vmem>>
      %dma_wait3A_727 = tpu.memref_slice %arg3[%add3A_372] : memref<524288xf32, #tpu.memory_space<hbm>> -> memref<512xf32, #tpu.memory_space<hbm>>
      tpu.wait_dma2 semaphore(%run_scoped3A : memref<!tpu.dma_semaphore, #tpu.memory_space<semaphore_mem>>) src(%dma_wait3A_727 : memref<512xf32, #tpu.memory_space<hbm>>) dst(%dma_wait3A_726 : memref<512xf32, #tpu.memory_space<vmem>>)
      tpu.yield
    }) : () -> ()
    %add3A_373 = arith.constant 376832 : i32
    %add3A_374 = arith.addi %add3A_373, %mul3A_2 : i32
    "tpu.region"() ({
      %run_scoped3A = tpu.sem_alloc : memref<!tpu.dma_semaphore, #tpu.memory_space<semaphore_mem>>
      %dma_start3A_716 = arith.constant 11776 : i32
      %dma_start3A_717 = tpu.memref_slice %arg8[%dma_start3A_716] : memref<16384xf32, #tpu.memory_space<vmem>> -> memref<512xf32, #tpu.memory_space<vmem>>
      %dma_start3A_718 = tpu.memref_slice %arg3[%add3A_374] : memref<524288xf32, #tpu.memory_space<hbm>> -> memref<512xf32, #tpu.memory_space<hbm>>
      %dma_start3A_719 = arith.constant 11776 : i32
      %dma_start3A_720 = tpu.memref_slice %arg8[%dma_start3A_719] : memref<16384xf32, #tpu.memory_space<vmem>> -> memref<512xf32, #tpu.memory_space<vmem>>
      %dma_start3A_721 = tpu.memref_slice %arg3[%add3A_374] : memref<524288xf32, #tpu.memory_space<hbm>> -> memref<512xf32, #tpu.memory_space<hbm>>
      tpu.enqueue_dma source(%dma_start3A_721 : memref<512xf32, #tpu.memory_space<hbm>>) target(%dma_start3A_720 : memref<512xf32, #tpu.memory_space<vmem>>) target_semaphore(%run_scoped3A : memref<!tpu.dma_semaphore, #tpu.memory_space<semaphore_mem>>)
      %dma_wait3A_722 = arith.constant 11776 : i32
      %dma_wait3A_723 = tpu.memref_slice %arg8[%dma_wait3A_722] : memref<16384xf32, #tpu.memory_space<vmem>> -> memref<512xf32, #tpu.memory_space<vmem>>
      %dma_wait3A_724 = tpu.memref_slice %arg3[%add3A_374] : memref<524288xf32, #tpu.memory_space<hbm>> -> memref<512xf32, #tpu.memory_space<hbm>>
      %dma_wait3A_725 = arith.constant 11776 : i32
      %dma_wait3A_726 = tpu.memref_slice %arg8[%dma_wait3A_725] : memref<16384xf32, #tpu.memory_space<vmem>> -> memref<512xf32, #tpu.memory_space<vmem>>
      %dma_wait3A_727 = tpu.memref_slice %arg3[%add3A_374] : memref<524288xf32, #tpu.memory_space<hbm>> -> memref<512xf32, #tpu.memory_space<hbm>>
      tpu.wait_dma2 semaphore(%run_scoped3A : memref<!tpu.dma_semaphore, #tpu.memory_space<semaphore_mem>>) src(%dma_wait3A_727 : memref<512xf32, #tpu.memory_space<hbm>>) dst(%dma_wait3A_726 : memref<512xf32, #tpu.memory_space<vmem>>)
      tpu.yield
    }) : () -> ()
    %add3A_375 = arith.constant 393216 : i32
    %add3A_376 = arith.addi %add3A_375, %mul3A_2 : i32
    "tpu.region"() ({
      %run_scoped3A = tpu.sem_alloc : memref<!tpu.dma_semaphore, #tpu.memory_space<semaphore_mem>>
      %dma_start3A_716 = arith.constant 12288 : i32
      %dma_start3A_717 = tpu.memref_slice %arg8[%dma_start3A_716] : memref<16384xf32, #tpu.memory_space<vmem>> -> memref<512xf32, #tpu.memory_space<vmem>>
      %dma_start3A_718 = tpu.memref_slice %arg3[%add3A_376] : memref<524288xf32, #tpu.memory_space<hbm>> -> memref<512xf32, #tpu.memory_space<hbm>>
      %dma_start3A_719 = arith.constant 12288 : i32
      %dma_start3A_720 = tpu.memref_slice %arg8[%dma_start3A_719] : memref<16384xf32, #tpu.memory_space<vmem>> -> memref<512xf32, #tpu.memory_space<vmem>>
      %dma_start3A_721 = tpu.memref_slice %arg3[%add3A_376] : memref<524288xf32, #tpu.memory_space<hbm>> -> memref<512xf32, #tpu.memory_space<hbm>>
      tpu.enqueue_dma source(%dma_start3A_721 : memref<512xf32, #tpu.memory_space<hbm>>) target(%dma_start3A_720 : memref<512xf32, #tpu.memory_space<vmem>>) target_semaphore(%run_scoped3A : memref<!tpu.dma_semaphore, #tpu.memory_space<semaphore_mem>>)
      %dma_wait3A_722 = arith.constant 12288 : i32
      %dma_wait3A_723 = tpu.memref_slice %arg8[%dma_wait3A_722] : memref<16384xf32, #tpu.memory_space<vmem>> -> memref<512xf32, #tpu.memory_space<vmem>>
      %dma_wait3A_724 = tpu.memref_slice %arg3[%add3A_376] : memref<524288xf32, #tpu.memory_space<hbm>> -> memref<512xf32, #tpu.memory_space<hbm>>
      %dma_wait3A_725 = arith.constant 12288 : i32
      %dma_wait3A_726 = tpu.memref_slice %arg8[%dma_wait3A_725] : memref<16384xf32, #tpu.memory_space<vmem>> -> memref<512xf32, #tpu.memory_space<vmem>>
      %dma_wait3A_727 = tpu.memref_slice %arg3[%add3A_376] : memref<524288xf32, #tpu.memory_space<hbm>> -> memref<512xf32, #tpu.memory_space<hbm>>
      tpu.wait_dma2 semaphore(%run_scoped3A : memref<!tpu.dma_semaphore, #tpu.memory_space<semaphore_mem>>) src(%dma_wait3A_727 : memref<512xf32, #tpu.memory_space<hbm>>) dst(%dma_wait3A_726 : memref<512xf32, #tpu.memory_space<vmem>>)
      tpu.yield
    }) : () -> ()
    %add3A_377 = arith.constant 409600 : i32
    %add3A_378 = arith.addi %add3A_377, %mul3A_2 : i32
    "tpu.region"() ({
      %run_scoped3A = tpu.sem_alloc : memref<!tpu.dma_semaphore, #tpu.memory_space<semaphore_mem>>
      %dma_start3A_716 = arith.constant 12800 : i32
      %dma_start3A_717 = tpu.memref_slice %arg8[%dma_start3A_716] : memref<16384xf32, #tpu.memory_space<vmem>> -> memref<512xf32, #tpu.memory_space<vmem>>
      %dma_start3A_718 = tpu.memref_slice %arg3[%add3A_378] : memref<524288xf32, #tpu.memory_space<hbm>> -> memref<512xf32, #tpu.memory_space<hbm>>
      %dma_start3A_719 = arith.constant 12800 : i32
      %dma_start3A_720 = tpu.memref_slice %arg8[%dma_start3A_719] : memref<16384xf32, #tpu.memory_space<vmem>> -> memref<512xf32, #tpu.memory_space<vmem>>
      %dma_start3A_721 = tpu.memref_slice %arg3[%add3A_378] : memref<524288xf32, #tpu.memory_space<hbm>> -> memref<512xf32, #tpu.memory_space<hbm>>
      tpu.enqueue_dma source(%dma_start3A_721 : memref<512xf32, #tpu.memory_space<hbm>>) target(%dma_start3A_720 : memref<512xf32, #tpu.memory_space<vmem>>) target_semaphore(%run_scoped3A : memref<!tpu.dma_semaphore, #tpu.memory_space<semaphore_mem>>)
      %dma_wait3A_722 = arith.constant 12800 : i32
      %dma_wait3A_723 = tpu.memref_slice %arg8[%dma_wait3A_722] : memref<16384xf32, #tpu.memory_space<vmem>> -> memref<512xf32, #tpu.memory_space<vmem>>
      %dma_wait3A_724 = tpu.memref_slice %arg3[%add3A_378] : memref<524288xf32, #tpu.memory_space<hbm>> -> memref<512xf32, #tpu.memory_space<hbm>>
      %dma_wait3A_725 = arith.constant 12800 : i32
      %dma_wait3A_726 = tpu.memref_slice %arg8[%dma_wait3A_725] : memref<16384xf32, #tpu.memory_space<vmem>> -> memref<512xf32, #tpu.memory_space<vmem>>
      %dma_wait3A_727 = tpu.memref_slice %arg3[%add3A_378] : memref<524288xf32, #tpu.memory_space<hbm>> -> memref<512xf32, #tpu.memory_space<hbm>>
      tpu.wait_dma2 semaphore(%run_scoped3A : memref<!tpu.dma_semaphore, #tpu.memory_space<semaphore_mem>>) src(%dma_wait3A_727 : memref<512xf32, #tpu.memory_space<hbm>>) dst(%dma_wait3A_726 : memref<512xf32, #tpu.memory_space<vmem>>)
      tpu.yield
    }) : () -> ()
    %add3A_379 = arith.constant 425984 : i32
    %add3A_380 = arith.addi %add3A_379, %mul3A_2 : i32
    "tpu.region"() ({
      %run_scoped3A = tpu.sem_alloc : memref<!tpu.dma_semaphore, #tpu.memory_space<semaphore_mem>>
      %dma_start3A_716 = arith.constant 13312 : i32
      %dma_start3A_717 = tpu.memref_slice %arg8[%dma_start3A_716] : memref<16384xf32, #tpu.memory_space<vmem>> -> memref<512xf32, #tpu.memory_space<vmem>>
      %dma_start3A_718 = tpu.memref_slice %arg3[%add3A_380] : memref<524288xf32, #tpu.memory_space<hbm>> -> memref<512xf32, #tpu.memory_space<hbm>>
      %dma_start3A_719 = arith.constant 13312 : i32
      %dma_start3A_720 = tpu.memref_slice %arg8[%dma_start3A_719] : memref<16384xf32, #tpu.memory_space<vmem>> -> memref<512xf32, #tpu.memory_space<vmem>>
      %dma_start3A_721 = tpu.memref_slice %arg3[%add3A_380] : memref<524288xf32, #tpu.memory_space<hbm>> -> memref<512xf32, #tpu.memory_space<hbm>>
      tpu.enqueue_dma source(%dma_start3A_721 : memref<512xf32, #tpu.memory_space<hbm>>) target(%dma_start3A_720 : memref<512xf32, #tpu.memory_space<vmem>>) target_semaphore(%run_scoped3A : memref<!tpu.dma_semaphore, #tpu.memory_space<semaphore_mem>>)
      %dma_wait3A_722 = arith.constant 13312 : i32
      %dma_wait3A_723 = tpu.memref_slice %arg8[%dma_wait3A_722] : memref<16384xf32, #tpu.memory_space<vmem>> -> memref<512xf32, #tpu.memory_space<vmem>>
      %dma_wait3A_724 = tpu.memref_slice %arg3[%add3A_380] : memref<524288xf32, #tpu.memory_space<hbm>> -> memref<512xf32, #tpu.memory_space<hbm>>
      %dma_wait3A_725 = arith.constant 13312 : i32
      %dma_wait3A_726 = tpu.memref_slice %arg8[%dma_wait3A_725] : memref<16384xf32, #tpu.memory_space<vmem>> -> memref<512xf32, #tpu.memory_space<vmem>>
      %dma_wait3A_727 = tpu.memref_slice %arg3[%add3A_380] : memref<524288xf32, #tpu.memory_space<hbm>> -> memref<512xf32, #tpu.memory_space<hbm>>
      tpu.wait_dma2 semaphore(%run_scoped3A : memref<!tpu.dma_semaphore, #tpu.memory_space<semaphore_mem>>) src(%dma_wait3A_727 : memref<512xf32, #tpu.memory_space<hbm>>) dst(%dma_wait3A_726 : memref<512xf32, #tpu.memory_space<vmem>>)
      tpu.yield
    }) : () -> ()
    %add3A_381 = arith.constant 442368 : i32
    %add3A_382 = arith.addi %add3A_381, %mul3A_2 : i32
    "tpu.region"() ({
      %run_scoped3A = tpu.sem_alloc : memref<!tpu.dma_semaphore, #tpu.memory_space<semaphore_mem>>
      %dma_start3A_716 = arith.constant 13824 : i32
      %dma_start3A_717 = tpu.memref_slice %arg8[%dma_start3A_716] : memref<16384xf32, #tpu.memory_space<vmem>> -> memref<512xf32, #tpu.memory_space<vmem>>
      %dma_start3A_718 = tpu.memref_slice %arg3[%add3A_382] : memref<524288xf32, #tpu.memory_space<hbm>> -> memref<512xf32, #tpu.memory_space<hbm>>
      %dma_start3A_719 = arith.constant 13824 : i32
      %dma_start3A_720 = tpu.memref_slice %arg8[%dma_start3A_719] : memref<16384xf32, #tpu.memory_space<vmem>> -> memref<512xf32, #tpu.memory_space<vmem>>
      %dma_start3A_721 = tpu.memref_slice %arg3[%add3A_382] : memref<524288xf32, #tpu.memory_space<hbm>> -> memref<512xf32, #tpu.memory_space<hbm>>
      tpu.enqueue_dma source(%dma_start3A_721 : memref<512xf32, #tpu.memory_space<hbm>>) target(%dma_start3A_720 : memref<512xf32, #tpu.memory_space<vmem>>) target_semaphore(%run_scoped3A : memref<!tpu.dma_semaphore, #tpu.memory_space<semaphore_mem>>)
      %dma_wait3A_722 = arith.constant 13824 : i32
      %dma_wait3A_723 = tpu.memref_slice %arg8[%dma_wait3A_722] : memref<16384xf32, #tpu.memory_space<vmem>> -> memref<512xf32, #tpu.memory_space<vmem>>
      %dma_wait3A_724 = tpu.memref_slice %arg3[%add3A_382] : memref<524288xf32, #tpu.memory_space<hbm>> -> memref<512xf32, #tpu.memory_space<hbm>>
      %dma_wait3A_725 = arith.constant 13824 : i32
      %dma_wait3A_726 = tpu.memref_slice %arg8[%dma_wait3A_725] : memref<16384xf32, #tpu.memory_space<vmem>> -> memref<512xf32, #tpu.memory_space<vmem>>
      %dma_wait3A_727 = tpu.memref_slice %arg3[%add3A_382] : memref<524288xf32, #tpu.memory_space<hbm>> -> memref<512xf32, #tpu.memory_space<hbm>>
      tpu.wait_dma2 semaphore(%run_scoped3A : memref<!tpu.dma_semaphore, #tpu.memory_space<semaphore_mem>>) src(%dma_wait3A_727 : memref<512xf32, #tpu.memory_space<hbm>>) dst(%dma_wait3A_726 : memref<512xf32, #tpu.memory_space<vmem>>)
      tpu.yield
    }) : () -> ()
    %add3A_383 = arith.constant 458752 : i32
    %add3A_384 = arith.addi %add3A_383, %mul3A_2 : i32
    "tpu.region"() ({
      %run_scoped3A = tpu.sem_alloc : memref<!tpu.dma_semaphore, #tpu.memory_space<semaphore_mem>>
      %dma_start3A_716 = arith.constant 14336 : i32
      %dma_start3A_717 = tpu.memref_slice %arg8[%dma_start3A_716] : memref<16384xf32, #tpu.memory_space<vmem>> -> memref<512xf32, #tpu.memory_space<vmem>>
      %dma_start3A_718 = tpu.memref_slice %arg3[%add3A_384] : memref<524288xf32, #tpu.memory_space<hbm>> -> memref<512xf32, #tpu.memory_space<hbm>>
      %dma_start3A_719 = arith.constant 14336 : i32
      %dma_start3A_720 = tpu.memref_slice %arg8[%dma_start3A_719] : memref<16384xf32, #tpu.memory_space<vmem>> -> memref<512xf32, #tpu.memory_space<vmem>>
      %dma_start3A_721 = tpu.memref_slice %arg3[%add3A_384] : memref<524288xf32, #tpu.memory_space<hbm>> -> memref<512xf32, #tpu.memory_space<hbm>>
      tpu.enqueue_dma source(%dma_start3A_721 : memref<512xf32, #tpu.memory_space<hbm>>) target(%dma_start3A_720 : memref<512xf32, #tpu.memory_space<vmem>>) target_semaphore(%run_scoped3A : memref<!tpu.dma_semaphore, #tpu.memory_space<semaphore_mem>>)
      %dma_wait3A_722 = arith.constant 14336 : i32
      %dma_wait3A_723 = tpu.memref_slice %arg8[%dma_wait3A_722] : memref<16384xf32, #tpu.memory_space<vmem>> -> memref<512xf32, #tpu.memory_space<vmem>>
      %dma_wait3A_724 = tpu.memref_slice %arg3[%add3A_384] : memref<524288xf32, #tpu.memory_space<hbm>> -> memref<512xf32, #tpu.memory_space<hbm>>
      %dma_wait3A_725 = arith.constant 14336 : i32
      %dma_wait3A_726 = tpu.memref_slice %arg8[%dma_wait3A_725] : memref<16384xf32, #tpu.memory_space<vmem>> -> memref<512xf32, #tpu.memory_space<vmem>>
      %dma_wait3A_727 = tpu.memref_slice %arg3[%add3A_384] : memref<524288xf32, #tpu.memory_space<hbm>> -> memref<512xf32, #tpu.memory_space<hbm>>
      tpu.wait_dma2 semaphore(%run_scoped3A : memref<!tpu.dma_semaphore, #tpu.memory_space<semaphore_mem>>) src(%dma_wait3A_727 : memref<512xf32, #tpu.memory_space<hbm>>) dst(%dma_wait3A_726 : memref<512xf32, #tpu.memory_space<vmem>>)
      tpu.yield
    }) : () -> ()
    %add3A_385 = arith.constant 475136 : i32
    %add3A_386 = arith.addi %add3A_385, %mul3A_2 : i32
    "tpu.region"() ({
      %run_scoped3A = tpu.sem_alloc : memref<!tpu.dma_semaphore, #tpu.memory_space<semaphore_mem>>
      %dma_start3A_716 = arith.constant 14848 : i32
      %dma_start3A_717 = tpu.memref_slice %arg8[%dma_start3A_716] : memref<16384xf32, #tpu.memory_space<vmem>> -> memref<512xf32, #tpu.memory_space<vmem>>
      %dma_start3A_718 = tpu.memref_slice %arg3[%add3A_386] : memref<524288xf32, #tpu.memory_space<hbm>> -> memref<512xf32, #tpu.memory_space<hbm>>
      %dma_start3A_719 = arith.constant 14848 : i32
      %dma_start3A_720 = tpu.memref_slice %arg8[%dma_start3A_719] : memref<16384xf32, #tpu.memory_space<vmem>> -> memref<512xf32, #tpu.memory_space<vmem>>
      %dma_start3A_721 = tpu.memref_slice %arg3[%add3A_386] : memref<524288xf32, #tpu.memory_space<hbm>> -> memref<512xf32, #tpu.memory_space<hbm>>
      tpu.enqueue_dma source(%dma_start3A_721 : memref<512xf32, #tpu.memory_space<hbm>>) target(%dma_start3A_720 : memref<512xf32, #tpu.memory_space<vmem>>) target_semaphore(%run_scoped3A : memref<!tpu.dma_semaphore, #tpu.memory_space<semaphore_mem>>)
      %dma_wait3A_722 = arith.constant 14848 : i32
      %dma_wait3A_723 = tpu.memref_slice %arg8[%dma_wait3A_722] : memref<16384xf32, #tpu.memory_space<vmem>> -> memref<512xf32, #tpu.memory_space<vmem>>
      %dma_wait3A_724 = tpu.memref_slice %arg3[%add3A_386] : memref<524288xf32, #tpu.memory_space<hbm>> -> memref<512xf32, #tpu.memory_space<hbm>>
      %dma_wait3A_725 = arith.constant 14848 : i32
      %dma_wait3A_726 = tpu.memref_slice %arg8[%dma_wait3A_725] : memref<16384xf32, #tpu.memory_space<vmem>> -> memref<512xf32, #tpu.memory_space<vmem>>
      %dma_wait3A_727 = tpu.memref_slice %arg3[%add3A_386] : memref<524288xf32, #tpu.memory_space<hbm>> -> memref<512xf32, #tpu.memory_space<hbm>>
      tpu.wait_dma2 semaphore(%run_scoped3A : memref<!tpu.dma_semaphore, #tpu.memory_space<semaphore_mem>>) src(%dma_wait3A_727 : memref<512xf32, #tpu.memory_space<hbm>>) dst(%dma_wait3A_726 : memref<512xf32, #tpu.memory_space<vmem>>)
      tpu.yield
    }) : () -> ()
    %add3A_387 = arith.constant 491520 : i32
    %add3A_388 = arith.addi %add3A_387, %mul3A_2 : i32
    "tpu.region"() ({
      %run_scoped3A = tpu.sem_alloc : memref<!tpu.dma_semaphore, #tpu.memory_space<semaphore_mem>>
      %dma_start3A_716 = arith.constant 15360 : i32
      %dma_start3A_717 = tpu.memref_slice %arg8[%dma_start3A_716] : memref<16384xf32, #tpu.memory_space<vmem>> -> memref<512xf32, #tpu.memory_space<vmem>>
      %dma_start3A_718 = tpu.memref_slice %arg3[%add3A_388] : memref<524288xf32, #tpu.memory_space<hbm>> -> memref<512xf32, #tpu.memory_space<hbm>>
      %dma_start3A_719 = arith.constant 15360 : i32
      %dma_start3A_720 = tpu.memref_slice %arg8[%dma_start3A_719] : memref<16384xf32, #tpu.memory_space<vmem>> -> memref<512xf32, #tpu.memory_space<vmem>>
      %dma_start3A_721 = tpu.memref_slice %arg3[%add3A_388] : memref<524288xf32, #tpu.memory_space<hbm>> -> memref<512xf32, #tpu.memory_space<hbm>>
      tpu.enqueue_dma source(%dma_start3A_721 : memref<512xf32, #tpu.memory_space<hbm>>) target(%dma_start3A_720 : memref<512xf32, #tpu.memory_space<vmem>>) target_semaphore(%run_scoped3A : memref<!tpu.dma_semaphore, #tpu.memory_space<semaphore_mem>>)
      %dma_wait3A_722 = arith.constant 15360 : i32
      %dma_wait3A_723 = tpu.memref_slice %arg8[%dma_wait3A_722] : memref<16384xf32, #tpu.memory_space<vmem>> -> memref<512xf32, #tpu.memory_space<vmem>>
      %dma_wait3A_724 = tpu.memref_slice %arg3[%add3A_388] : memref<524288xf32, #tpu.memory_space<hbm>> -> memref<512xf32, #tpu.memory_space<hbm>>
      %dma_wait3A_725 = arith.constant 15360 : i32
      %dma_wait3A_726 = tpu.memref_slice %arg8[%dma_wait3A_725] : memref<16384xf32, #tpu.memory_space<vmem>> -> memref<512xf32, #tpu.memory_space<vmem>>
      %dma_wait3A_727 = tpu.memref_slice %arg3[%add3A_388] : memref<524288xf32, #tpu.memory_space<hbm>> -> memref<512xf32, #tpu.memory_space<hbm>>
      tpu.wait_dma2 semaphore(%run_scoped3A : memref<!tpu.dma_semaphore, #tpu.memory_space<semaphore_mem>>) src(%dma_wait3A_727 : memref<512xf32, #tpu.memory_space<hbm>>) dst(%dma_wait3A_726 : memref<512xf32, #tpu.memory_space<vmem>>)
      tpu.yield
    }) : () -> ()
    %add3A_389 = arith.constant 507904 : i32
    %add3A_390 = arith.addi %add3A_389, %mul3A_2 : i32
    "tpu.region"() ({
      %run_scoped3A = tpu.sem_alloc : memref<!tpu.dma_semaphore, #tpu.memory_space<semaphore_mem>>
      %dma_start3A_716 = arith.constant 15872 : i32
      %dma_start3A_717 = tpu.memref_slice %arg8[%dma_start3A_716] : memref<16384xf32, #tpu.memory_space<vmem>> -> memref<512xf32, #tpu.memory_space<vmem>>
      %dma_start3A_718 = tpu.memref_slice %arg3[%add3A_390] : memref<524288xf32, #tpu.memory_space<hbm>> -> memref<512xf32, #tpu.memory_space<hbm>>
      %dma_start3A_719 = arith.constant 15872 : i32
      %dma_start3A_720 = tpu.memref_slice %arg8[%dma_start3A_719] : memref<16384xf32, #tpu.memory_space<vmem>> -> memref<512xf32, #tpu.memory_space<vmem>>
      %dma_start3A_721 = tpu.memref_slice %arg3[%add3A_390] : memref<524288xf32, #tpu.memory_space<hbm>> -> memref<512xf32, #tpu.memory_space<hbm>>
      tpu.enqueue_dma source(%dma_start3A_721 : memref<512xf32, #tpu.memory_space<hbm>>) target(%dma_start3A_720 : memref<512xf32, #tpu.memory_space<vmem>>) target_semaphore(%run_scoped3A : memref<!tpu.dma_semaphore, #tpu.memory_space<semaphore_mem>>)
      %dma_wait3A_722 = arith.constant 15872 : i32
      %dma_wait3A_723 = tpu.memref_slice %arg8[%dma_wait3A_722] : memref<16384xf32, #tpu.memory_space<vmem>> -> memref<512xf32, #tpu.memory_space<vmem>>
      %dma_wait3A_724 = tpu.memref_slice %arg3[%add3A_390] : memref<524288xf32, #tpu.memory_space<hbm>> -> memref<512xf32, #tpu.memory_space<hbm>>
      %dma_wait3A_725 = arith.constant 15872 : i32
      %dma_wait3A_726 = tpu.memref_slice %arg8[%dma_wait3A_725] : memref<16384xf32, #tpu.memory_space<vmem>> -> memref<512xf32, #tpu.memory_space<vmem>>
      %dma_wait3A_727 = tpu.memref_slice %arg3[%add3A_390] : memref<524288xf32, #tpu.memory_space<hbm>> -> memref<512xf32, #tpu.memory_space<hbm>>
      tpu.wait_dma2 semaphore(%run_scoped3A : memref<!tpu.dma_semaphore, #tpu.memory_space<semaphore_mem>>) src(%dma_wait3A_727 : memref<512xf32, #tpu.memory_space<hbm>>) dst(%dma_wait3A_726 : memref<512xf32, #tpu.memory_space<vmem>>)
      tpu.yield
    }) : () -> ()
    %dma_wait3A = arith.constant 0 : i32
    %dma_wait3A_391 = arith.constant 0 : i32
    %dma_wait3A_392 = tpu.memref_slice %arg9[%dma_wait3A_391] : memref<16384xf32, #tpu.memory_space<vmem>> -> memref<512xf32, #tpu.memory_space<vmem>>
    %dma_wait3A_393 = arith.constant 0 : i32
    %dma_wait3A_394 = tpu.memref_slice %arg4[%dma_wait3A, %dma_wait3A_393] : memref<4x8000512xf32, #tpu.memory_space<hbm>> -> memref<1x8000512xf32, #tpu.memory_space<hbm>>
    %dma_wait3A_395 = tpu.memref_squeeze %dma_wait3A_394 : memref<1x8000512xf32, #tpu.memory_space<hbm>> -> memref<8000512xf32, #tpu.memory_space<hbm>>
    %dma_wait3A_396 = arith.constant 0 : i32
    %dma_wait3A_397 = tpu.memref_slice %dma_wait3A_395[%dma_wait3A_396] : memref<8000512xf32, #tpu.memory_space<hbm>> -> memref<8000512xf32, #tpu.memory_space<hbm>>
    %dma_wait3A_398 = arith.constant 0 : i32
    %dma_wait3A_399 = tpu.memref_slice %dma_wait3A_397[%dma_wait3A_398] : memref<8000512xf32, #tpu.memory_space<hbm>> -> memref<8000512xf32, #tpu.memory_space<hbm>>
    tpu.wait_indirect_dma semaphore(%arg11 : memref<!tpu.dma_semaphore, #tpu.memory_space<semaphore_mem>>) src(%dma_wait3A_399 : memref<8000512xf32, #tpu.memory_space<hbm>>) dst(%dma_wait3A_392 : memref<512xf32, #tpu.memory_space<vmem>>)
    %dma_wait3A_400 = arith.constant 0 : i32
    %dma_wait3A_401 = arith.constant 512 : i32
    %dma_wait3A_402 = tpu.memref_slice %arg9[%dma_wait3A_401] : memref<16384xf32, #tpu.memory_space<vmem>> -> memref<512xf32, #tpu.memory_space<vmem>>
    %dma_wait3A_403 = arith.constant 0 : i32
    %dma_wait3A_404 = tpu.memref_slice %arg4[%dma_wait3A_400, %dma_wait3A_403] : memref<4x8000512xf32, #tpu.memory_space<hbm>> -> memref<1x8000512xf32, #tpu.memory_space<hbm>>
    %dma_wait3A_405 = tpu.memref_squeeze %dma_wait3A_404 : memref<1x8000512xf32, #tpu.memory_space<hbm>> -> memref<8000512xf32, #tpu.memory_space<hbm>>
    %dma_wait3A_406 = arith.constant 128 : i32
    %dma_wait3A_407 = tpu.memref_slice %dma_wait3A_405[%dma_wait3A_406] : memref<8000512xf32, #tpu.memory_space<hbm>> -> memref<8000384xf32, #tpu.memory_space<hbm>>
    %dma_wait3A_408 = arith.constant 0 : i32
    %dma_wait3A_409 = tpu.memref_slice %dma_wait3A_407[%dma_wait3A_408] : memref<8000384xf32, #tpu.memory_space<hbm>> -> memref<8000384xf32, #tpu.memory_space<hbm>>
    tpu.wait_indirect_dma semaphore(%arg11 : memref<!tpu.dma_semaphore, #tpu.memory_space<semaphore_mem>>) src(%dma_wait3A_409 : memref<8000384xf32, #tpu.memory_space<hbm>>) dst(%dma_wait3A_402 : memref<512xf32, #tpu.memory_space<vmem>>)
    %dma_wait3A_410 = arith.constant 0 : i32
    %dma_wait3A_411 = arith.constant 1024 : i32
    %dma_wait3A_412 = tpu.memref_slice %arg9[%dma_wait3A_411] : memref<16384xf32, #tpu.memory_space<vmem>> -> memref<512xf32, #tpu.memory_space<vmem>>
    %dma_wait3A_413 = arith.constant 0 : i32
    %dma_wait3A_414 = tpu.memref_slice %arg4[%dma_wait3A_410, %dma_wait3A_413] : memref<4x8000512xf32, #tpu.memory_space<hbm>> -> memref<1x8000512xf32, #tpu.memory_space<hbm>>
    %dma_wait3A_415 = tpu.memref_squeeze %dma_wait3A_414 : memref<1x8000512xf32, #tpu.memory_space<hbm>> -> memref<8000512xf32, #tpu.memory_space<hbm>>
    %dma_wait3A_416 = arith.constant 256 : i32
    %dma_wait3A_417 = tpu.memref_slice %dma_wait3A_415[%dma_wait3A_416] : memref<8000512xf32, #tpu.memory_space<hbm>> -> memref<8000256xf32, #tpu.memory_space<hbm>>
    %dma_wait3A_418 = arith.constant 0 : i32
    %dma_wait3A_419 = tpu.memref_slice %dma_wait3A_417[%dma_wait3A_418] : memref<8000256xf32, #tpu.memory_space<hbm>> -> memref<8000256xf32, #tpu.memory_space<hbm>>
    tpu.wait_indirect_dma semaphore(%arg11 : memref<!tpu.dma_semaphore, #tpu.memory_space<semaphore_mem>>) src(%dma_wait3A_419 : memref<8000256xf32, #tpu.memory_space<hbm>>) dst(%dma_wait3A_412 : memref<512xf32, #tpu.memory_space<vmem>>)
    %dma_wait3A_420 = arith.constant 0 : i32
    %dma_wait3A_421 = arith.constant 1536 : i32
    %dma_wait3A_422 = tpu.memref_slice %arg9[%dma_wait3A_421] : memref<16384xf32, #tpu.memory_space<vmem>> -> memref<512xf32, #tpu.memory_space<vmem>>
    %dma_wait3A_423 = arith.constant 0 : i32
    %dma_wait3A_424 = tpu.memref_slice %arg4[%dma_wait3A_420, %dma_wait3A_423] : memref<4x8000512xf32, #tpu.memory_space<hbm>> -> memref<1x8000512xf32, #tpu.memory_space<hbm>>
    %dma_wait3A_425 = tpu.memref_squeeze %dma_wait3A_424 : memref<1x8000512xf32, #tpu.memory_space<hbm>> -> memref<8000512xf32, #tpu.memory_space<hbm>>
    %dma_wait3A_426 = arith.constant 384 : i32
    %dma_wait3A_427 = tpu.memref_slice %dma_wait3A_425[%dma_wait3A_426] : memref<8000512xf32, #tpu.memory_space<hbm>> -> memref<8000128xf32, #tpu.memory_space<hbm>>
    %dma_wait3A_428 = arith.constant 0 : i32
    %dma_wait3A_429 = tpu.memref_slice %dma_wait3A_427[%dma_wait3A_428] : memref<8000128xf32, #tpu.memory_space<hbm>> -> memref<8000128xf32, #tpu.memory_space<hbm>>
    tpu.wait_indirect_dma semaphore(%arg11 : memref<!tpu.dma_semaphore, #tpu.memory_space<semaphore_mem>>) src(%dma_wait3A_429 : memref<8000128xf32, #tpu.memory_space<hbm>>) dst(%dma_wait3A_422 : memref<512xf32, #tpu.memory_space<vmem>>)
    %dma_wait3A_430 = arith.constant 0 : i32
    %dma_wait3A_431 = arith.constant 2048 : i32
    %dma_wait3A_432 = tpu.memref_slice %arg9[%dma_wait3A_431] : memref<16384xf32, #tpu.memory_space<vmem>> -> memref<512xf32, #tpu.memory_space<vmem>>
    %dma_wait3A_433 = arith.constant 0 : i32
    %dma_wait3A_434 = tpu.memref_slice %arg4[%dma_wait3A_430, %dma_wait3A_433] : memref<4x8000512xf32, #tpu.memory_space<hbm>> -> memref<1x8000512xf32, #tpu.memory_space<hbm>>
    %dma_wait3A_435 = tpu.memref_squeeze %dma_wait3A_434 : memref<1x8000512xf32, #tpu.memory_space<hbm>> -> memref<8000512xf32, #tpu.memory_space<hbm>>
    %dma_wait3A_436 = arith.constant 512 : i32
    %dma_wait3A_437 = tpu.memref_slice %dma_wait3A_435[%dma_wait3A_436] : memref<8000512xf32, #tpu.memory_space<hbm>> -> memref<8000000xf32, #tpu.memory_space<hbm>>
    %dma_wait3A_438 = arith.constant 0 : i32
    %dma_wait3A_439 = tpu.memref_slice %dma_wait3A_437[%dma_wait3A_438] : memref<8000000xf32, #tpu.memory_space<hbm>> -> memref<8000000xf32, #tpu.memory_space<hbm>>
    tpu.wait_indirect_dma semaphore(%arg11 : memref<!tpu.dma_semaphore, #tpu.memory_space<semaphore_mem>>) src(%dma_wait3A_439 : memref<8000000xf32, #tpu.memory_space<hbm>>) dst(%dma_wait3A_432 : memref<512xf32, #tpu.memory_space<vmem>>)
    %dma_wait3A_440 = arith.constant 0 : i32
    %dma_wait3A_441 = arith.constant 2560 : i32
    %dma_wait3A_442 = tpu.memref_slice %arg9[%dma_wait3A_441] : memref<16384xf32, #tpu.memory_space<vmem>> -> memref<512xf32, #tpu.memory_space<vmem>>
    %dma_wait3A_443 = arith.constant 0 : i32
    %dma_wait3A_444 = tpu.memref_slice %arg4[%dma_wait3A_440, %dma_wait3A_443] : memref<4x8000512xf32, #tpu.memory_space<hbm>> -> memref<1x8000512xf32, #tpu.memory_space<hbm>>
    %dma_wait3A_445 = tpu.memref_squeeze %dma_wait3A_444 : memref<1x8000512xf32, #tpu.memory_space<hbm>> -> memref<8000512xf32, #tpu.memory_space<hbm>>
    %dma_wait3A_446 = arith.constant 640 : i32
    %dma_wait3A_447 = tpu.memref_slice %dma_wait3A_445[%dma_wait3A_446] : memref<8000512xf32, #tpu.memory_space<hbm>> -> memref<7999872xf32, #tpu.memory_space<hbm>>
    %dma_wait3A_448 = arith.constant 0 : i32
    %dma_wait3A_449 = tpu.memref_slice %dma_wait3A_447[%dma_wait3A_448] : memref<7999872xf32, #tpu.memory_space<hbm>> -> memref<7999872xf32, #tpu.memory_space<hbm>>
    tpu.wait_indirect_dma semaphore(%arg11 : memref<!tpu.dma_semaphore, #tpu.memory_space<semaphore_mem>>) src(%dma_wait3A_449 : memref<7999872xf32, #tpu.memory_space<hbm>>) dst(%dma_wait3A_442 : memref<512xf32, #tpu.memory_space<vmem>>)
    %dma_wait3A_450 = arith.constant 0 : i32
    %dma_wait3A_451 = arith.constant 3072 : i32
    %dma_wait3A_452 = tpu.memref_slice %arg9[%dma_wait3A_451] : memref<16384xf32, #tpu.memory_space<vmem>> -> memref<512xf32, #tpu.memory_space<vmem>>
    %dma_wait3A_453 = arith.constant 0 : i32
    %dma_wait3A_454 = tpu.memref_slice %arg4[%dma_wait3A_450, %dma_wait3A_453] : memref<4x8000512xf32, #tpu.memory_space<hbm>> -> memref<1x8000512xf32, #tpu.memory_space<hbm>>
    %dma_wait3A_455 = tpu.memref_squeeze %dma_wait3A_454 : memref<1x8000512xf32, #tpu.memory_space<hbm>> -> memref<8000512xf32, #tpu.memory_space<hbm>>
    %dma_wait3A_456 = arith.constant 768 : i32
    %dma_wait3A_457 = tpu.memref_slice %dma_wait3A_455[%dma_wait3A_456] : memref<8000512xf32, #tpu.memory_space<hbm>> -> memref<7999744xf32, #tpu.memory_space<hbm>>
    %dma_wait3A_458 = arith.constant 0 : i32
    %dma_wait3A_459 = tpu.memref_slice %dma_wait3A_457[%dma_wait3A_458] : memref<7999744xf32, #tpu.memory_space<hbm>> -> memref<7999744xf32, #tpu.memory_space<hbm>>
    tpu.wait_indirect_dma semaphore(%arg11 : memref<!tpu.dma_semaphore, #tpu.memory_space<semaphore_mem>>) src(%dma_wait3A_459 : memref<7999744xf32, #tpu.memory_space<hbm>>) dst(%dma_wait3A_452 : memref<512xf32, #tpu.memory_space<vmem>>)
    %dma_wait3A_460 = arith.constant 0 : i32
    %dma_wait3A_461 = arith.constant 3584 : i32
    %dma_wait3A_462 = tpu.memref_slice %arg9[%dma_wait3A_461] : memref<16384xf32, #tpu.memory_space<vmem>> -> memref<512xf32, #tpu.memory_space<vmem>>
    %dma_wait3A_463 = arith.constant 0 : i32
    %dma_wait3A_464 = tpu.memref_slice %arg4[%dma_wait3A_460, %dma_wait3A_463] : memref<4x8000512xf32, #tpu.memory_space<hbm>> -> memref<1x8000512xf32, #tpu.memory_space<hbm>>
    %dma_wait3A_465 = tpu.memref_squeeze %dma_wait3A_464 : memref<1x8000512xf32, #tpu.memory_space<hbm>> -> memref<8000512xf32, #tpu.memory_space<hbm>>
    %dma_wait3A_466 = arith.constant 896 : i32
    %dma_wait3A_467 = tpu.memref_slice %dma_wait3A_465[%dma_wait3A_466] : memref<8000512xf32, #tpu.memory_space<hbm>> -> memref<7999616xf32, #tpu.memory_space<hbm>>
    %dma_wait3A_468 = arith.constant 0 : i32
    %dma_wait3A_469 = tpu.memref_slice %dma_wait3A_467[%dma_wait3A_468] : memref<7999616xf32, #tpu.memory_space<hbm>> -> memref<7999616xf32, #tpu.memory_space<hbm>>
    tpu.wait_indirect_dma semaphore(%arg11 : memref<!tpu.dma_semaphore, #tpu.memory_space<semaphore_mem>>) src(%dma_wait3A_469 : memref<7999616xf32, #tpu.memory_space<hbm>>) dst(%dma_wait3A_462 : memref<512xf32, #tpu.memory_space<vmem>>)
    %dma_wait3A_470 = arith.constant 1 : i32
    %dma_wait3A_471 = arith.constant 4096 : i32
    %dma_wait3A_472 = tpu.memref_slice %arg9[%dma_wait3A_471] : memref<16384xf32, #tpu.memory_space<vmem>> -> memref<512xf32, #tpu.memory_space<vmem>>
    %dma_wait3A_473 = arith.constant 0 : i32
    %dma_wait3A_474 = tpu.memref_slice %arg4[%dma_wait3A_470, %dma_wait3A_473] : memref<4x8000512xf32, #tpu.memory_space<hbm>> -> memref<1x8000512xf32, #tpu.memory_space<hbm>>
    %dma_wait3A_475 = tpu.memref_squeeze %dma_wait3A_474 : memref<1x8000512xf32, #tpu.memory_space<hbm>> -> memref<8000512xf32, #tpu.memory_space<hbm>>
    %dma_wait3A_476 = arith.constant 0 : i32
    %dma_wait3A_477 = tpu.memref_slice %dma_wait3A_475[%dma_wait3A_476] : memref<8000512xf32, #tpu.memory_space<hbm>> -> memref<8000512xf32, #tpu.memory_space<hbm>>
    %dma_wait3A_478 = arith.constant 0 : i32
    %dma_wait3A_479 = tpu.memref_slice %dma_wait3A_477[%dma_wait3A_478] : memref<8000512xf32, #tpu.memory_space<hbm>> -> memref<8000512xf32, #tpu.memory_space<hbm>>
    tpu.wait_indirect_dma semaphore(%arg11 : memref<!tpu.dma_semaphore, #tpu.memory_space<semaphore_mem>>) src(%dma_wait3A_479 : memref<8000512xf32, #tpu.memory_space<hbm>>) dst(%dma_wait3A_472 : memref<512xf32, #tpu.memory_space<vmem>>)
    %dma_wait3A_480 = arith.constant 1 : i32
    %dma_wait3A_481 = arith.constant 4608 : i32
    %dma_wait3A_482 = tpu.memref_slice %arg9[%dma_wait3A_481] : memref<16384xf32, #tpu.memory_space<vmem>> -> memref<512xf32, #tpu.memory_space<vmem>>
    %dma_wait3A_483 = arith.constant 0 : i32
    %dma_wait3A_484 = tpu.memref_slice %arg4[%dma_wait3A_480, %dma_wait3A_483] : memref<4x8000512xf32, #tpu.memory_space<hbm>> -> memref<1x8000512xf32, #tpu.memory_space<hbm>>
    %dma_wait3A_485 = tpu.memref_squeeze %dma_wait3A_484 : memref<1x8000512xf32, #tpu.memory_space<hbm>> -> memref<8000512xf32, #tpu.memory_space<hbm>>
    %dma_wait3A_486 = arith.constant 128 : i32
    %dma_wait3A_487 = tpu.memref_slice %dma_wait3A_485[%dma_wait3A_486] : memref<8000512xf32, #tpu.memory_space<hbm>> -> memref<8000384xf32, #tpu.memory_space<hbm>>
    %dma_wait3A_488 = arith.constant 0 : i32
    %dma_wait3A_489 = tpu.memref_slice %dma_wait3A_487[%dma_wait3A_488] : memref<8000384xf32, #tpu.memory_space<hbm>> -> memref<8000384xf32, #tpu.memory_space<hbm>>
    tpu.wait_indirect_dma semaphore(%arg11 : memref<!tpu.dma_semaphore, #tpu.memory_space<semaphore_mem>>) src(%dma_wait3A_489 : memref<8000384xf32, #tpu.memory_space<hbm>>) dst(%dma_wait3A_482 : memref<512xf32, #tpu.memory_space<vmem>>)
    %dma_wait3A_490 = arith.constant 1 : i32
    %dma_wait3A_491 = arith.constant 5120 : i32
    %dma_wait3A_492 = tpu.memref_slice %arg9[%dma_wait3A_491] : memref<16384xf32, #tpu.memory_space<vmem>> -> memref<512xf32, #tpu.memory_space<vmem>>
    %dma_wait3A_493 = arith.constant 0 : i32
    %dma_wait3A_494 = tpu.memref_slice %arg4[%dma_wait3A_490, %dma_wait3A_493] : memref<4x8000512xf32, #tpu.memory_space<hbm>> -> memref<1x8000512xf32, #tpu.memory_space<hbm>>
    %dma_wait3A_495 = tpu.memref_squeeze %dma_wait3A_494 : memref<1x8000512xf32, #tpu.memory_space<hbm>> -> memref<8000512xf32, #tpu.memory_space<hbm>>
    %dma_wait3A_496 = arith.constant 256 : i32
    %dma_wait3A_497 = tpu.memref_slice %dma_wait3A_495[%dma_wait3A_496] : memref<8000512xf32, #tpu.memory_space<hbm>> -> memref<8000256xf32, #tpu.memory_space<hbm>>
    %dma_wait3A_498 = arith.constant 0 : i32
    %dma_wait3A_499 = tpu.memref_slice %dma_wait3A_497[%dma_wait3A_498] : memref<8000256xf32, #tpu.memory_space<hbm>> -> memref<8000256xf32, #tpu.memory_space<hbm>>
    tpu.wait_indirect_dma semaphore(%arg11 : memref<!tpu.dma_semaphore, #tpu.memory_space<semaphore_mem>>) src(%dma_wait3A_499 : memref<8000256xf32, #tpu.memory_space<hbm>>) dst(%dma_wait3A_492 : memref<512xf32, #tpu.memory_space<vmem>>)
    %dma_wait3A_500 = arith.constant 1 : i32
    %dma_wait3A_501 = arith.constant 5632 : i32
    %dma_wait3A_502 = tpu.memref_slice %arg9[%dma_wait3A_501] : memref<16384xf32, #tpu.memory_space<vmem>> -> memref<512xf32, #tpu.memory_space<vmem>>
    %dma_wait3A_503 = arith.constant 0 : i32
    %dma_wait3A_504 = tpu.memref_slice %arg4[%dma_wait3A_500, %dma_wait3A_503] : memref<4x8000512xf32, #tpu.memory_space<hbm>> -> memref<1x8000512xf32, #tpu.memory_space<hbm>>
    %dma_wait3A_505 = tpu.memref_squeeze %dma_wait3A_504 : memref<1x8000512xf32, #tpu.memory_space<hbm>> -> memref<8000512xf32, #tpu.memory_space<hbm>>
    %dma_wait3A_506 = arith.constant 384 : i32
    %dma_wait3A_507 = tpu.memref_slice %dma_wait3A_505[%dma_wait3A_506] : memref<8000512xf32, #tpu.memory_space<hbm>> -> memref<8000128xf32, #tpu.memory_space<hbm>>
    %dma_wait3A_508 = arith.constant 0 : i32
    %dma_wait3A_509 = tpu.memref_slice %dma_wait3A_507[%dma_wait3A_508] : memref<8000128xf32, #tpu.memory_space<hbm>> -> memref<8000128xf32, #tpu.memory_space<hbm>>
    tpu.wait_indirect_dma semaphore(%arg11 : memref<!tpu.dma_semaphore, #tpu.memory_space<semaphore_mem>>) src(%dma_wait3A_509 : memref<8000128xf32, #tpu.memory_space<hbm>>) dst(%dma_wait3A_502 : memref<512xf32, #tpu.memory_space<vmem>>)
    %dma_wait3A_510 = arith.constant 1 : i32
    %dma_wait3A_511 = arith.constant 6144 : i32
    %dma_wait3A_512 = tpu.memref_slice %arg9[%dma_wait3A_511] : memref<16384xf32, #tpu.memory_space<vmem>> -> memref<512xf32, #tpu.memory_space<vmem>>
    %dma_wait3A_513 = arith.constant 0 : i32
    %dma_wait3A_514 = tpu.memref_slice %arg4[%dma_wait3A_510, %dma_wait3A_513] : memref<4x8000512xf32, #tpu.memory_space<hbm>> -> memref<1x8000512xf32, #tpu.memory_space<hbm>>
    %dma_wait3A_515 = tpu.memref_squeeze %dma_wait3A_514 : memref<1x8000512xf32, #tpu.memory_space<hbm>> -> memref<8000512xf32, #tpu.memory_space<hbm>>
    %dma_wait3A_516 = arith.constant 512 : i32
    %dma_wait3A_517 = tpu.memref_slice %dma_wait3A_515[%dma_wait3A_516] : memref<8000512xf32, #tpu.memory_space<hbm>> -> memref<8000000xf32, #tpu.memory_space<hbm>>
    %dma_wait3A_518 = arith.constant 0 : i32
    %dma_wait3A_519 = tpu.memref_slice %dma_wait3A_517[%dma_wait3A_518] : memref<8000000xf32, #tpu.memory_space<hbm>> -> memref<8000000xf32, #tpu.memory_space<hbm>>
    tpu.wait_indirect_dma semaphore(%arg11 : memref<!tpu.dma_semaphore, #tpu.memory_space<semaphore_mem>>) src(%dma_wait3A_519 : memref<8000000xf32, #tpu.memory_space<hbm>>) dst(%dma_wait3A_512 : memref<512xf32, #tpu.memory_space<vmem>>)
    %dma_wait3A_520 = arith.constant 1 : i32
    %dma_wait3A_521 = arith.constant 6656 : i32
    %dma_wait3A_522 = tpu.memref_slice %arg9[%dma_wait3A_521] : memref<16384xf32, #tpu.memory_space<vmem>> -> memref<512xf32, #tpu.memory_space<vmem>>
    %dma_wait3A_523 = arith.constant 0 : i32
    %dma_wait3A_524 = tpu.memref_slice %arg4[%dma_wait3A_520, %dma_wait3A_523] : memref<4x8000512xf32, #tpu.memory_space<hbm>> -> memref<1x8000512xf32, #tpu.memory_space<hbm>>
    %dma_wait3A_525 = tpu.memref_squeeze %dma_wait3A_524 : memref<1x8000512xf32, #tpu.memory_space<hbm>> -> memref<8000512xf32, #tpu.memory_space<hbm>>
    %dma_wait3A_526 = arith.constant 640 : i32
    %dma_wait3A_527 = tpu.memref_slice %dma_wait3A_525[%dma_wait3A_526] : memref<8000512xf32, #tpu.memory_space<hbm>> -> memref<7999872xf32, #tpu.memory_space<hbm>>
    %dma_wait3A_528 = arith.constant 0 : i32
    %dma_wait3A_529 = tpu.memref_slice %dma_wait3A_527[%dma_wait3A_528] : memref<7999872xf32, #tpu.memory_space<hbm>> -> memref<7999872xf32, #tpu.memory_space<hbm>>
    tpu.wait_indirect_dma semaphore(%arg11 : memref<!tpu.dma_semaphore, #tpu.memory_space<semaphore_mem>>) src(%dma_wait3A_529 : memref<7999872xf32, #tpu.memory_space<hbm>>) dst(%dma_wait3A_522 : memref<512xf32, #tpu.memory_space<vmem>>)
    %dma_wait3A_530 = arith.constant 1 : i32
    %dma_wait3A_531 = arith.constant 7168 : i32
    %dma_wait3A_532 = tpu.memref_slice %arg9[%dma_wait3A_531] : memref<16384xf32, #tpu.memory_space<vmem>> -> memref<512xf32, #tpu.memory_space<vmem>>
    %dma_wait3A_533 = arith.constant 0 : i32
    %dma_wait3A_534 = tpu.memref_slice %arg4[%dma_wait3A_530, %dma_wait3A_533] : memref<4x8000512xf32, #tpu.memory_space<hbm>> -> memref<1x8000512xf32, #tpu.memory_space<hbm>>
    %dma_wait3A_535 = tpu.memref_squeeze %dma_wait3A_534 : memref<1x8000512xf32, #tpu.memory_space<hbm>> -> memref<8000512xf32, #tpu.memory_space<hbm>>
    %dma_wait3A_536 = arith.constant 768 : i32
    %dma_wait3A_537 = tpu.memref_slice %dma_wait3A_535[%dma_wait3A_536] : memref<8000512xf32, #tpu.memory_space<hbm>> -> memref<7999744xf32, #tpu.memory_space<hbm>>
    %dma_wait3A_538 = arith.constant 0 : i32
    %dma_wait3A_539 = tpu.memref_slice %dma_wait3A_537[%dma_wait3A_538] : memref<7999744xf32, #tpu.memory_space<hbm>> -> memref<7999744xf32, #tpu.memory_space<hbm>>
    tpu.wait_indirect_dma semaphore(%arg11 : memref<!tpu.dma_semaphore, #tpu.memory_space<semaphore_mem>>) src(%dma_wait3A_539 : memref<7999744xf32, #tpu.memory_space<hbm>>) dst(%dma_wait3A_532 : memref<512xf32, #tpu.memory_space<vmem>>)
    %dma_wait3A_540 = arith.constant 1 : i32
    %dma_wait3A_541 = arith.constant 7680 : i32
    %dma_wait3A_542 = tpu.memref_slice %arg9[%dma_wait3A_541] : memref<16384xf32, #tpu.memory_space<vmem>> -> memref<512xf32, #tpu.memory_space<vmem>>
    %dma_wait3A_543 = arith.constant 0 : i32
    %dma_wait3A_544 = tpu.memref_slice %arg4[%dma_wait3A_540, %dma_wait3A_543] : memref<4x8000512xf32, #tpu.memory_space<hbm>> -> memref<1x8000512xf32, #tpu.memory_space<hbm>>
    %dma_wait3A_545 = tpu.memref_squeeze %dma_wait3A_544 : memref<1x8000512xf32, #tpu.memory_space<hbm>> -> memref<8000512xf32, #tpu.memory_space<hbm>>
    %dma_wait3A_546 = arith.constant 896 : i32
    %dma_wait3A_547 = tpu.memref_slice %dma_wait3A_545[%dma_wait3A_546] : memref<8000512xf32, #tpu.memory_space<hbm>> -> memref<7999616xf32, #tpu.memory_space<hbm>>
    %dma_wait3A_548 = arith.constant 0 : i32
    %dma_wait3A_549 = tpu.memref_slice %dma_wait3A_547[%dma_wait3A_548] : memref<7999616xf32, #tpu.memory_space<hbm>> -> memref<7999616xf32, #tpu.memory_space<hbm>>
    tpu.wait_indirect_dma semaphore(%arg11 : memref<!tpu.dma_semaphore, #tpu.memory_space<semaphore_mem>>) src(%dma_wait3A_549 : memref<7999616xf32, #tpu.memory_space<hbm>>) dst(%dma_wait3A_542 : memref<512xf32, #tpu.memory_space<vmem>>)
    %dma_wait3A_550 = arith.constant 2 : i32
    %dma_wait3A_551 = arith.constant 8192 : i32
    %dma_wait3A_552 = tpu.memref_slice %arg9[%dma_wait3A_551] : memref<16384xf32, #tpu.memory_space<vmem>> -> memref<512xf32, #tpu.memory_space<vmem>>
    %dma_wait3A_553 = arith.constant 0 : i32
    %dma_wait3A_554 = tpu.memref_slice %arg4[%dma_wait3A_550, %dma_wait3A_553] : memref<4x8000512xf32, #tpu.memory_space<hbm>> -> memref<1x8000512xf32, #tpu.memory_space<hbm>>
    %dma_wait3A_555 = tpu.memref_squeeze %dma_wait3A_554 : memref<1x8000512xf32, #tpu.memory_space<hbm>> -> memref<8000512xf32, #tpu.memory_space<hbm>>
    %dma_wait3A_556 = arith.constant 0 : i32
    %dma_wait3A_557 = tpu.memref_slice %dma_wait3A_555[%dma_wait3A_556] : memref<8000512xf32, #tpu.memory_space<hbm>> -> memref<8000512xf32, #tpu.memory_space<hbm>>
    %dma_wait3A_558 = arith.constant 0 : i32
    %dma_wait3A_559 = tpu.memref_slice %dma_wait3A_557[%dma_wait3A_558] : memref<8000512xf32, #tpu.memory_space<hbm>> -> memref<8000512xf32, #tpu.memory_space<hbm>>
    tpu.wait_indirect_dma semaphore(%arg11 : memref<!tpu.dma_semaphore, #tpu.memory_space<semaphore_mem>>) src(%dma_wait3A_559 : memref<8000512xf32, #tpu.memory_space<hbm>>) dst(%dma_wait3A_552 : memref<512xf32, #tpu.memory_space<vmem>>)
    %dma_wait3A_560 = arith.constant 2 : i32
    %dma_wait3A_561 = arith.constant 8704 : i32
    %dma_wait3A_562 = tpu.memref_slice %arg9[%dma_wait3A_561] : memref<16384xf32, #tpu.memory_space<vmem>> -> memref<512xf32, #tpu.memory_space<vmem>>
    %dma_wait3A_563 = arith.constant 0 : i32
    %dma_wait3A_564 = tpu.memref_slice %arg4[%dma_wait3A_560, %dma_wait3A_563] : memref<4x8000512xf32, #tpu.memory_space<hbm>> -> memref<1x8000512xf32, #tpu.memory_space<hbm>>
    %dma_wait3A_565 = tpu.memref_squeeze %dma_wait3A_564 : memref<1x8000512xf32, #tpu.memory_space<hbm>> -> memref<8000512xf32, #tpu.memory_space<hbm>>
    %dma_wait3A_566 = arith.constant 128 : i32
    %dma_wait3A_567 = tpu.memref_slice %dma_wait3A_565[%dma_wait3A_566] : memref<8000512xf32, #tpu.memory_space<hbm>> -> memref<8000384xf32, #tpu.memory_space<hbm>>
    %dma_wait3A_568 = arith.constant 0 : i32
    %dma_wait3A_569 = tpu.memref_slice %dma_wait3A_567[%dma_wait3A_568] : memref<8000384xf32, #tpu.memory_space<hbm>> -> memref<8000384xf32, #tpu.memory_space<hbm>>
    tpu.wait_indirect_dma semaphore(%arg11 : memref<!tpu.dma_semaphore, #tpu.memory_space<semaphore_mem>>) src(%dma_wait3A_569 : memref<8000384xf32, #tpu.memory_space<hbm>>) dst(%dma_wait3A_562 : memref<512xf32, #tpu.memory_space<vmem>>)
    %dma_wait3A_570 = arith.constant 2 : i32
    %dma_wait3A_571 = arith.constant 9216 : i32
    %dma_wait3A_572 = tpu.memref_slice %arg9[%dma_wait3A_571] : memref<16384xf32, #tpu.memory_space<vmem>> -> memref<512xf32, #tpu.memory_space<vmem>>
    %dma_wait3A_573 = arith.constant 0 : i32
    %dma_wait3A_574 = tpu.memref_slice %arg4[%dma_wait3A_570, %dma_wait3A_573] : memref<4x8000512xf32, #tpu.memory_space<hbm>> -> memref<1x8000512xf32, #tpu.memory_space<hbm>>
    %dma_wait3A_575 = tpu.memref_squeeze %dma_wait3A_574 : memref<1x8000512xf32, #tpu.memory_space<hbm>> -> memref<8000512xf32, #tpu.memory_space<hbm>>
    %dma_wait3A_576 = arith.constant 256 : i32
    %dma_wait3A_577 = tpu.memref_slice %dma_wait3A_575[%dma_wait3A_576] : memref<8000512xf32, #tpu.memory_space<hbm>> -> memref<8000256xf32, #tpu.memory_space<hbm>>
    %dma_wait3A_578 = arith.constant 0 : i32
    %dma_wait3A_579 = tpu.memref_slice %dma_wait3A_577[%dma_wait3A_578] : memref<8000256xf32, #tpu.memory_space<hbm>> -> memref<8000256xf32, #tpu.memory_space<hbm>>
    tpu.wait_indirect_dma semaphore(%arg11 : memref<!tpu.dma_semaphore, #tpu.memory_space<semaphore_mem>>) src(%dma_wait3A_579 : memref<8000256xf32, #tpu.memory_space<hbm>>) dst(%dma_wait3A_572 : memref<512xf32, #tpu.memory_space<vmem>>)
    %dma_wait3A_580 = arith.constant 2 : i32
    %dma_wait3A_581 = arith.constant 9728 : i32
    %dma_wait3A_582 = tpu.memref_slice %arg9[%dma_wait3A_581] : memref<16384xf32, #tpu.memory_space<vmem>> -> memref<512xf32, #tpu.memory_space<vmem>>
    %dma_wait3A_583 = arith.constant 0 : i32
    %dma_wait3A_584 = tpu.memref_slice %arg4[%dma_wait3A_580, %dma_wait3A_583] : memref<4x8000512xf32, #tpu.memory_space<hbm>> -> memref<1x8000512xf32, #tpu.memory_space<hbm>>
    %dma_wait3A_585 = tpu.memref_squeeze %dma_wait3A_584 : memref<1x8000512xf32, #tpu.memory_space<hbm>> -> memref<8000512xf32, #tpu.memory_space<hbm>>
    %dma_wait3A_586 = arith.constant 384 : i32
    %dma_wait3A_587 = tpu.memref_slice %dma_wait3A_585[%dma_wait3A_586] : memref<8000512xf32, #tpu.memory_space<hbm>> -> memref<8000128xf32, #tpu.memory_space<hbm>>
    %dma_wait3A_588 = arith.constant 0 : i32
    %dma_wait3A_589 = tpu.memref_slice %dma_wait3A_587[%dma_wait3A_588] : memref<8000128xf32, #tpu.memory_space<hbm>> -> memref<8000128xf32, #tpu.memory_space<hbm>>
    tpu.wait_indirect_dma semaphore(%arg11 : memref<!tpu.dma_semaphore, #tpu.memory_space<semaphore_mem>>) src(%dma_wait3A_589 : memref<8000128xf32, #tpu.memory_space<hbm>>) dst(%dma_wait3A_582 : memref<512xf32, #tpu.memory_space<vmem>>)
    %dma_wait3A_590 = arith.constant 2 : i32
    %dma_wait3A_591 = arith.constant 10240 : i32
    %dma_wait3A_592 = tpu.memref_slice %arg9[%dma_wait3A_591] : memref<16384xf32, #tpu.memory_space<vmem>> -> memref<512xf32, #tpu.memory_space<vmem>>
    %dma_wait3A_593 = arith.constant 0 : i32
    %dma_wait3A_594 = tpu.memref_slice %arg4[%dma_wait3A_590, %dma_wait3A_593] : memref<4x8000512xf32, #tpu.memory_space<hbm>> -> memref<1x8000512xf32, #tpu.memory_space<hbm>>
    %dma_wait3A_595 = tpu.memref_squeeze %dma_wait3A_594 : memref<1x8000512xf32, #tpu.memory_space<hbm>> -> memref<8000512xf32, #tpu.memory_space<hbm>>
    %dma_wait3A_596 = arith.constant 512 : i32
    %dma_wait3A_597 = tpu.memref_slice %dma_wait3A_595[%dma_wait3A_596] : memref<8000512xf32, #tpu.memory_space<hbm>> -> memref<8000000xf32, #tpu.memory_space<hbm>>
    %dma_wait3A_598 = arith.constant 0 : i32
    %dma_wait3A_599 = tpu.memref_slice %dma_wait3A_597[%dma_wait3A_598] : memref<8000000xf32, #tpu.memory_space<hbm>> -> memref<8000000xf32, #tpu.memory_space<hbm>>
    tpu.wait_indirect_dma semaphore(%arg11 : memref<!tpu.dma_semaphore, #tpu.memory_space<semaphore_mem>>) src(%dma_wait3A_599 : memref<8000000xf32, #tpu.memory_space<hbm>>) dst(%dma_wait3A_592 : memref<512xf32, #tpu.memory_space<vmem>>)
    %dma_wait3A_600 = arith.constant 2 : i32
    %dma_wait3A_601 = arith.constant 10752 : i32
    %dma_wait3A_602 = tpu.memref_slice %arg9[%dma_wait3A_601] : memref<16384xf32, #tpu.memory_space<vmem>> -> memref<512xf32, #tpu.memory_space<vmem>>
    %dma_wait3A_603 = arith.constant 0 : i32
    %dma_wait3A_604 = tpu.memref_slice %arg4[%dma_wait3A_600, %dma_wait3A_603] : memref<4x8000512xf32, #tpu.memory_space<hbm>> -> memref<1x8000512xf32, #tpu.memory_space<hbm>>
    %dma_wait3A_605 = tpu.memref_squeeze %dma_wait3A_604 : memref<1x8000512xf32, #tpu.memory_space<hbm>> -> memref<8000512xf32, #tpu.memory_space<hbm>>
    %dma_wait3A_606 = arith.constant 640 : i32
    %dma_wait3A_607 = tpu.memref_slice %dma_wait3A_605[%dma_wait3A_606] : memref<8000512xf32, #tpu.memory_space<hbm>> -> memref<7999872xf32, #tpu.memory_space<hbm>>
    %dma_wait3A_608 = arith.constant 0 : i32
    %dma_wait3A_609 = tpu.memref_slice %dma_wait3A_607[%dma_wait3A_608] : memref<7999872xf32, #tpu.memory_space<hbm>> -> memref<7999872xf32, #tpu.memory_space<hbm>>
    tpu.wait_indirect_dma semaphore(%arg11 : memref<!tpu.dma_semaphore, #tpu.memory_space<semaphore_mem>>) src(%dma_wait3A_609 : memref<7999872xf32, #tpu.memory_space<hbm>>) dst(%dma_wait3A_602 : memref<512xf32, #tpu.memory_space<vmem>>)
    %dma_wait3A_610 = arith.constant 2 : i32
    %dma_wait3A_611 = arith.constant 11264 : i32
    %dma_wait3A_612 = tpu.memref_slice %arg9[%dma_wait3A_611] : memref<16384xf32, #tpu.memory_space<vmem>> -> memref<512xf32, #tpu.memory_space<vmem>>
    %dma_wait3A_613 = arith.constant 0 : i32
    %dma_wait3A_614 = tpu.memref_slice %arg4[%dma_wait3A_610, %dma_wait3A_613] : memref<4x8000512xf32, #tpu.memory_space<hbm>> -> memref<1x8000512xf32, #tpu.memory_space<hbm>>
    %dma_wait3A_615 = tpu.memref_squeeze %dma_wait3A_614 : memref<1x8000512xf32, #tpu.memory_space<hbm>> -> memref<8000512xf32, #tpu.memory_space<hbm>>
    %dma_wait3A_616 = arith.constant 768 : i32
    %dma_wait3A_617 = tpu.memref_slice %dma_wait3A_615[%dma_wait3A_616] : memref<8000512xf32, #tpu.memory_space<hbm>> -> memref<7999744xf32, #tpu.memory_space<hbm>>
    %dma_wait3A_618 = arith.constant 0 : i32
    %dma_wait3A_619 = tpu.memref_slice %dma_wait3A_617[%dma_wait3A_618] : memref<7999744xf32, #tpu.memory_space<hbm>> -> memref<7999744xf32, #tpu.memory_space<hbm>>
    tpu.wait_indirect_dma semaphore(%arg11 : memref<!tpu.dma_semaphore, #tpu.memory_space<semaphore_mem>>) src(%dma_wait3A_619 : memref<7999744xf32, #tpu.memory_space<hbm>>) dst(%dma_wait3A_612 : memref<512xf32, #tpu.memory_space<vmem>>)
    %dma_wait3A_620 = arith.constant 2 : i32
    %dma_wait3A_621 = arith.constant 11776 : i32
    %dma_wait3A_622 = tpu.memref_slice %arg9[%dma_wait3A_621] : memref<16384xf32, #tpu.memory_space<vmem>> -> memref<512xf32, #tpu.memory_space<vmem>>
    %dma_wait3A_623 = arith.constant 0 : i32
    %dma_wait3A_624 = tpu.memref_slice %arg4[%dma_wait3A_620, %dma_wait3A_623] : memref<4x8000512xf32, #tpu.memory_space<hbm>> -> memref<1x8000512xf32, #tpu.memory_space<hbm>>
    %dma_wait3A_625 = tpu.memref_squeeze %dma_wait3A_624 : memref<1x8000512xf32, #tpu.memory_space<hbm>> -> memref<8000512xf32, #tpu.memory_space<hbm>>
    %dma_wait3A_626 = arith.constant 896 : i32
    %dma_wait3A_627 = tpu.memref_slice %dma_wait3A_625[%dma_wait3A_626] : memref<8000512xf32, #tpu.memory_space<hbm>> -> memref<7999616xf32, #tpu.memory_space<hbm>>
    %dma_wait3A_628 = arith.constant 0 : i32
    %dma_wait3A_629 = tpu.memref_slice %dma_wait3A_627[%dma_wait3A_628] : memref<7999616xf32, #tpu.memory_space<hbm>> -> memref<7999616xf32, #tpu.memory_space<hbm>>
    tpu.wait_indirect_dma semaphore(%arg11 : memref<!tpu.dma_semaphore, #tpu.memory_space<semaphore_mem>>) src(%dma_wait3A_629 : memref<7999616xf32, #tpu.memory_space<hbm>>) dst(%dma_wait3A_622 : memref<512xf32, #tpu.memory_space<vmem>>)
    %dma_wait3A_630 = arith.constant 3 : i32
    %dma_wait3A_631 = arith.constant 12288 : i32
    %dma_wait3A_632 = tpu.memref_slice %arg9[%dma_wait3A_631] : memref<16384xf32, #tpu.memory_space<vmem>> -> memref<512xf32, #tpu.memory_space<vmem>>
    %dma_wait3A_633 = arith.constant 0 : i32
    %dma_wait3A_634 = tpu.memref_slice %arg4[%dma_wait3A_630, %dma_wait3A_633] : memref<4x8000512xf32, #tpu.memory_space<hbm>> -> memref<1x8000512xf32, #tpu.memory_space<hbm>>
    %dma_wait3A_635 = tpu.memref_squeeze %dma_wait3A_634 : memref<1x8000512xf32, #tpu.memory_space<hbm>> -> memref<8000512xf32, #tpu.memory_space<hbm>>
    %dma_wait3A_636 = arith.constant 0 : i32
    %dma_wait3A_637 = tpu.memref_slice %dma_wait3A_635[%dma_wait3A_636] : memref<8000512xf32, #tpu.memory_space<hbm>> -> memref<8000512xf32, #tpu.memory_space<hbm>>
    %dma_wait3A_638 = arith.constant 0 : i32
    %dma_wait3A_639 = tpu.memref_slice %dma_wait3A_637[%dma_wait3A_638] : memref<8000512xf32, #tpu.memory_space<hbm>> -> memref<8000512xf32, #tpu.memory_space<hbm>>
    tpu.wait_indirect_dma semaphore(%arg11 : memref<!tpu.dma_semaphore, #tpu.memory_space<semaphore_mem>>) src(%dma_wait3A_639 : memref<8000512xf32, #tpu.memory_space<hbm>>) dst(%dma_wait3A_632 : memref<512xf32, #tpu.memory_space<vmem>>)
    %dma_wait3A_640 = arith.constant 3 : i32
    %dma_wait3A_641 = arith.constant 12800 : i32
    %dma_wait3A_642 = tpu.memref_slice %arg9[%dma_wait3A_641] : memref<16384xf32, #tpu.memory_space<vmem>> -> memref<512xf32, #tpu.memory_space<vmem>>
    %dma_wait3A_643 = arith.constant 0 : i32
    %dma_wait3A_644 = tpu.memref_slice %arg4[%dma_wait3A_640, %dma_wait3A_643] : memref<4x8000512xf32, #tpu.memory_space<hbm>> -> memref<1x8000512xf32, #tpu.memory_space<hbm>>
    %dma_wait3A_645 = tpu.memref_squeeze %dma_wait3A_644 : memref<1x8000512xf32, #tpu.memory_space<hbm>> -> memref<8000512xf32, #tpu.memory_space<hbm>>
    %dma_wait3A_646 = arith.constant 128 : i32
    %dma_wait3A_647 = tpu.memref_slice %dma_wait3A_645[%dma_wait3A_646] : memref<8000512xf32, #tpu.memory_space<hbm>> -> memref<8000384xf32, #tpu.memory_space<hbm>>
    %dma_wait3A_648 = arith.constant 0 : i32
    %dma_wait3A_649 = tpu.memref_slice %dma_wait3A_647[%dma_wait3A_648] : memref<8000384xf32, #tpu.memory_space<hbm>> -> memref<8000384xf32, #tpu.memory_space<hbm>>
    tpu.wait_indirect_dma semaphore(%arg11 : memref<!tpu.dma_semaphore, #tpu.memory_space<semaphore_mem>>) src(%dma_wait3A_649 : memref<8000384xf32, #tpu.memory_space<hbm>>) dst(%dma_wait3A_642 : memref<512xf32, #tpu.memory_space<vmem>>)
    %dma_wait3A_650 = arith.constant 3 : i32
    %dma_wait3A_651 = arith.constant 13312 : i32
    %dma_wait3A_652 = tpu.memref_slice %arg9[%dma_wait3A_651] : memref<16384xf32, #tpu.memory_space<vmem>> -> memref<512xf32, #tpu.memory_space<vmem>>
    %dma_wait3A_653 = arith.constant 0 : i32
    %dma_wait3A_654 = tpu.memref_slice %arg4[%dma_wait3A_650, %dma_wait3A_653] : memref<4x8000512xf32, #tpu.memory_space<hbm>> -> memref<1x8000512xf32, #tpu.memory_space<hbm>>
    %dma_wait3A_655 = tpu.memref_squeeze %dma_wait3A_654 : memref<1x8000512xf32, #tpu.memory_space<hbm>> -> memref<8000512xf32, #tpu.memory_space<hbm>>
    %dma_wait3A_656 = arith.constant 256 : i32
    %dma_wait3A_657 = tpu.memref_slice %dma_wait3A_655[%dma_wait3A_656] : memref<8000512xf32, #tpu.memory_space<hbm>> -> memref<8000256xf32, #tpu.memory_space<hbm>>
    %dma_wait3A_658 = arith.constant 0 : i32
    %dma_wait3A_659 = tpu.memref_slice %dma_wait3A_657[%dma_wait3A_658] : memref<8000256xf32, #tpu.memory_space<hbm>> -> memref<8000256xf32, #tpu.memory_space<hbm>>
    tpu.wait_indirect_dma semaphore(%arg11 : memref<!tpu.dma_semaphore, #tpu.memory_space<semaphore_mem>>) src(%dma_wait3A_659 : memref<8000256xf32, #tpu.memory_space<hbm>>) dst(%dma_wait3A_652 : memref<512xf32, #tpu.memory_space<vmem>>)
    %dma_wait3A_660 = arith.constant 3 : i32
    %dma_wait3A_661 = arith.constant 13824 : i32
    %dma_wait3A_662 = tpu.memref_slice %arg9[%dma_wait3A_661] : memref<16384xf32, #tpu.memory_space<vmem>> -> memref<512xf32, #tpu.memory_space<vmem>>
    %dma_wait3A_663 = arith.constant 0 : i32
    %dma_wait3A_664 = tpu.memref_slice %arg4[%dma_wait3A_660, %dma_wait3A_663] : memref<4x8000512xf32, #tpu.memory_space<hbm>> -> memref<1x8000512xf32, #tpu.memory_space<hbm>>
    %dma_wait3A_665 = tpu.memref_squeeze %dma_wait3A_664 : memref<1x8000512xf32, #tpu.memory_space<hbm>> -> memref<8000512xf32, #tpu.memory_space<hbm>>
    %dma_wait3A_666 = arith.constant 384 : i32
    %dma_wait3A_667 = tpu.memref_slice %dma_wait3A_665[%dma_wait3A_666] : memref<8000512xf32, #tpu.memory_space<hbm>> -> memref<8000128xf32, #tpu.memory_space<hbm>>
    %dma_wait3A_668 = arith.constant 0 : i32
    %dma_wait3A_669 = tpu.memref_slice %dma_wait3A_667[%dma_wait3A_668] : memref<8000128xf32, #tpu.memory_space<hbm>> -> memref<8000128xf32, #tpu.memory_space<hbm>>
    tpu.wait_indirect_dma semaphore(%arg11 : memref<!tpu.dma_semaphore, #tpu.memory_space<semaphore_mem>>) src(%dma_wait3A_669 : memref<8000128xf32, #tpu.memory_space<hbm>>) dst(%dma_wait3A_662 : memref<512xf32, #tpu.memory_space<vmem>>)
    %dma_wait3A_670 = arith.constant 3 : i32
    %dma_wait3A_671 = arith.constant 14336 : i32
    %dma_wait3A_672 = tpu.memref_slice %arg9[%dma_wait3A_671] : memref<16384xf32, #tpu.memory_space<vmem>> -> memref<512xf32, #tpu.memory_space<vmem>>
    %dma_wait3A_673 = arith.constant 0 : i32
    %dma_wait3A_674 = tpu.memref_slice %arg4[%dma_wait3A_670, %dma_wait3A_673] : memref<4x8000512xf32, #tpu.memory_space<hbm>> -> memref<1x8000512xf32, #tpu.memory_space<hbm>>
    %dma_wait3A_675 = tpu.memref_squeeze %dma_wait3A_674 : memref<1x8000512xf32, #tpu.memory_space<hbm>> -> memref<8000512xf32, #tpu.memory_space<hbm>>
    %dma_wait3A_676 = arith.constant 512 : i32
    %dma_wait3A_677 = tpu.memref_slice %dma_wait3A_675[%dma_wait3A_676] : memref<8000512xf32, #tpu.memory_space<hbm>> -> memref<8000000xf32, #tpu.memory_space<hbm>>
    %dma_wait3A_678 = arith.constant 0 : i32
    %dma_wait3A_679 = tpu.memref_slice %dma_wait3A_677[%dma_wait3A_678] : memref<8000000xf32, #tpu.memory_space<hbm>> -> memref<8000000xf32, #tpu.memory_space<hbm>>
    tpu.wait_indirect_dma semaphore(%arg11 : memref<!tpu.dma_semaphore, #tpu.memory_space<semaphore_mem>>) src(%dma_wait3A_679 : memref<8000000xf32, #tpu.memory_space<hbm>>) dst(%dma_wait3A_672 : memref<512xf32, #tpu.memory_space<vmem>>)
    %dma_wait3A_680 = arith.constant 3 : i32
    %dma_wait3A_681 = arith.constant 14848 : i32
    %dma_wait3A_682 = tpu.memref_slice %arg9[%dma_wait3A_681] : memref<16384xf32, #tpu.memory_space<vmem>> -> memref<512xf32, #tpu.memory_space<vmem>>
    %dma_wait3A_683 = arith.constant 0 : i32
    %dma_wait3A_684 = tpu.memref_slice %arg4[%dma_wait3A_680, %dma_wait3A_683] : memref<4x8000512xf32, #tpu.memory_space<hbm>> -> memref<1x8000512xf32, #tpu.memory_space<hbm>>
    %dma_wait3A_685 = tpu.memref_squeeze %dma_wait3A_684 : memref<1x8000512xf32, #tpu.memory_space<hbm>> -> memref<8000512xf32, #tpu.memory_space<hbm>>
    %dma_wait3A_686 = arith.constant 640 : i32
    %dma_wait3A_687 = tpu.memref_slice %dma_wait3A_685[%dma_wait3A_686] : memref<8000512xf32, #tpu.memory_space<hbm>> -> memref<7999872xf32, #tpu.memory_space<hbm>>
    %dma_wait3A_688 = arith.constant 0 : i32
    %dma_wait3A_689 = tpu.memref_slice %dma_wait3A_687[%dma_wait3A_688] : memref<7999872xf32, #tpu.memory_space<hbm>> -> memref<7999872xf32, #tpu.memory_space<hbm>>
    tpu.wait_indirect_dma semaphore(%arg11 : memref<!tpu.dma_semaphore, #tpu.memory_space<semaphore_mem>>) src(%dma_wait3A_689 : memref<7999872xf32, #tpu.memory_space<hbm>>) dst(%dma_wait3A_682 : memref<512xf32, #tpu.memory_space<vmem>>)
    %dma_wait3A_690 = arith.constant 3 : i32
    %dma_wait3A_691 = arith.constant 15360 : i32
    %dma_wait3A_692 = tpu.memref_slice %arg9[%dma_wait3A_691] : memref<16384xf32, #tpu.memory_space<vmem>> -> memref<512xf32, #tpu.memory_space<vmem>>
    %dma_wait3A_693 = arith.constant 0 : i32
    %dma_wait3A_694 = tpu.memref_slice %arg4[%dma_wait3A_690, %dma_wait3A_693] : memref<4x8000512xf32, #tpu.memory_space<hbm>> -> memref<1x8000512xf32, #tpu.memory_space<hbm>>
    %dma_wait3A_695 = tpu.memref_squeeze %dma_wait3A_694 : memref<1x8000512xf32, #tpu.memory_space<hbm>> -> memref<8000512xf32, #tpu.memory_space<hbm>>
    %dma_wait3A_696 = arith.constant 768 : i32
    %dma_wait3A_697 = tpu.memref_slice %dma_wait3A_695[%dma_wait3A_696] : memref<8000512xf32, #tpu.memory_space<hbm>> -> memref<7999744xf32, #tpu.memory_space<hbm>>
    %dma_wait3A_698 = arith.constant 0 : i32
    %dma_wait3A_699 = tpu.memref_slice %dma_wait3A_697[%dma_wait3A_698] : memref<7999744xf32, #tpu.memory_space<hbm>> -> memref<7999744xf32, #tpu.memory_space<hbm>>
    tpu.wait_indirect_dma semaphore(%arg11 : memref<!tpu.dma_semaphore, #tpu.memory_space<semaphore_mem>>) src(%dma_wait3A_699 : memref<7999744xf32, #tpu.memory_space<hbm>>) dst(%dma_wait3A_692 : memref<512xf32, #tpu.memory_space<vmem>>)
    %dma_wait3A_700 = arith.constant 3 : i32
    %dma_wait3A_701 = arith.constant 15872 : i32
    %dma_wait3A_702 = tpu.memref_slice %arg9[%dma_wait3A_701] : memref<16384xf32, #tpu.memory_space<vmem>> -> memref<512xf32, #tpu.memory_space<vmem>>
    %dma_wait3A_703 = arith.constant 0 : i32
    %dma_wait3A_704 = tpu.memref_slice %arg4[%dma_wait3A_700, %dma_wait3A_703] : memref<4x8000512xf32, #tpu.memory_space<hbm>> -> memref<1x8000512xf32, #tpu.memory_space<hbm>>
    %dma_wait3A_705 = tpu.memref_squeeze %dma_wait3A_704 : memref<1x8000512xf32, #tpu.memory_space<hbm>> -> memref<8000512xf32, #tpu.memory_space<hbm>>
    %dma_wait3A_706 = arith.constant 896 : i32
    %dma_wait3A_707 = tpu.memref_slice %dma_wait3A_705[%dma_wait3A_706] : memref<8000512xf32, #tpu.memory_space<hbm>> -> memref<7999616xf32, #tpu.memory_space<hbm>>
    %dma_wait3A_708 = arith.constant 0 : i32
    %dma_wait3A_709 = tpu.memref_slice %dma_wait3A_707[%dma_wait3A_708] : memref<7999616xf32, #tpu.memory_space<hbm>> -> memref<7999616xf32, #tpu.memory_space<hbm>>
    tpu.wait_indirect_dma semaphore(%arg11 : memref<!tpu.dma_semaphore, #tpu.memory_space<semaphore_mem>>) src(%dma_wait3A_709 : memref<7999616xf32, #tpu.memory_space<hbm>>) dst(%dma_wait3A_702 : memref<512xf32, #tpu.memory_space<vmem>>)
    %scan3A_710 = arith.constant 0 : i32
    %scan3A_711 = arith.constant 0 : i32
    %scan3A_712 = arith.constant 32 : i32
    %scan3A_713 = arith.addi %scan3A_711, %scan3A_712 : i32
    %scan3A_714 = arith.constant 1 : i32
    scf.for %scan3A_716 = %scan3A_711 to %scan3A_713 step %scan3A_714  : i32 {
      %broadcast_in_dim3A = arith.constant 0.000000e+00 : f32
      %broadcast_in_dim3A_717 = vector.broadcast %broadcast_in_dim3A : f32 to vector<16xf32>
      %mul3A_718 = arith.constant 16 : i32
      %mul3A_719 = arith.muli %scan3A_716, %mul3A_718 : i32
      %add3A_720 = arith.constant 0 : i32
      %add3A_721 = arith.addi %add3A_720, %mul3A_719 : i32
      %get3A = arith.index_cast %add3A_721 : i32 to index
      %get3A_722 = tpu.vector_load %arg8[%get3A] {strides = array<i32>} : memref<16384xf32, #tpu.memory_space<vmem>>, vector<16xf32>,
      %mul3A_723 = arith.constant 16 : i32
      %mul3A_724 = arith.muli %scan3A_716, %mul3A_723 : i32
      %add3A_725 = arith.constant 0 : i32
      %add3A_726 = arith.addi %add3A_725, %mul3A_724 : i32
      %get3A_727 = arith.index_cast %add3A_726 : i32 to index
      %get3A_728 = tpu.vector_load %arg9[%get3A_727] {strides = array<i32>} : memref<16384xf32, #tpu.memory_space<vmem>>, vector<16xf32>,
      %neg3A = arith.constant 0.000000e+00 : f32
      %neg3A_729 = vector.broadcast %neg3A : f32 to vector<16xf32>
      %neg3A_730 = arith.subf %neg3A_729, %get3A_728 : vector<16xf32>
      %exp3A = math.exp %neg3A_730 : vector<16xf32>
      %add3A_731 = arith.constant 1.000000e+00 : f32
      %add3A_732 = vector.broadcast %add3A_731 : f32 to vector<16xf32>
      %add3A_733 = arith.addf %add3A_732, %exp3A : vector<16xf32>
      %div3A = arith.divf %get3A_722, %add3A_733 : vector<16xf32>
      %add3A_734 = arith.addf %broadcast_in_dim3A_717, %div3A : vector<16xf32>
      %mul3A_735 = arith.constant 16 : i32
      %mul3A_736 = arith.muli %scan3A_716, %mul3A_735 : i32
      %add3A_737 = arith.constant 512 : i32
      %add3A_738 = arith.addi %add3A_737, %mul3A_736 : i32
      %get3A_739 = arith.index_cast %add3A_738 : i32 to index
      %get3A_740 = tpu.vector_load %arg8[%get3A_739] {strides = array<i32>} : memref<16384xf32, #tpu.memory_space<vmem>>, vector<16xf32>,
      %mul3A_741 = arith.constant 16 : i32
      %mul3A_742 = arith.muli %scan3A_716, %mul3A_741 : i32
      %add3A_743 = arith.constant 512 : i32
      %add3A_744 = arith.addi %add3A_743, %mul3A_742 : i32
      %get3A_745 = arith.index_cast %add3A_744 : i32 to index
      %get3A_746 = tpu.vector_load %arg9[%get3A_745] {strides = array<i32>} : memref<16384xf32, #tpu.memory_space<vmem>>, vector<16xf32>,
      %neg3A_747 = arith.constant 0.000000e+00 : f32
      %neg3A_748 = vector.broadcast %neg3A_747 : f32 to vector<16xf32>
      %neg3A_749 = arith.subf %neg3A_748, %get3A_746 : vector<16xf32>
      %exp3A_750 = math.exp %neg3A_749 : vector<16xf32>
      %add3A_751 = arith.constant 1.000000e+00 : f32
      %add3A_752 = vector.broadcast %add3A_751 : f32 to vector<16xf32>
      %add3A_753 = arith.addf %add3A_752, %exp3A_750 : vector<16xf32>
      %div3A_754 = arith.divf %get3A_740, %add3A_753 : vector<16xf32>
      %add3A_755 = arith.addf %add3A_734, %div3A_754 : vector<16xf32>
      %mul3A_756 = arith.constant 16 : i32
      %mul3A_757 = arith.muli %scan3A_716, %mul3A_756 : i32
      %add3A_758 = arith.constant 1024 : i32
      %add3A_759 = arith.addi %add3A_758, %mul3A_757 : i32
      %get3A_760 = arith.index_cast %add3A_759 : i32 to index
      %get3A_761 = tpu.vector_load %arg8[%get3A_760] {strides = array<i32>} : memref<16384xf32, #tpu.memory_space<vmem>>, vector<16xf32>,
      %mul3A_762 = arith.constant 16 : i32
      %mul3A_763 = arith.muli %scan3A_716, %mul3A_762 : i32
      %add3A_764 = arith.constant 1024 : i32
      %add3A_765 = arith.addi %add3A_764, %mul3A_763 : i32
      %get3A_766 = arith.index_cast %add3A_765 : i32 to index
      %get3A_767 = tpu.vector_load %arg9[%get3A_766] {strides = array<i32>} : memref<16384xf32, #tpu.memory_space<vmem>>, vector<16xf32>,
      %neg3A_768 = arith.constant 0.000000e+00 : f32
      %neg3A_769 = vector.broadcast %neg3A_768 : f32 to vector<16xf32>
      %neg3A_770 = arith.subf %neg3A_769, %get3A_767 : vector<16xf32>
      %exp3A_771 = math.exp %neg3A_770 : vector<16xf32>
      %add3A_772 = arith.constant 1.000000e+00 : f32
      %add3A_773 = vector.broadcast %add3A_772 : f32 to vector<16xf32>
      %add3A_774 = arith.addf %add3A_773, %exp3A_771 : vector<16xf32>
      %div3A_775 = arith.divf %get3A_761, %add3A_774 : vector<16xf32>
      %add3A_776 = arith.addf %add3A_755, %div3A_775 : vector<16xf32>
      %mul3A_777 = arith.constant 16 : i32
      %mul3A_778 = arith.muli %scan3A_716, %mul3A_777 : i32
      %add3A_779 = arith.constant 1536 : i32
      %add3A_780 = arith.addi %add3A_779, %mul3A_778 : i32
      %get3A_781 = arith.index_cast %add3A_780 : i32 to index
      %get3A_782 = tpu.vector_load %arg8[%get3A_781] {strides = array<i32>} : memref<16384xf32, #tpu.memory_space<vmem>>, vector<16xf32>,
      %mul3A_783 = arith.constant 16 : i32
      %mul3A_784 = arith.muli %scan3A_716, %mul3A_783 : i32
      %add3A_785 = arith.constant 1536 : i32
      %add3A_786 = arith.addi %add3A_785, %mul3A_784 : i32
      %get3A_787 = arith.index_cast %add3A_786 : i32 to index
      %get3A_788 = tpu.vector_load %arg9[%get3A_787] {strides = array<i32>} : memref<16384xf32, #tpu.memory_space<vmem>>, vector<16xf32>,
      %neg3A_789 = arith.constant 0.000000e+00 : f32
      %neg3A_790 = vector.broadcast %neg3A_789 : f32 to vector<16xf32>
      %neg3A_791 = arith.subf %neg3A_790, %get3A_788 : vector<16xf32>
      %exp3A_792 = math.exp %neg3A_791 : vector<16xf32>
      %add3A_793 = arith.constant 1.000000e+00 : f32
      %add3A_794 = vector.broadcast %add3A_793 : f32 to vector<16xf32>
      %add3A_795 = arith.addf %add3A_794, %exp3A_792 : vector<16xf32>
      %div3A_796 = arith.divf %get3A_782, %add3A_795 : vector<16xf32>
      %add3A_797 = arith.addf %add3A_776, %div3A_796 : vector<16xf32>
      %mul3A_798 = arith.constant 16 : i32
      %mul3A_799 = arith.muli %scan3A_716, %mul3A_798 : i32
      %add3A_800 = arith.constant 2048 : i32
      %add3A_801 = arith.addi %add3A_800, %mul3A_799 : i32
      %get3A_802 = arith.index_cast %add3A_801 : i32 to index
      %get3A_803 = tpu.vector_load %arg8[%get3A_802] {strides = array<i32>} : memref<16384xf32, #tpu.memory_space<vmem>>, vector<16xf32>,
      %mul3A_804 = arith.constant 16 : i32
      %mul3A_805 = arith.muli %scan3A_716, %mul3A_804 : i32
      %add3A_806 = arith.constant 2048 : i32
      %add3A_807 = arith.addi %add3A_806, %mul3A_805 : i32
      %get3A_808 = arith.index_cast %add3A_807 : i32 to index
      %get3A_809 = tpu.vector_load %arg9[%get3A_808] {strides = array<i32>} : memref<16384xf32, #tpu.memory_space<vmem>>, vector<16xf32>,
      %neg3A_810 = arith.constant 0.000000e+00 : f32
      %neg3A_811 = vector.broadcast %neg3A_810 : f32 to vector<16xf32>
      %neg3A_812 = arith.subf %neg3A_811, %get3A_809 : vector<16xf32>
      %exp3A_813 = math.exp %neg3A_812 : vector<16xf32>
      %add3A_814 = arith.constant 1.000000e+00 : f32
      %add3A_815 = vector.broadcast %add3A_814 : f32 to vector<16xf32>
      %add3A_816 = arith.addf %add3A_815, %exp3A_813 : vector<16xf32>
      %div3A_817 = arith.divf %get3A_803, %add3A_816 : vector<16xf32>
      %add3A_818 = arith.addf %add3A_797, %div3A_817 : vector<16xf32>
      %mul3A_819 = arith.constant 16 : i32
      %mul3A_820 = arith.muli %scan3A_716, %mul3A_819 : i32
      %add3A_821 = arith.constant 2560 : i32
      %add3A_822 = arith.addi %add3A_821, %mul3A_820 : i32
      %get3A_823 = arith.index_cast %add3A_822 : i32 to index
      %get3A_824 = tpu.vector_load %arg8[%get3A_823] {strides = array<i32>} : memref<16384xf32, #tpu.memory_space<vmem>>, vector<16xf32>,
      %mul3A_825 = arith.constant 16 : i32
      %mul3A_826 = arith.muli %scan3A_716, %mul3A_825 : i32
      %add3A_827 = arith.constant 2560 : i32
      %add3A_828 = arith.addi %add3A_827, %mul3A_826 : i32
      %get3A_829 = arith.index_cast %add3A_828 : i32 to index
      %get3A_830 = tpu.vector_load %arg9[%get3A_829] {strides = array<i32>} : memref<16384xf32, #tpu.memory_space<vmem>>, vector<16xf32>,
      %neg3A_831 = arith.constant 0.000000e+00 : f32
      %neg3A_832 = vector.broadcast %neg3A_831 : f32 to vector<16xf32>
      %neg3A_833 = arith.subf %neg3A_832, %get3A_830 : vector<16xf32>
      %exp3A_834 = math.exp %neg3A_833 : vector<16xf32>
      %add3A_835 = arith.constant 1.000000e+00 : f32
      %add3A_836 = vector.broadcast %add3A_835 : f32 to vector<16xf32>
      %add3A_837 = arith.addf %add3A_836, %exp3A_834 : vector<16xf32>
      %div3A_838 = arith.divf %get3A_824, %add3A_837 : vector<16xf32>
      %add3A_839 = arith.addf %add3A_818, %div3A_838 : vector<16xf32>
      %mul3A_840 = arith.constant 16 : i32
      %mul3A_841 = arith.muli %scan3A_716, %mul3A_840 : i32
      %add3A_842 = arith.constant 3072 : i32
      %add3A_843 = arith.addi %add3A_842, %mul3A_841 : i32
      %get3A_844 = arith.index_cast %add3A_843 : i32 to index
      %get3A_845 = tpu.vector_load %arg8[%get3A_844] {strides = array<i32>} : memref<16384xf32, #tpu.memory_space<vmem>>, vector<16xf32>,
      %mul3A_846 = arith.constant 16 : i32
      %mul3A_847 = arith.muli %scan3A_716, %mul3A_846 : i32
      %add3A_848 = arith.constant 3072 : i32
      %add3A_849 = arith.addi %add3A_848, %mul3A_847 : i32
      %get3A_850 = arith.index_cast %add3A_849 : i32 to index
      %get3A_851 = tpu.vector_load %arg9[%get3A_850] {strides = array<i32>} : memref<16384xf32, #tpu.memory_space<vmem>>, vector<16xf32>,
      %neg3A_852 = arith.constant 0.000000e+00 : f32
      %neg3A_853 = vector.broadcast %neg3A_852 : f32 to vector<16xf32>
      %neg3A_854 = arith.subf %neg3A_853, %get3A_851 : vector<16xf32>
      %exp3A_855 = math.exp %neg3A_854 : vector<16xf32>
      %add3A_856 = arith.constant 1.000000e+00 : f32
      %add3A_857 = vector.broadcast %add3A_856 : f32 to vector<16xf32>
      %add3A_858 = arith.addf %add3A_857, %exp3A_855 : vector<16xf32>
      %div3A_859 = arith.divf %get3A_845, %add3A_858 : vector<16xf32>
      %add3A_860 = arith.addf %add3A_839, %div3A_859 : vector<16xf32>
      %mul3A_861 = arith.constant 16 : i32
      %mul3A_862 = arith.muli %scan3A_716, %mul3A_861 : i32
      %add3A_863 = arith.constant 3584 : i32
      %add3A_864 = arith.addi %add3A_863, %mul3A_862 : i32
      %get3A_865 = arith.index_cast %add3A_864 : i32 to index
      %get3A_866 = tpu.vector_load %arg8[%get3A_865] {strides = array<i32>} : memref<16384xf32, #tpu.memory_space<vmem>>, vector<16xf32>,
      %mul3A_867 = arith.constant 16 : i32
      %mul3A_868 = arith.muli %scan3A_716, %mul3A_867 : i32
      %add3A_869 = arith.constant 3584 : i32
      %add3A_870 = arith.addi %add3A_869, %mul3A_868 : i32
      %get3A_871 = arith.index_cast %add3A_870 : i32 to index
      %get3A_872 = tpu.vector_load %arg9[%get3A_871] {strides = array<i32>} : memref<16384xf32, #tpu.memory_space<vmem>>, vector<16xf32>,
      %neg3A_873 = arith.constant 0.000000e+00 : f32
      %neg3A_874 = vector.broadcast %neg3A_873 : f32 to vector<16xf32>
      %neg3A_875 = arith.subf %neg3A_874, %get3A_872 : vector<16xf32>
      %exp3A_876 = math.exp %neg3A_875 : vector<16xf32>
      %add3A_877 = arith.constant 1.000000e+00 : f32
      %add3A_878 = vector.broadcast %add3A_877 : f32 to vector<16xf32>
      %add3A_879 = arith.addf %add3A_878, %exp3A_876 : vector<16xf32>
      %div3A_880 = arith.divf %get3A_866, %add3A_879 : vector<16xf32>
      %add3A_881 = arith.addf %add3A_860, %div3A_880 : vector<16xf32>
      %mul3A_882 = arith.constant 16 : i32
      %mul3A_883 = arith.muli %scan3A_716, %mul3A_882 : i32
      %add3A_884 = arith.constant 4096 : i32
      %add3A_885 = arith.addi %add3A_884, %mul3A_883 : i32
      %get3A_886 = arith.index_cast %add3A_885 : i32 to index
      %get3A_887 = tpu.vector_load %arg8[%get3A_886] {strides = array<i32>} : memref<16384xf32, #tpu.memory_space<vmem>>, vector<16xf32>,
      %mul3A_888 = arith.constant 16 : i32
      %mul3A_889 = arith.muli %scan3A_716, %mul3A_888 : i32
      %add3A_890 = arith.constant 4096 : i32
      %add3A_891 = arith.addi %add3A_890, %mul3A_889 : i32
      %get3A_892 = arith.index_cast %add3A_891 : i32 to index
      %get3A_893 = tpu.vector_load %arg9[%get3A_892] {strides = array<i32>} : memref<16384xf32, #tpu.memory_space<vmem>>, vector<16xf32>,
      %neg3A_894 = arith.constant 0.000000e+00 : f32
      %neg3A_895 = vector.broadcast %neg3A_894 : f32 to vector<16xf32>
      %neg3A_896 = arith.subf %neg3A_895, %get3A_893 : vector<16xf32>
      %exp3A_897 = math.exp %neg3A_896 : vector<16xf32>
      %add3A_898 = arith.constant 1.000000e+00 : f32
      %add3A_899 = vector.broadcast %add3A_898 : f32 to vector<16xf32>
      %add3A_900 = arith.addf %add3A_899, %exp3A_897 : vector<16xf32>
      %div3A_901 = arith.divf %get3A_887, %add3A_900 : vector<16xf32>
      %add3A_902 = arith.addf %add3A_881, %div3A_901 : vector<16xf32>
      %mul3A_903 = arith.constant 16 : i32
      %mul3A_904 = arith.muli %scan3A_716, %mul3A_903 : i32
      %add3A_905 = arith.constant 4608 : i32
      %add3A_906 = arith.addi %add3A_905, %mul3A_904 : i32
      %get3A_907 = arith.index_cast %add3A_906 : i32 to index
      %get3A_908 = tpu.vector_load %arg8[%get3A_907] {strides = array<i32>} : memref<16384xf32, #tpu.memory_space<vmem>>, vector<16xf32>,
      %mul3A_909 = arith.constant 16 : i32
      %mul3A_910 = arith.muli %scan3A_716, %mul3A_909 : i32
      %add3A_911 = arith.constant 4608 : i32
      %add3A_912 = arith.addi %add3A_911, %mul3A_910 : i32
      %get3A_913 = arith.index_cast %add3A_912 : i32 to index
      %get3A_914 = tpu.vector_load %arg9[%get3A_913] {strides = array<i32>} : memref<16384xf32, #tpu.memory_space<vmem>>, vector<16xf32>,
      %neg3A_915 = arith.constant 0.000000e+00 : f32
      %neg3A_916 = vector.broadcast %neg3A_915 : f32 to vector<16xf32>
      %neg3A_917 = arith.subf %neg3A_916, %get3A_914 : vector<16xf32>
      %exp3A_918 = math.exp %neg3A_917 : vector<16xf32>
      %add3A_919 = arith.constant 1.000000e+00 : f32
      %add3A_920 = vector.broadcast %add3A_919 : f32 to vector<16xf32>
      %add3A_921 = arith.addf %add3A_920, %exp3A_918 : vector<16xf32>
      %div3A_922 = arith.divf %get3A_908, %add3A_921 : vector<16xf32>
      %add3A_923 = arith.addf %add3A_902, %div3A_922 : vector<16xf32>
      %mul3A_924 = arith.constant 16 : i32
      %mul3A_925 = arith.muli %scan3A_716, %mul3A_924 : i32
      %add3A_926 = arith.constant 5120 : i32
      %add3A_927 = arith.addi %add3A_926, %mul3A_925 : i32
      %get3A_928 = arith.index_cast %add3A_927 : i32 to index
      %get3A_929 = tpu.vector_load %arg8[%get3A_928] {strides = array<i32>} : memref<16384xf32, #tpu.memory_space<vmem>>, vector<16xf32>,
      %mul3A_930 = arith.constant 16 : i32
      %mul3A_931 = arith.muli %scan3A_716, %mul3A_930 : i32
      %add3A_932 = arith.constant 5120 : i32
      %add3A_933 = arith.addi %add3A_932, %mul3A_931 : i32
      %get3A_934 = arith.index_cast %add3A_933 : i32 to index
      %get3A_935 = tpu.vector_load %arg9[%get3A_934] {strides = array<i32>} : memref<16384xf32, #tpu.memory_space<vmem>>, vector<16xf32>,
      %neg3A_936 = arith.constant 0.000000e+00 : f32
      %neg3A_937 = vector.broadcast %neg3A_936 : f32 to vector<16xf32>
      %neg3A_938 = arith.subf %neg3A_937, %get3A_935 : vector<16xf32>
      %exp3A_939 = math.exp %neg3A_938 : vector<16xf32>
      %add3A_940 = arith.constant 1.000000e+00 : f32
      %add3A_941 = vector.broadcast %add3A_940 : f32 to vector<16xf32>
      %add3A_942 = arith.addf %add3A_941, %exp3A_939 : vector<16xf32>
      %div3A_943 = arith.divf %get3A_929, %add3A_942 : vector<16xf32>
      %add3A_944 = arith.addf %add3A_923, %div3A_943 : vector<16xf32>
      %mul3A_945 = arith.constant 16 : i32
      %mul3A_946 = arith.muli %scan3A_716, %mul3A_945 : i32
      %add3A_947 = arith.constant 5632 : i32
      %add3A_948 = arith.addi %add3A_947, %mul3A_946 : i32
      %get3A_949 = arith.index_cast %add3A_948 : i32 to index
      %get3A_950 = tpu.vector_load %arg8[%get3A_949] {strides = array<i32>} : memref<16384xf32, #tpu.memory_space<vmem>>, vector<16xf32>,
      %mul3A_951 = arith.constant 16 : i32
      %mul3A_952 = arith.muli %scan3A_716, %mul3A_951 : i32
      %add3A_953 = arith.constant 5632 : i32
      %add3A_954 = arith.addi %add3A_953, %mul3A_952 : i32
      %get3A_955 = arith.index_cast %add3A_954 : i32 to index
      %get3A_956 = tpu.vector_load %arg9[%get3A_955] {strides = array<i32>} : memref<16384xf32, #tpu.memory_space<vmem>>, vector<16xf32>,
      %neg3A_957 = arith.constant 0.000000e+00 : f32
      %neg3A_958 = vector.broadcast %neg3A_957 : f32 to vector<16xf32>
      %neg3A_959 = arith.subf %neg3A_958, %get3A_956 : vector<16xf32>
      %exp3A_960 = math.exp %neg3A_959 : vector<16xf32>
      %add3A_961 = arith.constant 1.000000e+00 : f32
      %add3A_962 = vector.broadcast %add3A_961 : f32 to vector<16xf32>
      %add3A_963 = arith.addf %add3A_962, %exp3A_960 : vector<16xf32>
      %div3A_964 = arith.divf %get3A_950, %add3A_963 : vector<16xf32>
      %add3A_965 = arith.addf %add3A_944, %div3A_964 : vector<16xf32>
      %mul3A_966 = arith.constant 16 : i32
      %mul3A_967 = arith.muli %scan3A_716, %mul3A_966 : i32
      %add3A_968 = arith.constant 6144 : i32
      %add3A_969 = arith.addi %add3A_968, %mul3A_967 : i32
      %get3A_970 = arith.index_cast %add3A_969 : i32 to index
      %get3A_971 = tpu.vector_load %arg8[%get3A_970] {strides = array<i32>} : memref<16384xf32, #tpu.memory_space<vmem>>, vector<16xf32>,
      %mul3A_972 = arith.constant 16 : i32
      %mul3A_973 = arith.muli %scan3A_716, %mul3A_972 : i32
      %add3A_974 = arith.constant 6144 : i32
      %add3A_975 = arith.addi %add3A_974, %mul3A_973 : i32
      %get3A_976 = arith.index_cast %add3A_975 : i32 to index
      %get3A_977 = tpu.vector_load %arg9[%get3A_976] {strides = array<i32>} : memref<16384xf32, #tpu.memory_space<vmem>>, vector<16xf32>,
      %neg3A_978 = arith.constant 0.000000e+00 : f32
      %neg3A_979 = vector.broadcast %neg3A_978 : f32 to vector<16xf32>
      %neg3A_980 = arith.subf %neg3A_979, %get3A_977 : vector<16xf32>
      %exp3A_981 = math.exp %neg3A_980 : vector<16xf32>
      %add3A_982 = arith.constant 1.000000e+00 : f32
      %add3A_983 = vector.broadcast %add3A_982 : f32 to vector<16xf32>
      %add3A_984 = arith.addf %add3A_983, %exp3A_981 : vector<16xf32>
      %div3A_985 = arith.divf %get3A_971, %add3A_984 : vector<16xf32>
      %add3A_986 = arith.addf %add3A_965, %div3A_985 : vector<16xf32>
      %mul3A_987 = arith.constant 16 : i32
      %mul3A_988 = arith.muli %scan3A_716, %mul3A_987 : i32
      %add3A_989 = arith.constant 6656 : i32
      %add3A_990 = arith.addi %add3A_989, %mul3A_988 : i32
      %get3A_991 = arith.index_cast %add3A_990 : i32 to index
      %get3A_992 = tpu.vector_load %arg8[%get3A_991] {strides = array<i32>} : memref<16384xf32, #tpu.memory_space<vmem>>, vector<16xf32>,
      %mul3A_993 = arith.constant 16 : i32
      %mul3A_994 = arith.muli %scan3A_716, %mul3A_993 : i32
      %add3A_995 = arith.constant 6656 : i32
      %add3A_996 = arith.addi %add3A_995, %mul3A_994 : i32
      %get3A_997 = arith.index_cast %add3A_996 : i32 to index
      %get3A_998 = tpu.vector_load %arg9[%get3A_997] {strides = array<i32>} : memref<16384xf32, #tpu.memory_space<vmem>>, vector<16xf32>,
      %neg3A_999 = arith.constant 0.000000e+00 : f32
      %neg3A_1000 = vector.broadcast %neg3A_999 : f32 to vector<16xf32>
      %neg3A_1001 = arith.subf %neg3A_1000, %get3A_998 : vector<16xf32>
      %exp3A_1002 = math.exp %neg3A_1001 : vector<16xf32>
      %add3A_1003 = arith.constant 1.000000e+00 : f32
      %add3A_1004 = vector.broadcast %add3A_1003 : f32 to vector<16xf32>
      %add3A_1005 = arith.addf %add3A_1004, %exp3A_1002 : vector<16xf32>
      %div3A_1006 = arith.divf %get3A_992, %add3A_1005 : vector<16xf32>
      %add3A_1007 = arith.addf %add3A_986, %div3A_1006 : vector<16xf32>
      %mul3A_1008 = arith.constant 16 : i32
      %mul3A_1009 = arith.muli %scan3A_716, %mul3A_1008 : i32
      %add3A_1010 = arith.constant 7168 : i32
      %add3A_1011 = arith.addi %add3A_1010, %mul3A_1009 : i32
      %get3A_1012 = arith.index_cast %add3A_1011 : i32 to index
      %get3A_1013 = tpu.vector_load %arg8[%get3A_1012] {strides = array<i32>} : memref<16384xf32, #tpu.memory_space<vmem>>, vector<16xf32>,
      %mul3A_1014 = arith.constant 16 : i32
      %mul3A_1015 = arith.muli %scan3A_716, %mul3A_1014 : i32
      %add3A_1016 = arith.constant 7168 : i32
      %add3A_1017 = arith.addi %add3A_1016, %mul3A_1015 : i32
      %get3A_1018 = arith.index_cast %add3A_1017 : i32 to index
      %get3A_1019 = tpu.vector_load %arg9[%get3A_1018] {strides = array<i32>} : memref<16384xf32, #tpu.memory_space<vmem>>, vector<16xf32>,
      %neg3A_1020 = arith.constant 0.000000e+00 : f32
      %neg3A_1021 = vector.broadcast %neg3A_1020 : f32 to vector<16xf32>
      %neg3A_1022 = arith.subf %neg3A_1021, %get3A_1019 : vector<16xf32>
      %exp3A_1023 = math.exp %neg3A_1022 : vector<16xf32>
      %add3A_1024 = arith.constant 1.000000e+00 : f32
      %add3A_1025 = vector.broadcast %add3A_1024 : f32 to vector<16xf32>
      %add3A_1026 = arith.addf %add3A_1025, %exp3A_1023 : vector<16xf32>
      %div3A_1027 = arith.divf %get3A_1013, %add3A_1026 : vector<16xf32>
      %add3A_1028 = arith.addf %add3A_1007, %div3A_1027 : vector<16xf32>
      %mul3A_1029 = arith.constant 16 : i32
      %mul3A_1030 = arith.muli %scan3A_716, %mul3A_1029 : i32
      %add3A_1031 = arith.constant 7680 : i32
      %add3A_1032 = arith.addi %add3A_1031, %mul3A_1030 : i32
      %get3A_1033 = arith.index_cast %add3A_1032 : i32 to index
      %get3A_1034 = tpu.vector_load %arg8[%get3A_1033] {strides = array<i32>} : memref<16384xf32, #tpu.memory_space<vmem>>, vector<16xf32>,
      %mul3A_1035 = arith.constant 16 : i32
      %mul3A_1036 = arith.muli %scan3A_716, %mul3A_1035 : i32
      %add3A_1037 = arith.constant 7680 : i32
      %add3A_1038 = arith.addi %add3A_1037, %mul3A_1036 : i32
      %get3A_1039 = arith.index_cast %add3A_1038 : i32 to index
      %get3A_1040 = tpu.vector_load %arg9[%get3A_1039] {strides = array<i32>} : memref<16384xf32, #tpu.memory_space<vmem>>, vector<16xf32>,
      %neg3A_1041 = arith.constant 0.000000e+00 : f32
      %neg3A_1042 = vector.broadcast %neg3A_1041 : f32 to vector<16xf32>
      %neg3A_1043 = arith.subf %neg3A_1042, %get3A_1040 : vector<16xf32>
      %exp3A_1044 = math.exp %neg3A_1043 : vector<16xf32>
      %add3A_1045 = arith.constant 1.000000e+00 : f32
      %add3A_1046 = vector.broadcast %add3A_1045 : f32 to vector<16xf32>
      %add3A_1047 = arith.addf %add3A_1046, %exp3A_1044 : vector<16xf32>
      %div3A_1048 = arith.divf %get3A_1034, %add3A_1047 : vector<16xf32>
      %add3A_1049 = arith.addf %add3A_1028, %div3A_1048 : vector<16xf32>
      %mul3A_1050 = arith.constant 16 : i32
      %mul3A_1051 = arith.muli %scan3A_716, %mul3A_1050 : i32
      %add3A_1052 = arith.constant 8192 : i32
      %add3A_1053 = arith.addi %add3A_1052, %mul3A_1051 : i32
      %get3A_1054 = arith.index_cast %add3A_1053 : i32 to index
      %get3A_1055 = tpu.vector_load %arg8[%get3A_1054] {strides = array<i32>} : memref<16384xf32, #tpu.memory_space<vmem>>, vector<16xf32>,
      %mul3A_1056 = arith.constant 16 : i32
      %mul3A_1057 = arith.muli %scan3A_716, %mul3A_1056 : i32
      %add3A_1058 = arith.constant 8192 : i32
      %add3A_1059 = arith.addi %add3A_1058, %mul3A_1057 : i32
      %get3A_1060 = arith.index_cast %add3A_1059 : i32 to index
      %get3A_1061 = tpu.vector_load %arg9[%get3A_1060] {strides = array<i32>} : memref<16384xf32, #tpu.memory_space<vmem>>, vector<16xf32>,
      %neg3A_1062 = arith.constant 0.000000e+00 : f32
      %neg3A_1063 = vector.broadcast %neg3A_1062 : f32 to vector<16xf32>
      %neg3A_1064 = arith.subf %neg3A_1063, %get3A_1061 : vector<16xf32>
      %exp3A_1065 = math.exp %neg3A_1064 : vector<16xf32>
      %add3A_1066 = arith.constant 1.000000e+00 : f32
      %add3A_1067 = vector.broadcast %add3A_1066 : f32 to vector<16xf32>
      %add3A_1068 = arith.addf %add3A_1067, %exp3A_1065 : vector<16xf32>
      %div3A_1069 = arith.divf %get3A_1055, %add3A_1068 : vector<16xf32>
      %add3A_1070 = arith.addf %add3A_1049, %div3A_1069 : vector<16xf32>
      %mul3A_1071 = arith.constant 16 : i32
      %mul3A_1072 = arith.muli %scan3A_716, %mul3A_1071 : i32
      %add3A_1073 = arith.constant 8704 : i32
      %add3A_1074 = arith.addi %add3A_1073, %mul3A_1072 : i32
      %get3A_1075 = arith.index_cast %add3A_1074 : i32 to index
      %get3A_1076 = tpu.vector_load %arg8[%get3A_1075] {strides = array<i32>} : memref<16384xf32, #tpu.memory_space<vmem>>, vector<16xf32>,
      %mul3A_1077 = arith.constant 16 : i32
      %mul3A_1078 = arith.muli %scan3A_716, %mul3A_1077 : i32
      %add3A_1079 = arith.constant 8704 : i32
      %add3A_1080 = arith.addi %add3A_1079, %mul3A_1078 : i32
      %get3A_1081 = arith.index_cast %add3A_1080 : i32 to index
      %get3A_1082 = tpu.vector_load %arg9[%get3A_1081] {strides = array<i32>} : memref<16384xf32, #tpu.memory_space<vmem>>, vector<16xf32>,
      %neg3A_1083 = arith.constant 0.000000e+00 : f32
      %neg3A_1084 = vector.broadcast %neg3A_1083 : f32 to vector<16xf32>
      %neg3A_1085 = arith.subf %neg3A_1084, %get3A_1082 : vector<16xf32>
      %exp3A_1086 = math.exp %neg3A_1085 : vector<16xf32>
      %add3A_1087 = arith.constant 1.000000e+00 : f32
      %add3A_1088 = vector.broadcast %add3A_1087 : f32 to vector<16xf32>
      %add3A_1089 = arith.addf %add3A_1088, %exp3A_1086 : vector<16xf32>
      %div3A_1090 = arith.divf %get3A_1076, %add3A_1089 : vector<16xf32>
      %add3A_1091 = arith.addf %add3A_1070, %div3A_1090 : vector<16xf32>
      %mul3A_1092 = arith.constant 16 : i32
      %mul3A_1093 = arith.muli %scan3A_716, %mul3A_1092 : i32
      %add3A_1094 = arith.constant 9216 : i32
      %add3A_1095 = arith.addi %add3A_1094, %mul3A_1093 : i32
      %get3A_1096 = arith.index_cast %add3A_1095 : i32 to index
      %get3A_1097 = tpu.vector_load %arg8[%get3A_1096] {strides = array<i32>} : memref<16384xf32, #tpu.memory_space<vmem>>, vector<16xf32>,
      %mul3A_1098 = arith.constant 16 : i32
      %mul3A_1099 = arith.muli %scan3A_716, %mul3A_1098 : i32
      %add3A_1100 = arith.constant 9216 : i32
      %add3A_1101 = arith.addi %add3A_1100, %mul3A_1099 : i32
      %get3A_1102 = arith.index_cast %add3A_1101 : i32 to index
      %get3A_1103 = tpu.vector_load %arg9[%get3A_1102] {strides = array<i32>} : memref<16384xf32, #tpu.memory_space<vmem>>, vector<16xf32>,
      %neg3A_1104 = arith.constant 0.000000e+00 : f32
      %neg3A_1105 = vector.broadcast %neg3A_1104 : f32 to vector<16xf32>
      %neg3A_1106 = arith.subf %neg3A_1105, %get3A_1103 : vector<16xf32>
      %exp3A_1107 = math.exp %neg3A_1106 : vector<16xf32>
      %add3A_1108 = arith.constant 1.000000e+00 : f32
      %add3A_1109 = vector.broadcast %add3A_1108 : f32 to vector<16xf32>
      %add3A_1110 = arith.addf %add3A_1109, %exp3A_1107 : vector<16xf32>
      %div3A_1111 = arith.divf %get3A_1097, %add3A_1110 : vector<16xf32>
      %add3A_1112 = arith.addf %add3A_1091, %div3A_1111 : vector<16xf32>
      %mul3A_1113 = arith.constant 16 : i32
      %mul3A_1114 = arith.muli %scan3A_716, %mul3A_1113 : i32
      %add3A_1115 = arith.constant 9728 : i32
      %add3A_1116 = arith.addi %add3A_1115, %mul3A_1114 : i32
      %get3A_1117 = arith.index_cast %add3A_1116 : i32 to index
      %get3A_1118 = tpu.vector_load %arg8[%get3A_1117] {strides = array<i32>} : memref<16384xf32, #tpu.memory_space<vmem>>, vector<16xf32>,
      %mul3A_1119 = arith.constant 16 : i32
      %mul3A_1120 = arith.muli %scan3A_716, %mul3A_1119 : i32
      %add3A_1121 = arith.constant 9728 : i32
      %add3A_1122 = arith.addi %add3A_1121, %mul3A_1120 : i32
      %get3A_1123 = arith.index_cast %add3A_1122 : i32 to index
      %get3A_1124 = tpu.vector_load %arg9[%get3A_1123] {strides = array<i32>} : memref<16384xf32, #tpu.memory_space<vmem>>, vector<16xf32>,
      %neg3A_1125 = arith.constant 0.000000e+00 : f32
      %neg3A_1126 = vector.broadcast %neg3A_1125 : f32 to vector<16xf32>
      %neg3A_1127 = arith.subf %neg3A_1126, %get3A_1124 : vector<16xf32>
      %exp3A_1128 = math.exp %neg3A_1127 : vector<16xf32>
      %add3A_1129 = arith.constant 1.000000e+00 : f32
      %add3A_1130 = vector.broadcast %add3A_1129 : f32 to vector<16xf32>
      %add3A_1131 = arith.addf %add3A_1130, %exp3A_1128 : vector<16xf32>
      %div3A_1132 = arith.divf %get3A_1118, %add3A_1131 : vector<16xf32>
      %add3A_1133 = arith.addf %add3A_1112, %div3A_1132 : vector<16xf32>
      %mul3A_1134 = arith.constant 16 : i32
      %mul3A_1135 = arith.muli %scan3A_716, %mul3A_1134 : i32
      %add3A_1136 = arith.constant 10240 : i32
      %add3A_1137 = arith.addi %add3A_1136, %mul3A_1135 : i32
      %get3A_1138 = arith.index_cast %add3A_1137 : i32 to index
      %get3A_1139 = tpu.vector_load %arg8[%get3A_1138] {strides = array<i32>} : memref<16384xf32, #tpu.memory_space<vmem>>, vector<16xf32>,
      %mul3A_1140 = arith.constant 16 : i32
      %mul3A_1141 = arith.muli %scan3A_716, %mul3A_1140 : i32
      %add3A_1142 = arith.constant 10240 : i32
      %add3A_1143 = arith.addi %add3A_1142, %mul3A_1141 : i32
      %get3A_1144 = arith.index_cast %add3A_1143 : i32 to index
      %get3A_1145 = tpu.vector_load %arg9[%get3A_1144] {strides = array<i32>} : memref<16384xf32, #tpu.memory_space<vmem>>, vector<16xf32>,
      %neg3A_1146 = arith.constant 0.000000e+00 : f32
      %neg3A_1147 = vector.broadcast %neg3A_1146 : f32 to vector<16xf32>
      %neg3A_1148 = arith.subf %neg3A_1147, %get3A_1145 : vector<16xf32>
      %exp3A_1149 = math.exp %neg3A_1148 : vector<16xf32>
      %add3A_1150 = arith.constant 1.000000e+00 : f32
      %add3A_1151 = vector.broadcast %add3A_1150 : f32 to vector<16xf32>
      %add3A_1152 = arith.addf %add3A_1151, %exp3A_1149 : vector<16xf32>
      %div3A_1153 = arith.divf %get3A_1139, %add3A_1152 : vector<16xf32>
      %add3A_1154 = arith.addf %add3A_1133, %div3A_1153 : vector<16xf32>
      %mul3A_1155 = arith.constant 16 : i32
      %mul3A_1156 = arith.muli %scan3A_716, %mul3A_1155 : i32
      %add3A_1157 = arith.constant 10752 : i32
      %add3A_1158 = arith.addi %add3A_1157, %mul3A_1156 : i32
      %get3A_1159 = arith.index_cast %add3A_1158 : i32 to index
      %get3A_1160 = tpu.vector_load %arg8[%get3A_1159] {strides = array<i32>} : memref<16384xf32, #tpu.memory_space<vmem>>, vector<16xf32>,
      %mul3A_1161 = arith.constant 16 : i32
      %mul3A_1162 = arith.muli %scan3A_716, %mul3A_1161 : i32
      %add3A_1163 = arith.constant 10752 : i32
      %add3A_1164 = arith.addi %add3A_1163, %mul3A_1162 : i32
      %get3A_1165 = arith.index_cast %add3A_1164 : i32 to index
      %get3A_1166 = tpu.vector_load %arg9[%get3A_1165] {strides = array<i32>} : memref<16384xf32, #tpu.memory_space<vmem>>, vector<16xf32>,
      %neg3A_1167 = arith.constant 0.000000e+00 : f32
      %neg3A_1168 = vector.broadcast %neg3A_1167 : f32 to vector<16xf32>
      %neg3A_1169 = arith.subf %neg3A_1168, %get3A_1166 : vector<16xf32>
      %exp3A_1170 = math.exp %neg3A_1169 : vector<16xf32>
      %add3A_1171 = arith.constant 1.000000e+00 : f32
      %add3A_1172 = vector.broadcast %add3A_1171 : f32 to vector<16xf32>
      %add3A_1173 = arith.addf %add3A_1172, %exp3A_1170 : vector<16xf32>
      %div3A_1174 = arith.divf %get3A_1160, %add3A_1173 : vector<16xf32>
      %add3A_1175 = arith.addf %add3A_1154, %div3A_1174 : vector<16xf32>
      %mul3A_1176 = arith.constant 16 : i32
      %mul3A_1177 = arith.muli %scan3A_716, %mul3A_1176 : i32
      %add3A_1178 = arith.constant 11264 : i32
      %add3A_1179 = arith.addi %add3A_1178, %mul3A_1177 : i32
      %get3A_1180 = arith.index_cast %add3A_1179 : i32 to index
      %get3A_1181 = tpu.vector_load %arg8[%get3A_1180] {strides = array<i32>} : memref<16384xf32, #tpu.memory_space<vmem>>, vector<16xf32>,
      %mul3A_1182 = arith.constant 16 : i32
      %mul3A_1183 = arith.muli %scan3A_716, %mul3A_1182 : i32
      %add3A_1184 = arith.constant 11264 : i32
      %add3A_1185 = arith.addi %add3A_1184, %mul3A_1183 : i32
      %get3A_1186 = arith.index_cast %add3A_1185 : i32 to index
      %get3A_1187 = tpu.vector_load %arg9[%get3A_1186] {strides = array<i32>} : memref<16384xf32, #tpu.memory_space<vmem>>, vector<16xf32>,
      %neg3A_1188 = arith.constant 0.000000e+00 : f32
      %neg3A_1189 = vector.broadcast %neg3A_1188 : f32 to vector<16xf32>
      %neg3A_1190 = arith.subf %neg3A_1189, %get3A_1187 : vector<16xf32>
      %exp3A_1191 = math.exp %neg3A_1190 : vector<16xf32>
      %add3A_1192 = arith.constant 1.000000e+00 : f32
      %add3A_1193 = vector.broadcast %add3A_1192 : f32 to vector<16xf32>
      %add3A_1194 = arith.addf %add3A_1193, %exp3A_1191 : vector<16xf32>
      %div3A_1195 = arith.divf %get3A_1181, %add3A_1194 : vector<16xf32>
      %add3A_1196 = arith.addf %add3A_1175, %div3A_1195 : vector<16xf32>
      %mul3A_1197 = arith.constant 16 : i32
      %mul3A_1198 = arith.muli %scan3A_716, %mul3A_1197 : i32
      %add3A_1199 = arith.constant 11776 : i32
      %add3A_1200 = arith.addi %add3A_1199, %mul3A_1198 : i32
      %get3A_1201 = arith.index_cast %add3A_1200 : i32 to index
      %get3A_1202 = tpu.vector_load %arg8[%get3A_1201] {strides = array<i32>} : memref<16384xf32, #tpu.memory_space<vmem>>, vector<16xf32>,
      %mul3A_1203 = arith.constant 16 : i32
      %mul3A_1204 = arith.muli %scan3A_716, %mul3A_1203 : i32
      %add3A_1205 = arith.constant 11776 : i32
      %add3A_1206 = arith.addi %add3A_1205, %mul3A_1204 : i32
      %get3A_1207 = arith.index_cast %add3A_1206 : i32 to index
      %get3A_1208 = tpu.vector_load %arg9[%get3A_1207] {strides = array<i32>} : memref<16384xf32, #tpu.memory_space<vmem>>, vector<16xf32>,
      %neg3A_1209 = arith.constant 0.000000e+00 : f32
      %neg3A_1210 = vector.broadcast %neg3A_1209 : f32 to vector<16xf32>
      %neg3A_1211 = arith.subf %neg3A_1210, %get3A_1208 : vector<16xf32>
      %exp3A_1212 = math.exp %neg3A_1211 : vector<16xf32>
      %add3A_1213 = arith.constant 1.000000e+00 : f32
      %add3A_1214 = vector.broadcast %add3A_1213 : f32 to vector<16xf32>
      %add3A_1215 = arith.addf %add3A_1214, %exp3A_1212 : vector<16xf32>
      %div3A_1216 = arith.divf %get3A_1202, %add3A_1215 : vector<16xf32>
      %add3A_1217 = arith.addf %add3A_1196, %div3A_1216 : vector<16xf32>
      %mul3A_1218 = arith.constant 16 : i32
      %mul3A_1219 = arith.muli %scan3A_716, %mul3A_1218 : i32
      %add3A_1220 = arith.constant 12288 : i32
      %add3A_1221 = arith.addi %add3A_1220, %mul3A_1219 : i32
      %get3A_1222 = arith.index_cast %add3A_1221 : i32 to index
      %get3A_1223 = tpu.vector_load %arg8[%get3A_1222] {strides = array<i32>} : memref<16384xf32, #tpu.memory_space<vmem>>, vector<16xf32>,
      %mul3A_1224 = arith.constant 16 : i32
      %mul3A_1225 = arith.muli %scan3A_716, %mul3A_1224 : i32
      %add3A_1226 = arith.constant 12288 : i32
      %add3A_1227 = arith.addi %add3A_1226, %mul3A_1225 : i32
      %get3A_1228 = arith.index_cast %add3A_1227 : i32 to index
      %get3A_1229 = tpu.vector_load %arg9[%get3A_1228] {strides = array<i32>} : memref<16384xf32, #tpu.memory_space<vmem>>, vector<16xf32>,
      %neg3A_1230 = arith.constant 0.000000e+00 : f32
      %neg3A_1231 = vector.broadcast %neg3A_1230 : f32 to vector<16xf32>
      %neg3A_1232 = arith.subf %neg3A_1231, %get3A_1229 : vector<16xf32>
      %exp3A_1233 = math.exp %neg3A_1232 : vector<16xf32>
      %add3A_1234 = arith.constant 1.000000e+00 : f32
      %add3A_1235 = vector.broadcast %add3A_1234 : f32 to vector<16xf32>
      %add3A_1236 = arith.addf %add3A_1235, %exp3A_1233 : vector<16xf32>
      %div3A_1237 = arith.divf %get3A_1223, %add3A_1236 : vector<16xf32>
      %add3A_1238 = arith.addf %add3A_1217, %div3A_1237 : vector<16xf32>
      %mul3A_1239 = arith.constant 16 : i32
      %mul3A_1240 = arith.muli %scan3A_716, %mul3A_1239 : i32
      %add3A_1241 = arith.constant 12800 : i32
      %add3A_1242 = arith.addi %add3A_1241, %mul3A_1240 : i32
      %get3A_1243 = arith.index_cast %add3A_1242 : i32 to index
      %get3A_1244 = tpu.vector_load %arg8[%get3A_1243] {strides = array<i32>} : memref<16384xf32, #tpu.memory_space<vmem>>, vector<16xf32>,
      %mul3A_1245 = arith.constant 16 : i32
      %mul3A_1246 = arith.muli %scan3A_716, %mul3A_1245 : i32
      %add3A_1247 = arith.constant 12800 : i32
      %add3A_1248 = arith.addi %add3A_1247, %mul3A_1246 : i32
      %get3A_1249 = arith.index_cast %add3A_1248 : i32 to index
      %get3A_1250 = tpu.vector_load %arg9[%get3A_1249] {strides = array<i32>} : memref<16384xf32, #tpu.memory_space<vmem>>, vector<16xf32>,
      %neg3A_1251 = arith.constant 0.000000e+00 : f32
      %neg3A_1252 = vector.broadcast %neg3A_1251 : f32 to vector<16xf32>
      %neg3A_1253 = arith.subf %neg3A_1252, %get3A_1250 : vector<16xf32>
      %exp3A_1254 = math.exp %neg3A_1253 : vector<16xf32>
      %add3A_1255 = arith.constant 1.000000e+00 : f32
      %add3A_1256 = vector.broadcast %add3A_1255 : f32 to vector<16xf32>
      %add3A_1257 = arith.addf %add3A_1256, %exp3A_1254 : vector<16xf32>
      %div3A_1258 = arith.divf %get3A_1244, %add3A_1257 : vector<16xf32>
      %add3A_1259 = arith.addf %add3A_1238, %div3A_1258 : vector<16xf32>
      %mul3A_1260 = arith.constant 16 : i32
      %mul3A_1261 = arith.muli %scan3A_716, %mul3A_1260 : i32
      %add3A_1262 = arith.constant 13312 : i32
      %add3A_1263 = arith.addi %add3A_1262, %mul3A_1261 : i32
      %get3A_1264 = arith.index_cast %add3A_1263 : i32 to index
      %get3A_1265 = tpu.vector_load %arg8[%get3A_1264] {strides = array<i32>} : memref<16384xf32, #tpu.memory_space<vmem>>, vector<16xf32>,
      %mul3A_1266 = arith.constant 16 : i32
      %mul3A_1267 = arith.muli %scan3A_716, %mul3A_1266 : i32
      %add3A_1268 = arith.constant 13312 : i32
      %add3A_1269 = arith.addi %add3A_1268, %mul3A_1267 : i32
      %get3A_1270 = arith.index_cast %add3A_1269 : i32 to index
      %get3A_1271 = tpu.vector_load %arg9[%get3A_1270] {strides = array<i32>} : memref<16384xf32, #tpu.memory_space<vmem>>, vector<16xf32>,
      %neg3A_1272 = arith.constant 0.000000e+00 : f32
      %neg3A_1273 = vector.broadcast %neg3A_1272 : f32 to vector<16xf32>
      %neg3A_1274 = arith.subf %neg3A_1273, %get3A_1271 : vector<16xf32>
      %exp3A_1275 = math.exp %neg3A_1274 : vector<16xf32>
      %add3A_1276 = arith.constant 1.000000e+00 : f32
      %add3A_1277 = vector.broadcast %add3A_1276 : f32 to vector<16xf32>
      %add3A_1278 = arith.addf %add3A_1277, %exp3A_1275 : vector<16xf32>
      %div3A_1279 = arith.divf %get3A_1265, %add3A_1278 : vector<16xf32>
      %add3A_1280 = arith.addf %add3A_1259, %div3A_1279 : vector<16xf32>
      %mul3A_1281 = arith.constant 16 : i32
      %mul3A_1282 = arith.muli %scan3A_716, %mul3A_1281 : i32
      %add3A_1283 = arith.constant 13824 : i32
      %add3A_1284 = arith.addi %add3A_1283, %mul3A_1282 : i32
      %get3A_1285 = arith.index_cast %add3A_1284 : i32 to index
      %get3A_1286 = tpu.vector_load %arg8[%get3A_1285] {strides = array<i32>} : memref<16384xf32, #tpu.memory_space<vmem>>, vector<16xf32>,
      %mul3A_1287 = arith.constant 16 : i32
      %mul3A_1288 = arith.muli %scan3A_716, %mul3A_1287 : i32
      %add3A_1289 = arith.constant 13824 : i32
      %add3A_1290 = arith.addi %add3A_1289, %mul3A_1288 : i32
      %get3A_1291 = arith.index_cast %add3A_1290 : i32 to index
      %get3A_1292 = tpu.vector_load %arg9[%get3A_1291] {strides = array<i32>} : memref<16384xf32, #tpu.memory_space<vmem>>, vector<16xf32>,
      %neg3A_1293 = arith.constant 0.000000e+00 : f32
      %neg3A_1294 = vector.broadcast %neg3A_1293 : f32 to vector<16xf32>
      %neg3A_1295 = arith.subf %neg3A_1294, %get3A_1292 : vector<16xf32>
      %exp3A_1296 = math.exp %neg3A_1295 : vector<16xf32>
      %add3A_1297 = arith.constant 1.000000e+00 : f32
      %add3A_1298 = vector.broadcast %add3A_1297 : f32 to vector<16xf32>
      %add3A_1299 = arith.addf %add3A_1298, %exp3A_1296 : vector<16xf32>
      %div3A_1300 = arith.divf %get3A_1286, %add3A_1299 : vector<16xf32>
      %add3A_1301 = arith.addf %add3A_1280, %div3A_1300 : vector<16xf32>
      %mul3A_1302 = arith.constant 16 : i32
      %mul3A_1303 = arith.muli %scan3A_716, %mul3A_1302 : i32
      %add3A_1304 = arith.constant 14336 : i32
      %add3A_1305 = arith.addi %add3A_1304, %mul3A_1303 : i32
      %get3A_1306 = arith.index_cast %add3A_1305 : i32 to index
      %get3A_1307 = tpu.vector_load %arg8[%get3A_1306] {strides = array<i32>} : memref<16384xf32, #tpu.memory_space<vmem>>, vector<16xf32>,
      %mul3A_1308 = arith.constant 16 : i32
      %mul3A_1309 = arith.muli %scan3A_716, %mul3A_1308 : i32
      %add3A_1310 = arith.constant 14336 : i32
      %add3A_1311 = arith.addi %add3A_1310, %mul3A_1309 : i32
      %get3A_1312 = arith.index_cast %add3A_1311 : i32 to index
      %get3A_1313 = tpu.vector_load %arg9[%get3A_1312] {strides = array<i32>} : memref<16384xf32, #tpu.memory_space<vmem>>, vector<16xf32>,
      %neg3A_1314 = arith.constant 0.000000e+00 : f32
      %neg3A_1315 = vector.broadcast %neg3A_1314 : f32 to vector<16xf32>
      %neg3A_1316 = arith.subf %neg3A_1315, %get3A_1313 : vector<16xf32>
      %exp3A_1317 = math.exp %neg3A_1316 : vector<16xf32>
      %add3A_1318 = arith.constant 1.000000e+00 : f32
      %add3A_1319 = vector.broadcast %add3A_1318 : f32 to vector<16xf32>
      %add3A_1320 = arith.addf %add3A_1319, %exp3A_1317 : vector<16xf32>
      %div3A_1321 = arith.divf %get3A_1307, %add3A_1320 : vector<16xf32>
      %add3A_1322 = arith.addf %add3A_1301, %div3A_1321 : vector<16xf32>
      %mul3A_1323 = arith.constant 16 : i32
      %mul3A_1324 = arith.muli %scan3A_716, %mul3A_1323 : i32
      %add3A_1325 = arith.constant 14848 : i32
      %add3A_1326 = arith.addi %add3A_1325, %mul3A_1324 : i32
      %get3A_1327 = arith.index_cast %add3A_1326 : i32 to index
      %get3A_1328 = tpu.vector_load %arg8[%get3A_1327] {strides = array<i32>} : memref<16384xf32, #tpu.memory_space<vmem>>, vector<16xf32>,
      %mul3A_1329 = arith.constant 16 : i32
      %mul3A_1330 = arith.muli %scan3A_716, %mul3A_1329 : i32
      %add3A_1331 = arith.constant 14848 : i32
      %add3A_1332 = arith.addi %add3A_1331, %mul3A_1330 : i32
      %get3A_1333 = arith.index_cast %add3A_1332 : i32 to index
      %get3A_1334 = tpu.vector_load %arg9[%get3A_1333] {strides = array<i32>} : memref<16384xf32, #tpu.memory_space<vmem>>, vector<16xf32>,
      %neg3A_1335 = arith.constant 0.000000e+00 : f32
      %neg3A_1336 = vector.broadcast %neg3A_1335 : f32 to vector<16xf32>
      %neg3A_1337 = arith.subf %neg3A_1336, %get3A_1334 : vector<16xf32>
      %exp3A_1338 = math.exp %neg3A_1337 : vector<16xf32>
      %add3A_1339 = arith.constant 1.000000e+00 : f32
      %add3A_1340 = vector.broadcast %add3A_1339 : f32 to vector<16xf32>
      %add3A_1341 = arith.addf %add3A_1340, %exp3A_1338 : vector<16xf32>
      %div3A_1342 = arith.divf %get3A_1328, %add3A_1341 : vector<16xf32>
      %add3A_1343 = arith.addf %add3A_1322, %div3A_1342 : vector<16xf32>
      %mul3A_1344 = arith.constant 16 : i32
      %mul3A_1345 = arith.muli %scan3A_716, %mul3A_1344 : i32
      %add3A_1346 = arith.constant 15360 : i32
      %add3A_1347 = arith.addi %add3A_1346, %mul3A_1345 : i32
      %get3A_1348 = arith.index_cast %add3A_1347 : i32 to index
      %get3A_1349 = tpu.vector_load %arg8[%get3A_1348] {strides = array<i32>} : memref<16384xf32, #tpu.memory_space<vmem>>, vector<16xf32>,
      %mul3A_1350 = arith.constant 16 : i32
      %mul3A_1351 = arith.muli %scan3A_716, %mul3A_1350 : i32
      %add3A_1352 = arith.constant 15360 : i32
      %add3A_1353 = arith.addi %add3A_1352, %mul3A_1351 : i32
      %get3A_1354 = arith.index_cast %add3A_1353 : i32 to index
      %get3A_1355 = tpu.vector_load %arg9[%get3A_1354] {strides = array<i32>} : memref<16384xf32, #tpu.memory_space<vmem>>, vector<16xf32>,
      %neg3A_1356 = arith.constant 0.000000e+00 : f32
      %neg3A_1357 = vector.broadcast %neg3A_1356 : f32 to vector<16xf32>
      %neg3A_1358 = arith.subf %neg3A_1357, %get3A_1355 : vector<16xf32>
      %exp3A_1359 = math.exp %neg3A_1358 : vector<16xf32>
      %add3A_1360 = arith.constant 1.000000e+00 : f32
      %add3A_1361 = vector.broadcast %add3A_1360 : f32 to vector<16xf32>
      %add3A_1362 = arith.addf %add3A_1361, %exp3A_1359 : vector<16xf32>
      %div3A_1363 = arith.divf %get3A_1349, %add3A_1362 : vector<16xf32>
      %add3A_1364 = arith.addf %add3A_1343, %div3A_1363 : vector<16xf32>
      %mul3A_1365 = arith.constant 16 : i32
      %mul3A_1366 = arith.muli %scan3A_716, %mul3A_1365 : i32
      %add3A_1367 = arith.constant 15872 : i32
      %add3A_1368 = arith.addi %add3A_1367, %mul3A_1366 : i32
      %get3A_1369 = arith.index_cast %add3A_1368 : i32 to index
      %get3A_1370 = tpu.vector_load %arg8[%get3A_1369] {strides = array<i32>} : memref<16384xf32, #tpu.memory_space<vmem>>, vector<16xf32>,
      %mul3A_1371 = arith.constant 16 : i32
      %mul3A_1372 = arith.muli %scan3A_716, %mul3A_1371 : i32
      %add3A_1373 = arith.constant 15872 : i32
      %add3A_1374 = arith.addi %add3A_1373, %mul3A_1372 : i32
      %get3A_1375 = arith.index_cast %add3A_1374 : i32 to index
      %get3A_1376 = tpu.vector_load %arg9[%get3A_1375] {strides = array<i32>} : memref<16384xf32, #tpu.memory_space<vmem>>, vector<16xf32>,
      %neg3A_1377 = arith.constant 0.000000e+00 : f32
      %neg3A_1378 = vector.broadcast %neg3A_1377 : f32 to vector<16xf32>
      %neg3A_1379 = arith.subf %neg3A_1378, %get3A_1376 : vector<16xf32>
      %exp3A_1380 = math.exp %neg3A_1379 : vector<16xf32>
      %add3A_1381 = arith.constant 1.000000e+00 : f32
      %add3A_1382 = vector.broadcast %add3A_1381 : f32 to vector<16xf32>
      %add3A_1383 = arith.addf %add3A_1382, %exp3A_1380 : vector<16xf32>
      %div3A_1384 = arith.divf %get3A_1370, %add3A_1383 : vector<16xf32>
      %add3A_1385 = arith.addf %add3A_1364, %div3A_1384 : vector<16xf32>
      %mul3A_1386 = arith.constant 16 : i32
      %mul3A_1387 = arith.muli %scan3A_716, %mul3A_1386 : i32
      %swap3A = arith.index_cast %mul3A_1387 : i32 to index
      %swap3A_1388 = tpu.vector_load %arg10[%swap3A] {strides = array<i32>} : memref<512xf32, #tpu.memory_space<vmem>>, vector<16xf32>,
      tpu.vector_store %arg10[%swap3A], %add3A_1385 {strides = array<i32>} : memref<512xf32, #tpu.memory_space<vmem>>, vector<16xf32>,
    }
    %scan3A_715 = arith.constant 32 : i32
    "tpu.region"() ({
      %run_scoped3A = tpu.sem_alloc : memref<!tpu.dma_semaphore, #tpu.memory_space<semaphore_mem>>
      %dma_start3A_716 = tpu.memref_slice %arg5[%mul3A_2] : memref<16384xf32, #tpu.memory_space<hbm>> -> memref<512xf32, #tpu.memory_space<hbm>>
      %dma_start3A_717 = tpu.memref_slice %arg5[%mul3A_2] : memref<16384xf32, #tpu.memory_space<hbm>> -> memref<512xf32, #tpu.memory_space<hbm>>
      tpu.enqueue_dma source(%arg10 : memref<512xf32, #tpu.memory_space<vmem>>) target(%dma_start3A_717 : memref<512xf32, #tpu.memory_space<hbm>>) target_semaphore(%run_scoped3A : memref<!tpu.dma_semaphore, #tpu.memory_space<semaphore_mem>>)
      %dma_wait3A_718 = tpu.memref_slice %arg5[%mul3A_2] : memref<16384xf32, #tpu.memory_space<hbm>> -> memref<512xf32, #tpu.memory_space<hbm>>
      %dma_wait3A_719 = tpu.memref_slice %arg5[%mul3A_2] : memref<16384xf32, #tpu.memory_space<hbm>> -> memref<512xf32, #tpu.memory_space<hbm>>
      tpu.wait_dma2 semaphore(%run_scoped3A : memref<!tpu.dma_semaphore, #tpu.memory_space<semaphore_mem>>) src(%arg10 : memref<512xf32, #tpu.memory_space<vmem>>) dst(%dma_wait3A_719 : memref<512xf32, #tpu.memory_space<hbm>>)
      tpu.yield
    }) : () -> ()
    return
  }
}

</mosaic_0001>

<sc_bundles>
// kernel: kernel.4.cloned.1.call-start
scs
__scs_entry_jumppad:
0x0: {  	(pc) =	sbr.rel $0x88, $3  }
0x1: {  	(tag) =	ssettag $0x0;
	lr =	simm.s32 $0x1  }
0x2: {  	[smem:$0x3F9D] =	sst lr;
	_ =	strace $0xD0000000  }
0x3: {  	_ = 	snop  }
0x4: {  	_ = 	snop  }
0x5: {  	_ = 	snop  }
0x6: {  	_ = 	snop  }
0x7: {  	_ = 	snop  }
__scs_overlays_trampoline_lowered:
0x8: {  	[smem:$0x3FAC] =	sst s0  }
0x9: {  	[smem:$0x3FAD] =	sst s1  }
0xa: {  	[smem:$0x3FAE] =	sst s2  }
0xb: {  	[smem:$0x3FAF] =	sst s3  }
0xc: {  	[smem:$0x3FB0] =	sst s4  }
0xd: {  	[smem:$0x3FB1] =	sst s5  }
0xe: {  	[smem:$0x3FB2] =	sst s6  }
0xf: {  	[smem:$0x3FB3] =	sst s7  }
0x10: {  	[smem:$0x3FB4] =	sst s8  }
0x11: {  	[smem:$0x3FB5] =	sst s9;
	s0 =	simm.s32 @!p0 $0x0  }
0x12: {  	s1 =	sld [smem:$0x3F9B];
	s0 =	simm.s32 @p0 $0x1  }
0x13: {  	[smem:$0x3FB6] =	sst s0;
	s0 =	simm.s32 @!p1 $0x0  }
0x14: {  	s2 =	sld [smem:$0x3F9A];
	s0 =	simm.s32 @p1 $0x1  }
0x15: {  	[smem:$0x3FB7] =	sst s0;
	s0 =	simm.s32 @!p2 $0x0  }
0x16: {  	s3 =	sld [smem:$0x3FDB];
	s0 =	simm.s32 @p2 $0x1  }
0x17: {  	s4 =	simm.s32 $0x1BF5;
	[smem:$0x3FB9] =	sst s0  }
0x18: {  	s0 =	sld [smem:$0x3F9C];
	_ =	swait.ge [sflag:s4], $0x0  }
0x19: {  	s7 =	sld [smem:$0x3F9D]  }
0x1a: {  	s8 =	sadd.s32 $0xFFFFE003, lr  }
0x1b: {  	s9 =	sadd.s32 $0xFFFFFEF7, lr;
	s5 =	simm.s32 $0xFFFFFFFF;
	p2 =	slt.u32 s8, $0xFFFFF086  }
0x1c: {  	p1 =	slt.u32 s9, $0xF7A;
	s5 =	simm.s32 @!p2 $0x0  }
0x1d: {  	s5 =	simm.s32 @p1 $0x1;
	p0 =	seq.s32 s7, s2  }
0x1e: {  	s7 =	smul.u32 @!p0 $0xF7A, s2;
	p2 =	seq.s32 @!p0 s5, $0x0  }
0x1f: {  	s9 =	smul.u32 $0xF7A, s1;
	s8 =	simm.s32 @!p0 $0x1BF5;
	p2 =	por !p2, p0  }
0x20: {  	[sflag:s8] =	ssyncset.s32 @!p0 $0xFFFFF086;
	s6 =	sadd.s32 @!p0 s3, s7;
	s7 =	simm.s32 @!p0 $0x108  }
0x21: {  	s3 =	sadd.s32 s3, s9;
	s6 =	sadd.s32 @!p0 $0x88, s6;
	s7 =	simm.s32 @p2 $0x1082  }
0x22: {  	[simem:s7], [sflag:s8] =	dma.local @!p0 [hbm:s6], $0xF7A  }
0x23: {  	s9 =	sor.u32 $0xD0000000, s2;
	s6 =	simm.s32 $0x108;
	_ =	swait.ge @!p0 [sflag:s8], $0x0  }
0x24: {  	s3 =	sadd.s32 $0x88, s3;
	s6 =	simm.s32 @!p1 $0x1082;
	[sflag:s4] =	ssyncset.s32 $0xFFFFF086  }
0x25: {  	[simem:s6], [sflag:s4] =	dma.local [hbm:s3], $0xF7A  }
0x26: {  	[smem:$0x3F9D] =	sst s1;
	(tag) =	ssettag s2;
	_ =	strace s9  }
0x27: {  	s1 =	sld [smem:$0x3FAD]  }
0x28: {  	s2 =	sld [smem:$0x3FAE]  }
0x29: {  	s4 =	sld [smem:$0x3FB0]  }
0x2a: {  	p0 =	seq.s32 s5, $0x0;
	s5 =	sld [smem:$0x3FB1]  }
0x2b: {  	s6 =	sld [smem:$0x3FB2]  }
0x2c: {  	s7 =	sld [smem:$0x3FB3]  }
0x2d: {  	s3 =	simm.s32 $0x108;
	s8 =	sld [smem:$0x3FB4]  }
0x2e: {  	s3 =	simm.s32 @!p0 $0x1082;
	s9 =	sld [smem:$0x3FB5]  }
0x2f: {  	lr =	sadd.s32 s0, s3;
	s0 =	sld [smem:$0x3FAC]  }
0x30: {  	s3 =	sld [smem:$0x3FAF]  }
0x31: {  	[smem:$0x3FB8] =	sst s10  }
0x32: {  	s10 =	sld [smem:$0x3FB6];
	_ =	sdelay $0x3  }
0x33: {  	p0 =	seq.s32 s10, $0x1;
	s10 =	sld [smem:$0x3FB8];
	_ =	sdelay $0x3  }
0x34: {  	[smem:$0x3FB8] =	sst s10  }
0x35: {  	s10 =	sld [smem:$0x3FB7];
	_ =	sdelay $0x3  }
0x36: {  	p1 =	seq.s32 s10, $0x1;
	s10 =	sld [smem:$0x3FB8];
	_ =	sdelay $0x3  }
0x37: {  	[smem:$0x3FB8] =	sst s10  }
0x38: {  	s10 =	sld [smem:$0x3FB9]  }
0x39: {  	_ = 	snop;
	(pc) =	sbr.ind lr, $3  }
0x3a: {  	_ = 	snop  }
0x3b: {  	_ = 	snop  }
0x3c: {  	p2 =	seq.s32 s10, $0x1;
	s10 =	sld [smem:$0x3FB8]  }
0x3d: {  	_ =	shalt  }
0x3e: {  	_ =	shalt  }
0x3f: {  	_ =	shalt  }
0x40: {  	_ =	shalt  }
0x41: {  	_ =	shalt  }
0x42: {  	_ =	shalt  }
0x43: {  	_ =	shalt  }
0x44: {  	_ =	shalt  }
0x45: {  	_ =	shalt  }
0x46: {  	_ =	shalt  }
0x47: {  	_ =	shalt  }
0x48: {  	_ =	shalt  }
0x49: {  	_ =	shalt  }
0x4a: {  	_ =	shalt  }
0x4b: {  	_ =	shalt  }
0x4c: {  	_ =	shalt  }
0x4d: {  	_ =	shalt  }
0x4e: {  	_ =	shalt  }
0x4f: {  	_ =	shalt  }
0x50: {  	_ =	shalt  }
0x51: {  	_ =	shalt  }
0x52: {  	_ =	shalt  }
0x53: {  	_ =	shalt  }
0x54: {  	_ =	shalt  }
0x55: {  	_ =	shalt  }
0x56: {  	_ =	shalt  }
0x57: {  	_ =	shalt  }
0x58: {  	_ =	shalt  }
0x59: {  	_ =	shalt  }
0x5a: {  	_ =	shalt  }
0x5b: {  	_ =	shalt  }
0x5c: {  	_ =	shalt  }
0x5d: {  	_ =	shalt  }
0x5e: {  	_ =	shalt  }
0x5f: {  	_ =	shalt  }
0x60: {  	_ =	shalt  }
0x61: {  	_ =	shalt  }
0x62: {  	_ =	shalt  }
0x63: {  	_ =	shalt  }
0x64: {  	_ =	shalt  }
0x65: {  	_ =	shalt  }
0x66: {  	_ =	shalt  }
0x67: {  	_ =	shalt  }
0x68: {  	_ =	shalt  }
0x69: {  	_ =	shalt  }
0x6a: {  	_ =	shalt  }
0x6b: {  	_ =	shalt  }
0x6c: {  	_ =	shalt  }
0x6d: {  	_ =	shalt  }
0x6e: {  	_ =	shalt  }
0x6f: {  	_ =	shalt  }
0x70: {  	_ =	shalt  }
0x71: {  	_ =	shalt  }
0x72: {  	_ =	shalt  }
0x73: {  	_ =	shalt  }
0x74: {  	_ =	shalt  }
0x75: {  	_ =	shalt  }
0x76: {  	_ =	shalt  }
0x77: {  	_ =	shalt  }
0x78: {  	_ =	shalt  }
0x79: {  	_ =	shalt  }
0x7a: {  	_ =	shalt  }
0x7b: {  	_ =	shalt  }
0x7c: {  	_ =	shalt  }
0x7d: {  	_ =	shalt  }
0x7e: {  	_ =	shalt  }
0x7f: {  	_ =	shalt  }
0x80: {  	_ =	shalt  }
0x81: {  	_ =	shalt  }
0x82: {  	_ =	shalt  }
0x83: {  	_ =	shalt  }
0x84: {  	_ =	shalt  }
0x85: {  	_ =	shalt  }
0x86: {  	_ =	shalt  }
0x87: {  	_ =	shalt  }
.Lfunc_end0:
.L_simem_size_0:
called_computation_lowered:
.L_overlay_start_0:
0x88: {  	s2 =	sld [smem:$0x3FD9]  }
0x89: {  	s3 =	sld [smem:$0x3FFE];
	_ =	sdelay $0x1  }
0x8a: {  	s1 =	srdreg.scid  }
0x8b: {  	s0 =	sand.u32 $0x1, s1  }
0x8c: {  	s17 =	sshll.u32 s0, $0xA;
	s2 =	sadd.s32 s3, s2  }
0x8d: {  	s2 =	sadd.s32 s2, s17  }
0x8e: {  	[smem:$0x3FC4] =	sst s2  }
0x8f: {  	_ = 	snop  }
0x90: {  	s2 =	sld [smem:$0x3FC9];
	(tm) =	ssettm $0x1  }
0x91: {  	s18 =	sld [smem:$0x3FFB];
	_ =	sdelay $0x3  }
0x92: {  	_ =	strace s18  }
0x93: {  	s3 =	sld [smem:$0x3FFC];
	_ =	sdelay $0x3  }
0x94: {  	_ =	strace s3  }
0x95: {  	s3 =	sld [smem:$0x3FFD];
	_ =	sdelay $0x3  }
0x96: {  	_ =	strace s3  }
0x97: {  	_ =	strace $0x8FFFFFFF  }
0x98: {  	s19 =	sld [smem:$0x3FDB];
	_ =	sdelay $0x1  }
0x99: {  	s4 =	simm.s32 $_scs_section_size  }
0x9a: {  	s5 =	simm.s32 $_size__tile_overlayer_lowered;
	s6 =	simm.s32 $_tile_overlayer_lowered  }
0x9b: {  	s22 =	simm.s32 $0x1BFF;
	s21 =	sshll.u32 s6, $0x1;
	s3 =	sadd.s32 s4, s19  }
0x9c: {  	s7 =	simm.s32 $0x0;
	s20 =	sshll.u32 s5, $0x1;
	s5 =	sadd.s32 s21, s3  }
0x9d: {  	[timem:s7], [sflag:s22] =	dma.local [hbm:s5], s20  }
0x9e: {  	_ =	swait.ge [sflag:s22], s20  }
0x9f: {  	s4 =	ssub.s32 $0x0, s20;
	[sflag:s22] =	ssyncset.done $0x0  }
0xa0: {  	[sflag:s22] =	ssyncadd.s32 s4;
	_ =	sdelay $0x1  }
0xa1: {  	s23 =	simm.s32 $0x1B8B  }
0xa2: {  	_ =	swait.ge [sflag:s23], $0x1  }
0xa3: {  	[sflag:s23] =	ssyncset.done $0x0  }
0xa4: {  	s25 =	simm.s32 $0x1B8E;
	s24 =	sld [smem:$0x3FFE];
	[sflag:s23] =	ssyncadd.s32 $0xFFFFFFFF  }
0xa5: {  	s26 =	simm.s32 $execute0_lowered;
	[smem:$0x3FD2] =	sst s25  }
0xa6: {  	s5 =	sshll.u32 s26, $0x1;
	_ =	strace $0x80000046;
	[dreg:$0x1] =	wrdreg $0xFFFFFFFF  }
0xa7: {  	s28 =	simm.s32 $_size_execute0_lowered;
	s3 =	sadd.s32 s3, s5;
	[dreg:$0x0] =	wrdreg $0x0  }
0xa8: {  	s5 =	sshll.u32 s28, $0x1;
	[dreg:$0x2] =	wrdreg s3  }
0xa9: {  	[dreg:$0x3] =	wrdreg s5  }
0xaa: {  	[dreg:$0x4] =	wrdreg $0xC0  }
0xab: {  	_ =	task [dreg:s7], $0x5FFFF  }
0xac: {  	[dreg:$0x1] =	wrdreg $0xFFFFFFFF  }
0xad: {  	[dreg:$0x0] =	wrdreg $0x60  }
0xae: {  	[dreg:$0x2] =	wrdreg s2  }
0xaf: {  	[dreg:$0x3] =	wrdreg s24  }
0xb0: {  	[dreg:$0x4] =	wrdreg $0x9  }
0xb1: {  	_ =	task.clear_ibuf [dreg:s7], $0x5FFFF;
	_ =	strace $0x90000046  }
0xb2: {  	s29 =	simm.s32 $0x9;
	_ =	strace $0x80000048  }
0xb3: {  	_ =	swait.ge [sflag:s29], $0x1  }
0xb4: {  	[sflag:s29] =	ssyncadd.s32 $0xFFFFFFFF  }
0xb5: {  	_ =	strace $0x90000048  }
0xb6: {  	_ =	sfence  }
0xb7: {  	s30 =	sld [smem:$0x0];
	_ =	sdelay $0x2  }
0xb8: {  	s31 =	sshll.u32 s1, $0xD;
	s1 =	sshrl.u32 s1, $0x2  }
0xb9: {  	s3 =	sand.u32 $0x4000, s31;
	s1 =	sadd.s32 s1, s30  }
0xba: {  	s0 =	sor.u32 s3, s0;
	s1 =	sshll.u32 s1, $0x11  }
0xbb: {  	s0 =	sor.u32 s1, s0  }
0xbc: {  	s0 =	sadd.s32 $0x8F2B, s0  }
0xbd: {  	[sflag:s0] =	ssyncadd.remote.s32 $0x1  }
0xbe: {  	_ =	sfence.sel $0xFFFF  }
0xbf: {  	[dreg:$0x0] =	wrdreg $0xFFFFFFFF;
	(pc) =	sbr.abs _section_cstart, $3  }
0xc0: {  	[dreg:$0x1] =	wrdreg $0xFFFFFFFF  }
0xc1: {  	_ =	task.clear_ibuf [dreg:s7], $0x2FFFF;
	_ =	strace $0x9FFFFFFF  }
0xc2: {  	(tm) =	ssettm $0x7FFFFFFF  }
0xc3: {  	_ =	shalt  }
tec
execute0_lowered:
.L_overlay_start_1:
0x0: {  	(tag) =	ssettag $0x1  }
0x1: {  	s0 =	rddreg [dreg:$0x0]  }
0x2: {  	s1 =	rddreg [dreg:$0x1];
	s2 =	simm.s32 $0x0  }
0x3: {  	[smem:$0x7FF] =	sst s2;
	s5 =	sadd.s32 $0x800, s1  }
0x4: {  	s25 =	sadd.s32 $0x810, s1;
	_ =	strace $0x80000047;
	[dreg:$0x3] =	wrdreg s5  }
0x5: {  	s3 =	srdreg.scid;
	s26 =	sadd.s32 $0x820, s1;
	[dreg:$0x4] =	wrdreg s25  }
0x6: {  	s4 =	stileid.u32;
	s30 =	sadd.s32 $0x830, s1;
	[dreg:$0x5] =	wrdreg s26  }
0x7: {  	s3 =	sand.u32 $0x1, s3;
	s6 =	sadd.s32 $0x840, s1;
	[dreg:$0x6] =	wrdreg s30  }
0x8: {  	s4 =	sshll.u32 s4, $0x7;
	s7 =	sadd.s32 $0x850, s1;
	[dreg:$0x7] =	wrdreg s6  }
0x9: {  	s8 =	sadd.s32 $0x860, s1;
	s24 =	sshll.u32 s3, $0x6;
	[dreg:$0x8] =	wrdreg s7  }
0xa: {  	s9 =	sadd.s32 $0x870, s1;
	[dreg:$0x9] =	wrdreg s8;
	s4 =	sor.u32 s24, s4  }
0xb: {  	[dreg:$0xa] =	wrdreg s9;
	s5 =	sadd.s32 s4, s1;
	s0 =	sadd.s32 s0, s4  }
0xc: {  	s10 =	sadd.s32 $0x3D1200, s5;
	[smem:$0x7F8] =	sst s0  }
0xd: {  	s14 =	sadd.s32 $0x3D1A00, s5;
	[dreg:$0xb] =	wrdreg s10  }
0xe: {  	s15 =	sadd.s32 $0x3D2200, s5;
	[dreg:$0xc] =	wrdreg s14  }
0xf: {  	s16 =	sadd.s32 $0x3D2A00, s5;
	[dreg:$0xd] =	wrdreg s15  }
0x10: {  	s17 =	sadd.s32 $0x3D3200, s5;
	[dreg:$0xe] =	wrdreg s16  }
0x11: {  	s18 =	sadd.s32 $0x3D3A00, s5;
	[dreg:$0xf] =	wrdreg s17  }
0x12: {  	s19 =	sadd.s32 $0x3D4200, s5;
	[dreg:$0x10] =	wrdreg s18  }
0x13: {  	s20 =	sadd.s32 $0x3D4A00, s5;
	[dreg:$0x11] =	wrdreg s19  }
0x14: {  	s21 =	sadd.s32 $0x3D5200, s5;
	[dreg:$0x12] =	wrdreg s20  }
0x15: {  	s22 =	sadd.s32 $0x3D5A00, s5;
	[dreg:$0x13] =	wrdreg s21  }
0x16: {  	s23 =	sadd.s32 $0x3D6200, s5;
	[dreg:$0x14] =	wrdreg s22  }
0x17: {  	s24 =	sadd.s32 $0x3D6A00, s5;
	[dreg:$0x15] =	wrdreg s23  }
0x18: {  	s25 =	sadd.s32 $0x3D7200, s5;
	[dreg:$0x16] =	wrdreg s24  }
0x19: {  	s26 =	sadd.s32 $0x3D7A00, s5;
	[dreg:$0x17] =	wrdreg s25  }
0x1a: {  	s30 =	sadd.s32 $0x3D8200, s5;
	[dreg:$0x18] =	wrdreg s26  }
0x1b: {  	s6 =	sadd.s32 $0x3D8A00, s5;
	[dreg:$0x19] =	wrdreg s30  }
0x1c: {  	s7 =	sadd.s32 $0x3D9200, s5;
	[dreg:$0x1a] =	wrdreg s6  }
0x1d: {  	s8 =	sadd.s32 $0x3D9A00, s5;
	[dreg:$0x1b] =	wrdreg s7  }
0x1e: {  	s9 =	sadd.s32 $0x3DA200, s5;
	[dreg:$0x1c] =	wrdreg s8  }
0x1f: {  	s12 =	sadd.s32 $0x1E8D00, s1;
	[dreg:$0x1d] =	wrdreg s9;
	s10 =	sadd.s32 $0x3DAA00, s5  }
0x20: {  	s13 =	sadd.s32 $0x2DCF80, s1;
	s14 =	sadd.s32 $0x3DB200, s5;
	[dreg:$0x1e] =	wrdreg s10  }
0x21: {  	s15 =	sadd.s32 $0x3DBA00, s5;
	s17 =	sadd.s32 $0x3DC200, s5;
	[dreg:$0x1f] =	wrdreg s14  }
0x22: {  	s18 =	sadd.s32 $0x3DCA00, s5;
	[smem:$0x7F1] =	sst s15  }
0x23: {  	s6 =	sadd.s32 $0x3DD200, s5;
	[smem:$0x7F2] =	sst s17  }
0x24: {  	s31 =	simm.s32 $0x1;
	s20 =	sadd.s32 $0x3DDA00, s5;
	[smem:$0x7F3] =	sst s18  }
0x25: {  	s28 =	simm.s32 $0x2A00;
	s21 =	sadd.s32 $0x3DE200, s5;
	[smem:$0x7F4] =	sst s6  }
0x26: {  	s29 =	simm.s32 $0x2C00;
	s22 =	sadd.s32 $0x3DEA00, s5;
	[smem:$0x7F5] =	sst s20  }
0x27: {  	s11 =	sadd.s32 $0xF4A80, s1;
	s23 =	sadd.s32 $0x3DF200, s5;
	[smem:$0x7F6] =	sst s21  }
0x28: {  	s0 =	simm.s32 $0x0;
	s24 =	sadd.s32 $0x3DFA00, s5;
	[smem:$0x7F7] =	sst s22  }
0x29: {  	s16 =	ssub.s32 $0x2, s3;
	s25 =	sadd.s32 $0x3E0200, s5;
	[smem:$0x7F9] =	sst s23  }
0x2a: {  	s26 =	sadd.s32 $0x3E0A00, s5;
	s5 =	simm.s32 $0x800;
	[smem:$0x7FA] =	sst s24  }
0x2b: {  	s7 =	simm.s32 $0xC00;
	s8 =	simm.s32 $0xE00;
	[smem:$0x7FB] =	sst s25  }
0x2c: {  	s9 =	simm.s32 $0x1000;
	s19 =	sshrl.u32 s16, $0x1;
	[smem:$0x7FC] =	sst s26  }
0x2d: {  	s21 =	simm.s32 $0x2;
	s22 =	simm.s32 $0x200;
	s6 =	simm.s32 $0xA00  }
0x2e: {  	s10 =	simm.s32 $0x1200;
	s14 =	simm.s32 $0x1400;
	s15 =	simm.s32 $0x1600  }
0x2f: {  	s17 =	simm.s32 $0x1A00;
	s23 =	simm.s32 $0x1C00;
	s18 =	simm.s32 $0x1E00  }
0x30: {  	s24 =	simm.s32 $0x2000;
	s25 =	simm.s32 $0x2400;
	s1 =	ssub.s32 s16, s19  }
0x31: {  	s20 =	simm.s32 $0x2600;
	s26 =	simm.s32 $0x2800;
	s30 =	smax.u32 s1, $0x1  }
0x32: {  	s16 =	simm.s32 $0x1800;
	s19 =	simm.s32 $0x2200;
	[smem:$0x7FD] =	sst s30  }
.LBB2_1:
0x33: {  	s1 =	sld [smem:$0x7F8];
	_ =	sdelay $0x2  }
0x34: {  	[tilespmem:s2], [sflag:$0x2] =	stream.linear.gather [hbm4b:s1+s2], $0x200, $0x38;
	[tilespmem:$0x4400] =	vst v63  }
0x35: {  	_ =	swait.ge [sflag:s21], $0x200  }
0x36: {  	[sflag:s21] =	ssyncset.done $0x0  }
0x37: {  	s1 =	simm.s32 $0x0;
	[sflag:s21] =	ssyncadd.s32 $0xFFFFFE00  }
0x38: {  	s3 =	simm.s32 $0x40;
	v0 =	vld [tilespmem:s1+$0x0]  }
.LBB2_2:
0x39: {  	_ =	sdelay $0x1  }
0x3a: {  	p0 =	sne.s32 s3, $0x7C0  }
.Ltmp0:
0x3b: {  	_ = 	snop;
	(pc) =	sbr.rel @p0 .LBB2_2-.Ltmp0, $4  }
0x3c: {  	v1 =	vshll.u32 v0, $0x3  }
0x3d: {  	v2 =	vand.u32 $0x7F, v0;
	v1 =	vand.u32 $0xFFFFFC00, v1  }
0x3e: {  	s4 =	sshra.s32 s3, $0x2;
	v1 =	vor.u32 v2, v1  }
0x3f: {  	s3 =	sadd.s32 $0x40, s3;
	v0 =	vld [tilespmem:s4+$0x0];
	[tilespmem:s1+$0x200] =	vst v1;
	s1 =	smov.u32 s4  }
0x40: {  	_ =	sdelay $0x3  }
0x41: {  	v1 =	vshll.u32 v0, $0x3  }
0x42: {  	v63 =	vand.u32 $0x7F, v0;
	v1 =	vand.u32 $0xFFFFFC00, v1  }
0x43: {  	v0 =	vor.u32 v63, v1  }
0x44: {  	s4 =	rddreg [dreg:$0x3];
	s3 =	simm.s32 $0x400;
	[tilespmem:s1+$0x200] =	vst v0  }
0x45: {  	[tilespmem:s3], [sflag:$0x1] =	stream.indirect.gather [hbm4b:s4+s22], $0x1, s22, s22, $0xb8;
	[tilespmem:$0x4400] =	vst v63  }
0x46: {  	s30 =	rddreg [dreg:$0x4];
	s4 =	simm.s32 $0x600  }
0x47: {  	[tilespmem:s4], [sflag:$0x1] =	stream.indirect.gather [hbm4b:s30+s22], $0x1, s22, s22, $0xb8;
	[tilespmem:$0x4400] =	vst v63  }
0x48: {  	s30 =	rddreg [dreg:$0x5]  }
0x49: {  	[tilespmem:s5], [sflag:$0x1] =	stream.indirect.gather [hbm4b:s30+s22], $0x1, s22, s22, $0xb8;
	[tilespmem:$0x4400] =	vst v63  }
0x4a: {  	s30 =	rddreg [dreg:$0x6]  }
0x4b: {  	[tilespmem:s6], [sflag:$0x1] =	stream.indirect.gather [hbm4b:s30+s22], $0x1, s22, s22, $0xb8;
	[tilespmem:$0x4400] =	vst v63  }
0x4c: {  	s30 =	rddreg [dreg:$0x7]  }
0x4d: {  	[tilespmem:s7], [sflag:$0x1] =	stream.indirect.gather [hbm4b:s30+s22], $0x1, s22, s22, $0xb8;
	[tilespmem:$0x4400] =	vst v63  }
0x4e: {  	s30 =	rddreg [dreg:$0x8]  }
0x4f: {  	[tilespmem:s8], [sflag:$0x1] =	stream.indirect.gather [hbm4b:s30+s22], $0x1, s22, s22, $0xb8;
	[tilespmem:$0x4400] =	vst v63  }
0x50: {  	s30 =	rddreg [dreg:$0x9]  }
0x51: {  	[tilespmem:s9], [sflag:$0x1] =	stream.indirect.gather [hbm4b:s30+s22], $0x1, s22, s22, $0xb8;
	[tilespmem:$0x4400] =	vst v63  }
0x52: {  	s30 =	rddreg [dreg:$0xa]  }
0x53: {  	[tilespmem:s10], [sflag:$0x1] =	stream.indirect.gather [hbm4b:s30+s22], $0x1, s22, s22, $0xb8;
	[tilespmem:$0x4400] =	vst v63  }
0x54: {  	_ = 	snop  }
0x55: {  	[tilespmem:s14], [sflag:$0x1] =	stream.indirect.gather [hbm4b:s11+s22], $0x1, s22, s22, $0xb8;
	[tilespmem:$0x4400] =	vst v63  }
0x56: {  	s30 =	sadd.s32 $0x10, s11  }
0x57: {  	[tilespmem:s15], [sflag:$0x1] =	stream.indirect.gather [hbm4b:s30+s22], $0x1, s22, s22, $0xb8;
	[tilespmem:$0x4400] =	vst v63  }
0x58: {  	s30 =	sadd.s32 $0x20, s11  }
0x59: {  	[tilespmem:s16], [sflag:$0x1] =	stream.indirect.gather [hbm4b:s30+s22], $0x1, s22, s22, $0xb8;
	[tilespmem:$0x4400] =	vst v63  }
0x5a: {  	s30 =	sadd.s32 $0x30, s11  }
0x5b: {  	[tilespmem:s17], [sflag:$0x1] =	stream.indirect.gather [hbm4b:s30+s22], $0x1, s22, s22, $0xb8;
	[tilespmem:$0x4400] =	vst v63  }
0x5c: {  	s30 =	sadd.s32 $0x40, s11  }
0x5d: {  	[tilespmem:s23], [sflag:$0x1] =	stream.indirect.gather [hbm4b:s30+s22], $0x1, s22, s22, $0xb8;
	[tilespmem:$0x4400] =	vst v63  }
0x5e: {  	s30 =	sadd.s32 $0x50, s11  }
0x5f: {  	[tilespmem:s18], [sflag:$0x1] =	stream.indirect.gather [hbm4b:s30+s22], $0x1, s22, s22, $0xb8;
	[tilespmem:$0x4400] =	vst v63  }
0x60: {  	s30 =	sadd.s32 $0x60, s11  }
0x61: {  	[tilespmem:s24], [sflag:$0x1] =	stream.indirect.gather [hbm4b:s30+s22], $0x1, s22, s22, $0xb8;
	[tilespmem:$0x4400] =	vst v63  }
0x62: {  	s30 =	sadd.s32 $0x70, s11  }
0x63: {  	[tilespmem:s19], [sflag:$0x1] =	stream.indirect.gather [hbm4b:s30+s22], $0x1, s22, s22, $0xb8;
	[tilespmem:$0x4400] =	vst v63  }
0x64: {  	_ = 	snop  }
0x65: {  	[tilespmem:s25], [sflag:$0x1] =	stream.indirect.gather [hbm4b:s12+s22], $0x1, s22, s22, $0xb8;
	[tilespmem:$0x4400] =	vst v63  }
0x66: {  	s30 =	sadd.s32 $0x10, s12  }
0x67: {  	[tilespmem:s20], [sflag:$0x1] =	stream.indirect.gather [hbm4b:s30+s22], $0x1, s22, s22, $0xb8;
	[tilespmem:$0x4400] =	vst v63  }
0x68: {  	s30 =	sadd.s32 $0x20, s12  }
0x69: {  	[tilespmem:s26], [sflag:$0x1] =	stream.indirect.gather [hbm4b:s30+s22], $0x1, s22, s22, $0xb8;
	[tilespmem:$0x4400] =	vst v63  }
0x6a: {  	s30 =	sadd.s32 $0x30, s12  }
0x6b: {  	[tilespmem:s28], [sflag:$0x1] =	stream.indirect.gather [hbm4b:s30+s22], $0x1, s22, s22, $0xb8;
	[tilespmem:$0x4400] =	vst v63  }
0x6c: {  	s30 =	sadd.s32 $0x40, s12  }
0x6d: {  	[tilespmem:s29], [sflag:$0x1] =	stream.indirect.gather [hbm4b:s30+s22], $0x1, s22, s22, $0xb8;
	[tilespmem:$0x4400] =	vst v63  }
0x6e: {  	s1 =	sadd.s32 $0x50, s12;
	s30 =	simm.s32 $0x2E00  }
0x6f: {  	[tilespmem:s30], [sflag:$0x1] =	stream.indirect.gather [hbm4b:s1+s22], $0x1, s22, s22, $0xb8;
	[tilespmem:$0x4400] =	vst v63  }
0x70: {  	s1 =	sadd.s32 $0x60, s12;
	s30 =	simm.s32 $0x3000  }
0x71: {  	[tilespmem:s30], [sflag:$0x1] =	stream.indirect.gather [hbm4b:s1+s22], $0x1, s22, s22, $0xb8;
	[tilespmem:$0x4400] =	vst v63  }
0x72: {  	s1 =	sadd.s32 $0x70, s12;
	s30 =	simm.s32 $0x3200  }
0x73: {  	[tilespmem:s30], [sflag:$0x1] =	stream.indirect.gather [hbm4b:s1+s22], $0x1, s22, s22, $0xb8;
	[tilespmem:$0x4400] =	vst v63  }
0x74: {  	s30 =	simm.s32 $0x3400  }
0x75: {  	[tilespmem:s30], [sflag:$0x1] =	stream.indirect.gather [hbm4b:s13+s22], $0x1, s22, s22, $0xb8;
	[tilespmem:$0x4400] =	vst v63  }
0x76: {  	s1 =	sadd.s32 $0x10, s13;
	s30 =	simm.s32 $0x3600  }
0x77: {  	[tilespmem:s30], [sflag:$0x1] =	stream.indirect.gather [hbm4b:s1+s22], $0x1, s22, s22, $0xb8;
	[tilespmem:$0x4400] =	vst v63  }
0x78: {  	s1 =	sadd.s32 $0x20, s13;
	s30 =	simm.s32 $0x3800  }
0x79: {  	[tilespmem:s30], [sflag:$0x1] =	stream.indirect.gather [hbm4b:s1+s22], $0x1, s22, s22, $0xb8;
	[tilespmem:$0x4400] =	vst v63  }
0x7a: {  	s1 =	sadd.s32 $0x30, s13;
	s30 =	simm.s32 $0x3A00  }
0x7b: {  	[tilespmem:s30], [sflag:$0x1] =	stream.indirect.gather [hbm4b:s1+s22], $0x1, s22, s22, $0xb8;
	[tilespmem:$0x4400] =	vst v63  }
0x7c: {  	s1 =	sadd.s32 $0x40, s13;
	s30 =	simm.s32 $0x3C00  }
0x7d: {  	[tilespmem:s30], [sflag:$0x1] =	stream.indirect.gather [hbm4b:s1+s22], $0x1, s22, s22, $0xb8;
	[tilespmem:$0x4400] =	vst v63  }
0x7e: {  	s1 =	sadd.s32 $0x50, s13;
	s30 =	simm.s32 $0x3E00  }
0x7f: {  	[tilespmem:s30], [sflag:$0x1] =	stream.indirect.gather [hbm4b:s1+s22], $0x1, s22, s22, $0xb8;
	[tilespmem:$0x4400] =	vst v63  }
0x80: {  	s1 =	sadd.s32 $0x60, s13;
	s30 =	simm.s32 $0x4000  }
0x81: {  	[tilespmem:s30], [sflag:$0x1] =	stream.indirect.gather [hbm4b:s1+s22], $0x1, s22, s22, $0xb8;
	[tilespmem:$0x4400] =	vst v63  }
0x82: {  	s1 =	sadd.s32 $0x70, s13;
	s30 =	simm.s32 $0x4200  }
0x83: {  	[tilespmem:s30], [sflag:$0x1] =	stream.indirect.gather [hbm4b:s1+s22], $0x1, s22, s22, $0xb8;
	[tilespmem:$0x4400] =	vst v63  }
0x84: {  	_ =	swait.ge [sflag:s31], $0x200  }
0x85: {  	[sflag:s31] =	ssyncset.done $0x0  }
0x86: {  	[sflag:s31] =	ssyncadd.s32 $0xFFFFFE00  }
0x87: {  	_ =	swait.ge [sflag:s31], $0x200  }
0x88: {  	[sflag:s31] =	ssyncset.done $0x0  }
0x89: {  	[sflag:s31] =	ssyncadd.s32 $0xFFFFFE00  }
0x8a: {  	_ =	swait.ge [sflag:s31], $0x200  }
0x8b: {  	[sflag:s31] =	ssyncset.done $0x0  }
0x8c: {  	[sflag:s31] =	ssyncadd.s32 $0xFFFFFE00  }
0x8d: {  	_ =	swait.ge [sflag:s31], $0x200  }
0x8e: {  	[sflag:s31] =	ssyncset.done $0x0  }
0x8f: {  	[sflag:s31] =	ssyncadd.s32 $0xFFFFFE00  }
0x90: {  	_ =	swait.ge [sflag:s31], $0x200  }
0x91: {  	[sflag:s31] =	ssyncset.done $0x0  }
0x92: {  	[sflag:s31] =	ssyncadd.s32 $0xFFFFFE00  }
0x93: {  	_ =	swait.ge [sflag:s31], $0x200  }
0x94: {  	[sflag:s31] =	ssyncset.done $0x0  }
0x95: {  	[sflag:s31] =	ssyncadd.s32 $0xFFFFFE00  }
0x96: {  	_ =	swait.ge [sflag:s31], $0x200  }
0x97: {  	[sflag:s31] =	ssyncset.done $0x0  }
0x98: {  	[sflag:s31] =	ssyncadd.s32 $0xFFFFFE00  }
0x99: {  	_ =	swait.ge [sflag:s31], $0x200  }
0x9a: {  	[sflag:s31] =	ssyncset.done $0x0  }
0x9b: {  	[sflag:s31] =	ssyncadd.s32 $0xFFFFFE00  }
0x9c: {  	_ =	swait.ge [sflag:s31], $0x200  }
0x9d: {  	[sflag:s31] =	ssyncset.done $0x0  }
0x9e: {  	[sflag:s31] =	ssyncadd.s32 $0xFFFFFE00  }
0x9f: {  	_ =	swait.ge [sflag:s31], $0x200  }
0xa0: {  	[sflag:s31] =	ssyncset.done $0x0  }
0xa1: {  	[sflag:s31] =	ssyncadd.s32 $0xFFFFFE00  }
0xa2: {  	_ =	swait.ge [sflag:s31], $0x200  }
0xa3: {  	[sflag:s31] =	ssyncset.done $0x0  }
0xa4: {  	[sflag:s31] =	ssyncadd.s32 $0xFFFFFE00  }
0xa5: {  	_ =	swait.ge [sflag:s31], $0x200  }
0xa6: {  	[sflag:s31] =	ssyncset.done $0x0  }
0xa7: {  	[sflag:s31] =	ssyncadd.s32 $0xFFFFFE00  }
0xa8: {  	_ =	swait.ge [sflag:s31], $0x200  }
0xa9: {  	[sflag:s31] =	ssyncset.done $0x0  }
0xaa: {  	[sflag:s31] =	ssyncadd.s32 $0xFFFFFE00  }
0xab: {  	_ =	swait.ge [sflag:s31], $0x200  }
0xac: {  	[sflag:s31] =	ssyncset.done $0x0  }
0xad: {  	[sflag:s31] =	ssyncadd.s32 $0xFFFFFE00  }
0xae: {  	_ =	swait.ge [sflag:s31], $0x200  }
0xaf: {  	[sflag:s31] =	ssyncset.done $0x0  }
0xb0: {  	[sflag:s31] =	ssyncadd.s32 $0xFFFFFE00  }
0xb1: {  	_ =	swait.ge [sflag:s31], $0x200  }
0xb2: {  	[sflag:s31] =	ssyncset.done $0x0  }
0xb3: {  	[sflag:s31] =	ssyncadd.s32 $0xFFFFFE00  }
0xb4: {  	_ =	swait.ge [sflag:s31], $0x200  }
0xb5: {  	[sflag:s31] =	ssyncset.done $0x0  }
0xb6: {  	[sflag:s31] =	ssyncadd.s32 $0xFFFFFE00  }
0xb7: {  	_ =	swait.ge [sflag:s31], $0x200  }
0xb8: {  	[sflag:s31] =	ssyncset.done $0x0  }
0xb9: {  	[sflag:s31] =	ssyncadd.s32 $0xFFFFFE00  }
0xba: {  	_ =	swait.ge [sflag:s31], $0x200  }
0xbb: {  	[sflag:s31] =	ssyncset.done $0x0  }
0xbc: {  	[sflag:s31] =	ssyncadd.s32 $0xFFFFFE00  }
0xbd: {  	_ =	swait.ge [sflag:s31], $0x200  }
0xbe: {  	[sflag:s31] =	ssyncset.done $0x0  }
0xbf: {  	[sflag:s31] =	ssyncadd.s32 $0xFFFFFE00  }
0xc0: {  	_ =	swait.ge [sflag:s31], $0x200  }
0xc1: {  	[sflag:s31] =	ssyncset.done $0x0  }
0xc2: {  	[sflag:s31] =	ssyncadd.s32 $0xFFFFFE00  }
0xc3: {  	_ =	swait.ge [sflag:s31], $0x200  }
0xc4: {  	[sflag:s31] =	ssyncset.done $0x0  }
0xc5: {  	[sflag:s31] =	ssyncadd.s32 $0xFFFFFE00  }
0xc6: {  	_ =	swait.ge [sflag:s31], $0x200  }
0xc7: {  	[sflag:s31] =	ssyncset.done $0x0  }
0xc8: {  	[sflag:s31] =	ssyncadd.s32 $0xFFFFFE00  }
0xc9: {  	_ =	swait.ge [sflag:s31], $0x200  }
0xca: {  	[sflag:s31] =	ssyncset.done $0x0  }
0xcb: {  	[sflag:s31] =	ssyncadd.s32 $0xFFFFFE00  }
0xcc: {  	_ =	swait.ge [sflag:s31], $0x200  }
0xcd: {  	[sflag:s31] =	ssyncset.done $0x0  }
0xce: {  	[sflag:s31] =	ssyncadd.s32 $0xFFFFFE00  }
0xcf: {  	_ =	swait.ge [sflag:s31], $0x200  }
0xd0: {  	[sflag:s31] =	ssyncset.done $0x0  }
0xd1: {  	[sflag:s31] =	ssyncadd.s32 $0xFFFFFE00  }
0xd2: {  	_ =	swait.ge [sflag:s31], $0x200  }
0xd3: {  	[sflag:s31] =	ssyncset.done $0x0  }
0xd4: {  	[sflag:s31] =	ssyncadd.s32 $0xFFFFFE00  }
0xd5: {  	_ =	swait.ge [sflag:s31], $0x200  }
0xd6: {  	[sflag:s31] =	ssyncset.done $0x0  }
0xd7: {  	[sflag:s31] =	ssyncadd.s32 $0xFFFFFE00  }
0xd8: {  	_ =	swait.ge [sflag:s31], $0x200  }
0xd9: {  	[sflag:s31] =	ssyncset.done $0x0  }
0xda: {  	[sflag:s31] =	ssyncadd.s32 $0xFFFFFE00  }
0xdb: {  	_ =	swait.ge [sflag:s31], $0x200  }
0xdc: {  	[sflag:s31] =	ssyncset.done $0x0  }
0xdd: {  	[sflag:s31] =	ssyncadd.s32 $0xFFFFFE00  }
0xde: {  	_ =	swait.ge [sflag:s31], $0x200  }
0xdf: {  	[sflag:s31] =	ssyncset.done $0x0  }
0xe0: {  	[sflag:s31] =	ssyncadd.s32 $0xFFFFFE00  }
0xe1: {  	_ =	swait.ge [sflag:s31], $0x200  }
0xe2: {  	[sflag:s31] =	ssyncset.done $0x0  }
0xe3: {  	s1 =	rddreg [dreg:$0xb];
	[sflag:s31] =	ssyncadd.s32 $0xFFFFFE00  }
0xe4: {  	[hbm4b:s1+s2] =	stream.linear.scatter [tilespmem:s3], [sflag:$0x2], $0x200, $0x38;
	[tilespmem:$0x4400] =	vst v63  }
0xe5: {  	_ =	swait.ge [sflag:s21], $0x200  }
0xe6: {  	[sflag:s21] =	ssyncset.done $0x0  }
0xe7: {  	s3 =	rddreg [dreg:$0xc];
	[sflag:s21] =	ssyncadd.s32 $0xFFFFFE00  }
0xe8: {  	[hbm4b:s3+s2] =	stream.linear.scatter [tilespmem:s4], [sflag:$0x2], $0x200, $0x38;
	[tilespmem:$0x4400] =	vst v63  }
0xe9: {  	_ =	swait.ge [sflag:s21], $0x200  }
0xea: {  	[sflag:s21] =	ssyncset.done $0x0  }
0xeb: {  	s4 =	rddreg [dreg:$0xd];
	[sflag:s21] =	ssyncadd.s32 $0xFFFFFE00  }
0xec: {  	[hbm4b:s4+s2] =	stream.linear.scatter [tilespmem:s5], [sflag:$0x2], $0x200, $0x38;
	[tilespmem:$0x4400] =	vst v63  }
0xed: {  	_ =	swait.ge [sflag:s21], $0x200  }
0xee: {  	[sflag:s21] =	ssyncset.done $0x0  }
0xef: {  	s3 =	rddreg [dreg:$0xe];
	[sflag:s21] =	ssyncadd.s32 $0xFFFFFE00  }
0xf0: {  	[hbm4b:s3+s2] =	stream.linear.scatter [tilespmem:s6], [sflag:$0x2], $0x200, $0x38;
	[tilespmem:$0x4400] =	vst v63  }
0xf1: {  	_ =	swait.ge [sflag:s21], $0x200  }
0xf2: {  	[sflag:s21] =	ssyncset.done $0x0  }
0xf3: {  	s4 =	rddreg [dreg:$0xf];
	[sflag:s21] =	ssyncadd.s32 $0xFFFFFE00  }
0xf4: {  	[hbm4b:s4+s2] =	stream.linear.scatter [tilespmem:s7], [sflag:$0x2], $0x200, $0x38;
	[tilespmem:$0x4400] =	vst v63  }
0xf5: {  	_ =	swait.ge [sflag:s21], $0x200  }
0xf6: {  	[sflag:s21] =	ssyncset.done $0x0  }
0xf7: {  	s3 =	rddreg [dreg:$0x10];
	[sflag:s21] =	ssyncadd.s32 $0xFFFFFE00  }
0xf8: {  	[hbm4b:s3+s2] =	stream.linear.scatter [tilespmem:s8], [sflag:$0x2], $0x200, $0x38;
	[tilespmem:$0x4400] =	vst v63  }
0xf9: {  	_ =	swait.ge [sflag:s21], $0x200  }
0xfa: {  	[sflag:s21] =	ssyncset.done $0x0  }
0xfb: {  	s4 =	rddreg [dreg:$0x11];
	[sflag:s21] =	ssyncadd.s32 $0xFFFFFE00  }
0xfc: {  	[hbm4b:s4+s2] =	stream.linear.scatter [tilespmem:s9], [sflag:$0x2], $0x200, $0x38;
	[tilespmem:$0x4400] =	vst v63  }
0xfd: {  	_ =	swait.ge [sflag:s21], $0x200  }
0xfe: {  	[sflag:s21] =	ssyncset.done $0x0  }
0xff: {  	s3 =	rddreg [dreg:$0x12];
	[sflag:s21] =	ssyncadd.s32 $0xFFFFFE00  }
0x100: {  	[hbm4b:s3+s2] =	stream.linear.scatter [tilespmem:s10], [sflag:$0x2], $0x200, $0x38;
	[tilespmem:$0x4400] =	vst v63  }
0x101: {  	_ =	swait.ge [sflag:s21], $0x200  }
0x102: {  	[sflag:s21] =	ssyncset.done $0x0  }
0x103: {  	s4 =	rddreg [dreg:$0x13];
	[sflag:s21] =	ssyncadd.s32 $0xFFFFFE00  }
0x104: {  	[hbm4b:s4+s2] =	stream.linear.scatter [tilespmem:s14], [sflag:$0x2], $0x200, $0x38;
	[tilespmem:$0x4400] =	vst v63  }
0x105: {  	_ =	swait.ge [sflag:s21], $0x200  }
0x106: {  	[sflag:s21] =	ssyncset.done $0x0  }
0x107: {  	s3 =	rddreg [dreg:$0x14];
	[sflag:s21] =	ssyncadd.s32 $0xFFFFFE00  }
0x108: {  	[hbm4b:s3+s2] =	stream.linear.scatter [tilespmem:s15], [sflag:$0x2], $0x200, $0x38;
	[tilespmem:$0x4400] =	vst v63  }
0x109: {  	_ =	swait.ge [sflag:s21], $0x200  }
0x10a: {  	[sflag:s21] =	ssyncset.done $0x0  }
0x10b: {  	s4 =	rddreg [dreg:$0x15];
	[sflag:s21] =	ssyncadd.s32 $0xFFFFFE00  }
0x10c: {  	[hbm4b:s4+s2] =	stream.linear.scatter [tilespmem:s16], [sflag:$0x2], $0x200, $0x38;
	[tilespmem:$0x4400] =	vst v63  }
0x10d: {  	_ =	swait.ge [sflag:s21], $0x200  }
0x10e: {  	[sflag:s21] =	ssyncset.done $0x0  }
0x10f: {  	s3 =	rddreg [dreg:$0x16];
	[sflag:s21] =	ssyncadd.s32 $0xFFFFFE00  }
0x110: {  	[hbm4b:s3+s2] =	stream.linear.scatter [tilespmem:s17], [sflag:$0x2], $0x200, $0x38;
	[tilespmem:$0x4400] =	vst v63  }
0x111: {  	_ =	swait.ge [sflag:s21], $0x200  }
0x112: {  	[sflag:s21] =	ssyncset.done $0x0  }
0x113: {  	s4 =	rddreg [dreg:$0x17];
	[sflag:s21] =	ssyncadd.s32 $0xFFFFFE00  }
0x114: {  	[hbm4b:s4+s2] =	stream.linear.scatter [tilespmem:s23], [sflag:$0x2], $0x200, $0x38;
	[tilespmem:$0x4400] =	vst v63  }
0x115: {  	_ =	swait.ge [sflag:s21], $0x200  }
0x116: {  	[sflag:s21] =	ssyncset.done $0x0  }
0x117: {  	s3 =	rddreg [dreg:$0x18];
	[sflag:s21] =	ssyncadd.s32 $0xFFFFFE00  }
0x118: {  	[hbm4b:s3+s2] =	stream.linear.scatter [tilespmem:s18], [sflag:$0x2], $0x200, $0x38;
	[tilespmem:$0x4400] =	vst v63  }
0x119: {  	_ =	swait.ge [sflag:s21], $0x200  }
0x11a: {  	[sflag:s21] =	ssyncset.done $0x0  }
0x11b: {  	s4 =	rddreg [dreg:$0x19];
	[sflag:s21] =	ssyncadd.s32 $0xFFFFFE00  }
0x11c: {  	[hbm4b:s4+s2] =	stream.linear.scatter [tilespmem:s24], [sflag:$0x2], $0x200, $0x38;
	[tilespmem:$0x4400] =	vst v63  }
0x11d: {  	_ =	swait.ge [sflag:s21], $0x200  }
0x11e: {  	[sflag:s21] =	ssyncset.done $0x0  }
0x11f: {  	s3 =	rddreg [dreg:$0x1a];
	[sflag:s21] =	ssyncadd.s32 $0xFFFFFE00  }
0x120: {  	[hbm4b:s3+s2] =	stream.linear.scatter [tilespmem:s19], [sflag:$0x2], $0x200, $0x38;
	[tilespmem:$0x4400] =	vst v63  }
0x121: {  	_ =	swait.ge [sflag:s21], $0x200  }
0x122: {  	[sflag:s21] =	ssyncset.done $0x0  }
0x123: {  	s4 =	rddreg [dreg:$0x1b];
	[sflag:s21] =	ssyncadd.s32 $0xFFFFFE00  }
0x124: {  	[hbm4b:s4+s2] =	stream.linear.scatter [tilespmem:s25], [sflag:$0x2], $0x200, $0x38;
	[tilespmem:$0x4400] =	vst v63  }
0x125: {  	_ =	swait.ge [sflag:s21], $0x200  }
0x126: {  	[sflag:s21] =	ssyncset.done $0x0  }
0x127: {  	s3 =	rddreg [dreg:$0x1c];
	[sflag:s21] =	ssyncadd.s32 $0xFFFFFE00  }
0x128: {  	[hbm4b:s3+s2] =	stream.linear.scatter [tilespmem:s20], [sflag:$0x2], $0x200, $0x38;
	[tilespmem:$0x4400] =	vst v63  }
0x129: {  	_ =	swait.ge [sflag:s21], $0x200  }
0x12a: {  	[sflag:s21] =	ssyncset.done $0x0  }
0x12b: {  	s4 =	rddreg [dreg:$0x1d];
	[sflag:s21] =	ssyncadd.s32 $0xFFFFFE00  }
0x12c: {  	[hbm4b:s4+s2] =	stream.linear.scatter [tilespmem:s26], [sflag:$0x2], $0x200, $0x38;
	[tilespmem:$0x4400] =	vst v63  }
0x12d: {  	_ =	swait.ge [sflag:s21], $0x200  }
0x12e: {  	[sflag:s21] =	ssyncset.done $0x0  }
0x12f: {  	s3 =	rddreg [dreg:$0x1e];
	[sflag:s21] =	ssyncadd.s32 $0xFFFFFE00  }
0x130: {  	[hbm4b:s3+s2] =	stream.linear.scatter [tilespmem:s28], [sflag:$0x2], $0x200, $0x38;
	[tilespmem:$0x4400] =	vst v63  }
0x131: {  	_ =	swait.ge [sflag:s21], $0x200  }
0x132: {  	[sflag:s21] =	ssyncset.done $0x0  }
0x133: {  	s4 =	rddreg [dreg:$0x1f];
	[sflag:s21] =	ssyncadd.s32 $0xFFFFFE00  }
0x134: {  	[hbm4b:s4+s2] =	stream.linear.scatter [tilespmem:s29], [sflag:$0x2], $0x200, $0x38;
	[tilespmem:$0x4400] =	vst v63  }
0x135: {  	_ =	swait.ge [sflag:s21], $0x200  }
0x136: {  	s3 =	sld [smem:$0x7F1]  }
0x137: {  	[sflag:s21] =	ssyncset.done $0x0  }
0x138: {  	s4 =	simm.s32 $0x2E00;
	[sflag:s21] =	ssyncadd.s32 $0xFFFFFE00  }
0x139: {  	[hbm4b:s3+s2] =	stream.linear.scatter [tilespmem:s4], [sflag:$0x2], $0x200, $0x38;
	[tilespmem:$0x4400] =	vst v63  }
0x13a: {  	_ =	swait.ge [sflag:s21], $0x200  }
0x13b: {  	s3 =	sld [smem:$0x7F2]  }
0x13c: {  	[sflag:s21] =	ssyncset.done $0x0  }
0x13d: {  	s4 =	simm.s32 $0x3000;
	[sflag:s21] =	ssyncadd.s32 $0xFFFFFE00  }
0x13e: {  	[hbm4b:s3+s2] =	stream.linear.scatter [tilespmem:s4], [sflag:$0x2], $0x200, $0x38;
	[tilespmem:$0x4400] =	vst v63  }
0x13f: {  	_ =	swait.ge [sflag:s21], $0x200  }
0x140: {  	s3 =	sld [smem:$0x7F3]  }
0x141: {  	[sflag:s21] =	ssyncset.done $0x0  }
0x142: {  	s4 =	simm.s32 $0x3200;
	[sflag:s21] =	ssyncadd.s32 $0xFFFFFE00  }
0x143: {  	[hbm4b:s3+s2] =	stream.linear.scatter [tilespmem:s4], [sflag:$0x2], $0x200, $0x38;
	[tilespmem:$0x4400] =	vst v63  }
0x144: {  	_ =	swait.ge [sflag:s21], $0x200  }
0x145: {  	s3 =	sld [smem:$0x7F4]  }
0x146: {  	[sflag:s21] =	ssyncset.done $0x0  }
0x147: {  	s4 =	simm.s32 $0x3400;
	[sflag:s21] =	ssyncadd.s32 $0xFFFFFE00  }
0x148: {  	[hbm4b:s3+s2] =	stream.linear.scatter [tilespmem:s4], [sflag:$0x2], $0x200, $0x38;
	[tilespmem:$0x4400] =	vst v63  }
0x149: {  	_ =	swait.ge [sflag:s21], $0x200  }
0x14a: {  	s3 =	sld [smem:$0x7F5]  }
0x14b: {  	[sflag:s21] =	ssyncset.done $0x0  }
0x14c: {  	s4 =	simm.s32 $0x3600;
	[sflag:s21] =	ssyncadd.s32 $0xFFFFFE00  }
0x14d: {  	[hbm4b:s3+s2] =	stream.linear.scatter [tilespmem:s4], [sflag:$0x2], $0x200, $0x38;
	[tilespmem:$0x4400] =	vst v63  }
0x14e: {  	_ =	swait.ge [sflag:s21], $0x200  }
0x14f: {  	s3 =	sld [smem:$0x7F6]  }
0x150: {  	[sflag:s21] =	ssyncset.done $0x0  }
0x151: {  	s4 =	simm.s32 $0x3800;
	[sflag:s21] =	ssyncadd.s32 $0xFFFFFE00  }
0x152: {  	[hbm4b:s3+s2] =	stream.linear.scatter [tilespmem:s4], [sflag:$0x2], $0x200, $0x38;
	[tilespmem:$0x4400] =	vst v63  }
0x153: {  	_ =	swait.ge [sflag:s21], $0x200  }
0x154: {  	s3 =	sld [smem:$0x7F7]  }
0x155: {  	[sflag:s21] =	ssyncset.done $0x0  }
0x156: {  	s4 =	simm.s32 $0x3A00;
	[sflag:s21] =	ssyncadd.s32 $0xFFFFFE00  }
0x157: {  	[hbm4b:s3+s2] =	stream.linear.scatter [tilespmem:s4], [sflag:$0x2], $0x200, $0x38;
	[tilespmem:$0x4400] =	vst v63  }
0x158: {  	_ =	swait.ge [sflag:s21], $0x200  }
0x159: {  	s3 =	sld [smem:$0x7F9]  }
0x15a: {  	[sflag:s21] =	ssyncset.done $0x0  }
0x15b: {  	s4 =	simm.s32 $0x3C00;
	[sflag:s21] =	ssyncadd.s32 $0xFFFFFE00  }
0x15c: {  	[hbm4b:s3+s2] =	stream.linear.scatter [tilespmem:s4], [sflag:$0x2], $0x200, $0x38;
	[tilespmem:$0x4400] =	vst v63  }
0x15d: {  	_ =	swait.ge [sflag:s21], $0x200  }
0x15e: {  	s3 =	sld [smem:$0x7FA]  }
0x15f: {  	[sflag:s21] =	ssyncset.done $0x0  }
0x160: {  	s4 =	simm.s32 $0x3E00;
	[sflag:s21] =	ssyncadd.s32 $0xFFFFFE00  }
0x161: {  	[hbm4b:s3+s2] =	stream.linear.scatter [tilespmem:s4], [sflag:$0x2], $0x200, $0x38;
	[tilespmem:$0x4400] =	vst v63  }
0x162: {  	_ =	swait.ge [sflag:s21], $0x200  }
0x163: {  	s3 =	sld [smem:$0x7FB]  }
0x164: {  	[sflag:s21] =	ssyncset.done $0x0  }
0x165: {  	s4 =	simm.s32 $0x4000;
	[sflag:s21] =	ssyncadd.s32 $0xFFFFFE00  }
0x166: {  	[hbm4b:s3+s2] =	stream.linear.scatter [tilespmem:s4], [sflag:$0x2], $0x200, $0x38;
	[tilespmem:$0x4400] =	vst v63  }
0x167: {  	_ =	swait.ge [sflag:s21], $0x200  }
0x168: {  	s4 =	sld [smem:$0x7FC]  }
0x169: {  	[sflag:s21] =	ssyncset.done $0x0  }
0x16a: {  	s30 =	simm.s32 $0x4200;
	[sflag:s21] =	ssyncadd.s32 $0xFFFFFE00  }
0x16b: {  	[hbm4b:s4+s2] =	stream.linear.scatter [tilespmem:s30], [sflag:$0x2], $0x200, $0x38;
	[tilespmem:$0x4400] =	vst v63  }
0x16c: {  	_ =	swait.ge [sflag:s21], $0x200  }
0x16d: {  	s30 =	sld [smem:$0x7FD];
	_ =	sdelay $0x1  }
0x16e: {  	s0 =	sadd.s32 $0x1, s0  }
0x16f: {  	p0 =	sne.s32 s0, s30  }
.Ltmp1:
0x170: {  	_ = 	snop;
	(pc) =	sbr.rel @p0 .LBB2_1-.Ltmp1, $3  }
0x171: {  	_ =	sdelay $0x1  }
0x172: {  	[sflag:s21] =	ssyncset.done $0x0  }
0x173: {  	[sflag:s21] =	ssyncadd.s32 $0xFFFFFE00  }
0x174: {  	_ =	sfence.sel $0x180000  }
0x175: {  	[bflag:$0x0] =	sbarrier.arrive $0xFFFF  }
0x176: {  	_ =	strace $0x90000047  }
0x177: {  	s0 =	stileid.u32;
	[bflag:$0x2] =	sbarrier.arrive $0xFFFF  }
0x178: {  	p0 =	sne.s32 s0, $0x0;
	s0 =	rddreg [dreg:$0x2]  }
0x179: {  	s0 =	sadd.s32 @!p0 $0x100000, s0  }
0x17a: {  	[sflag:s0] =	ssyncadd.tile.s32 @!p0 $0x1;
	_ =	shalt  }
.Lfunc_end2:
_tile_overlayer_lowered:
.L_overlay_start_2:
0x17b: {  	(tag) =	ssettag $0x2  }
0x17c: {  	s0 =	rddreg [dreg:$0x0];
	s2 =	stileid.u32  }
0x17d: {  	s1 =	rddreg [dreg:$0x1];
	p0 =	sne.s32 s2, $0x0  }
0x17e: {  	s3 =	rddreg [dreg:$0x2];
	[bflag:$0x3] =	sbarrier.arrive $0xFFFF;
	s2 =	simm.s32 @!p0 $0x1C02  }
0x17f: {  	[timem:s3], [sflag:s2] =	dma.local @!p0 [hbm:s0], s1  }
0x180: {  	s0 =	simm.s32 @!p0 $0x2  }
0x181: {  	_ =	swait.ge @!p0 [sflag:s0], s1  }
0x182: {  	s1 =	ssub.s32 @!p0 $0x0, s1;
	[sflag:s0] =	ssyncset.done @!p0 $0x0  }
0x183: {  	[sflag:s0] =	ssyncadd.s32 @!p0 s1  }
0x184: {  	[bflag:$0x3] =	sbarrier.arrive $0xFFFF  }
0x185: {  	_ =	shalt  }

// kernel: kernel.7.cloned.1.call-start
scs
__scs_entry_jumppad:
0x0: {  	(pc) =	sbr.rel $0x88, $3  }
0x1: {  	(tag) =	ssettag $0x0;
	lr =	simm.s32 $0x1  }
0x2: {  	[smem:$0x3F9D] =	sst lr;
	_ =	strace $0xD0000000  }
0x3: {  	_ = 	snop  }
0x4: {  	_ = 	snop  }
0x5: {  	_ = 	snop  }
0x6: {  	_ = 	snop  }
0x7: {  	_ = 	snop  }
__scs_overlays_trampoline_lowered:
0x8: {  	[smem:$0x3FAC] =	sst s0  }
0x9: {  	[smem:$0x3FAD] =	sst s1  }
0xa: {  	[smem:$0x3FAE] =	sst s2  }
0xb: {  	[smem:$0x3FAF] =	sst s3  }
0xc: {  	[smem:$0x3FB0] =	sst s4  }
0xd: {  	[smem:$0x3FB1] =	sst s5  }
0xe: {  	[smem:$0x3FB2] =	sst s6  }
0xf: {  	[smem:$0x3FB3] =	sst s7  }
0x10: {  	[smem:$0x3FB4] =	sst s8  }
0x11: {  	[smem:$0x3FB5] =	sst s9;
	s0 =	simm.s32 @!p0 $0x0  }
0x12: {  	s1 =	sld [smem:$0x3F9B];
	s0 =	simm.s32 @p0 $0x1  }
0x13: {  	[smem:$0x3FB6] =	sst s0;
	s0 =	simm.s32 @!p1 $0x0  }
0x14: {  	s2 =	sld [smem:$0x3F9A];
	s0 =	simm.s32 @p1 $0x1  }
0x15: {  	[smem:$0x3FB7] =	sst s0;
	s0 =	simm.s32 @!p2 $0x0  }
0x16: {  	s3 =	sld [smem:$0x3FDB];
	s0 =	simm.s32 @p2 $0x1  }
0x17: {  	s4 =	simm.s32 $0x1BF5;
	[smem:$0x3FB9] =	sst s0  }
0x18: {  	s0 =	sld [smem:$0x3F9C];
	_ =	swait.ge [sflag:s4], $0x0  }
0x19: {  	s7 =	sld [smem:$0x3F9D]  }
0x1a: {  	s8 =	sadd.s32 $0xFFFFE003, lr  }
0x1b: {  	s9 =	sadd.s32 $0xFFFFFEF7, lr;
	s5 =	simm.s32 $0xFFFFFFFF;
	p2 =	slt.u32 s8, $0xFFFFF086  }
0x1c: {  	p1 =	slt.u32 s9, $0xF7A;
	s5 =	simm.s32 @!p2 $0x0  }
0x1d: {  	s5 =	simm.s32 @p1 $0x1;
	p0 =	seq.s32 s7, s2  }
0x1e: {  	s7 =	smul.u32 @!p0 $0xF7A, s2;
	p2 =	seq.s32 @!p0 s5, $0x0  }
0x1f: {  	s9 =	smul.u32 $0xF7A, s1;
	s8 =	simm.s32 @!p0 $0x1BF5;
	p2 =	por !p2, p0  }
0x20: {  	[sflag:s8] =	ssyncset.s32 @!p0 $0xFFFFF086;
	s6 =	sadd.s32 @!p0 s3, s7;
	s7 =	simm.s32 @!p0 $0x108  }
0x21: {  	s3 =	sadd.s32 s3, s9;
	s6 =	sadd.s32 @!p0 $0x88, s6;
	s7 =	simm.s32 @p2 $0x1082  }
0x22: {  	[simem:s7], [sflag:s8] =	dma.local @!p0 [hbm:s6], $0xF7A  }
0x23: {  	s9 =	sor.u32 $0xD0000000, s2;
	s6 =	simm.s32 $0x108;
	_ =	swait.ge @!p0 [sflag:s8], $0x0  }
0x24: {  	s3 =	sadd.s32 $0x88, s3;
	s6 =	simm.s32 @!p1 $0x1082;
	[sflag:s4] =	ssyncset.s32 $0xFFFFF086  }
0x25: {  	[simem:s6], [sflag:s4] =	dma.local [hbm:s3], $0xF7A  }
0x26: {  	[smem:$0x3F9D] =	sst s1;
	(tag) =	ssettag s2;
	_ =	strace s9  }
0x27: {  	s1 =	sld [smem:$0x3FAD]  }
0x28: {  	s2 =	sld [smem:$0x3FAE]  }
0x29: {  	s4 =	sld [smem:$0x3FB0]  }
0x2a: {  	p0 =	seq.s32 s5, $0x0;
	s5 =	sld [smem:$0x3FB1]  }
0x2b: {  	s6 =	sld [smem:$0x3FB2]  }
0x2c: {  	s7 =	sld [smem:$0x3FB3]  }
0x2d: {  	s3 =	simm.s32 $0x108;
	s8 =	sld [smem:$0x3FB4]  }
0x2e: {  	s3 =	simm.s32 @!p0 $0x1082;
	s9 =	sld [smem:$0x3FB5]  }
0x2f: {  	lr =	sadd.s32 s0, s3;
	s0 =	sld [smem:$0x3FAC]  }
0x30: {  	s3 =	sld [smem:$0x3FAF]  }
0x31: {  	[smem:$0x3FB8] =	sst s10  }
0x32: {  	s10 =	sld [smem:$0x3FB6];
	_ =	sdelay $0x3  }
0x33: {  	p0 =	seq.s32 s10, $0x1;
	s10 =	sld [smem:$0x3FB8];
	_ =	sdelay $0x3  }
0x34: {  	[smem:$0x3FB8] =	sst s10  }
0x35: {  	s10 =	sld [smem:$0x3FB7];
	_ =	sdelay $0x3  }
0x36: {  	p1 =	seq.s32 s10, $0x1;
	s10 =	sld [smem:$0x3FB8];
	_ =	sdelay $0x3  }
0x37: {  	[smem:$0x3FB8] =	sst s10  }
0x38: {  	s10 =	sld [smem:$0x3FB9]  }
0x39: {  	_ = 	snop;
	(pc) =	sbr.ind lr, $3  }
0x3a: {  	_ = 	snop  }
0x3b: {  	_ = 	snop  }
0x3c: {  	p2 =	seq.s32 s10, $0x1;
	s10 =	sld [smem:$0x3FB8]  }
0x3d: {  	_ =	shalt  }
0x3e: {  	_ =	shalt  }
0x3f: {  	_ =	shalt  }
0x40: {  	_ =	shalt  }
0x41: {  	_ =	shalt  }
0x42: {  	_ =	shalt  }
0x43: {  	_ =	shalt  }
0x44: {  	_ =	shalt  }
0x45: {  	_ =	shalt  }
0x46: {  	_ =	shalt  }
0x47: {  	_ =	shalt  }
0x48: {  	_ =	shalt  }
0x49: {  	_ =	shalt  }
0x4a: {  	_ =	shalt  }
0x4b: {  	_ =	shalt  }
0x4c: {  	_ =	shalt  }
0x4d: {  	_ =	shalt  }
0x4e: {  	_ =	shalt  }
0x4f: {  	_ =	shalt  }
0x50: {  	_ =	shalt  }
0x51: {  	_ =	shalt  }
0x52: {  	_ =	shalt  }
0x53: {  	_ =	shalt  }
0x54: {  	_ =	shalt  }
0x55: {  	_ =	shalt  }
0x56: {  	_ =	shalt  }
0x57: {  	_ =	shalt  }
0x58: {  	_ =	shalt  }
0x59: {  	_ =	shalt  }
0x5a: {  	_ =	shalt  }
0x5b: {  	_ =	shalt  }
0x5c: {  	_ =	shalt  }
0x5d: {  	_ =	shalt  }
0x5e: {  	_ =	shalt  }
0x5f: {  	_ =	shalt  }
0x60: {  	_ =	shalt  }
0x61: {  	_ =	shalt  }
0x62: {  	_ =	shalt  }
0x63: {  	_ =	shalt  }
0x64: {  	_ =	shalt  }
0x65: {  	_ =	shalt  }
0x66: {  	_ =	shalt  }
0x67: {  	_ =	shalt  }
0x68: {  	_ =	shalt  }
0x69: {  	_ =	shalt  }
0x6a: {  	_ =	shalt  }
0x6b: {  	_ =	shalt  }
0x6c: {  	_ =	shalt  }
0x6d: {  	_ =	shalt  }
0x6e: {  	_ =	shalt  }
0x6f: {  	_ =	shalt  }
0x70: {  	_ =	shalt  }
0x71: {  	_ =	shalt  }
0x72: {  	_ =	shalt  }
0x73: {  	_ =	shalt  }
0x74: {  	_ =	shalt  }
0x75: {  	_ =	shalt  }
0x76: {  	_ =	shalt  }
0x77: {  	_ =	shalt  }
0x78: {  	_ =	shalt  }
0x79: {  	_ =	shalt  }
0x7a: {  	_ =	shalt  }
0x7b: {  	_ =	shalt  }
0x7c: {  	_ =	shalt  }
0x7d: {  	_ =	shalt  }
0x7e: {  	_ =	shalt  }
0x7f: {  	_ =	shalt  }
0x80: {  	_ =	shalt  }
0x81: {  	_ =	shalt  }
0x82: {  	_ =	shalt  }
0x83: {  	_ =	shalt  }
0x84: {  	_ =	shalt  }
0x85: {  	_ =	shalt  }
0x86: {  	_ =	shalt  }
0x87: {  	_ =	shalt  }
.Lfunc_end0:
.L_simem_size_0:
called_computation.1_lowered:
.L_overlay_start_0:
0x88: {  	s2 =	sld [smem:$0x3FD9]  }
0x89: {  	s3 =	sld [smem:$0x3FFE];
	_ =	sdelay $0x1  }
0x8a: {  	s1 =	srdreg.scid  }
0x8b: {  	s0 =	sand.u32 $0x1, s1  }
0x8c: {  	s17 =	sshll.u32 s0, $0xA;
	s2 =	sadd.s32 s3, s2  }
0x8d: {  	s2 =	sadd.s32 s2, s17  }
0x8e: {  	[smem:$0x3FC4] =	sst s2  }
0x8f: {  	_ = 	snop  }
0x90: {  	s2 =	sld [smem:$0x3FC8]  }
0x91: {  	s18 =	sld [smem:$0x3FD0];
	(tm) =	ssettm $0x1  }
0x92: {  	s4 =	sld [smem:$0x3FFB];
	_ =	sdelay $0x3  }
0x93: {  	_ =	strace s4  }
0x94: {  	s4 =	sld [smem:$0x3FFC];
	_ =	sdelay $0x3  }
0x95: {  	_ =	strace s4  }
0x96: {  	s4 =	sld [smem:$0x3FFD];
	_ =	sdelay $0x3  }
0x97: {  	_ =	strace s4  }
0x98: {  	_ =	strace $0x8FFFFFFF  }
0x99: {  	s19 =	sld [smem:$0x3FDB];
	_ =	sdelay $0x1  }
0x9a: {  	s5 =	simm.s32 $_scs_section_size  }
0x9b: {  	s6 =	simm.s32 $_size__tile_overlayer_lowered;
	s7 =	simm.s32 $_tile_overlayer_lowered  }
0x9c: {  	s22 =	simm.s32 $0x1BFF;
	s21 =	sshll.u32 s7, $0x1;
	s4 =	sadd.s32 s5, s19  }
0x9d: {  	s8 =	simm.s32 $0x0;
	s20 =	sshll.u32 s6, $0x1;
	s6 =	sadd.s32 s21, s4  }
0x9e: {  	[timem:s8], [sflag:s22] =	dma.local [hbm:s6], s20  }
0x9f: {  	_ =	swait.ge [sflag:s22], s20  }
0xa0: {  	s5 =	ssub.s32 $0x0, s20;
	[sflag:s22] =	ssyncset.done $0x0  }
0xa1: {  	[sflag:s22] =	ssyncadd.s32 s5;
	_ =	sdelay $0x1  }
0xa2: {  	s23 =	simm.s32 $0x1B8B  }
0xa3: {  	_ =	swait.ge [sflag:s23], $0x1  }
0xa4: {  	[sflag:s23] =	ssyncset.done $0x0  }
0xa5: {  	s25 =	simm.s32 $0x1B8E;
	s24 =	sld [smem:$0x3FFE];
	[sflag:s23] =	ssyncadd.s32 $0xFFFFFFFF  }
0xa6: {  	s26 =	simm.s32 $execute0_lowered;
	[smem:$0x3FD2] =	sst s25  }
0xa7: {  	s6 =	sshll.u32 s26, $0x1;
	_ =	strace $0x80000049;
	[dreg:$0x1] =	wrdreg $0xFFFFFFFF  }
0xa8: {  	s28 =	simm.s32 $_size_execute0_lowered;
	s4 =	sadd.s32 s4, s6;
	[dreg:$0x0] =	wrdreg $0x0  }
0xa9: {  	s6 =	sshll.u32 s28, $0x1;
	[dreg:$0x2] =	wrdreg s4  }
0xaa: {  	[dreg:$0x3] =	wrdreg s6  }
0xab: {  	[dreg:$0x4] =	wrdreg $0xC0  }
0xac: {  	_ =	task [dreg:s8], $0x5FFFF  }
0xad: {  	[dreg:$0x1] =	wrdreg $0xFFFFFFFF  }
0xae: {  	[dreg:$0x0] =	wrdreg $0x60  }
0xaf: {  	[dreg:$0x2] =	wrdreg s2  }
0xb0: {  	[dreg:$0x3] =	wrdreg s24  }
0xb1: {  	[dreg:$0x4] =	wrdreg s18  }
0xb2: {  	[dreg:$0x5] =	wrdreg $0x9  }
0xb3: {  	_ =	task.clear_ibuf [dreg:s8], $0x6FFFF;
	_ =	strace $0x90000049  }
0xb4: {  	s29 =	simm.s32 $0x9;
	_ =	strace $0x8000004B  }
0xb5: {  	_ =	swait.ge [sflag:s29], $0x1  }
0xb6: {  	[sflag:s29] =	ssyncadd.s32 $0xFFFFFFFF  }
0xb7: {  	_ =	strace $0x9000004B  }
0xb8: {  	_ =	sfence  }
0xb9: {  	s30 =	sld [smem:$0x0];
	_ =	sdelay $0x2  }
0xba: {  	s31 =	sshll.u32 s1, $0xD;
	s1 =	sshrl.u32 s1, $0x2  }
0xbb: {  	s3 =	sand.u32 $0x4000, s31;
	s1 =	sadd.s32 s1, s30  }
0xbc: {  	s0 =	sor.u32 s3, s0;
	s1 =	sshll.u32 s1, $0x11  }
0xbd: {  	s0 =	sor.u32 s1, s0  }
0xbe: {  	s0 =	sadd.s32 $0x8F2B, s0  }
0xbf: {  	[sflag:s0] =	ssyncadd.remote.s32 $0x1  }
0xc0: {  	_ =	sfence.sel $0xFFFF  }
0xc1: {  	[dreg:$0x0] =	wrdreg $0xFFFFFFFF;
	(pc) =	sbr.abs _section_cstart, $3  }
0xc2: {  	[dreg:$0x1] =	wrdreg $0xFFFFFFFF  }
0xc3: {  	_ =	task.clear_ibuf [dreg:s8], $0x2FFFF;
	_ =	strace $0x9FFFFFFF  }
0xc4: {  	(tm) =	ssettm $0x7FFFFFFF  }
0xc5: {  	_ =	shalt  }
tec
execute0_lowered:
.L_overlay_start_1:
0x0: {  	(tag) =	ssettag $0x1  }
0x1: {  	s9 =	rddreg [dreg:$0x0]  }
0x2: {  	s0 =	rddreg [dreg:$0x1]  }
0x3: {  	s15 =	rddreg [dreg:$0x2];
	s25 =	simm.s32 $0x0  }
0x4: {  	s1 =	srdreg.scid;
	[smem:$0x7FF] =	sst s25;
	s3 =	sadd.s32 $0x3E1200, s0  }
0x5: {  	s20 =	sadd.s32 $0x3E1210, s0;
	_ =	strace $0x8000004A;
	[dreg:$0x4] =	wrdreg s3  }
0x6: {  	s2 =	stileid.u32;
	s21 =	sadd.s32 $0x3E1220, s0;
	[dreg:$0x5] =	wrdreg s20  }
0x7: {  	s22 =	sshll.u32 s2, $0x7;
	s23 =	sadd.s32 $0x3E1230, s0;
	[dreg:$0x6] =	wrdreg s21  }
0x8: {  	s24 =	sadd.s32 $0x3E1240, s0;
	s3 =	sand.u32 $0x1, s1;
	[dreg:$0x7] =	wrdreg s23  }
0x9: {  	s4 =	sadd.s32 $0x3E1250, s0;
	[dreg:$0x8] =	wrdreg s24;
	s26 =	sshll.u32 s3, $0x6  }
0xa: {  	s28 =	sadd.s32 $0x3E1260, s0;
	[dreg:$0x9] =	wrdreg s4;
	s16 =	sor.u32 s26, s22  }
0xb: {  	s5 =	sadd.s32 $0x3E1270, s0;
	[dreg:$0xa] =	wrdreg s28;
	s19 =	sadd.s32 s16, s0  }
0xc: {  	s11 =	sadd.s32 $0x4D5480, s0;
	[dreg:$0xb] =	wrdreg s5;
	s6 =	sadd.s32 $0x3D1200, s19  }
0xd: {  	s12 =	sadd.s32 $0x5C9700, s0;
	s7 =	sadd.s32 $0x3D1A00, s19;
	[dreg:$0xc] =	wrdreg s6  }
0xe: {  	s13 =	sadd.s32 $0x6BD980, s0;
	s8 =	sadd.s32 $0x3D2200, s19;
	[dreg:$0xd] =	wrdreg s7  }
0xf: {  	s9 =	sadd.s32 s9, s16;
	s10 =	sadd.s32 $0x3D2A00, s19;
	[dreg:$0xe] =	wrdreg s8  }
0x10: {  	s15 =	sadd.s32 s15, s16;
	s14 =	sadd.s32 $0x3D3200, s19;
	[dreg:$0xf] =	wrdreg s10  }
0x11: {  	s17 =	sadd.s32 $0x3D3A00, s19;
	s18 =	sadd.s32 $0x3D4200, s19;
	[dreg:$0x10] =	wrdreg s14  }
0x12: {  	s20 =	sadd.s32 $0x3D4A00, s19;
	s21 =	sadd.s32 $0x3D5200, s19;
	[dreg:$0x11] =	wrdreg s17  }
0x13: {  	s22 =	sadd.s32 $0x3D5A00, s19;
	s23 =	sadd.s32 $0x3D6200, s19;
	[dreg:$0x12] =	wrdreg s18  }
0x14: {  	s24 =	sadd.s32 $0x3D6A00, s19;
	s26 =	sadd.s32 $0x3D7200, s19;
	[dreg:$0x13] =	wrdreg s20  }
0x15: {  	s28 =	sadd.s32 $0x3D7A00, s19;
	s29 =	sadd.s32 $0x3D8200, s19;
	[dreg:$0x14] =	wrdreg s21  }
0x16: {  	s30 =	sadd.s32 $0x3D8A00, s19;
	s31 =	sadd.s32 $0x3D9200, s19;
	[dreg:$0x15] =	wrdreg s22  }
0x17: {  	s0 =	sadd.s32 $0x3D9A00, s19;
	s1 =	sadd.s32 $0x3DA200, s19;
	[dreg:$0x16] =	wrdreg s23  }
0x18: {  	s2 =	sadd.s32 $0x3DAA00, s19;
	s4 =	sadd.s32 $0x3DBA00, s19;
	[dreg:$0x17] =	wrdreg s24  }
0x19: {  	s5 =	sadd.s32 $0x3DC200, s19;
	s16 =	sadd.s32 $0x3DF200, s19;
	[dreg:$0x18] =	wrdreg s26  }
0x1a: {  	s7 =	ssub.s32 $0x2, s3;
	s3 =	sadd.s32 $0x3DB200, s19;
	s6 =	sadd.s32 $0x3DCA00, s19  }
0x1b: {  	[dreg:$0x19] =	wrdreg s28;
	s10 =	sadd.s32 $0x3DE200, s19;
	s14 =	sadd.s32 $0x3DEA00, s19  }
0x1c: {  	s17 =	sadd.s32 $0x3DFA00, s19;
	s18 =	sadd.s32 $0x3E0200, s19;
	s21 =	simm.s32 $0x2  }
0x1d: {  	s22 =	simm.s32 $0x200;
	s23 =	simm.s32 $0x1;
	s8 =	sshrl.u32 s7, $0x1  }
0x1e: {  	s24 =	simm.s32 $0x0;
	s20 =	ssub.s32 s7, s8;
	s7 =	sadd.s32 $0x3DD200, s19  }
0x1f: {  	s8 =	sadd.s32 $0x3DDA00, s19;
	s19 =	sadd.s32 $0x3E0A00, s19;
	s20 =	smax.u32 s20, $0x1  }
.LBB2_1:
0x20: {  	[tilespmem:s25], [sflag:$0x2] =	stream.linear.gather [hbm4b:s9+s25], $0x200, $0x38;
	[tilespmem:$0x8600] =	vst v63  }
0x21: {  	_ =	swait.ge [sflag:s21], $0x200  }
0x22: {  	[sflag:s21] =	ssyncset.done $0x0  }
0x23: {  	s25 =	simm.s32 $0x0;
	[sflag:s21] =	ssyncadd.s32 $0xFFFFFE00  }
0x24: {  	s26 =	simm.s32 $0x40;
	v0 =	vld [tilespmem:s25+$0x0]  }
.LBB2_2:
0x25: {  	_ =	sdelay $0x1  }
0x26: {  	p0 =	sne.s32 s26, $0x7C0  }
.Ltmp0:
0x27: {  	_ = 	snop;
	(pc) =	sbr.rel @p0 .LBB2_2-.Ltmp0, $4  }
0x28: {  	v1 =	vshll.u32 v0, $0x3  }
0x29: {  	v2 =	vand.u32 $0x7F, v0;
	v1 =	vand.u32 $0xFFFFFC00, v1  }
0x2a: {  	s28 =	sshra.s32 s26, $0x2;
	v1 =	vor.u32 v2, v1  }
0x2b: {  	s26 =	sadd.s32 $0x40, s26;
	v0 =	vld [tilespmem:s28+$0x0];
	[tilespmem:s25+$0x200] =	vst v1;
	s25 =	smov.u32 s28  }
0x2c: {  	_ =	sdelay $0x3  }
0x2d: {  	v1 =	vshll.u32 v0, $0x3  }
0x2e: {  	v0 =	vand.u32 $0x7F, v0;
	v1 =	vand.u32 $0xFFFFFC00, v1  }
0x2f: {  	v0 =	vor.u32 v0, v1  }
0x30: {  	s26 =	simm.s32 $0x4400;
	[tilespmem:s25+$0x200] =	vst v0;
	s25 =	rddreg [dreg:$0x4]  }
0x31: {  	[tilespmem:s26], [sflag:$0x1] =	stream.indirect.gather [hbm4b:s25+s22], $0x1, s22, s22, $0xb8;
	[tilespmem:$0x8600] =	vst v63  }
0x32: {  	s25 =	rddreg [dreg:$0x5];
	s26 =	simm.s32 $0x4600  }
0x33: {  	[tilespmem:s26], [sflag:$0x1] =	stream.indirect.gather [hbm4b:s25+s22], $0x1, s22, s22, $0xb8;
	[tilespmem:$0x8600] =	vst v63  }
0x34: {  	s25 =	rddreg [dreg:$0x6];
	s26 =	simm.s32 $0x4800  }
0x35: {  	[tilespmem:s26], [sflag:$0x1] =	stream.indirect.gather [hbm4b:s25+s22], $0x1, s22, s22, $0xb8;
	[tilespmem:$0x8600] =	vst v63  }
0x36: {  	s25 =	rddreg [dreg:$0x7];
	s26 =	simm.s32 $0x4A00  }
0x37: {  	[tilespmem:s26], [sflag:$0x1] =	stream.indirect.gather [hbm4b:s25+s22], $0x1, s22, s22, $0xb8;
	[tilespmem:$0x8600] =	vst v63  }
0x38: {  	s25 =	rddreg [dreg:$0x8];
	s26 =	simm.s32 $0x4C00  }
0x39: {  	[tilespmem:s26], [sflag:$0x1] =	stream.indirect.gather [hbm4b:s25+s22], $0x1, s22, s22, $0xb8;
	[tilespmem:$0x8600] =	vst v63  }
0x3a: {  	s25 =	rddreg [dreg:$0x9];
	s26 =	simm.s32 $0x4E00  }
0x3b: {  	[tilespmem:s26], [sflag:$0x1] =	stream.indirect.gather [hbm4b:s25+s22], $0x1, s22, s22, $0xb8;
	[tilespmem:$0x8600] =	vst v63  }
0x3c: {  	s25 =	rddreg [dreg:$0xa];
	s26 =	simm.s32 $0x5000  }
0x3d: {  	[tilespmem:s26], [sflag:$0x1] =	stream.indirect.gather [hbm4b:s25+s22], $0x1, s22, s22, $0xb8;
	[tilespmem:$0x8600] =	vst v63  }
0x3e: {  	s25 =	rddreg [dreg:$0xb];
	s26 =	simm.s32 $0x5200  }
0x3f: {  	[tilespmem:s26], [sflag:$0x1] =	stream.indirect.gather [hbm4b:s25+s22], $0x1, s22, s22, $0xb8;
	[tilespmem:$0x8600] =	vst v63  }
0x40: {  	s26 =	simm.s32 $0x5400  }
0x41: {  	[tilespmem:s26], [sflag:$0x1] =	stream.indirect.gather [hbm4b:s11+s22], $0x1, s22, s22, $0xb8;
	[tilespmem:$0x8600] =	vst v63  }
0x42: {  	s25 =	sadd.s32 $0x10, s11;
	s26 =	simm.s32 $0x5600  }
0x43: {  	[tilespmem:s26], [sflag:$0x1] =	stream.indirect.gather [hbm4b:s25+s22], $0x1, s22, s22, $0xb8;
	[tilespmem:$0x8600] =	vst v63  }
0x44: {  	s25 =	sadd.s32 $0x20, s11;
	s26 =	simm.s32 $0x5800  }
0x45: {  	[tilespmem:s26], [sflag:$0x1] =	stream.indirect.gather [hbm4b:s25+s22], $0x1, s22, s22, $0xb8;
	[tilespmem:$0x8600] =	vst v63  }
0x46: {  	s25 =	sadd.s32 $0x30, s11;
	s26 =	simm.s32 $0x5A00  }
0x47: {  	[tilespmem:s26], [sflag:$0x1] =	stream.indirect.gather [hbm4b:s25+s22], $0x1, s22, s22, $0xb8;
	[tilespmem:$0x8600] =	vst v63  }
0x48: {  	s25 =	sadd.s32 $0x40, s11;
	s26 =	simm.s32 $0x5C00  }
0x49: {  	[tilespmem:s26], [sflag:$0x1] =	stream.indirect.gather [hbm4b:s25+s22], $0x1, s22, s22, $0xb8;
	[tilespmem:$0x8600] =	vst v63  }
0x4a: {  	s25 =	sadd.s32 $0x50, s11;
	s26 =	simm.s32 $0x5E00  }
0x4b: {  	[tilespmem:s26], [sflag:$0x1] =	stream.indirect.gather [hbm4b:s25+s22], $0x1, s22, s22, $0xb8;
	[tilespmem:$0x8600] =	vst v63  }
0x4c: {  	s25 =	sadd.s32 $0x60, s11;
	s26 =	simm.s32 $0x6000  }
0x4d: {  	[tilespmem:s26], [sflag:$0x1] =	stream.indirect.gather [hbm4b:s25+s22], $0x1, s22, s22, $0xb8;
	[tilespmem:$0x8600] =	vst v63  }
0x4e: {  	s25 =	sadd.s32 $0x70, s11;
	s26 =	simm.s32 $0x6200  }
0x4f: {  	[tilespmem:s26], [sflag:$0x1] =	stream.indirect.gather [hbm4b:s25+s22], $0x1, s22, s22, $0xb8;
	[tilespmem:$0x8600] =	vst v63  }
0x50: {  	s26 =	simm.s32 $0x6400  }
0x51: {  	[tilespmem:s26], [sflag:$0x1] =	stream.indirect.gather [hbm4b:s12+s22], $0x1, s22, s22, $0xb8;
	[tilespmem:$0x8600] =	vst v63  }
0x52: {  	s25 =	sadd.s32 $0x10, s12;
	s26 =	simm.s32 $0x6600  }
0x53: {  	[tilespmem:s26], [sflag:$0x1] =	stream.indirect.gather [hbm4b:s25+s22], $0x1, s22, s22, $0xb8;
	[tilespmem:$0x8600] =	vst v63  }
0x54: {  	s25 =	sadd.s32 $0x20, s12;
	s26 =	simm.s32 $0x6800  }
0x55: {  	[tilespmem:s26], [sflag:$0x1] =	stream.indirect.gather [hbm4b:s25+s22], $0x1, s22, s22, $0xb8;
	[tilespmem:$0x8600] =	vst v63  }
0x56: {  	s25 =	sadd.s32 $0x30, s12;
	s26 =	simm.s32 $0x6A00  }
0x57: {  	[tilespmem:s26], [sflag:$0x1] =	stream.indirect.gather [hbm4b:s25+s22], $0x1, s22, s22, $0xb8;
	[tilespmem:$0x8600] =	vst v63  }
0x58: {  	s25 =	sadd.s32 $0x40, s12;
	s26 =	simm.s32 $0x6C00  }
0x59: {  	[tilespmem:s26], [sflag:$0x1] =	stream.indirect.gather [hbm4b:s25+s22], $0x1, s22, s22, $0xb8;
	[tilespmem:$0x8600] =	vst v63  }
0x5a: {  	s25 =	sadd.s32 $0x50, s12;
	s26 =	simm.s32 $0x6E00  }
0x5b: {  	[tilespmem:s26], [sflag:$0x1] =	stream.indirect.gather [hbm4b:s25+s22], $0x1, s22, s22, $0xb8;
	[tilespmem:$0x8600] =	vst v63  }
0x5c: {  	s25 =	sadd.s32 $0x60, s12;
	s26 =	simm.s32 $0x7000  }
0x5d: {  	[tilespmem:s26], [sflag:$0x1] =	stream.indirect.gather [hbm4b:s25+s22], $0x1, s22, s22, $0xb8;
	[tilespmem:$0x8600] =	vst v63  }
0x5e: {  	s25 =	sadd.s32 $0x70, s12;
	s26 =	simm.s32 $0x7200  }
0x5f: {  	[tilespmem:s26], [sflag:$0x1] =	stream.indirect.gather [hbm4b:s25+s22], $0x1, s22, s22, $0xb8;
	[tilespmem:$0x8600] =	vst v63  }
0x60: {  	s26 =	simm.s32 $0x7400  }
0x61: {  	[tilespmem:s26], [sflag:$0x1] =	stream.indirect.gather [hbm4b:s13+s22], $0x1, s22, s22, $0xb8;
	[tilespmem:$0x8600] =	vst v63  }
0x62: {  	s25 =	sadd.s32 $0x10, s13;
	s26 =	simm.s32 $0x7600  }
0x63: {  	[tilespmem:s26], [sflag:$0x1] =	stream.indirect.gather [hbm4b:s25+s22], $0x1, s22, s22, $0xb8;
	[tilespmem:$0x8600] =	vst v63  }
0x64: {  	s25 =	sadd.s32 $0x20, s13;
	s26 =	simm.s32 $0x7800  }
0x65: {  	[tilespmem:s26], [sflag:$0x1] =	stream.indirect.gather [hbm4b:s25+s22], $0x1, s22, s22, $0xb8;
	[tilespmem:$0x8600] =	vst v63  }
0x66: {  	s25 =	sadd.s32 $0x30, s13;
	s26 =	simm.s32 $0x7A00  }
0x67: {  	[tilespmem:s26], [sflag:$0x1] =	stream.indirect.gather [hbm4b:s25+s22], $0x1, s22, s22, $0xb8;
	[tilespmem:$0x8600] =	vst v63  }
0x68: {  	s25 =	sadd.s32 $0x40, s13;
	s26 =	simm.s32 $0x7C00  }
0x69: {  	[tilespmem:s26], [sflag:$0x1] =	stream.indirect.gather [hbm4b:s25+s22], $0x1, s22, s22, $0xb8;
	[tilespmem:$0x8600] =	vst v63  }
0x6a: {  	s25 =	sadd.s32 $0x50, s13;
	s26 =	simm.s32 $0x7E00  }
0x6b: {  	[tilespmem:s26], [sflag:$0x1] =	stream.indirect.gather [hbm4b:s25+s22], $0x1, s22, s22, $0xb8;
	[tilespmem:$0x8600] =	vst v63  }
0x6c: {  	s25 =	sadd.s32 $0x60, s13;
	s26 =	simm.s32 $0x8000  }
0x6d: {  	[tilespmem:s26], [sflag:$0x1] =	stream.indirect.gather [hbm4b:s25+s22], $0x1, s22, s22, $0xb8;
	[tilespmem:$0x8600] =	vst v63  }
0x6e: {  	s25 =	sadd.s32 $0x70, s13;
	s26 =	simm.s32 $0x8200  }
0x6f: {  	[tilespmem:s26], [sflag:$0x1] =	stream.indirect.gather [hbm4b:s25+s22], $0x1, s22, s22, $0xb8;
	[tilespmem:$0x8600] =	vst v63  }
0x70: {  	s28 =	simm.s32 $0x400;
	s25 =	simm.s32 $0x0;
	s26 =	rddreg [dreg:$0xc]  }
0x71: {  	[tilespmem:s28], [sflag:$0x2] =	stream.linear.gather [hbm4b:s26+s25], $0x200, $0x38;
	[tilespmem:$0x8600] =	vst v63  }
0x72: {  	_ =	swait.ge [sflag:s21], $0x200  }
0x73: {  	[sflag:s21] =	ssyncset.done $0x0  }
0x74: {  	s28 =	simm.s32 $0x600;
	s26 =	rddreg [dreg:$0xd];
	[sflag:s21] =	ssyncadd.s32 $0xFFFFFE00  }
0x75: {  	[tilespmem:s28], [sflag:$0x2] =	stream.linear.gather [hbm4b:s26+s25], $0x200, $0x38;
	[tilespmem:$0x8600] =	vst v63  }
0x76: {  	_ =	swait.ge [sflag:s21], $0x200  }
0x77: {  	[sflag:s21] =	ssyncset.done $0x0  }
0x78: {  	s28 =	simm.s32 $0x800;
	s26 =	rddreg [dreg:$0xe];
	[sflag:s21] =	ssyncadd.s32 $0xFFFFFE00  }
0x79: {  	[tilespmem:s28], [sflag:$0x2] =	stream.linear.gather [hbm4b:s26+s25], $0x200, $0x38;
	[tilespmem:$0x8600] =	vst v63  }
0x7a: {  	_ =	swait.ge [sflag:s21], $0x200  }
0x7b: {  	[sflag:s21] =	ssyncset.done $0x0  }
0x7c: {  	s28 =	simm.s32 $0xA00;
	s26 =	rddreg [dreg:$0xf];
	[sflag:s21] =	ssyncadd.s32 $0xFFFFFE00  }
0x7d: {  	[tilespmem:s28], [sflag:$0x2] =	stream.linear.gather [hbm4b:s26+s25], $0x200, $0x38;
	[tilespmem:$0x8600] =	vst v63  }
0x7e: {  	_ =	swait.ge [sflag:s21], $0x200  }
0x7f: {  	[sflag:s21] =	ssyncset.done $0x0  }
0x80: {  	s28 =	simm.s32 $0xC00;
	s26 =	rddreg [dreg:$0x10];
	[sflag:s21] =	ssyncadd.s32 $0xFFFFFE00  }
0x81: {  	[tilespmem:s28], [sflag:$0x2] =	stream.linear.gather [hbm4b:s26+s25], $0x200, $0x38;
	[tilespmem:$0x8600] =	vst v63  }
0x82: {  	_ =	swait.ge [sflag:s21], $0x200  }
0x83: {  	[sflag:s21] =	ssyncset.done $0x0  }
0x84: {  	s28 =	simm.s32 $0xE00;
	s26 =	rddreg [dreg:$0x11];
	[sflag:s21] =	ssyncadd.s32 $0xFFFFFE00  }
0x85: {  	[tilespmem:s28], [sflag:$0x2] =	stream.linear.gather [hbm4b:s26+s25], $0x200, $0x38;
	[tilespmem:$0x8600] =	vst v63  }
0x86: {  	_ =	swait.ge [sflag:s21], $0x200  }
0x87: {  	[sflag:s21] =	ssyncset.done $0x0  }
0x88: {  	s28 =	simm.s32 $0x1000;
	s26 =	rddreg [dreg:$0x12];
	[sflag:s21] =	ssyncadd.s32 $0xFFFFFE00  }
0x89: {  	[tilespmem:s28], [sflag:$0x2] =	stream.linear.gather [hbm4b:s26+s25], $0x200, $0x38;
	[tilespmem:$0x8600] =	vst v63  }
0x8a: {  	_ =	swait.ge [sflag:s21], $0x200  }
0x8b: {  	[sflag:s21] =	ssyncset.done $0x0  }
0x8c: {  	s28 =	simm.s32 $0x1200;
	s26 =	rddreg [dreg:$0x13];
	[sflag:s21] =	ssyncadd.s32 $0xFFFFFE00  }
0x8d: {  	[tilespmem:s28], [sflag:$0x2] =	stream.linear.gather [hbm4b:s26+s25], $0x200, $0x38;
	[tilespmem:$0x8600] =	vst v63  }
0x8e: {  	_ =	swait.ge [sflag:s21], $0x200  }
0x8f: {  	[sflag:s21] =	ssyncset.done $0x0  }
0x90: {  	s28 =	simm.s32 $0x1400;
	s26 =	rddreg [dreg:$0x14];
	[sflag:s21] =	ssyncadd.s32 $0xFFFFFE00  }
0x91: {  	[tilespmem:s28], [sflag:$0x2] =	stream.linear.gather [hbm4b:s26+s25], $0x200, $0x38;
	[tilespmem:$0x8600] =	vst v63  }
0x92: {  	_ =	swait.ge [sflag:s21], $0x200  }
0x93: {  	[sflag:s21] =	ssyncset.done $0x0  }
0x94: {  	s28 =	simm.s32 $0x1600;
	s26 =	rddreg [dreg:$0x15];
	[sflag:s21] =	ssyncadd.s32 $0xFFFFFE00  }
0x95: {  	[tilespmem:s28], [sflag:$0x2] =	stream.linear.gather [hbm4b:s26+s25], $0x200, $0x38;
	[tilespmem:$0x8600] =	vst v63  }
0x96: {  	_ =	swait.ge [sflag:s21], $0x200  }
0x97: {  	[sflag:s21] =	ssyncset.done $0x0  }
0x98: {  	s28 =	simm.s32 $0x1800;
	s26 =	rddreg [dreg:$0x16];
	[sflag:s21] =	ssyncadd.s32 $0xFFFFFE00  }
0x99: {  	[tilespmem:s28], [sflag:$0x2] =	stream.linear.gather [hbm4b:s26+s25], $0x200, $0x38;
	[tilespmem:$0x8600] =	vst v63  }
0x9a: {  	_ =	swait.ge [sflag:s21], $0x200  }
0x9b: {  	[sflag:s21] =	ssyncset.done $0x0  }
0x9c: {  	s28 =	simm.s32 $0x1A00;
	s26 =	rddreg [dreg:$0x17];
	[sflag:s21] =	ssyncadd.s32 $0xFFFFFE00  }
0x9d: {  	[tilespmem:s28], [sflag:$0x2] =	stream.linear.gather [hbm4b:s26+s25], $0x200, $0x38;
	[tilespmem:$0x8600] =	vst v63  }
0x9e: {  	_ =	swait.ge [sflag:s21], $0x200  }
0x9f: {  	[sflag:s21] =	ssyncset.done $0x0  }
0xa0: {  	s28 =	simm.s32 $0x1C00;
	s26 =	rddreg [dreg:$0x18];
	[sflag:s21] =	ssyncadd.s32 $0xFFFFFE00  }
0xa1: {  	[tilespmem:s28], [sflag:$0x2] =	stream.linear.gather [hbm4b:s26+s25], $0x200, $0x38;
	[tilespmem:$0x8600] =	vst v63  }
0xa2: {  	_ =	swait.ge [sflag:s21], $0x200  }
0xa3: {  	[sflag:s21] =	ssyncset.done $0x0  }
0xa4: {  	s28 =	simm.s32 $0x1E00;
	s26 =	rddreg [dreg:$0x19];
	[sflag:s21] =	ssyncadd.s32 $0xFFFFFE00  }
0xa5: {  	[tilespmem:s28], [sflag:$0x2] =	stream.linear.gather [hbm4b:s26+s25], $0x200, $0x38;
	[tilespmem:$0x8600] =	vst v63  }
0xa6: {  	_ =	swait.ge [sflag:s21], $0x200  }
0xa7: {  	[sflag:s21] =	ssyncset.done $0x0  }
0xa8: {  	s26 =	simm.s32 $0x2000;
	[sflag:s21] =	ssyncadd.s32 $0xFFFFFE00  }
0xa9: {  	[tilespmem:s26], [sflag:$0x2] =	stream.linear.gather [hbm4b:s29+s25], $0x200, $0x38;
	[tilespmem:$0x8600] =	vst v63  }
0xaa: {  	_ =	swait.ge [sflag:s21], $0x200  }
0xab: {  	[sflag:s21] =	ssyncset.done $0x0  }
0xac: {  	s26 =	simm.s32 $0x2200;
	[sflag:s21] =	ssyncadd.s32 $0xFFFFFE00  }
0xad: {  	[tilespmem:s26], [sflag:$0x2] =	stream.linear.gather [hbm4b:s30+s25], $0x200, $0x38;
	[tilespmem:$0x8600] =	vst v63  }
0xae: {  	_ =	swait.ge [sflag:s21], $0x200  }
0xaf: {  	[sflag:s21] =	ssyncset.done $0x0  }
0xb0: {  	s26 =	simm.s32 $0x2400;
	[sflag:s21] =	ssyncadd.s32 $0xFFFFFE00  }
0xb1: {  	[tilespmem:s26], [sflag:$0x2] =	stream.linear.gather [hbm4b:s31+s25], $0x200, $0x38;
	[tilespmem:$0x8600] =	vst v63  }
0xb2: {  	_ =	swait.ge [sflag:s21], $0x200  }
0xb3: {  	[sflag:s21] =	ssyncset.done $0x0  }
0xb4: {  	s26 =	simm.s32 $0x2600;
	[sflag:s21] =	ssyncadd.s32 $0xFFFFFE00  }
0xb5: {  	[tilespmem:s26], [sflag:$0x2] =	stream.linear.gather [hbm4b:s0+s25], $0x200, $0x38;
	[tilespmem:$0x8600] =	vst v63  }
0xb6: {  	_ =	swait.ge [sflag:s21], $0x200  }
0xb7: {  	[sflag:s21] =	ssyncset.done $0x0  }
0xb8: {  	s26 =	simm.s32 $0x2800;
	[sflag:s21] =	ssyncadd.s32 $0xFFFFFE00  }
0xb9: {  	[tilespmem:s26], [sflag:$0x2] =	stream.linear.gather [hbm4b:s1+s25], $0x200, $0x38;
	[tilespmem:$0x8600] =	vst v63  }
0xba: {  	_ =	swait.ge [sflag:s21], $0x200  }
0xbb: {  	[sflag:s21] =	ssyncset.done $0x0  }
0xbc: {  	s26 =	simm.s32 $0x2A00;
	[sflag:s21] =	ssyncadd.s32 $0xFFFFFE00  }
0xbd: {  	[tilespmem:s26], [sflag:$0x2] =	stream.linear.gather [hbm4b:s2+s25], $0x200, $0x38;
	[tilespmem:$0x8600] =	vst v63  }
0xbe: {  	_ =	swait.ge [sflag:s21], $0x200  }
0xbf: {  	[sflag:s21] =	ssyncset.done $0x0  }
0xc0: {  	s26 =	simm.s32 $0x2C00;
	[sflag:s21] =	ssyncadd.s32 $0xFFFFFE00  }
0xc1: {  	[tilespmem:s26], [sflag:$0x2] =	stream.linear.gather [hbm4b:s3+s25], $0x200, $0x38;
	[tilespmem:$0x8600] =	vst v63  }
0xc2: {  	_ =	swait.ge [sflag:s21], $0x200  }
0xc3: {  	[sflag:s21] =	ssyncset.done $0x0  }
0xc4: {  	s26 =	simm.s32 $0x2E00;
	[sflag:s21] =	ssyncadd.s32 $0xFFFFFE00  }
0xc5: {  	[tilespmem:s26], [sflag:$0x2] =	stream.linear.gather [hbm4b:s4+s25], $0x200, $0x38;
	[tilespmem:$0x8600] =	vst v63  }
0xc6: {  	_ =	swait.ge [sflag:s21], $0x200  }
0xc7: {  	[sflag:s21] =	ssyncset.done $0x0  }
0xc8: {  	s26 =	simm.s32 $0x3000;
	[sflag:s21] =	ssyncadd.s32 $0xFFFFFE00  }
0xc9: {  	[tilespmem:s26], [sflag:$0x2] =	stream.linear.gather [hbm4b:s5+s25], $0x200, $0x38;
	[tilespmem:$0x8600] =	vst v63  }
0xca: {  	_ =	swait.ge [sflag:s21], $0x200  }
0xcb: {  	[sflag:s21] =	ssyncset.done $0x0  }
0xcc: {  	s26 =	simm.s32 $0x3200;
	[sflag:s21] =	ssyncadd.s32 $0xFFFFFE00  }
0xcd: {  	[tilespmem:s26], [sflag:$0x2] =	stream.linear.gather [hbm4b:s6+s25], $0x200, $0x38;
	[tilespmem:$0x8600] =	vst v63  }
0xce: {  	_ =	swait.ge [sflag:s21], $0x200  }
0xcf: {  	[sflag:s21] =	ssyncset.done $0x0  }
0xd0: {  	s26 =	simm.s32 $0x3400;
	[sflag:s21] =	ssyncadd.s32 $0xFFFFFE00  }
0xd1: {  	[tilespmem:s26], [sflag:$0x2] =	stream.linear.gather [hbm4b:s7+s25], $0x200, $0x38;
	[tilespmem:$0x8600] =	vst v63  }
0xd2: {  	_ =	swait.ge [sflag:s21], $0x200  }
0xd3: {  	[sflag:s21] =	ssyncset.done $0x0  }
0xd4: {  	s26 =	simm.s32 $0x3600;
	[sflag:s21] =	ssyncadd.s32 $0xFFFFFE00  }
0xd5: {  	[tilespmem:s26], [sflag:$0x2] =	stream.linear.gather [hbm4b:s8+s25], $0x200, $0x38;
	[tilespmem:$0x8600] =	vst v63  }
0xd6: {  	_ =	swait.ge [sflag:s21], $0x200  }
0xd7: {  	[sflag:s21] =	ssyncset.done $0x0  }
0xd8: {  	s26 =	simm.s32 $0x3800;
	[sflag:s21] =	ssyncadd.s32 $0xFFFFFE00  }
0xd9: {  	[tilespmem:s26], [sflag:$0x2] =	stream.linear.gather [hbm4b:s10+s25], $0x200, $0x38;
	[tilespmem:$0x8600] =	vst v63  }
0xda: {  	_ =	swait.ge [sflag:s21], $0x200  }
0xdb: {  	[sflag:s21] =	ssyncset.done $0x0  }
0xdc: {  	s26 =	simm.s32 $0x3A00;
	[sflag:s21] =	ssyncadd.s32 $0xFFFFFE00  }
0xdd: {  	[tilespmem:s26], [sflag:$0x2] =	stream.linear.gather [hbm4b:s14+s25], $0x200, $0x38;
	[tilespmem:$0x8600] =	vst v63  }
0xde: {  	_ =	swait.ge [sflag:s21], $0x200  }
0xdf: {  	[sflag:s21] =	ssyncset.done $0x0  }
0xe0: {  	s26 =	simm.s32 $0x3C00;
	[sflag:s21] =	ssyncadd.s32 $0xFFFFFE00  }
0xe1: {  	[tilespmem:s26], [sflag:$0x2] =	stream.linear.gather [hbm4b:s16+s25], $0x200, $0x38;
	[tilespmem:$0x8600] =	vst v63  }
0xe2: {  	_ =	swait.ge [sflag:s21], $0x200  }
0xe3: {  	[sflag:s21] =	ssyncset.done $0x0  }
0xe4: {  	s26 =	simm.s32 $0x3E00;
	[sflag:s21] =	ssyncadd.s32 $0xFFFFFE00  }
0xe5: {  	[tilespmem:s26], [sflag:$0x2] =	stream.linear.gather [hbm4b:s17+s25], $0x200, $0x38;
	[tilespmem:$0x8600] =	vst v63  }
0xe6: {  	_ =	swait.ge [sflag:s21], $0x200  }
0xe7: {  	[sflag:s21] =	ssyncset.done $0x0  }
0xe8: {  	s26 =	simm.s32 $0x4000;
	[sflag:s21] =	ssyncadd.s32 $0xFFFFFE00  }
0xe9: {  	[tilespmem:s26], [sflag:$0x2] =	stream.linear.gather [hbm4b:s18+s25], $0x200, $0x38;
	[tilespmem:$0x8600] =	vst v63  }
0xea: {  	_ =	swait.ge [sflag:s21], $0x200  }
0xeb: {  	[sflag:s21] =	ssyncset.done $0x0  }
0xec: {  	s26 =	simm.s32 $0x4200;
	[sflag:s21] =	ssyncadd.s32 $0xFFFFFE00  }
0xed: {  	[tilespmem:s26], [sflag:$0x2] =	stream.linear.gather [hbm4b:s19+s25], $0x200, $0x38;
	[tilespmem:$0x8600] =	vst v63  }
0xee: {  	_ =	swait.ge [sflag:s21], $0x200  }
0xef: {  	[sflag:s21] =	ssyncset.done $0x0  }
0xf0: {  	[sflag:s21] =	ssyncadd.s32 $0xFFFFFE00  }
0xf1: {  	_ =	swait.ge [sflag:s23], $0x200  }
0xf2: {  	[sflag:s23] =	ssyncset.done $0x0  }
0xf3: {  	[sflag:s23] =	ssyncadd.s32 $0xFFFFFE00  }
0xf4: {  	_ =	swait.ge [sflag:s23], $0x200  }
0xf5: {  	[sflag:s23] =	ssyncset.done $0x0  }
0xf6: {  	[sflag:s23] =	ssyncadd.s32 $0xFFFFFE00  }
0xf7: {  	_ =	swait.ge [sflag:s23], $0x200  }
0xf8: {  	[sflag:s23] =	ssyncset.done $0x0  }
0xf9: {  	[sflag:s23] =	ssyncadd.s32 $0xFFFFFE00  }
0xfa: {  	_ =	swait.ge [sflag:s23], $0x200  }
0xfb: {  	[sflag:s23] =	ssyncset.done $0x0  }
0xfc: {  	[sflag:s23] =	ssyncadd.s32 $0xFFFFFE00  }
0xfd: {  	_ =	swait.ge [sflag:s23], $0x200  }
0xfe: {  	[sflag:s23] =	ssyncset.done $0x0  }
0xff: {  	[sflag:s23] =	ssyncadd.s32 $0xFFFFFE00  }
0x100: {  	_ =	swait.ge [sflag:s23], $0x200  }
0x101: {  	[sflag:s23] =	ssyncset.done $0x0  }
0x102: {  	[sflag:s23] =	ssyncadd.s32 $0xFFFFFE00  }
0x103: {  	_ =	swait.ge [sflag:s23], $0x200  }
0x104: {  	[sflag:s23] =	ssyncset.done $0x0  }
0x105: {  	[sflag:s23] =	ssyncadd.s32 $0xFFFFFE00  }
0x106: {  	_ =	swait.ge [sflag:s23], $0x200  }
0x107: {  	[sflag:s23] =	ssyncset.done $0x0  }
0x108: {  	[sflag:s23] =	ssyncadd.s32 $0xFFFFFE00  }
0x109: {  	_ =	swait.ge [sflag:s23], $0x200  }
0x10a: {  	[sflag:s23] =	ssyncset.done $0x0  }
0x10b: {  	[sflag:s23] =	ssyncadd.s32 $0xFFFFFE00  }
0x10c: {  	_ =	swait.ge [sflag:s23], $0x200  }
0x10d: {  	[sflag:s23] =	ssyncset.done $0x0  }
0x10e: {  	[sflag:s23] =	ssyncadd.s32 $0xFFFFFE00  }
0x10f: {  	_ =	swait.ge [sflag:s23], $0x200  }
0x110: {  	[sflag:s23] =	ssyncset.done $0x0  }
0x111: {  	[sflag:s23] =	ssyncadd.s32 $0xFFFFFE00  }
0x112: {  	_ =	swait.ge [sflag:s23], $0x200  }
0x113: {  	[sflag:s23] =	ssyncset.done $0x0  }
0x114: {  	[sflag:s23] =	ssyncadd.s32 $0xFFFFFE00  }
0x115: {  	_ =	swait.ge [sflag:s23], $0x200  }
0x116: {  	[sflag:s23] =	ssyncset.done $0x0  }
0x117: {  	[sflag:s23] =	ssyncadd.s32 $0xFFFFFE00  }
0x118: {  	_ =	swait.ge [sflag:s23], $0x200  }
0x119: {  	[sflag:s23] =	ssyncset.done $0x0  }
0x11a: {  	[sflag:s23] =	ssyncadd.s32 $0xFFFFFE00  }
0x11b: {  	_ =	swait.ge [sflag:s23], $0x200  }
0x11c: {  	[sflag:s23] =	ssyncset.done $0x0  }
0x11d: {  	[sflag:s23] =	ssyncadd.s32 $0xFFFFFE00  }
0x11e: {  	_ =	swait.ge [sflag:s23], $0x200  }
0x11f: {  	[sflag:s23] =	ssyncset.done $0x0  }
0x120: {  	[sflag:s23] =	ssyncadd.s32 $0xFFFFFE00  }
0x121: {  	_ =	swait.ge [sflag:s23], $0x200  }
0x122: {  	[sflag:s23] =	ssyncset.done $0x0  }
0x123: {  	[sflag:s23] =	ssyncadd.s32 $0xFFFFFE00  }
0x124: {  	_ =	swait.ge [sflag:s23], $0x200  }
0x125: {  	[sflag:s23] =	ssyncset.done $0x0  }
0x126: {  	[sflag:s23] =	ssyncadd.s32 $0xFFFFFE00  }
0x127: {  	_ =	swait.ge [sflag:s23], $0x200  }
0x128: {  	[sflag:s23] =	ssyncset.done $0x0  }
0x129: {  	[sflag:s23] =	ssyncadd.s32 $0xFFFFFE00  }
0x12a: {  	_ =	swait.ge [sflag:s23], $0x200  }
0x12b: {  	[sflag:s23] =	ssyncset.done $0x0  }
0x12c: {  	[sflag:s23] =	ssyncadd.s32 $0xFFFFFE00  }
0x12d: {  	_ =	swait.ge [sflag:s23], $0x200  }
0x12e: {  	[sflag:s23] =	ssyncset.done $0x0  }
0x12f: {  	[sflag:s23] =	ssyncadd.s32 $0xFFFFFE00  }
0x130: {  	_ =	swait.ge [sflag:s23], $0x200  }
0x131: {  	[sflag:s23] =	ssyncset.done $0x0  }
0x132: {  	[sflag:s23] =	ssyncadd.s32 $0xFFFFFE00  }
0x133: {  	_ =	swait.ge [sflag:s23], $0x200  }
0x134: {  	[sflag:s23] =	ssyncset.done $0x0  }
0x135: {  	[sflag:s23] =	ssyncadd.s32 $0xFFFFFE00  }
0x136: {  	_ =	swait.ge [sflag:s23], $0x200  }
0x137: {  	[sflag:s23] =	ssyncset.done $0x0  }
0x138: {  	[sflag:s23] =	ssyncadd.s32 $0xFFFFFE00  }
0x139: {  	_ =	swait.ge [sflag:s23], $0x200  }
0x13a: {  	[sflag:s23] =	ssyncset.done $0x0  }
0x13b: {  	[sflag:s23] =	ssyncadd.s32 $0xFFFFFE00  }
0x13c: {  	_ =	swait.ge [sflag:s23], $0x200  }
0x13d: {  	[sflag:s23] =	ssyncset.done $0x0  }
0x13e: {  	[sflag:s23] =	ssyncadd.s32 $0xFFFFFE00  }
0x13f: {  	_ =	swait.ge [sflag:s23], $0x200  }
0x140: {  	[sflag:s23] =	ssyncset.done $0x0  }
0x141: {  	[sflag:s23] =	ssyncadd.s32 $0xFFFFFE00  }
0x142: {  	_ =	swait.ge [sflag:s23], $0x200  }
0x143: {  	[sflag:s23] =	ssyncset.done $0x0  }
0x144: {  	[sflag:s23] =	ssyncadd.s32 $0xFFFFFE00  }
0x145: {  	_ =	swait.ge [sflag:s23], $0x200  }
0x146: {  	[sflag:s23] =	ssyncset.done $0x0  }
0x147: {  	[sflag:s23] =	ssyncadd.s32 $0xFFFFFE00  }
0x148: {  	_ =	swait.ge [sflag:s23], $0x200  }
0x149: {  	[sflag:s23] =	ssyncset.done $0x0  }
0x14a: {  	[sflag:s23] =	ssyncadd.s32 $0xFFFFFE00  }
0x14b: {  	_ =	swait.ge [sflag:s23], $0x200  }
0x14c: {  	[sflag:s23] =	ssyncset.done $0x0  }
0x14d: {  	[sflag:s23] =	ssyncadd.s32 $0xFFFFFE00  }
0x14e: {  	_ =	swait.ge [sflag:s23], $0x200  }
0x14f: {  	[sflag:s23] =	ssyncset.done $0x0  }
0x150: {  	s25 =	simm.s32 $0x0;
	[sflag:s23] =	ssyncadd.s32 $0xFFFFFE00  }
0x151: {  	v3 =	vld [tilespmem:s25+$0x7A00]  }
0x152: {  	v5 =	vld [tilespmem:s25+$0x4400]  }
0x153: {  	v4 =	vld [tilespmem:s25+$0x7800]  }
0x154: {  	v6 =	vld [tilespmem:s25+$0x4600]  }
0x155: {  	v8 =	vld [tilespmem:s25+$0x7600]  }
0x156: {  	v7 =	vld [tilespmem:s25+$0x4800]  }
0x157: {  	v11 =	vld [tilespmem:s25+$0x4A00];
	v5 =	vsub.f32 $0.0e+00, v5  }
0x158: {  	v9 =	vld [tilespmem:s25+$0x7400]  }
0x159: {  	v13 =	vld [tilespmem:s25+$0x4C00];
	v6 =	vsub.f32 $0.0e+00, v6;
	v5 =	vmul.f32 $1.442695020e+00, v5  }
0x15a: {  	v16 =	vld [tilespmem:s25+$0x4E00]  }
0x15b: {  	v12 =	vld [tilespmem:s25+$0x7000];
	v7 =	vsub.f32 $0.0e+00, v7;
	v14 =	vmul.f32 $1.442695020e+00, v6;
	(erf) = vpow2.f32 v5  }
0x15c: {  	v15 =	vld [tilespmem:s25+$0x6E00];
	v11 =	vsub.f32 $0.0e+00, v11  }
0x15d: {  	v17 =	vld [tilespmem:s25+$0x5000];
	v6 =	vsub.f32 $0.0e+00, v3;
	v3 =	vmul.f32 $1.442695020e+00, v7;
	(erf) = vpow2.f32 v14  }
0x15e: {  	v5 =	vsub.f32 $0.0e+00, v8;
	v8 =	vmul.f32 $1.442695020e+00, v11;
	v11 =	vsub.f32 $0.0e+00, v13  }
0x15f: {  	v16 =	vsub.f32 $0.0e+00, v16;
	v13 =	vld [tilespmem:s25+$0x5200];
	(erf) = vpow2.f32 v3  }
0x160: {  	v7 =	vsub.f32 $0.0e+00, v4;
	v4 =	vsub.f32 $0.0e+00, v9;
	v11 =	vmul.f32 $1.442695020e+00, v11  }
0x161: {  	v18 =	vld [tilespmem:s25+$0x5400];
	v9 =	vsub.f32 $0.0e+00, v15;
	v15 =	vmul.f32 $1.442695020e+00, v16;
	(erf) = vpow2.f32 v8  }
0x162: {  	v8 =	vsub.f32 $0.0e+00, v12;
	v12 =	vsub.f32 $0.0e+00, v17;
	(erf) = vpow2.f32 v11  }
0x163: {  	v16 =	vld [tilespmem:s25+$0x5600]  }
0x164: {  	v12 =	vmul.f32 $1.442695020e+00, v12;
	v13 =	vsub.f32 $0.0e+00, v13;
	(erf) = vpow2.f32 v15;
	v19 =	vpop (erf)  }
0x165: {  	v20 =	vld [tilespmem:s25+$0x5800];
	v19 =	vadd.f32 $1.000000000e+00, v19  }
0x166: {  	v15 =	vsub.f32 $0.0e+00, v18;
	v13 =	vmul.f32 $1.442695020e+00, v13;
	v21 =	vpop (erf);
	(erf) = vpow2.f32 v12  }
0x167: {  	v12 =	vadd.f32 $1.000000000e+00, v21;
	(erf) = vrcp.f32 v19  }
0x168: {  	v50 =	vld [tilespmem:s25+$0x5A00];
	v16 =	vsub.f32 $0.0e+00, v16;
	v15 =	vmul.f32 $1.442695020e+00, v15;
	v22 =	vpop (erf);
	(erf) = vpow2.f32 v13  }
0x169: {  	v13 =	vadd.f32 $1.000000000e+00, v22;
	(erf) = vrcp.f32 v12  }
0x16a: {  	v23 =	vpop (erf);
	v12 =	vmul.f32 $1.442695020e+00, v16;
	v16 =	vsub.f32 $0.0e+00, v20;
	(erf) = vpow2.f32 v15  }
0x16b: {  	v51 =	vld [tilespmem:s25+$0x5C00];
	v24 =	vpop (erf);
	v15 =	vadd.f32 $1.000000000e+00, v23;
	(erf) = vrcp.f32 v13  }
0x16c: {  	v16 =	vmul.f32 $1.442695020e+00, v16;
	(erf) = vpow2.f32 v12;
	v12 =	vadd.f32 $1.000000000e+00, v24  }
0x16d: {  	v52 =	vld [tilespmem:s25+$0x5E00];
	v21 =	vsub.f32 $0.0e+00, v50;
	v53 =	vpop (erf);
	(erf) = vrcp.f32 v15  }
0x16e: {  	v13 =	vld [tilespmem:s25+$0x400];
	(erf) = vpow2.f32 v16;
	v16 =	vadd.f32 $1.000000000e+00, v53  }
0x16f: {  	v10 =	vld [tilespmem:s25+$0x7200];
	v21 =	vmul.f32 $1.442695020e+00, v21  }
0x170: {  	v22 =	vsub.f32 $0.0e+00, v51;
	v20 =	vld [tilespmem:s25+$0x6000];
	(erf) = vrcp.f32 v12;
	v12 =	vpop (erf)  }
0x171: {  	v15 =	vld [tilespmem:s25+$0x600];
	(erf) = vpow2.f32 v21;
	v25 =	vpop (erf);
	v12 =	vadd.f32 $1.000000000e+00, v12  }
0x172: {  	v19 =	vld [tilespmem:s25+$0x6200];
	v22 =	vmul.f32 $1.442695020e+00, v22;
	v23 =	vsub.f32 $0.0e+00, v52;
	(erf) = vrcp.f32 v16;
	v16 =	vpop (erf)  }
0x173: {  	v54 =	vld [tilespmem:s25+$0x800];
	v13 =	vmul.f32 v25, v13;
	v16 =	vadd.f32 $1.000000000e+00, v16  }
0x174: {  	v14 =	vld [tilespmem:s25+$0x6C00];
	v23 =	vmul.f32 $1.442695020e+00, v23;
	v56 =	vpop (erf);
	(erf) = vpow2.f32 v22  }
0x175: {  	v55 =	vld [tilespmem:s25+$0xA00];
	v20 =	vsub.f32 $0.0e+00, v20;
	v13 =	vadd.f32 $0.0e+00, v13;
	(erf) = vrcp.f32 v12;
	v12 =	vpop (erf)  }
0x176: {  	v18 =	vld [tilespmem:s25+$0x6400];
	v15 =	vmul.f32 v56, v15;
	v12 =	vadd.f32 $1.000000000e+00, v12;
	v58 =	vpop (erf);
	(erf) = vpow2.f32 v23  }
0x177: {  	v57 =	vld [tilespmem:s25+$0xC00];
	v19 =	vsub.f32 $0.0e+00, v19;
	v20 =	vmul.f32 $1.442695020e+00, v20;
	(erf) = vrcp.f32 v16;
	v16 =	vpop (erf)  }
0x178: {  	v59 =	vld [tilespmem:s25+$0xE00];
	v13 =	vadd.f32 v15, v13;
	v15 =	vmul.f32 v58, v54;
	v16 =	vadd.f32 $1.000000000e+00, v16  }
0x179: {  	v11 =	vsub.f32 $0.0e+00, v14;
	v14 =	vld [tilespmem:s25+$0x6600];
	v19 =	vmul.f32 $1.442695020e+00, v19;
	v60 =	vpop (erf);
	(erf) = vpow2.f32 v20  }
0x17a: {  	v17 =	vld [tilespmem:s25+$0x6800];
	v13 =	vadd.f32 v15, v13;
	v15 =	vmul.f32 v60, v55;
	(erf) = vrcp.f32 v12;
	v12 =	vpop (erf)  }
0x17b: {  	v18 =	vsub.f32 $0.0e+00, v18;
	(erf) = vpow2.f32 v19;
	v12 =	vadd.f32 $1.000000000e+00, v12;
	v61 =	vpop (erf)  }
0x17c: {  	v13 =	vadd.f32 v15, v13;
	(erf) = vrcp.f32 v16;
	v15 =	vmul.f32 v61, v57;
	v16 =	vpop (erf)  }
0x17d: {  	v3 =	vsub.f32 $0.0e+00, v10;
	v18 =	vmul.f32 $1.442695020e+00, v18;
	v20 =	vld [tilespmem:s25+$0x1000];
	v62 =	vpop (erf)  }
0x17e: {  	v10 =	vld [tilespmem:s25+$0x6A00];
	v14 =	vsub.f32 $0.0e+00, v14;
	v13 =	vadd.f32 v15, v13;
	v15 =	vmul.f32 v62, v59  }
0x17f: {  	v17 =	vsub.f32 $0.0e+00, v17;
	v19 =	vld [tilespmem:s25+$0x1200];
	(erf) = vpow2.f32 v18  }
0x180: {  	v14 =	vmul.f32 $1.442695020e+00, v14;
	(erf) = vrcp.f32 v12;
	v12 =	vpop (erf)  }
0x181: {  	v17 =	vmul.f32 $1.442695020e+00, v17;
	v16 =	vadd.f32 $1.000000000e+00, v16;
	v12 =	vadd.f32 $1.000000000e+00, v12;
	v63 =	vpop (erf)  }
0x182: {  	(erf) = vpow2.f32 v14;
	v13 =	vadd.f32 v15, v13;
	v14 =	vmul.f32 v63, v20;
	v15 =	vpop (erf)  }
0x183: {  	v10 =	vsub.f32 $0.0e+00, v10;
	v18 =	vld [tilespmem:s25+$0x1400];
	(erf) = vrcp.f32 v16;
	v20 =	vpop (erf)  }
0x184: {  	(erf) = vpow2.f32 v17;
	v13 =	vadd.f32 v14, v13;
	v14 =	vmul.f32 v20, v19  }
0x185: {  	v10 =	vmul.f32 $1.442695020e+00, v10;
	v16 =	vld [tilespmem:s25+$0x1600];
	(erf) = vrcp.f32 v12;
	v12 =	vpop (erf)  }
0x186: {  	v15 =	vadd.f32 $1.000000000e+00, v15;
	v12 =	vadd.f32 $1.000000000e+00, v12  }
0x187: {  	v11 =	vmul.f32 $1.442695020e+00, v11;
	v17 =	vld [tilespmem:s25+$0x1800];
	(erf) = vpow2.f32 v10;
	v19 =	vpop (erf)  }
0x188: {  	(erf) = vrcp.f32 v15;
	v10 =	vadd.f32 v14, v13;
	v13 =	vmul.f32 v19, v18;
	v14 =	vpop (erf)  }
0x189: {  	v9 =	vmul.f32 $1.442695020e+00, v9;
	(erf) = vpow2.f32 v11;
	v18 =	vpop (erf)  }
0x18a: {  	v10 =	vadd.f32 v13, v10;
	(erf) = vrcp.f32 v12;
	v11 =	vmul.f32 v18, v16;
	v12 =	vpop (erf)  }
0x18b: {  	v16 =	vpop (erf)  }
0x18c: {  	v15 =	vld [tilespmem:s25+$0x1A00];
	(erf) = vpow2.f32 v9;
	v9 =	vadd.f32 v11, v10;
	v10 =	vmul.f32 v16, v17  }
0x18d: {  	v14 =	vadd.f32 $1.000000000e+00, v14  }
0x18e: {  	v8 =	vmul.f32 $1.442695020e+00, v8;
	v12 =	vadd.f32 $1.000000000e+00, v12;
	v11 =	vpop (erf)  }
0x18f: {  	v13 =	vld [tilespmem:s25+$0x1C00];
	(erf) = vrcp.f32 v14;
	v16 =	vmul.f32 $1.442695020e+00, v3;
	v11 =	vadd.f32 $1.000000000e+00, v11;
	v3 =	vpop (erf)  }
0x190: {  	(erf) = vpow2.f32 v8;
	v8 =	vadd.f32 v10, v9;
	v10 =	vpop (erf)  }
0x191: {  	v14 =	vld [tilespmem:s25+$0x1E00];
	(erf) = vrcp.f32 v12;
	v9 =	vmul.f32 v3, v15;
	v10 =	vadd.f32 $1.000000000e+00, v10  }
0x192: {  	v15 =	vmul.f32 $1.442695020e+00, v4;
	(erf) = vpow2.f32 v16;
	v4 =	vpop (erf)  }
0x193: {  	v12 =	vld [tilespmem:s25+$0x2000];
	v16 =	vmul.f32 $1.442695020e+00, v5;
	(erf) = vrcp.f32 v11;
	v8 =	vadd.f32 v9, v8;
	v11 =	vpop (erf)  }
0x194: {  	v9 =	vmul.f32 v4, v13;
	(erf) = vpow2.f32 v15;
	v11 =	vadd.f32 $1.000000000e+00, v11;
	v5 =	vpop (erf)  }
0x195: {  	v13 =	vld [tilespmem:s25+$0x2200];
	(erf) = vrcp.f32 v10;
	v10 =	vpop (erf)  }
0x196: {  	v2 =	vld [tilespmem:s25+$0x7C00];
	v8 =	vadd.f32 v9, v8;
	v9 =	vmul.f32 v5, v14;
	v10 =	vadd.f32 $1.000000000e+00, v10  }
0x197: {  	v7 =	vmul.f32 $1.442695020e+00, v7;
	v14 =	vld [tilespmem:s25+$0x2400];
	(erf) = vpow2.f32 v16;
	v15 =	vpop (erf)  }
0x198: {  	v0 =	vld [tilespmem:s25+$0x8000];
	(erf) = vrcp.f32 v11;
	v9 =	vadd.f32 v9, v8;
	v12 =	vmul.f32 v15, v12;
	v11 =	vpop (erf)  }
0x199: {  	s26 =	simm.s32 $0x10;
	v1 =	vld [tilespmem:s25+$0x7E00];
	v6 =	vmul.f32 $1.442695020e+00, v6;
	(erf) = vpow2.f32 v7;
	v16 =	vadd.f32 $1.000000000e+00, v11;
	v11 =	vpop (erf)  }
0x19a: {  	v20 =	vld [tilespmem:s26+$0x7E00];
	v7 =	vadd.f32 v12, v9;
	(erf) = vrcp.f32 v10;
	v9 =	vmul.f32 v11, v13;
	v10 =	vpop (erf)  }
0x19b: {  	v2 =	vsub.f32 $0.0e+00, v2;
	v15 =	vld [tilespmem:s25+$0x2600];
	v13 =	vadd.f32 $1.000000000e+00, v10;
	v10 =	vpop (erf)  }
0x19c: {  	v19 =	vld [tilespmem:s25+$0x3000];
	(erf) = vpow2.f32 v6;
	v6 =	vadd.f32 v9, v7;
	v7 =	vmul.f32 v10, v14  }
0x19d: {  	v12 =	vld [tilespmem:s25+$0x2800]  }
0x19e: {  	v2 =	vmul.f32 $1.442695020e+00, v2;
	v18 =	vld [tilespmem:s25+$0x8200];
	v9 =	vpop (erf)  }
0x19f: {  	v1 =	vsub.f32 $0.0e+00, v1;
	v3 =	vld [tilespmem:s25+$0x4200];
	(erf) = vrcp.f32 v16;
	v16 =	vadd.f32 $1.000000000e+00, v9;
	v9 =	vpop (erf)  }
0x1a0: {  	v4 =	vld [tilespmem:s25+$0x4000];
	(erf) = vpow2.f32 v2;
	v2 =	vadd.f32 v7, v6;
	v6 =	vmul.f32 v9, v15;
	v7 =	vpop (erf)  }
0x1a1: {  	v0 =	vsub.f32 $0.0e+00, v0;
	v5 =	vld [tilespmem:s25+$0x3E00];
	v17 =	vpop (erf)  }
0x1a2: {  	v1 =	vmul.f32 $1.442695020e+00, v1;
	v14 =	vld [tilespmem:s25+$0x2A00];
	v2 =	vadd.f32 v6, v2;
	v6 =	vmul.f32 v17, v12  }
0x1a3: {  	(erf) = vrcp.f32 v13;
	v13 =	vsub.f32 $0.0e+00, v18;
	v15 =	vld [tilespmem:s25+$0x2C00];
	v7 =	vadd.f32 $1.000000000e+00, v7  }
0x1a4: {  	v0 =	vmul.f32 $1.442695020e+00, v0;
	v8 =	vld [tilespmem:s25+$0x3C00];
	(erf) = vpow2.f32 v1;
	v12 =	vpop (erf)  }
0x1a5: {  	v11 =	vld [tilespmem:s25+$0x3A00];
	(erf) = vrcp.f32 v16;
	v13 =	vmul.f32 $1.442695020e+00, v13;
	v17 =	vpop (erf)  }
0x1a6: {  	v16 =	vld [tilespmem:s25+$0x2E00];
	(erf) = vpow2.f32 v0;
	v12 =	vadd.f32 $1.000000000e+00, v12;
	v0 =	vadd.f32 v6, v2;
	v6 =	vpop (erf)  }
0x1a7: {  	v1 =	vld [tilespmem:s26+$0x8200];
	(erf) = vrcp.f32 v7;
	v2 =	vmul.f32 v17, v14;
	v7 =	vpop (erf)  }
0x1a8: {  	v18 =	vld [tilespmem:s26+$0x8000];
	v7 =	vmul.f32 v7, v15  }
0x1a9: {  	v10 =	vld [tilespmem:s25+$0x3800];
	(erf) = vpow2.f32 v13;
	v2 =	vadd.f32 v2, v0;
	v14 =	vpop (erf)  }
0x1aa: {  	v9 =	vld [tilespmem:s25+$0x3600];
	(erf) = vrcp.f32 v12;
	v15 =	vadd.f32 $1.000000000e+00, v6;
	v12 =	vpop (erf)  }
0x1ab: {  	v13 =	vld [tilespmem:s25+$0x3200];
	v2 =	vadd.f32 v7, v2;
	v12 =	vmul.f32 v12, v16  }
0x1ac: {  	v0 =	vsub.f32 $0.0e+00, v1;
	v6 =	vld [tilespmem:s26+$0x7C00];
	v16 =	vadd.f32 $1.000000000e+00, v14;
	(erf) = vrcp.f32 v15;
	v7 =	vpop (erf)  }
0x1ad: {  	v1 =	vsub.f32 $0.0e+00, v18;
	v14 =	vld [tilespmem:s25+$0x3400];
	v17 =	vadd.f32 v12, v2;
	v18 =	vpop (erf)  }
0x1ae: {  	(erf) = vrcp.f32 v16;
	v15 =	vadd.f32 $1.000000000e+00, v7;
	v7 =	vld [tilespmem:s26+$0x7A00];
	v18 =	vmul.f32 v18, v19;
	v19 =	vpop (erf)  }
0x1af: {  	s28 =	simm.s32 $0x80;
	v12 =	vld [tilespmem:s26+$0x7800];
	v2 =	vsub.f32 $0.0e+00, v20;
	v16 =	vadd.f32 $1.000000000e+00, v19;
	v19 =	vpop (erf)  }
.LBB2_4:
0x1b0: {  	p0 =	sne.s32 s28, $0x7C0;
	v20 =	vld [tilespmem:s26+$0x4400];
	v17 =	vadd.f32 v18, v17;
	v13 =	vmul.f32 v19, v13;
	(erf) = vrcp.f32 v15;
	v15 =	vpop (erf)  }
0x1b1: {  	v18 =	vld [tilespmem:s26+$0x7600];
	v6 =	vsub.f32 $0.0e+00, v6;
	v15 =	vadd.f32 $1.000000000e+00, v15;
	v19 =	vpop (erf)  }
0x1b2: {  	v21 =	vld [tilespmem:s26+$0x4600];
	v13 =	vadd.f32 v13, v17;
	v14 =	vmul.f32 v19, v14;
	(erf) = vrcp.f32 v16;
	v16 =	vpop (erf)  }
0x1b3: {  	v17 =	vld [tilespmem:s26+$0x7400];
	v7 =	vsub.f32 $0.0e+00, v7;
	v16 =	vadd.f32 $1.000000000e+00, v16;
	v19 =	vpop (erf)  }
0x1b4: {  	v22 =	vld [tilespmem:s26+$0x4800];
	v13 =	vadd.f32 v14, v13;
	v14 =	vmul.f32 v19, v9;
	(erf) = vrcp.f32 v15  }
0x1b5: {  	v9 =	vsub.f32 $0.0e+00, v12;
	v15 =	vsub.f32 $0.0e+00, v20;
	v19 =	vld [tilespmem:s26+$0x7200];
	v12 =	vpop (erf)  }
0x1b6: {  	v20 =	vld [tilespmem:s26+$0x4A00];
	v13 =	vadd.f32 v14, v13;
	v14 =	vmul.f32 v12, v10;
	(erf) = vrcp.f32 v16  }
0x1b7: {  	v10 =	vsub.f32 $0.0e+00, v18;
	v24 =	vmul.f32 $1.442695020e+00, v15;
	v16 =	vsub.f32 $0.0e+00, v21;
	v21 =	vld [tilespmem:s26+$0x7000];
	v18 =	vpop (erf)  }
0x1b8: {  	v23 =	vld [tilespmem:s26+$0x4C00];
	v12 =	vsub.f32 $0.0e+00, v17;
	v13 =	vadd.f32 v14, v13;
	v14 =	vmul.f32 v18, v11  }
0x1b9: {  	v25 =	vmul.f32 $1.442695020e+00, v16;
	v17 =	vsub.f32 $0.0e+00, v22;
	v18 =	vld [tilespmem:s26+$0x6E00];
	(erf) = vpow2.f32 v24;
	v15 =	vpop (erf)  }
0x1ba: {  	v22 =	vld [tilespmem:s26+$0x4E00];
	v11 =	vsub.f32 $0.0e+00, v19;
	v13 =	vadd.f32 v14, v13;
	v14 =	vmul.f32 v15, v8  }
0x1bb: {  	v24 =	vmul.f32 $1.442695020e+00, v17;
	v17 =	vsub.f32 $0.0e+00, v20;
	v19 =	vld [tilespmem:s26+$0x5000];
	(erf) = vpow2.f32 v25;
	v16 =	vpop (erf)  }
0x1bc: {  	v20 =	vld [tilespmem:s26+$0x6C00];
	v8 =	vsub.f32 $0.0e+00, v21;
	v13 =	vadd.f32 v14, v13;
	v14 =	vmul.f32 v16, v5  }
0x1bd: {  	v25 =	vmul.f32 $1.442695020e+00, v17;
	v17 =	vsub.f32 $0.0e+00, v23;
	v21 =	vld [tilespmem:s26+$0x5200];
	(erf) = vpow2.f32 v24;
	v15 =	vpop (erf)  }
0x1be: {  	v23 =	vld [tilespmem:s26+$0x6A00];
	v5 =	vsub.f32 $0.0e+00, v18;
	v13 =	vadd.f32 v14, v13;
	v4 =	vmul.f32 v15, v4  }
0x1bf: {  	v14 =	vmul.f32 $1.442695020e+00, v17;
	v15 =	vsub.f32 $0.0e+00, v22;
	v17 =	vld [tilespmem:s26+$0x5400];
	(erf) = vpow2.f32 v25;
	v16 =	vpop (erf)  }
0x1c0: {  	v18 =	vsub.f32 $0.0e+00, v19;
	v19 =	vld [tilespmem:s26+$0x6800];
	v4 =	vadd.f32 v4, v13;
	v13 =	vmul.f32 v16, v3  }
0x1c1: {  	v15 =	vmul.f32 $1.442695020e+00, v15;
	v16 =	vld [tilespmem:s26+$0x5600];
	v3 =	vsub.f32 $0.0e+00, v20;
	(erf) = vpow2.f32 v14  }
0x1c2: {  	v14 =	vmul.f32 $1.442695020e+00, v18;
	v18 =	vsub.f32 $0.0e+00, v21;
	v20 =	vld [tilespmem:s26+$0x6600];
	v21 =	vpop (erf);
	v13 =	vadd.f32 v13, v4  }
0x1c3: {  	v21 =	vadd.f32 $1.000000000e+00, v21;
	v22 =	vld [tilespmem:s26+$0x5800];
	v4 =	vsub.f32 $0.0e+00, v23;
	(erf) = vpow2.f32 v15  }
0x1c4: {  	v15 =	vmul.f32 $1.442695020e+00, v18;
	v17 =	vsub.f32 $0.0e+00, v17;
	v18 =	vld [tilespmem:s26+$0x6400];
	v23 =	vpop (erf);
	(erf) = vpow2.f32 v14;
	[tilespmem:s25+$0x8400] =	vst v13;
	s25 =	smov.u32 s26  }
0x1c5: {  	v13 =	vadd.f32 $1.000000000e+00, v23;
	v14 =	vld [tilespmem:s25+$0x5A00];
	v19 =	vsub.f32 $0.0e+00, v19;
	(erf) = vrcp.f32 v21  }
0x1c6: {  	v17 =	vmul.f32 $1.442695020e+00, v17;
	v16 =	vsub.f32 $0.0e+00, v16;
	v21 =	vld [tilespmem:s25+$0x6200];
	v23 =	vpop (erf);
	(erf) = vpow2.f32 v15  }
0x1c7: {  	v15 =	vadd.f32 $1.000000000e+00, v23;
	v23 =	vld [tilespmem:s25+$0x5C00];
	v20 =	vsub.f32 $0.0e+00, v20;
	(erf) = vrcp.f32 v13  }
0x1c8: {  	v13 =	vmul.f32 $1.442695020e+00, v16;
	v16 =	vsub.f32 $0.0e+00, v22;
	v22 =	vld [tilespmem:s25+$0x6000];
	v24 =	vpop (erf);
	(erf) = vpow2.f32 v17  }
0x1c9: {  	v17 =	vadd.f32 $1.000000000e+00, v24;
	v24 =	vld [tilespmem:s25+$0x5E00];
	v18 =	vsub.f32 $0.0e+00, v18;
	(erf) = vrcp.f32 v15  }
0x1ca: {  	v15 =	vld [tilespmem:s25+$0x400];
	v16 =	vmul.f32 $1.442695020e+00, v16;
	v14 =	vsub.f32 $0.0e+00, v14;
	v25 =	vpop (erf);
	(erf) = vpow2.f32 v13  }
0x1cb: {  	v27 =	vadd.f32 $1.000000000e+00, v25;
	v21 =	vsub.f32 $0.0e+00, v21;
	(erf) = vrcp.f32 v17  }
0x1cc: {  	v17 =	vld [tilespmem:s25+$0x600];
	v14 =	vmul.f32 $1.442695020e+00, v14;
	v23 =	vsub.f32 $0.0e+00, v23;
	v25 =	vpop (erf);
	(erf) = vpow2.f32 v16  }
0x1cd: {  	v16 =	vadd.f32 $1.000000000e+00, v25;
	v22 =	vsub.f32 $0.0e+00, v22;
	(erf) = vrcp.f32 v27;
	v13 =	vpop (erf)  }
0x1ce: {  	v25 =	vld [tilespmem:s25+$0x800];
	v23 =	vmul.f32 $1.442695020e+00, v23;
	v24 =	vsub.f32 $0.0e+00, v24;
	v26 =	vpop (erf);
	(erf) = vpow2.f32 v14  }
0x1cf: {  	v27 =	vadd.f32 $1.000000000e+00, v13;
	v14 =	vmul.f32 v26, v15;
	(erf) = vrcp.f32 v16;
	v15 =	vpop (erf)  }
0x1d0: {  	v16 =	vld [tilespmem:s25+$0xA00];
	v28 =	vadd.f32 $1.000000000e+00, v15;
	v24 =	vmul.f32 $1.442695020e+00, v24;
	v26 =	vpop (erf);
	(erf) = vpow2.f32 v23  }
0x1d1: {  	v14 =	vadd.f32 $0.0e+00, v14;
	v17 =	vmul.f32 v26, v17;
	(erf) = vrcp.f32 v27;
	v13 =	vpop (erf)  }
0x1d2: {  	v22 =	vmul.f32 $1.442695020e+00, v22;
	v23 =	vld [tilespmem:s25+$0xC00];
	v27 =	vadd.f32 $1.000000000e+00, v13;
	v26 =	vpop (erf);
	(erf) = vpow2.f32 v24  }
0x1d3: {  	v14 =	vadd.f32 v17, v14;
	v17 =	vmul.f32 v26, v25;
	(erf) = vrcp.f32 v28;
	v15 =	vpop (erf)  }
0x1d4: {  	v21 =	vmul.f32 $1.442695020e+00, v21;
	v24 =	vld [tilespmem:s25+$0xE00];
	v26 =	vadd.f32 $1.000000000e+00, v15;
	v25 =	vpop (erf);
	(erf) = vpow2.f32 v22  }
0x1d5: {  	v14 =	vadd.f32 v17, v14;
	v16 =	vmul.f32 v25, v16;
	(erf) = vrcp.f32 v27;
	v13 =	vpop (erf)  }
0x1d6: {  	v18 =	vmul.f32 $1.442695020e+00, v18;
	v17 =	vld [tilespmem:s25+$0x1000];
	v25 =	vadd.f32 $1.000000000e+00, v13;
	v22 =	vpop (erf);
	(erf) = vpow2.f32 v21  }
0x1d7: {  	v14 =	vadd.f32 v16, v14;
	v16 =	vmul.f32 v22, v23;
	(erf) = vrcp.f32 v26;
	v15 =	vpop (erf)  }
0x1d8: {  	v20 =	vmul.f32 $1.442695020e+00, v20;
	v21 =	vld [tilespmem:s25+$0x1200];
	v23 =	vadd.f32 $1.000000000e+00, v15;
	v22 =	vpop (erf);
	(erf) = vpow2.f32 v18  }
0x1d9: {  	v14 =	vadd.f32 v16, v14;
	v16 =	vmul.f32 v22, v24;
	(erf) = vrcp.f32 v25;
	v13 =	vpop (erf)  }
0x1da: {  	v19 =	vmul.f32 $1.442695020e+00, v19;
	v18 =	vld [tilespmem:s25+$0x1400];
	v24 =	vadd.f32 $1.000000000e+00, v13;
	v22 =	vpop (erf);
	(erf) = vpow2.f32 v20  }
0x1db: {  	v14 =	vadd.f32 v16, v14;
	v16 =	vmul.f32 v22, v17;
	(erf) = vrcp.f32 v23;
	v15 =	vpop (erf)  }
0x1dc: {  	v4 =	vmul.f32 $1.442695020e+00, v4;
	v17 =	vld [tilespmem:s25+$0x1600];
	v22 =	vadd.f32 $1.000000000e+00, v15;
	v20 =	vpop (erf);
	(erf) = vpow2.f32 v19  }
0x1dd: {  	v14 =	vadd.f32 v16, v14;
	v16 =	vmul.f32 v20, v21;
	(erf) = vrcp.f32 v24;
	v13 =	vpop (erf)  }
0x1de: {  	v3 =	vmul.f32 $1.442695020e+00, v3;
	v19 =	vld [tilespmem:s25+$0x1800];
	v21 =	vadd.f32 $1.000000000e+00, v13;
	v20 =	vpop (erf);
	(erf) = vpow2.f32 v4  }
0x1df: {  	v4 =	vadd.f32 v16, v14;
	v14 =	vmul.f32 v20, v18;
	(erf) = vrcp.f32 v22;
	v15 =	vpop (erf)  }
0x1e0: {  	v20 =	vmul.f32 $1.442695020e+00, v5;
	v16 =	vld [tilespmem:s25+$0x1A00];
	v15 =	vadd.f32 $1.000000000e+00, v15;
	v18 =	vpop (erf);
	(erf) = vpow2.f32 v3  }
0x1e1: {  	v3 =	vadd.f32 v14, v4;
	v4 =	vmul.f32 v18, v17;
	(erf) = vrcp.f32 v21;
	v13 =	vpop (erf)  }
0x1e2: {  	v8 =	vmul.f32 $1.442695020e+00, v8;
	v14 =	vld [tilespmem:s25+$0x1C00];
	v18 =	vadd.f32 $1.000000000e+00, v13;
	v17 =	vpop (erf);
	(erf) = vpow2.f32 v20  }
0x1e3: {  	v3 =	vadd.f32 v4, v3;
	v4 =	vmul.f32 v17, v19;
	(erf) = vrcp.f32 v15;
	v5 =	vpop (erf)  }
0x1e4: {  	v11 =	vmul.f32 $1.442695020e+00, v11;
	v15 =	vld [tilespmem:s25+$0x1E00];
	v19 =	vadd.f32 $1.000000000e+00, v5;
	v17 =	vpop (erf);
	(erf) = vpow2.f32 v8  }
0x1e5: {  	v4 =	vadd.f32 v4, v3;
	v8 =	vmul.f32 v17, v16;
	v3 =	vld [tilespmem:s25+$0x4200];
	(erf) = vrcp.f32 v18;
	v13 =	vpop (erf)  }
0x1e6: {  	v18 =	vmul.f32 $1.442695020e+00, v12;
	v16 =	vld [tilespmem:s25+$0x2000];
	v13 =	vadd.f32 $1.000000000e+00, v13;
	v17 =	vpop (erf);
	(erf) = vpow2.f32 v11  }
0x1e7: {  	v8 =	vadd.f32 v8, v4;
	v11 =	vmul.f32 v17, v14;
	v4 =	vld [tilespmem:s25+$0x4000];
	(erf) = vrcp.f32 v19;
	v5 =	vpop (erf)  }
0x1e8: {  	v10 =	vmul.f32 $1.442695020e+00, v10;
	v14 =	vld [tilespmem:s25+$0x2200];
	v17 =	vadd.f32 $1.000000000e+00, v5;
	v5 =	vpop (erf);
	(erf) = vpow2.f32 v18  }
0x1e9: {  	v8 =	vadd.f32 v11, v8;
	v11 =	vmul.f32 v5, v15;
	v5 =	vld [tilespmem:s25+$0x3E00];
	(erf) = vrcp.f32 v13;
	v12 =	vpop (erf)  }
0x1ea: {  	v9 =	vmul.f32 $1.442695020e+00, v9;
	v13 =	vld [tilespmem:s25+$0x2400];
	v18 =	vadd.f32 $1.000000000e+00, v12;
	v15 =	vpop (erf);
	(erf) = vpow2.f32 v10  }
0x1eb: {  	v10 =	vadd.f32 v11, v8;
	v11 =	vmul.f32 v15, v16;
	v8 =	vld [tilespmem:s25+$0x3C00];
	(erf) = vrcp.f32 v17;
	v15 =	vpop (erf)  }
0x1ec: {  	v7 =	vmul.f32 $1.442695020e+00, v7;
	v16 =	vld [tilespmem:s25+$0x2600];
	v15 =	vadd.f32 $1.000000000e+00, v15;
	v17 =	vpop (erf);
	(erf) = vpow2.f32 v9  }
0x1ed: {  	v9 =	vadd.f32 v11, v10;
	v10 =	vmul.f32 v17, v14;
	v11 =	vld [tilespmem:s25+$0x3A00];
	(erf) = vrcp.f32 v18;
	v12 =	vpop (erf)  }
0x1ee: {  	v6 =	vmul.f32 $1.442695020e+00, v6;
	v14 =	vld [tilespmem:s25+$0x2800];
	v18 =	vadd.f32 $1.000000000e+00, v12;
	v17 =	vpop (erf);
	(erf) = vpow2.f32 v7  }
0x1ef: {  	v7 =	vadd.f32 v10, v9;
	v9 =	vmul.f32 v17, v13;
	v10 =	vld [tilespmem:s25+$0x3800];
	(erf) = vrcp.f32 v15;
	v13 =	vpop (erf)  }
0x1f0: {  	v2 =	vmul.f32 $1.442695020e+00, v2;
	v15 =	vld [tilespmem:s25+$0x2A00];
	v19 =	vadd.f32 $1.000000000e+00, v13;
	v17 =	vpop (erf);
	(erf) = vpow2.f32 v6  }
0x1f1: {  	v6 =	vadd.f32 v9, v7;
	v7 =	vmul.f32 v17, v16;
	v9 =	vld [tilespmem:s25+$0x3600];
	(erf) = vrcp.f32 v18;
	v12 =	vpop (erf)  }
0x1f2: {  	v1 =	vmul.f32 $1.442695020e+00, v1;
	s26 =	sshra.s32 s28, $0x2;
	v16 =	vld [tilespmem:s25+$0x2C00];
	v18 =	vadd.f32 $1.000000000e+00, v12;
	v17 =	vpop (erf);
	(erf) = vpow2.f32 v2  }
0x1f3: {  	v2 =	vld [tilespmem:s26+$0x8200];
	v6 =	vadd.f32 v7, v6;
	v7 =	vmul.f32 v17, v14;
	(erf) = vrcp.f32 v19;
	v13 =	vpop (erf)  }
0x1f4: {  	v0 =	vmul.f32 $1.442695020e+00, v0;
	v14 =	vld [tilespmem:s25+$0x2E00];
	v13 =	vadd.f32 $1.000000000e+00, v13;
	v17 =	vpop (erf);
	(erf) = vpow2.f32 v1  }
0x1f5: {  	v1 =	vld [tilespmem:s26+$0x8000];
	v20 =	vadd.f32 v7, v6;
	v7 =	vmul.f32 v17, v15;
	(erf) = vrcp.f32 v18;
	v12 =	vpop (erf)  }
0x1f6: {  	v18 =	vld [tilespmem:s25+$0x3000];
	v12 =	vadd.f32 $1.000000000e+00, v12;
	v15 =	vpop (erf);
	(erf) = vpow2.f32 v0  }
0x1f7: {  	v19 =	vld [tilespmem:s26+$0x7E00];
	v20 =	vadd.f32 v7, v20;
	v15 =	vmul.f32 v15, v16;
	(erf) = vrcp.f32 v13;
	v6 =	vpop (erf)  }
.Ltmp1:
0x1f8: {  	v0 =	vsub.f32 $0.0e+00, v2;
	v13 =	vld [tilespmem:s25+$0x3200];
	v2 =	vadd.f32 $1.000000000e+00, v6;
	v16 =	vpop (erf);
	(pc) =	sbr.rel @p0 .LBB2_4-.Ltmp1, $4  }
0x1f9: {  	v6 =	vld [tilespmem:s26+$0x7C00];
	v17 =	vadd.f32 v15, v20;
	v20 =	vmul.f32 v16, v14;
	(erf) = vrcp.f32 v12;
	v7 =	vpop (erf)  }
0x1fa: {  	v1 =	vsub.f32 $0.0e+00, v1;
	v14 =	vld [tilespmem:s25+$0x3400];
	v15 =	vadd.f32 $1.000000000e+00, v7;
	v12 =	vpop (erf)  }
0x1fb: {  	v7 =	vld [tilespmem:s26+$0x7A00];
	v17 =	vadd.f32 v20, v17;
	v18 =	vmul.f32 v12, v18;
	(erf) = vrcp.f32 v2;
	v16 =	vpop (erf)  }
0x1fc: {  	s28 =	sadd.s32 $0x40, s28;
	v12 =	vld [tilespmem:s26+$0x7800];
	v2 =	vsub.f32 $0.0e+00, v19;
	v16 =	vadd.f32 $1.000000000e+00, v16;
	v19 =	vpop (erf)  }
0x1fd: {  	v20 =	vld [tilespmem:s26+$0x4400];
	v17 =	vadd.f32 v18, v17;
	v13 =	vmul.f32 v19, v13;
	(erf) = vrcp.f32 v15;
	v50 =	vpop (erf)  }
0x1fe: {  	v21 =	vld [tilespmem:s26+$0x4600];
	v6 =	vsub.f32 $0.0e+00, v6;
	v15 =	vadd.f32 $1.000000000e+00, v50;
	v52 =	vpop (erf)  }
0x1ff: {  	v54 =	vld [tilespmem:s26+$0x7400];
	(erf) = vrcp.f32 v16;
	v13 =	vadd.f32 v13, v17;
	v14 =	vmul.f32 v52, v14;
	v53 =	vpop (erf)  }
0x200: {  	v22 =	vld [tilespmem:s26+$0x4800];
	v7 =	vsub.f32 $0.0e+00, v7;
	v16 =	vadd.f32 $1.000000000e+00, v53;
	v55 =	vpop (erf)  }
0x201: {  	v60 =	vld [tilespmem:s26+$0x4A00];
	(erf) = vrcp.f32 v15;
	v13 =	vadd.f32 v14, v13;
	v56 =	vmul.f32 v55, v9  }
0x202: {  	v23 =	vld [tilespmem:s26+$0x4C00];
	v9 =	vsub.f32 $0.0e+00, v12;
	v58 =	vsub.f32 $0.0e+00, v20;
	v59 =	vpop (erf)  }
0x203: {  	v29 =	vld [tilespmem:s26+$0x4E00];
	(erf) = vrcp.f32 v16;
	v13 =	vadd.f32 v56, v13;
	v61 =	vmul.f32 v59, v10  }
0x204: {  	v31 =	vld [tilespmem:s26+$0x5000];
	v21 =	vsub.f32 $0.0e+00, v21;
	v12 =	vsub.f32 $0.0e+00, v54;
	v19 =	vmul.f32 $1.442695020e+00, v58;
	v63 =	vpop (erf)  }
0x205: {  	v36 =	vld [tilespmem:s26+$0x5200];
	v27 =	vsub.f32 $0.0e+00, v22;
	v13 =	vadd.f32 v61, v13;
	v24 =	vmul.f32 v63, v11  }
0x206: {  	v51 =	vld [tilespmem:s26+$0x7600];
	v20 =	vsub.f32 $0.0e+00, v60;
	v26 =	vmul.f32 $1.442695020e+00, v21;
	(erf) = vpow2.f32 v19;
	v28 =	vpop (erf)  }
0x207: {  	v40 =	vld [tilespmem:s26+$0x6A00];
	v38 =	vsub.f32 $0.0e+00, v23;
	v13 =	vadd.f32 v24, v13;
	v30 =	vmul.f32 v28, v8  }
0x208: {  	v41 =	vld [tilespmem:s26+$0x5400];
	v43 =	vsub.f32 $0.0e+00, v29;
	v32 =	vmul.f32 $1.442695020e+00, v27;
	(erf) = vpow2.f32 v26;
	v33 =	vpop (erf)  }
0x209: {  	v47 =	vld [tilespmem:s26+$0x5600];
	v15 =	vsub.f32 $0.0e+00, v31;
	v35 =	vmul.f32 v33, v5;
	v13 =	vadd.f32 v30, v13  }
0x20a: {  	v48 =	vld [tilespmem:s26+$0x6600];
	v16 =	vsub.f32 $0.0e+00, v36;
	v37 =	vmul.f32 $1.442695020e+00, v20;
	(erf) = vpow2.f32 v32;
	v39 =	vpop (erf)  }
0x20b: {  	v57 =	vld [tilespmem:s26+$0x7200];
	v42 =	vmul.f32 $1.442695020e+00, v38;
	v4 =	vmul.f32 v39, v4;
	v13 =	vadd.f32 v35, v13  }
0x20c: {  	v45 =	vld [tilespmem:s26+$0x6800];
	v22 =	vsub.f32 $0.0e+00, v40;
	v19 =	vmul.f32 $1.442695020e+00, v43;
	(erf) = vpow2.f32 v37;
	v44 =	vpop (erf)  }
0x20d: {  	v62 =	vld [tilespmem:s26+$0x7000];
	(erf) = vpow2.f32 v42;
	v46 =	vmul.f32 v44, v3;
	v4 =	vadd.f32 v4, v13  }
0x20e: {  	v25 =	vld [tilespmem:s26+$0x6E00];
	v14 =	vsub.f32 $0.0e+00, v41;
	v18 =	vsub.f32 $0.0e+00, v47;
	(erf) = vpow2.f32 v19  }
0x20f: {  	v50 =	vld [tilespmem:s26+$0x5800];
	v17 =	vsub.f32 $0.0e+00, v48;
	v15 =	vmul.f32 $1.442695020e+00, v15;
	v49 =	vpop (erf);
	v4 =	vadd.f32 v46, v4  }
0x210: {  	v10 =	vsub.f32 $0.0e+00, v51;
	v51 =	vld [tilespmem:s26+$0x6400];
	v16 =	vmul.f32 $1.442695020e+00, v16;
	v21 =	vadd.f32 $1.000000000e+00, v49  }
0x211: {  	v34 =	vld [tilespmem:s26+$0x6C00];
	v20 =	vsub.f32 $0.0e+00, v45;
	v14 =	vmul.f32 $1.442695020e+00, v14;
	(erf) = vpow2.f32 v15;
	v52 =	vpop (erf);
	[tilespmem:s25+$0x8400] =	vst v4  }
0x212: {  	v59 =	vmul.f32 $1.442695020e+00, v18;
	v53 =	vadd.f32 $1.000000000e+00, v52;
	v54 =	vld [tilespmem:s26+$0x5A00];
	(erf) = vrcp.f32 v21  }
0x213: {  	v11 =	vsub.f32 $0.0e+00, v57;
	v8 =	vsub.f32 $0.0e+00, v62;
	v56 =	vpop (erf);
	v55 =	vld [tilespmem:s26+$0x6200];
	(erf) = vpow2.f32 v16  }
0x214: {  	v5 =	vsub.f32 $0.0e+00, v25;
	v57 =	vadd.f32 $1.000000000e+00, v56;
	v58 =	vld [tilespmem:s26+$0x5C00];
	(erf) = vrcp.f32 v53  }
0x215: {  	v19 =	vsub.f32 $0.0e+00, v51;
	v13 =	vsub.f32 $0.0e+00, v50;
	v60 =	vld [tilespmem:s26+$0x6000];
	v24 =	vpop (erf);
	(erf) = vpow2.f32 v14  }
0x216: {  	v3 =	vsub.f32 $0.0e+00, v34;
	v62 =	vld [tilespmem:s26+$0x5E00];
	v61 =	vadd.f32 $1.000000000e+00, v24;
	v25 =	vpop (erf);
	(erf) = vrcp.f32 v57  }
0x217: {  	v13 =	vmul.f32 $1.442695020e+00, v13;
	v63 =	vld [tilespmem:s26+$0x400];
	v30 =	vpop (erf);
	v15 =	vsub.f32 $0.0e+00, v54;
	(erf) = vpow2.f32 v59  }
0x218: {  	v28 =	vadd.f32 $1.000000000e+00, v25;
	v31 =	vadd.f32 $1.000000000e+00, v30;
	(erf) = vrcp.f32 v61  }
0x219: {  	v29 =	vld [tilespmem:s26+$0x600];
	v23 =	vsub.f32 $0.0e+00, v58;
	v15 =	vmul.f32 $1.442695020e+00, v15;
	(erf) = vpow2.f32 v13  }
0x21a: {  	v21 =	vsub.f32 $0.0e+00, v55;
	v18 =	vsub.f32 $0.0e+00, v60;
	v32 =	vpop (erf);
	(erf) = vrcp.f32 v28  }
0x21b: {  	v33 =	vld [tilespmem:s26+$0x800];
	v24 =	vsub.f32 $0.0e+00, v62;
	v23 =	vmul.f32 $1.442695020e+00, v23;
	v26 =	vpop (erf);
	(erf) = vpow2.f32 v15  }
0x21c: {  	v4 =	vadd.f32 $1.000000000e+00, v32;
	v34 =	vmul.f32 v26, v63;
	(erf) = vrcp.f32 v31;
	v35 =	vpop (erf)  }
0x21d: {  	v36 =	vld [tilespmem:s26+$0xA00];
	v24 =	vmul.f32 $1.442695020e+00, v24;
	v13 =	vadd.f32 $1.000000000e+00, v35;
	v37 =	vpop (erf);
	(erf) = vpow2.f32 v23  }
0x21e: {  	v15 =	vadd.f32 $0.0e+00, v34;
	v14 =	vmul.f32 v37, v29;
	(erf) = vrcp.f32 v4;
	v38 =	vpop (erf)  }
0x21f: {  	v39 =	vld [tilespmem:s26+$0xC00];
	v18 =	vmul.f32 $1.442695020e+00, v18;
	v4 =	vadd.f32 $1.000000000e+00, v38;
	v40 =	vpop (erf);
	(erf) = vpow2.f32 v24  }
0x220: {  	v14 =	vadd.f32 v14, v15;
	v41 =	vmul.f32 v40, v33;
	(erf) = vrcp.f32 v13;
	v42 =	vpop (erf)  }
0x221: {  	v43 =	vld [tilespmem:s26+$0xE00];
	v21 =	vmul.f32 $1.442695020e+00, v21;
	v13 =	vadd.f32 $1.000000000e+00, v42;
	v44 =	vpop (erf);
	(erf) = vpow2.f32 v18  }
0x222: {  	v14 =	vadd.f32 v41, v14;
	v45 =	vmul.f32 v44, v36;
	(erf) = vrcp.f32 v4;
	v46 =	vpop (erf)  }
0x223: {  	v48 =	vmul.f32 $1.442695020e+00, v19;
	v47 =	vld [tilespmem:s26+$0x1000];
	v4 =	vadd.f32 $1.000000000e+00, v46;
	v49 =	vpop (erf);
	(erf) = vpow2.f32 v21  }
0x224: {  	v14 =	vadd.f32 v45, v14;
	v50 =	vmul.f32 v49, v39;
	(erf) = vrcp.f32 v13;
	v51 =	vpop (erf)  }
0x225: {  	v17 =	vmul.f32 $1.442695020e+00, v17;
	v52 =	vld [tilespmem:s26+$0x1200];
	v13 =	vadd.f32 $1.000000000e+00, v51;
	v53 =	vpop (erf);
	(erf) = vpow2.f32 v48  }
0x226: {  	v14 =	vadd.f32 v50, v14;
	v54 =	vmul.f32 v53, v43;
	(erf) = vrcp.f32 v4;
	v55 =	vpop (erf)  }
0x227: {  	v20 =	vmul.f32 $1.442695020e+00, v20;
	v56 =	vld [tilespmem:s26+$0x1400];
	v4 =	vadd.f32 $1.000000000e+00, v55;
	v57 =	vpop (erf);
	(erf) = vpow2.f32 v17  }
0x228: {  	v14 =	vadd.f32 v54, v14;
	v58 =	vmul.f32 v57, v47;
	(erf) = vrcp.f32 v13;
	v59 =	vpop (erf)  }
0x229: {  	v60 =	vld [tilespmem:s26+$0x1600];
	v61 =	vmul.f32 $1.442695020e+00, v22;
	v13 =	vadd.f32 $1.000000000e+00, v59;
	v62 =	vpop (erf);
	(erf) = vpow2.f32 v20  }
0x22a: {  	v14 =	vadd.f32 v58, v14;
	v63 =	vmul.f32 v62, v52;
	(erf) = vrcp.f32 v4;
	v24 =	vpop (erf)  }
0x22b: {  	v3 =	vmul.f32 $1.442695020e+00, v3;
	v25 =	vld [tilespmem:s26+$0x1800];
	v4 =	vadd.f32 $1.000000000e+00, v24;
	v26 =	vpop (erf);
	(erf) = vpow2.f32 v61  }
0x22c: {  	v14 =	vadd.f32 v63, v14;
	v27 =	vmul.f32 v26, v56;
	(erf) = vrcp.f32 v13;
	v28 =	vpop (erf)  }
0x22d: {  	v5 =	vmul.f32 $1.442695020e+00, v5;
	v29 =	vld [tilespmem:s26+$0x1A00];
	v13 =	vadd.f32 $1.000000000e+00, v28;
	v30 =	vpop (erf);
	(erf) = vpow2.f32 v3  }
0x22e: {  	v31 =	vadd.f32 v27, v14;
	v32 =	vmul.f32 v30, v60;
	(erf) = vrcp.f32 v4;
	v33 =	vpop (erf)  }
0x22f: {  	v8 =	vmul.f32 $1.442695020e+00, v8;
	v34 =	vld [tilespmem:s26+$0x1C00];
	v4 =	vadd.f32 $1.000000000e+00, v33;
	v35 =	vpop (erf);
	(erf) = vpow2.f32 v5  }
0x230: {  	v3 =	vadd.f32 v32, v31;
	v36 =	vmul.f32 v35, v25;
	(erf) = vrcp.f32 v13;
	v37 =	vpop (erf)  }
0x231: {  	v11 =	vmul.f32 $1.442695020e+00, v11;
	v38 =	vld [tilespmem:s26+$0x1E00];
	v13 =	vadd.f32 $1.000000000e+00, v37;
	v39 =	vpop (erf);
	(erf) = vpow2.f32 v8  }
0x232: {  	v3 =	vadd.f32 v36, v3;
	v40 =	vmul.f32 v39, v29;
	(erf) = vrcp.f32 v4;
	v41 =	vpop (erf)  }
0x233: {  	v12 =	vmul.f32 $1.442695020e+00, v12;
	v42 =	vld [tilespmem:s26+$0x2000];
	v4 =	vadd.f32 $1.000000000e+00, v41;
	v43 =	vpop (erf);
	(erf) = vpow2.f32 v11  }
0x234: {  	v3 =	vadd.f32 v40, v3;
	v44 =	vmul.f32 v43, v34;
	(erf) = vrcp.f32 v13;
	v45 =	vpop (erf)  }
0x235: {  	v10 =	vmul.f32 $1.442695020e+00, v10;
	v46 =	vld [tilespmem:s26+$0x2200];
	v11 =	vadd.f32 $1.000000000e+00, v45;
	v47 =	vpop (erf);
	(erf) = vpow2.f32 v12  }
0x236: {  	v3 =	vadd.f32 v44, v3;
	v48 =	vmul.f32 v47, v38;
	(erf) = vrcp.f32 v4;
	v49 =	vpop (erf)  }
0x237: {  	v9 =	vmul.f32 $1.442695020e+00, v9;
	v50 =	vld [tilespmem:s26+$0x2400];
	v4 =	vadd.f32 $1.000000000e+00, v49;
	v51 =	vpop (erf);
	(erf) = vpow2.f32 v10  }
0x238: {  	v3 =	vadd.f32 v48, v3;
	v52 =	vmul.f32 v51, v42;
	(erf) = vrcp.f32 v11;
	v53 =	vpop (erf)  }
0x239: {  	v7 =	vmul.f32 $1.442695020e+00, v7;
	v54 =	vld [tilespmem:s26+$0x2600];
	v8 =	vadd.f32 $1.000000000e+00, v53;
	v55 =	vpop (erf);
	(erf) = vpow2.f32 v9  }
0x23a: {  	v3 =	vadd.f32 v52, v3;
	v56 =	vmul.f32 v55, v46;
	(erf) = vrcp.f32 v4;
	v57 =	vpop (erf)  }
0x23b: {  	v6 =	vmul.f32 $1.442695020e+00, v6;
	v58 =	vld [tilespmem:s26+$0x2800];
	v4 =	vadd.f32 $1.000000000e+00, v57;
	v59 =	vpop (erf);
	(erf) = vpow2.f32 v7  }
0x23c: {  	v3 =	vadd.f32 v56, v3;
	v60 =	vmul.f32 v59, v50;
	(erf) = vrcp.f32 v8;
	v61 =	vpop (erf)  }
0x23d: {  	v2 =	vmul.f32 $1.442695020e+00, v2;
	v62 =	vld [tilespmem:s26+$0x2A00];
	v7 =	vadd.f32 $1.000000000e+00, v61;
	v63 =	vpop (erf);
	(erf) = vpow2.f32 v6  }
0x23e: {  	v3 =	vadd.f32 v60, v3;
	v12 =	vmul.f32 v63, v54;
	(erf) = vrcp.f32 v4;
	v13 =	vpop (erf)  }
0x23f: {  	v1 =	vmul.f32 $1.442695020e+00, v1;
	v14 =	vld [tilespmem:s26+$0x2C00];
	v4 =	vadd.f32 $1.000000000e+00, v13;
	v15 =	vpop (erf);
	(erf) = vpow2.f32 v2  }
0x240: {  	v16 =	vadd.f32 v12, v3;
	v17 =	vmul.f32 v15, v58;
	(erf) = vrcp.f32 v7;
	v18 =	vpop (erf)  }
0x241: {  	v0 =	vmul.f32 $1.442695020e+00, v0;
	v19 =	vld [tilespmem:s26+$0x2E00];
	v5 =	vadd.f32 $1.000000000e+00, v18;
	v20 =	vpop (erf);
	(erf) = vpow2.f32 v1  }
0x242: {  	v21 =	vadd.f32 v17, v16;
	v22 =	vmul.f32 v20, v62;
	(erf) = vrcp.f32 v4;
	v23 =	vpop (erf)  }
0x243: {  	v24 =	vld [tilespmem:s26+$0x3000];
	v3 =	vadd.f32 $1.000000000e+00, v23;
	v25 =	vpop (erf);
	(erf) = vpow2.f32 v0  }
0x244: {  	v26 =	vadd.f32 v22, v21;
	v27 =	vmul.f32 v25, v14;
	(erf) = vrcp.f32 v5;
	v28 =	vpop (erf)  }
0x245: {  	v29 =	vld [tilespmem:s26+$0x3200];
	v2 =	vadd.f32 $1.000000000e+00, v28;
	v30 =	vpop (erf)  }
0x246: {  	(erf) = vrcp.f32 v3;
	v0 =	vadd.f32 v27, v26;
	v31 =	vmul.f32 v30, v19;
	v32 =	vpop (erf)  }
0x247: {  	v33 =	vld [tilespmem:s26+$0x3400];
	v3 =	vadd.f32 $1.000000000e+00, v32;
	v34 =	vpop (erf)  }
0x248: {  	(erf) = vrcp.f32 v2;
	v0 =	vadd.f32 v31, v0;
	v35 =	vmul.f32 v34, v24;
	v36 =	vpop (erf)  }
0x249: {  	v37 =	vld [tilespmem:s26+$0x3600];
	v2 =	vadd.f32 $1.000000000e+00, v36;
	v38 =	vpop (erf)  }
0x24a: {  	(erf) = vrcp.f32 v3;
	v0 =	vadd.f32 v35, v0;
	v39 =	vmul.f32 v38, v29;
	v40 =	vpop (erf)  }
0x24b: {  	v41 =	vld [tilespmem:s26+$0x3800];
	v3 =	vadd.f32 $1.000000000e+00, v40;
	v42 =	vpop (erf)  }
0x24c: {  	(erf) = vrcp.f32 v2;
	v0 =	vadd.f32 v39, v0;
	v43 =	vmul.f32 v42, v33;
	v44 =	vpop (erf)  }
0x24d: {  	v45 =	vld [tilespmem:s26+$0x3A00];
	v2 =	vadd.f32 $1.000000000e+00, v44;
	v46 =	vpop (erf)  }
0x24e: {  	(erf) = vrcp.f32 v3;
	v0 =	vadd.f32 v43, v0;
	v47 =	vmul.f32 v46, v37  }
0x24f: {  	v48 =	vld [tilespmem:s26+$0x3C00];
	v49 =	vpop (erf)  }
0x250: {  	v50 =	vmul.f32 v49, v41;
	(erf) = vrcp.f32 v2;
	v0 =	vadd.f32 v47, v0  }
0x251: {  	v51 =	vld [tilespmem:s26+$0x3E00];
	v52 =	vpop (erf)  }
0x252: {  	v53 =	vmul.f32 v52, v45;
	v0 =	vadd.f32 v50, v0  }
0x253: {  	v54 =	vld [tilespmem:s26+$0x4000];
	v55 =	vpop (erf)  }
0x254: {  	v56 =	vmul.f32 v55, v48;
	v0 =	vadd.f32 v53, v0  }
0x255: {  	v57 =	vld [tilespmem:s26+$0x4200];
	v58 =	vpop (erf)  }
0x256: {  	v59 =	vmul.f32 v58, v51;
	v0 =	vadd.f32 v56, v0  }
0x257: {  	v60 =	vpop (erf)  }
0x258: {  	v61 =	vmul.f32 v60, v54;
	v0 =	vadd.f32 v59, v0  }
0x259: {  	v62 =	vpop (erf)  }
0x25a: {  	v63 =	vmul.f32 v62, v57;
	v0 =	vadd.f32 v61, v0;
	_ =	sdelay $0x1  }
0x25b: {  	s24 =	sadd.s32 $0x1, s24;
	v0 =	vadd.f32 v63, v0  }
0x25c: {  	p0 =	sne.s32 s24, s20  }
.Ltmp2:
0x25d: {  	s28 =	simm.s32 $0x8400;
	s25 =	simm.s32 $0x0;
	[tilespmem:s26+$0x8400] =	vst v0;
	(pc) =	sbr.rel @p0 .LBB2_1-.Ltmp2, $4  }
0x25e: {  	[hbm4b:s15+s25] =	stream.linear.scatter [tilespmem:s28], [sflag:$0x2], $0x200, $0x38;
	[tilespmem:$0x8600] =	vst v63  }
0x25f: {  	_ =	swait.ge [sflag:s21], $0x200  }
0x260: {  	[sflag:s21] =	ssyncset.done $0x0  }
0x261: {  	[sflag:s21] =	ssyncadd.s32 $0xFFFFFE00  }
0x262: {  	_ =	sfence.sel $0x180000  }
0x263: {  	[bflag:$0x0] =	sbarrier.arrive $0xFFFF  }
0x264: {  	_ =	strace $0x9000004A  }
0x265: {  	s0 =	stileid.u32;
	[bflag:$0x2] =	sbarrier.arrive $0xFFFF  }
0x266: {  	p0 =	sne.s32 s0, $0x0;
	s0 =	rddreg [dreg:$0x3]  }
0x267: {  	s0 =	sadd.s32 @!p0 $0x100000, s0  }
0x268: {  	[sflag:s0] =	ssyncadd.tile.s32 @!p0 $0x1;
	_ =	shalt  }
.Lfunc_end2:
_tile_overlayer_lowered:
.L_overlay_start_2:
0x269: {  	(tag) =	ssettag $0x2  }
0x26a: {  	s0 =	rddreg [dreg:$0x0];
	s2 =	stileid.u32  }
0x26b: {  	s1 =	rddreg [dreg:$0x1];
	p0 =	sne.s32 s2, $0x0  }
0x26c: {  	s3 =	rddreg [dreg:$0x2];
	[bflag:$0x3] =	sbarrier.arrive $0xFFFF;
	s2 =	simm.s32 @!p0 $0x1C02  }
0x26d: {  	[timem:s3], [sflag:s2] =	dma.local @!p0 [hbm:s0], s1  }
0x26e: {  	s0 =	simm.s32 @!p0 $0x2  }
0x26f: {  	_ =	swait.ge @!p0 [sflag:s0], s1  }
0x270: {  	s1 =	ssub.s32 @!p0 $0x0, s1;
	[sflag:s0] =	ssyncset.done @!p0 $0x0  }
0x271: {  	[sflag:s0] =	ssyncadd.s32 @!p0 s1  }
0x272: {  	[bflag:$0x3] =	sbarrier.arrive $0xFFFF  }
0x273: {  	_ =	shalt  }

</sc_bundles>
